<compile_context>
chip_gen: v7x
topology: tpu7x:2x2x1
jax: 0.10.2.dev20260603
libtpu: 0.0.44.dev20260713+nightly
codegen_flags: <defaults>
</compile_context>

<pallas_src>
import functools
import numpy as np
import jax
import jax.numpy as jnp
from jax import lax
from jax.experimental import pallas as pl
from jax.experimental.pallas import tpu as pltpu
from jax.experimental.pallas import tpu_sc as plsc

NC = 2
NS = 16
NW = NC * NS
LANES = 128
N_NODES = 10000
E_EDGES = 320000
P_DIM = 16

NSH = 8
NCH = 320
QCH = NCH // 4
EPAD = NSH * NCH * LANES
NP_ = (-(-N_NODES // 256)) * 256
NPQ = NP_ * 4
BLK = 16
NBLK = NCH // BLK

_mesh = plsc.VectorSubcoreMesh(core_axis_name="c", subcore_axis_name="s")


def _zero_flat(ref, nelems):
    z = jnp.zeros((16,), jnp.float32)

    def body(i, _):
        ref[pl.ds(i * 16, 16)] = z
        return 0

    lax.fori_loop(0, nelems // 16, body, 0, unroll=8)


@functools.partial(
    pl.kernel,
    mesh=_mesh,
    compiler_params=pltpu.CompilerParams(needs_layout_passes=False),
    out_type=jax.ShapeDtypeStruct((NW, NP_), jnp.float32),
    scratch_types=[
        pltpu.VMEM((QCH, LANES), jnp.int32),
        pltpu.VMEM((QCH, LANES), jnp.float32),
        pltpu.VMEM((NP_,), jnp.float32),
    ],
)
def _sc_deg(col_hbm, w_hbm, out_hbm, colv, wv, accum):
    c = lax.axis_index("c")
    s = lax.axis_index("s")
    wid = s * NC + c
    gs = c * 4 + s // 4
    q = s % 4
    pltpu.sync_copy(col_hbm.at[gs, pl.ds(q * QCH, QCH)], colv)
    pltpu.sync_copy(w_hbm.at[gs, pl.ds(q * QCH, QCH)], wv)
    _zero_flat(accum, NP_)

    def chunk(j, _):
        for g in range(LANES // 16):
            cv = colv[j, pl.ds(g * 16, 16)]
            w16 = wv[j, pl.ds(g * 16, 16)]
            plsc.addupdate_scatter(accum, [cv], w16)
        return 0

    lax.fori_loop(0, QCH, chunk, 0)
    pltpu.sync_copy(accum, out_hbm.at[wid])


@functools.partial(
    pl.kernel,
    mesh=_mesh,
    compiler_params=pltpu.CompilerParams(needs_layout_passes=False),
    out_type=[
        jax.ShapeDtypeStruct((NW, NP_), jnp.float32),
        jax.ShapeDtypeStruct((NSH, NCH, LANES), jnp.float32),
    ],
    scratch_types=[
        pltpu.VMEM((QCH, LANES), jnp.int32),
        pltpu.VMEM((QCH, LANES), jnp.int32),
        pltpu.VMEM((QCH, LANES), jnp.float32),
        pltpu.VMEM((QCH, LANES), jnp.float32),
        pltpu.VMEM((NP_,), jnp.float32),
        pltpu.VMEM((NP_,), jnp.float32),
    ],
)
def _sc_deg2(row_hbm, col_hbm, w_hbm, m_hbm, out_hbm, ew2_hbm,
             rowv, colv, wv, ew2v, mv, accum):
    c = lax.axis_index("c")
    s = lax.axis_index("s")
    wid = s * NC + c
    gs = c * 4 + s // 4
    q = s % 4
    pltpu.sync_copy(row_hbm.at[gs, pl.ds(q * QCH, QCH)], rowv)
    pltpu.sync_copy(col_hbm.at[gs, pl.ds(q * QCH, QCH)], colv)
    pltpu.sync_copy(w_hbm.at[gs, pl.ds(q * QCH, QCH)], wv)
    pltpu.sync_copy(m_hbm, mv)
    _zero_flat(accum, NP_)

    def chunk(j, _):
        for g in range(LANES // 16):
            rv = rowv[j, pl.ds(g * 16, 16)]
            cv = colv[j, pl.ds(g * 16, 16)]
            w16 = wv[j, pl.ds(g * 16, 16)]
            mr = plsc.load_gather(mv, [rv])
            mc = plsc.load_gather(mv, [cv])
            e2 = w16 * mr * mc
            ew2v[j, pl.ds(g * 16, 16)] = e2
            plsc.addupdate_scatter(accum, [cv], e2)
        return 0

    lax.fori_loop(0, QCH, chunk, 0)
    pltpu.sync_copy(accum, out_hbm.at[wid])
    pltpu.sync_copy(ew2v, ew2_hbm.at[gs, pl.ds(q * QCH, QCH)])


@functools.partial(
    pl.kernel,
    mesh=_mesh,
    compiler_params=pltpu.CompilerParams(needs_layout_passes=False),
    out_type=jax.ShapeDtypeStruct((NW, 4, NP_), jnp.float32),
    scratch_types=[
        pltpu.VMEM((BLK, LANES), jnp.int32),
        pltpu.VMEM((BLK, LANES), jnp.int32),
        pltpu.VMEM((BLK, LANES), jnp.float32),
        pltpu.VMEM((4, NP_), jnp.float32),
        pltpu.VMEM((4, NP_), jnp.float32),
    ],
)
def _sc_pass(row_hbm, col_hbm, w_hbm, tabt_hbm, out_hbm,
             rowb, colb, wb, tabv, accq):
    c = lax.axis_index("c")
    s = lax.axis_index("s")
    wid = s * NC + c
    gs = c * 4 + s // 4
    fq = s % 4
    pltpu.sync_copy(tabt_hbm.at[pl.ds(fq * 4, 4)], tabv)
    z = jnp.zeros((16,), jnp.float32)

    def zrow(i, _):
        for ff in range(4):
            accq[ff, pl.ds(i * 16, 16)] = z
        return 0

    lax.fori_loop(0, NP_ // 16, zrow, 0, unroll=8)
    ffs = [jnp.full((16,), ff, jnp.int32) for ff in range(4)]

    def block(b, _):
        pltpu.sync_copy(row_hbm.at[gs, pl.ds(b * BLK, BLK)], rowb)
        pltpu.sync_copy(col_hbm.at[gs, pl.ds(b * BLK, BLK)], colb)
        pltpu.sync_copy(w_hbm.at[gs, pl.ds(b * BLK, BLK)], wb)

        def chunk(j, _):
            for g in range(LANES // 16):
                rv = rowb[j, pl.ds(g * 16, 16)]
                cv = colb[j, pl.ds(g * 16, 16)]
                w16 = wb[j, pl.ds(g * 16, 16)]
                for ff in range(4):
                    t = plsc.load_gather(tabv, [ffs[ff], rv])
                    plsc.addupdate_scatter(accq, [ffs[ff], cv], t * w16)
            return 0

        lax.fori_loop(0, BLK, chunk, 0)
        return 0

    lax.fori_loop(0, NBLK, block, 0)
    pltpu.sync_copy(accq, out_hbm.at[wid])


def _hp_dot(a, b):
    return jnp.dot(a, b, precision=lax.Precision.HIGHEST,
                   preferred_element_type=jnp.float32)


def _bf(a):
    return a.astype(jnp.bfloat16).astype(jnp.float32)


def _tc1_body(xt_ref, w1t_ref, degp_ref, xw_ref, u_ref, d1_ref):
    xw = jnp.dot(w1t_ref[...], xt_ref[...],
                 preferred_element_type=jnp.float32)
    d1 = lax.rsqrt(1.0 + jnp.sum(degp_ref[...], axis=0))
    xw_ref[...] = xw
    u_ref[...] = xw * d1[None, :]
    d1_ref[...] = d1


def _tc2_body(c0, c1, c2, c3, d1_ref, xw_ref, b1c_ref, h1_ref):
    d1 = d1_ref[...]
    d1sq = d1 * d1
    for fq, cref in enumerate((c0, c1, c2, c3)):
        sq = jnp.sum(cref[...], axis=0)
        sl = pl.ds(fq * 4, 4)
        pre = d1[None, :] * sq + d1sq[None, :] * xw_ref[sl, :] \
            + b1c_ref[sl, :]
        h1_ref[sl, :] = jnp.maximum(pre, 0.0)


def _tc3_body(a0, a1, a2, a3, h1_ref, wrel_ref, wroot_ref, brel_ref,
              m_ref, xp_ref, *, k):
    h1 = h1_ref[...]
    z = jnp.sum(_bf(h1) * _bf(wroot_ref[...]), axis=0) + brel_ref[0, 0]
    for fq, aref in enumerate((a0, a1, a2, a3)):
        agg = jnp.sum(aref[...], axis=0)
        z = z + jnp.sum(_bf(agg) * _bf(wrel_ref[pl.ds(fq * 4, 4), :]),
                        axis=0)
    score = jnp.tanh(z)
    bits = lax.bitcast_convert_type(score, jnp.int32)
    ukey = jnp.where(bits < 0, ~bits,
                     bits ^ jnp.int32(-2147483648)).astype(jnp.uint32)
    nid = lax.broadcasted_iota(jnp.int32, (NP_,), 0)
    ukey = jnp.where(nid < N_NODES, ukey, jnp.uint32(0))

    def bis(i, lohi):
        lo, hi = lohi
        mid = lo + (hi - lo) // 2 + jnp.uint32(1)
        cnt = jnp.sum((ukey >= mid).astype(jnp.int32))
        ge = cnt >= k
        return jnp.where(ge, mid, lo), jnp.where(ge, hi, mid - jnp.uint32(1))

    lo, _ = lax.fori_loop(0, 33, bis,
                          (jnp.uint32(0), jnp.uint32(0xFFFFFFFF)))
    m = (ukey >= lo).astype(jnp.float32)
    m_ref[...] = m
    xp_ref[...] = h1 * (score * m)[None, :]


def _tc4_body(deg2p_ref, xp_ref, d2_ref, v_ref):
    d2 = lax.rsqrt(1.0 + jnp.sum(deg2p_ref[...], axis=0))
    d2_ref[...] = d2
    v_ref[...] = d2[None, :] * _bf(xp_ref[...])


def _tc5_body(s0, s1, s2, s3, d2_ref, xp_ref, w2t_ref, b2c_ref, m_ref,
              out_ref, *, k):
    d2 = d2_ref[...]
    d2sq = d2 * d2
    pres = []
    for fq, sref in enumerate((s0, s1, s2, s3)):
        sq = jnp.sum(sref[...], axis=0)
        pres.append(d2[None, :] * sq
                    + d2sq[None, :] * _bf(xp_ref[pl.ds(fq * 4, 4), :]))
    pre = jnp.concatenate(pres, axis=0)
    h2 = _hp_dot(_bf(w2t_ref[...]), pre) + b2c_ref[...]
    h2 = jnp.maximum(h2, 0.0) * m_ref[...][None, :]
    out_ref[...] = jnp.sum(h2, axis=1)[:, None] / float(k)


def _tc_call(body, out_shapes):
    return pl.pallas_call(body, out_shape=out_shapes)


def _chunks(parts):
    p = parts.reshape(4, 4, NC, 4, NP_)
    return [p[:, fq].reshape(NSH, 4, NP_) for fq in range(4)]


@jax.jit
def _pipeline(x, edge_weight, W1, b1, Wrel, brel, Wroot, W2, b2, edge_index):
    N, F = x.shape
    H = W2.shape[1]
    k = int(np.ceil(0.8 * N_NODES))
    f32 = jnp.float32

    row = edge_index[0]
    col = edge_index[1]
    pad = EPAD - E_EDGES
    pad_idx = (jnp.arange(pad, dtype=jnp.int32) * 97) % N_NODES
    row_sh = jnp.concatenate([row, pad_idx]).reshape(NSH, NCH, LANES)
    col_sh = jnp.concatenate([col, pad_idx]).reshape(NSH, NCH, LANES)
    ew_sh = jnp.concatenate(
        [edge_weight, jnp.zeros((pad,), f32)]).reshape(NSH, NCH, LANES)
    xt = jnp.pad(x, ((0, NP_ - N), (0, 0))).T
    w1t = W1.T
    w2t = W2.T
    b1c = b1[:, None]
    b2c = b2[:, None]

    degp = _sc_deg(col_sh, ew_sh)
    xw1, u, d1 = _tc_call(_tc1_body, [
        jax.ShapeDtypeStruct((P_DIM, NP_), f32),
        jax.ShapeDtypeStruct((P_DIM, NP_), f32),
        jax.ShapeDtypeStruct((NP_,), f32),
    ])(xt, w1t, degp)

    sp = _chunks(_sc_pass(row_sh, col_sh, ew_sh, u))
    h1 = _tc_call(_tc2_body, jax.ShapeDtypeStruct((P_DIM, NP_), f32))(
        *sp, d1, xw1, b1c)

    aggp = _chunks(_sc_pass(row_sh, col_sh, ew_sh, h1))
    m, xp = _tc_call(functools.partial(_tc3_body, k=k), [
        jax.ShapeDtypeStruct((NP_,), f32),
        jax.ShapeDtypeStruct((P_DIM, NP_), f32),
    ])(*aggp, h1, Wrel, Wroot, brel[None, :])

    deg2p, ew2_sh = _sc_deg2(row_sh, col_sh, ew_sh, m)
    d2, v = _tc_call(_tc4_body, [
        jax.ShapeDtypeStruct((NP_,), f32),
        jax.ShapeDtypeStruct((P_DIM, NP_), f32),
    ])(deg2p, xp)

    s2p = _chunks(_sc_pass(row_sh, col_sh, ew2_sh, v))
    out = _tc_call(functools.partial(_tc5_body, k=k),
                   jax.ShapeDtypeStruct((H, 1), f32))(
        *s2p, d2, xp, w2t, b2c, m)
    return out.reshape(1, H)


def kernel(x, edge_weight, W1, b1, Wrel, brel, Wroot, W2, b2, edge_index,
           batch):
    del batch
    return _pipeline(x, edge_weight, W1, b1, Wrel, brel, Wroot, W2, b2,
                     edge_index)

# --- scband reference (transcript-rebuilt; emitter-appended) ---
"""Pipeline reference for scband-graph-net-with-sagpooling-56075093017230 (READ-ONLY COPY).

The authoritative reference and input builder live on the scoring server;
editing this copy changes nothing except your own understanding.
"""

import jax, jax.numpy as jnp
import numpy as np


def gcn_conv(x, edge_index, edge_weight, W, b, num_nodes):
    # GCNConv with add_self_loops=True and symmetric gcn_norm, edge weights
    row = edge_index[0]
    col = edge_index[1]
    loop = jnp.arange(num_nodes, dtype=row.dtype)
    row = jnp.concatenate([row, loop])
    col = jnp.concatenate([col, loop])
    ew = jnp.concatenate([edge_weight, jnp.ones((num_nodes,), x.dtype)])
    deg = jnp.zeros((num_nodes,), x.dtype).at[col].add(ew)
    dis = jnp.where(deg > 0, deg ** -0.5, 0.0)
    norm = dis[row] * ew * dis[col]
    xw = x @ W
    msg = norm[:, None] * xw[row]
    out = jnp.zeros((num_nodes, W.shape[1]), x.dtype).at[col].add(msg)
    return out + b


def graph_conv(x, edge_index, edge_weight, Wrel, brel, Wroot, num_nodes):
    # GraphConv (default GNN of SAGPooling): lin_rel(sum_j w_ij * x_j) + lin_root(x)
    row = edge_index[0]
    col = edge_index[1]
    msg = edge_weight[:, None] * x[row]
    agg = jnp.zeros((num_nodes, x.shape[1]), x.dtype).at[col].add(msg)
    return agg @ Wrel + brel + x @ Wroot


def setup_inputs(seed: int = 0):
    key = jax.random.key(seed)
    ks = jax.random.split(key, 10)
    N, E, F, P, H = 10000, 320000, 128, 16, 128
    x = jax.random.normal(ks[0], (N, F), jnp.float32)
    edge_index = jax.random.randint(ks[1], (2, E), 0, N, dtype=jnp.int32)
    batch = jnp.zeros((N,), jnp.int32)
    edge_weight = jax.random.uniform(ks[2], (E,), jnp.float32)
    W1 = jax.random.normal(ks[3], (F, P), jnp.float32) / np.sqrt(F)
    b1 = jnp.zeros((P,), jnp.float32)
    Wrel = jax.random.normal(ks[4], (P, 1), jnp.float32) / np.sqrt(P)
    brel = jnp.zeros((1,), jnp.float32)
    Wroot = jax.random.normal(ks[5], (P, 1), jnp.float32) / np.sqrt(P)
    W2 = jax.random.normal(ks[6], (P, H), jnp.float32) / np.sqrt(P)
    b2 = jnp.zeros((H,), jnp.float32)
    return {"x": x, "edge_weight": edge_weight, "W1": W1, "b1": b1,
            "Wrel": Wrel, "brel": brel, "Wroot": Wroot, "W2": W2, "b2": b2,
            "edge_index": edge_index, "batch": batch}


def reference(x, edge_weight, W1, b1, Wrel, brel, Wroot, W2, b2, edge_index, batch):
    N = x.shape[0]
    ratio = 0.8
    # conv1 + relu
    h1 = jax.nn.relu(gcn_conv(x, edge_index, edge_weight, W1, b1, N))
    # SAGPooling: score via GraphConv, tanh nonlinearity, per-graph top-k (single graph here)
    score = jnp.tanh(graph_conv(h1, edge_index, edge_weight, Wrel, brel, Wroot, N).reshape(-1))
    k = int(np.ceil(ratio * N))
    _, perm = jax.lax.top_k(score, k)
    xp = h1[perm] * score[perm][:, None]
    # filter_adj: keep edges with both endpoints in perm, remap node ids (fixed-shape masked form)
    mask = jnp.zeros((N,), bool).at[perm].set(True)
    idx_map = jnp.zeros((N,), jnp.int32).at[perm].set(jnp.arange(k, dtype=jnp.int32))
    row = edge_index[0]
    col = edge_index[1]
    keep = mask[row] & mask[col]
    ei2 = jnp.stack([idx_map[row], idx_map[col]])
    ew2 = jnp.where(keep, edge_weight, jnp.zeros((), edge_weight.dtype))
    # conv2 + relu on pooled subgraph
    h2 = jax.nn.relu(gcn_conv(xp, ei2, ew2, W2, b2, k))
    # global mean pool
    batch2 = batch[perm]
    sums = jax.ops.segment_sum(h2, batch2, num_segments=1)
    cnt = jax.ops.segment_sum(jnp.ones((k,), h2.dtype), batch2, num_segments=1)
    return sums / jnp.clip(cnt, 1.0)[:, None]

if __name__ == "__main__":
    import jax
    _d = setup_inputs()
    print(jax.jit(kernel)(*tuple(_d.values())))

</pallas_src>

<mosaic_0001>
#map = affine_map<(d0, d1) -> (0, 0, 0)>
#map1 = affine_map<(d0, d1) -> (0, 0)>
module attributes {stable_mosaic.version = 14 : i64} {
  func.func @_sc_deg(%arg0: i32, %arg1: i32, %arg2: memref<8x320x128xi32, #tpu.memory_space<hbm>>, %arg3: memref<8x320x128xf32, #tpu.memory_space<hbm>>, %arg4: memref<32x10240xf32, #tpu.memory_space<hbm>>, %arg5: memref<80x128xi32, #tpu.memory_space<vmem>>, %arg6: memref<80x128xf32, #tpu.memory_space<vmem>>, %arg7: memref<10240xf32, #tpu.memory_space<vmem>>) attributes {dimension_semantics = [#tpu.dimension_semantics<core_parallel>, #tpu.dimension_semantics<subcore_parallel>], iteration_bounds = array<i64: 2, 16>, scalar_prefetch = 0 : i64, scratch_operands = 3 : i64, tpu.core_type = #tpu.core_type<sc_vector_subcore>, window_params = [{transform_indices = #map}, {transform_indices = #map}, {transform_indices = #map1}]} {
    %mul3A = arith.constant 2 : i32
    %mul3A_0 = arith.muli %arg1, %mul3A : i32
    %add3A = arith.addi %mul3A_0, %arg0 : i32
    %mul3A_1 = arith.constant 4 : i32
    %mul3A_2 = arith.muli %arg0, %mul3A_1 : i32
    %jit3A = arith.constant 4 : i32
    %div3A = arith.divsi %arg1, %jit3A : i32
    %sign3A = arith.constant 0 : i32
    %sign3A_3 = arith.cmpi sgt, %arg1, %sign3A : i32
    %sign3A_4 = arith.extui %sign3A_3 : i1 to i32
    %sign3A_5 = arith.constant 0 : i32
    %sign3A_6 = arith.cmpi slt, %arg1, %sign3A_5 : i32
    %sign3A_7 = arith.extui %sign3A_6 : i1 to i32
    %sign3A_8 = arith.subi %sign3A_4, %sign3A_7 : i32
    %sign3A_9 = arith.constant 0 : i32
    %sign3A_10 = arith.cmpi sgt, %jit3A, %sign3A_9 : i32
    %sign3A_11 = arith.extui %sign3A_10 : i1 to i32
    %sign3A_12 = arith.constant 0 : i32
    %sign3A_13 = arith.cmpi slt, %jit3A, %sign3A_12 : i32
    %sign3A_14 = arith.extui %sign3A_13 : i1 to i32
    %sign3A_15 = arith.subi %sign3A_11, %sign3A_14 : i32
    %ne3A = arith.cmpi ne, %sign3A_8, %sign3A_15 : i32
    %rem3A = arith.remsi %arg1, %jit3A : i32
    %ne3A_16 = arith.constant 0 : i32
    %ne3A_17 = arith.cmpi ne, %rem3A, %ne3A_16 : i32
    %and3A = arith.andi %ne3A, %ne3A_17 : i1
    %sub3A = arith.constant 1 : i32
    %sub3A_18 = arith.subi %div3A, %sub3A : i32
    %select_n3A = arith.select %and3A, %sub3A_18, %div3A : i32
    %add3A_19 = arith.addi %mul3A_2, %select_n3A : i32
    %jit3A_20 = arith.constant 4 : i32
    %eq3A = arith.constant 0 : i32
    %eq3A_21 = arith.cmpi eq, %jit3A_20, %eq3A : i32
    %jit3A_22 = arith.constant 1 : i32
    %select_n3A_23 = arith.select %eq3A_21, %jit3A_22, %jit3A_20 : i32
    %rem3A_24 = arith.remsi %arg1, %select_n3A_23 : i32
    %ne3A_25 = arith.constant 0 : i32
    %ne3A_26 = arith.cmpi ne, %rem3A_24, %ne3A_25 : i32
    %lt3A = arith.constant 0 : i32
    %lt3A_27 = arith.cmpi slt, %rem3A_24, %lt3A : i32
    %lt3A_28 = arith.constant 0 : i32
    %lt3A_29 = arith.cmpi slt, %select_n3A_23, %lt3A_28 : i32
    %ne3A_30 = arith.xori %lt3A_27, %lt3A_29 : i1
    %and3A_31 = arith.andi %ne3A_30, %ne3A_26 : i1
    %add3A_32 = arith.addi %rem3A_24, %select_n3A_23 : i32
    %select_n3A_33 = arith.select %and3A_31, %add3A_32, %rem3A_24 : i32
    %mul3A_34 = arith.constant 80 : i32
    %mul3A_35 = arith.muli %select_n3A_33, %mul3A_34 : i32
    "tpu.region"() ({
      %run_scoped3A = tpu.sem_alloc : memref<!tpu.dma_semaphore, #tpu.memory_space<semaphore_mem>>
      %dma_start3A = arith.constant 0 : i32
      %dma_start3A_52 = tpu.memref_slice %arg2[%add3A_19, %mul3A_35, %dma_start3A] : memref<8x320x128xi32, #tpu.memory_space<hbm>> -> memref<1x80x128xi32, #tpu.memory_space<hbm>>
      %dma_start3A_53 = tpu.memref_squeeze %dma_start3A_52 : memref<1x80x128xi32, #tpu.memory_space<hbm>> -> memref<80x128xi32, #tpu.memory_space<hbm>>
      %dma_start3A_54 = arith.constant 0 : i32
      %dma_start3A_55 = tpu.memref_slice %arg2[%add3A_19, %mul3A_35, %dma_start3A_54] : memref<8x320x128xi32, #tpu.memory_space<hbm>> -> memref<1x80x128xi32, #tpu.memory_space<hbm>>
      %dma_start3A_56 = tpu.memref_squeeze %dma_start3A_55 : memref<1x80x128xi32, #tpu.memory_space<hbm>> -> memref<80x128xi32, #tpu.memory_space<hbm>>
      tpu.enqueue_dma source(%dma_start3A_56 : memref<80x128xi32, #tpu.memory_space<hbm>>) target(%arg5 : memref<80x128xi32, #tpu.memory_space<vmem>>) target_semaphore(%run_scoped3A : memref<!tpu.dma_semaphore, #tpu.memory_space<semaphore_mem>>)
      %dma_wait3A = arith.constant 0 : i32
      %dma_wait3A_57 = tpu.memref_slice %arg2[%add3A_19, %mul3A_35, %dma_wait3A] : memref<8x320x128xi32, #tpu.memory_space<hbm>> -> memref<1x80x128xi32, #tpu.memory_space<hbm>>
      %dma_wait3A_58 = tpu.memref_squeeze %dma_wait3A_57 : memref<1x80x128xi32, #tpu.memory_space<hbm>> -> memref<80x128xi32, #tpu.memory_space<hbm>>
      %dma_wait3A_59 = arith.constant 0 : i32
      %dma_wait3A_60 = tpu.memref_slice %arg2[%add3A_19, %mul3A_35, %dma_wait3A_59] : memref<8x320x128xi32, #tpu.memory_space<hbm>> -> memref<1x80x128xi32, #tpu.memory_space<hbm>>
      %dma_wait3A_61 = tpu.memref_squeeze %dma_wait3A_60 : memref<1x80x128xi32, #tpu.memory_space<hbm>> -> memref<80x128xi32, #tpu.memory_space<hbm>>
      tpu.wait_dma2 semaphore(%run_scoped3A : memref<!tpu.dma_semaphore, #tpu.memory_space<semaphore_mem>>) src(%dma_wait3A_61 : memref<80x128xi32, #tpu.memory_space<hbm>>) dst(%arg5 : memref<80x128xi32, #tpu.memory_space<vmem>>)
      tpu.yield
    }) : () -> ()
    %mul3A_36 = arith.constant 80 : i32
    %mul3A_37 = arith.muli %select_n3A_33, %mul3A_36 : i32
    "tpu.region"() ({
      %run_scoped3A = tpu.sem_alloc : memref<!tpu.dma_semaphore, #tpu.memory_space<semaphore_mem>>
      %dma_start3A = arith.constant 0 : i32
      %dma_start3A_52 = tpu.memref_slice %arg3[%add3A_19, %mul3A_37, %dma_start3A] : memref<8x320x128xf32, #tpu.memory_space<hbm>> -> memref<1x80x128xf32, #tpu.memory_space<hbm>>
      %dma_start3A_53 = tpu.memref_squeeze %dma_start3A_52 : memref<1x80x128xf32, #tpu.memory_space<hbm>> -> memref<80x128xf32, #tpu.memory_space<hbm>>
      %dma_start3A_54 = arith.constant 0 : i32
      %dma_start3A_55 = tpu.memref_slice %arg3[%add3A_19, %mul3A_37, %dma_start3A_54] : memref<8x320x128xf32, #tpu.memory_space<hbm>> -> memref<1x80x128xf32, #tpu.memory_space<hbm>>
      %dma_start3A_56 = tpu.memref_squeeze %dma_start3A_55 : memref<1x80x128xf32, #tpu.memory_space<hbm>> -> memref<80x128xf32, #tpu.memory_space<hbm>>
      tpu.enqueue_dma source(%dma_start3A_56 : memref<80x128xf32, #tpu.memory_space<hbm>>) target(%arg6 : memref<80x128xf32, #tpu.memory_space<vmem>>) target_semaphore(%run_scoped3A : memref<!tpu.dma_semaphore, #tpu.memory_space<semaphore_mem>>)
      %dma_wait3A = arith.constant 0 : i32
      %dma_wait3A_57 = tpu.memref_slice %arg3[%add3A_19, %mul3A_37, %dma_wait3A] : memref<8x320x128xf32, #tpu.memory_space<hbm>> -> memref<1x80x128xf32, #tpu.memory_space<hbm>>
      %dma_wait3A_58 = tpu.memref_squeeze %dma_wait3A_57 : memref<1x80x128xf32, #tpu.memory_space<hbm>> -> memref<80x128xf32, #tpu.memory_space<hbm>>
      %dma_wait3A_59 = arith.constant 0 : i32
      %dma_wait3A_60 = tpu.memref_slice %arg3[%add3A_19, %mul3A_37, %dma_wait3A_59] : memref<8x320x128xf32, #tpu.memory_space<hbm>> -> memref<1x80x128xf32, #tpu.memory_space<hbm>>
      %dma_wait3A_61 = tpu.memref_squeeze %dma_wait3A_60 : memref<1x80x128xf32, #tpu.memory_space<hbm>> -> memref<80x128xf32, #tpu.memory_space<hbm>>
      tpu.wait_dma2 semaphore(%run_scoped3A : memref<!tpu.dma_semaphore, #tpu.memory_space<semaphore_mem>>) src(%dma_wait3A_61 : memref<80x128xf32, #tpu.memory_space<hbm>>) dst(%arg6 : memref<80x128xf32, #tpu.memory_space<vmem>>)
      tpu.yield
    }) : () -> ()
    %broadcast_in_dim3A = arith.constant 0.000000e+00 : f32
    %broadcast_in_dim3A_38 = vector.broadcast %broadcast_in_dim3A : f32 to vector<16xf32>
    %scan3A = arith.constant 0 : i32
    %scan3A_39 = arith.constant 0 : i32
    %scan3A_40 = arith.constant 640 : i32
    %scan3A_41 = arith.addi %scan3A_39, %scan3A_40 : i32
    %scan3A_42 = arith.constant 8 : i32
    %scan3A_43 = scf.for %scan3A_52 = %scan3A_39 to %scan3A_41 step %scan3A_42 iter_args(%scan3A_53 = %scan3A) -> (i32)  : i32 {
      %mul3A_54 = arith.constant 16 : i32
      %mul3A_55 = arith.muli %scan3A_52, %mul3A_54 : i32
      %swap3A = arith.index_cast %mul3A_55 : i32 to index
      %swap3A_56 = tpu.vector_load %arg7[%swap3A] {strides = array<i32>} : memref<10240xf32, #tpu.memory_space<vmem>>, vector<16xf32>,
      tpu.vector_store %arg7[%swap3A], %broadcast_in_dim3A_38 {strides = array<i32>} : memref<10240xf32, #tpu.memory_space<vmem>>, vector<16xf32>,
      %scan3A_57 = arith.constant 0 : i32
      %scan3A_58 = arith.constant 1 : i32
      %scan3A_59 = arith.addi %scan3A_52, %scan3A_58 : i32
      %mul3A_60 = arith.constant 16 : i32
      %mul3A_61 = arith.muli %scan3A_59, %mul3A_60 : i32
      %swap3A_62 = arith.index_cast %mul3A_61 : i32 to index
      %swap3A_63 = tpu.vector_load %arg7[%swap3A_62] {strides = array<i32>} : memref<10240xf32, #tpu.memory_space<vmem>>, vector<16xf32>,
      tpu.vector_store %arg7[%swap3A_62], %broadcast_in_dim3A_38 {strides = array<i32>} : memref<10240xf32, #tpu.memory_space<vmem>>, vector<16xf32>,
      %scan3A_64 = arith.constant 0 : i32
      %scan3A_65 = arith.constant 2 : i32
      %scan3A_66 = arith.addi %scan3A_52, %scan3A_65 : i32
      %mul3A_67 = arith.constant 16 : i32
      %mul3A_68 = arith.muli %scan3A_66, %mul3A_67 : i32
      %swap3A_69 = arith.index_cast %mul3A_68 : i32 to index
      %swap3A_70 = tpu.vector_load %arg7[%swap3A_69] {strides = array<i32>} : memref<10240xf32, #tpu.memory_space<vmem>>, vector<16xf32>,
      tpu.vector_store %arg7[%swap3A_69], %broadcast_in_dim3A_38 {strides = array<i32>} : memref<10240xf32, #tpu.memory_space<vmem>>, vector<16xf32>,
      %scan3A_71 = arith.constant 0 : i32
      %scan3A_72 = arith.constant 3 : i32
      %scan3A_73 = arith.addi %scan3A_52, %scan3A_72 : i32
      %mul3A_74 = arith.constant 16 : i32
      %mul3A_75 = arith.muli %scan3A_73, %mul3A_74 : i32
      %swap3A_76 = arith.index_cast %mul3A_75 : i32 to index
      %swap3A_77 = tpu.vector_load %arg7[%swap3A_76] {strides = array<i32>} : memref<10240xf32, #tpu.memory_space<vmem>>, vector<16xf32>,
      tpu.vector_store %arg7[%swap3A_76], %broadcast_in_dim3A_38 {strides = array<i32>} : memref<10240xf32, #tpu.memory_space<vmem>>, vector<16xf32>,
      %scan3A_78 = arith.constant 0 : i32
      %scan3A_79 = arith.constant 4 : i32
      %scan3A_80 = arith.addi %scan3A_52, %scan3A_79 : i32
      %mul3A_81 = arith.constant 16 : i32
      %mul3A_82 = arith.muli %scan3A_80, %mul3A_81 : i32
      %swap3A_83 = arith.index_cast %mul3A_82 : i32 to index
      %swap3A_84 = tpu.vector_load %arg7[%swap3A_83] {strides = array<i32>} : memref<10240xf32, #tpu.memory_space<vmem>>, vector<16xf32>,
      tpu.vector_store %arg7[%swap3A_83], %broadcast_in_dim3A_38 {strides = array<i32>} : memref<10240xf32, #tpu.memory_space<vmem>>, vector<16xf32>,
      %scan3A_85 = arith.constant 0 : i32
      %scan3A_86 = arith.constant 5 : i32
      %scan3A_87 = arith.addi %scan3A_52, %scan3A_86 : i32
      %mul3A_88 = arith.constant 16 : i32
      %mul3A_89 = arith.muli %scan3A_87, %mul3A_88 : i32
      %swap3A_90 = arith.index_cast %mul3A_89 : i32 to index
      %swap3A_91 = tpu.vector_load %arg7[%swap3A_90] {strides = array<i32>} : memref<10240xf32, #tpu.memory_space<vmem>>, vector<16xf32>,
      tpu.vector_store %arg7[%swap3A_90], %broadcast_in_dim3A_38 {strides = array<i32>} : memref<10240xf32, #tpu.memory_space<vmem>>, vector<16xf32>,
      %scan3A_92 = arith.constant 0 : i32
      %scan3A_93 = arith.constant 6 : i32
      %scan3A_94 = arith.addi %scan3A_52, %scan3A_93 : i32
      %mul3A_95 = arith.constant 16 : i32
      %mul3A_96 = arith.muli %scan3A_94, %mul3A_95 : i32
      %swap3A_97 = arith.index_cast %mul3A_96 : i32 to index
      %swap3A_98 = tpu.vector_load %arg7[%swap3A_97] {strides = array<i32>} : memref<10240xf32, #tpu.memory_space<vmem>>, vector<16xf32>,
      tpu.vector_store %arg7[%swap3A_97], %broadcast_in_dim3A_38 {strides = array<i32>} : memref<10240xf32, #tpu.memory_space<vmem>>, vector<16xf32>,
      %scan3A_99 = arith.constant 0 : i32
      %scan3A_100 = arith.constant 7 : i32
      %scan3A_101 = arith.addi %scan3A_52, %scan3A_100 : i32
      %mul3A_102 = arith.constant 16 : i32
      %mul3A_103 = arith.muli %scan3A_101, %mul3A_102 : i32
      %swap3A_104 = arith.index_cast %mul3A_103 : i32 to index
      %swap3A_105 = tpu.vector_load %arg7[%swap3A_104] {strides = array<i32>} : memref<10240xf32, #tpu.memory_space<vmem>>, vector<16xf32>,
      tpu.vector_store %arg7[%swap3A_104], %broadcast_in_dim3A_38 {strides = array<i32>} : memref<10240xf32, #tpu.memory_space<vmem>>, vector<16xf32>,
      %scan3A_106 = arith.constant 0 : i32
      scf.yield %scan3A_106 : i32
    }
    %scan3A_44 = arith.constant 640 : i32
    %scan3A_45 = arith.constant 0 : i32
    %scan3A_46 = arith.constant 0 : i32
    %scan3A_47 = arith.constant 80 : i32
    %scan3A_48 = arith.addi %scan3A_46, %scan3A_47 : i32
    %scan3A_49 = arith.constant 1 : i32
    %scan3A_50 = scf.for %scan3A_52 = %scan3A_46 to %scan3A_48 step %scan3A_49 iter_args(%scan3A_53 = %scan3A_45) -> (i32)  : i32 {
      %get3A = arith.index_cast %scan3A_52 : i32 to index
      %get3A_54 = arith.constant 0 : index
      %get3A_55 = tpu.vector_load %arg5[%get3A, %get3A_54] {strides = array<i32>} : memref<80x128xi32, #tpu.memory_space<vmem>>, vector<16xi32>,
      %get3A_56 = arith.index_cast %scan3A_52 : i32 to index
      %get3A_57 = arith.constant 0 : index
      %get3A_58 = tpu.vector_load %arg6[%get3A_56, %get3A_57] {strides = array<i32>} : memref<80x128xf32, #tpu.memory_space<vmem>>, vector<16xf32>,
      tpu.vector_store_idx %arg7[%get3A_55], %get3A_58 {add = true} : memref<10240xf32, #tpu.memory_space<vmem>>[vector<16xi32>], vector<16xf32>,
      %get3A_59 = arith.index_cast %scan3A_52 : i32 to index
      %get3A_60 = arith.constant 16 : index
      %get3A_61 = tpu.vector_load %arg5[%get3A_59, %get3A_60] {strides = array<i32>} : memref<80x128xi32, #tpu.memory_space<vmem>>, vector<16xi32>,
      %get3A_62 = arith.index_cast %scan3A_52 : i32 to index
      %get3A_63 = arith.constant 16 : index
      %get3A_64 = tpu.vector_load %arg6[%get3A_62, %get3A_63] {strides = array<i32>} : memref<80x128xf32, #tpu.memory_space<vmem>>, vector<16xf32>,
      tpu.vector_store_idx %arg7[%get3A_61], %get3A_64 {add = true} : memref<10240xf32, #tpu.memory_space<vmem>>[vector<16xi32>], vector<16xf32>,
      %get3A_65 = arith.index_cast %scan3A_52 : i32 to index
      %get3A_66 = arith.constant 32 : index
      %get3A_67 = tpu.vector_load %arg5[%get3A_65, %get3A_66] {strides = array<i32>} : memref<80x128xi32, #tpu.memory_space<vmem>>, vector<16xi32>,
      %get3A_68 = arith.index_cast %scan3A_52 : i32 to index
      %get3A_69 = arith.constant 32 : index
      %get3A_70 = tpu.vector_load %arg6[%get3A_68, %get3A_69] {strides = array<i32>} : memref<80x128xf32, #tpu.memory_space<vmem>>, vector<16xf32>,
      tpu.vector_store_idx %arg7[%get3A_67], %get3A_70 {add = true} : memref<10240xf32, #tpu.memory_space<vmem>>[vector<16xi32>], vector<16xf32>,
      %get3A_71 = arith.index_cast %scan3A_52 : i32 to index
      %get3A_72 = arith.constant 48 : index
      %get3A_73 = tpu.vector_load %arg5[%get3A_71, %get3A_72] {strides = array<i32>} : memref<80x128xi32, #tpu.memory_space<vmem>>, vector<16xi32>,
      %get3A_74 = arith.index_cast %scan3A_52 : i32 to index
      %get3A_75 = arith.constant 48 : index
      %get3A_76 = tpu.vector_load %arg6[%get3A_74, %get3A_75] {strides = array<i32>} : memref<80x128xf32, #tpu.memory_space<vmem>>, vector<16xf32>,
      tpu.vector_store_idx %arg7[%get3A_73], %get3A_76 {add = true} : memref<10240xf32, #tpu.memory_space<vmem>>[vector<16xi32>], vector<16xf32>,
      %get3A_77 = arith.index_cast %scan3A_52 : i32 to index
      %get3A_78 = arith.constant 64 : index
      %get3A_79 = tpu.vector_load %arg5[%get3A_77, %get3A_78] {strides = array<i32>} : memref<80x128xi32, #tpu.memory_space<vmem>>, vector<16xi32>,
      %get3A_80 = arith.index_cast %scan3A_52 : i32 to index
      %get3A_81 = arith.constant 64 : index
      %get3A_82 = tpu.vector_load %arg6[%get3A_80, %get3A_81] {strides = array<i32>} : memref<80x128xf32, #tpu.memory_space<vmem>>, vector<16xf32>,
      tpu.vector_store_idx %arg7[%get3A_79], %get3A_82 {add = true} : memref<10240xf32, #tpu.memory_space<vmem>>[vector<16xi32>], vector<16xf32>,
      %get3A_83 = arith.index_cast %scan3A_52 : i32 to index
      %get3A_84 = arith.constant 80 : index
      %get3A_85 = tpu.vector_load %arg5[%get3A_83, %get3A_84] {strides = array<i32>} : memref<80x128xi32, #tpu.memory_space<vmem>>, vector<16xi32>,
      %get3A_86 = arith.index_cast %scan3A_52 : i32 to index
      %get3A_87 = arith.constant 80 : index
      %get3A_88 = tpu.vector_load %arg6[%get3A_86, %get3A_87] {strides = array<i32>} : memref<80x128xf32, #tpu.memory_space<vmem>>, vector<16xf32>,
      tpu.vector_store_idx %arg7[%get3A_85], %get3A_88 {add = true} : memref<10240xf32, #tpu.memory_space<vmem>>[vector<16xi32>], vector<16xf32>,
      %get3A_89 = arith.index_cast %scan3A_52 : i32 to index
      %get3A_90 = arith.constant 96 : index
      %get3A_91 = tpu.vector_load %arg5[%get3A_89, %get3A_90] {strides = array<i32>} : memref<80x128xi32, #tpu.memory_space<vmem>>, vector<16xi32>,
      %get3A_92 = arith.index_cast %scan3A_52 : i32 to index
      %get3A_93 = arith.constant 96 : index
      %get3A_94 = tpu.vector_load %arg6[%get3A_92, %get3A_93] {strides = array<i32>} : memref<80x128xf32, #tpu.memory_space<vmem>>, vector<16xf32>,
      tpu.vector_store_idx %arg7[%get3A_91], %get3A_94 {add = true} : memref<10240xf32, #tpu.memory_space<vmem>>[vector<16xi32>], vector<16xf32>,
      %get3A_95 = arith.index_cast %scan3A_52 : i32 to index
      %get3A_96 = arith.constant 112 : index
      %get3A_97 = tpu.vector_load %arg5[%get3A_95, %get3A_96] {strides = array<i32>} : memref<80x128xi32, #tpu.memory_space<vmem>>, vector<16xi32>,
      %get3A_98 = arith.index_cast %scan3A_52 : i32 to index
      %get3A_99 = arith.constant 112 : index
      %get3A_100 = tpu.vector_load %arg6[%get3A_98, %get3A_99] {strides = array<i32>} : memref<80x128xf32, #tpu.memory_space<vmem>>, vector<16xf32>,
      tpu.vector_store_idx %arg7[%get3A_97], %get3A_100 {add = true} : memref<10240xf32, #tpu.memory_space<vmem>>[vector<16xi32>], vector<16xf32>,
      %scan3A_101 = arith.constant 0 : i32
      scf.yield %scan3A_101 : i32
    }
    %scan3A_51 = arith.constant 80 : i32
    "tpu.region"() ({
      %run_scoped3A = tpu.sem_alloc : memref<!tpu.dma_semaphore, #tpu.memory_space<semaphore_mem>>
      %dma_start3A = arith.constant 0 : i32
      %dma_start3A_52 = tpu.memref_slice %arg4[%add3A, %dma_start3A] : memref<32x10240xf32, #tpu.memory_space<hbm>> -> memref<1x10240xf32, #tpu.memory_space<hbm>>
      %dma_start3A_53 = tpu.memref_squeeze %dma_start3A_52 : memref<1x10240xf32, #tpu.memory_space<hbm>> -> memref<10240xf32, #tpu.memory_space<hbm>>
      %dma_start3A_54 = arith.constant 0 : i32
      %dma_start3A_55 = tpu.memref_slice %arg4[%add3A, %dma_start3A_54] : memref<32x10240xf32, #tpu.memory_space<hbm>> -> memref<1x10240xf32, #tpu.memory_space<hbm>>
      %dma_start3A_56 = tpu.memref_squeeze %dma_start3A_55 : memref<1x10240xf32, #tpu.memory_space<hbm>> -> memref<10240xf32, #tpu.memory_space<hbm>>
      tpu.enqueue_dma source(%arg7 : memref<10240xf32, #tpu.memory_space<vmem>>) target(%dma_start3A_56 : memref<10240xf32, #tpu.memory_space<hbm>>) target_semaphore(%run_scoped3A : memref<!tpu.dma_semaphore, #tpu.memory_space<semaphore_mem>>)
      %dma_wait3A = arith.constant 0 : i32
      %dma_wait3A_57 = tpu.memref_slice %arg4[%add3A, %dma_wait3A] : memref<32x10240xf32, #tpu.memory_space<hbm>> -> memref<1x10240xf32, #tpu.memory_space<hbm>>
      %dma_wait3A_58 = tpu.memref_squeeze %dma_wait3A_57 : memref<1x10240xf32, #tpu.memory_space<hbm>> -> memref<10240xf32, #tpu.memory_space<hbm>>
      %dma_wait3A_59 = arith.constant 0 : i32
      %dma_wait3A_60 = tpu.memref_slice %arg4[%add3A, %dma_wait3A_59] : memref<32x10240xf32, #tpu.memory_space<hbm>> -> memref<1x10240xf32, #tpu.memory_space<hbm>>
      %dma_wait3A_61 = tpu.memref_squeeze %dma_wait3A_60 : memref<1x10240xf32, #tpu.memory_space<hbm>> -> memref<10240xf32, #tpu.memory_space<hbm>>
      tpu.wait_dma2 semaphore(%run_scoped3A : memref<!tpu.dma_semaphore, #tpu.memory_space<semaphore_mem>>) src(%arg7 : memref<10240xf32, #tpu.memory_space<vmem>>) dst(%dma_wait3A_61 : memref<10240xf32, #tpu.memory_space<hbm>>)
      tpu.yield
    }) : () -> ()
    return
  }
}

#map = affine_map<(d0, d1) -> (0, 0, 0)>
#map1 = affine_map<(d0, d1) -> (0, 0)>
module attributes {stable_mosaic.version = 14 : i64} {
  func.func @_sc_pass(%arg0: i32, %arg1: i32, %arg2: memref<8x320x128xi32, #tpu.memory_space<hbm>>, %arg3: memref<8x320x128xi32, #tpu.memory_space<hbm>>, %arg4: memref<8x320x128xf32, #tpu.memory_space<hbm>>, %arg5: memref<16x10240xf32, #tpu.memory_space<hbm>>, %arg6: memref<32x4x10240xf32, #tpu.memory_space<hbm>>, %arg7: memref<16x128xi32, #tpu.memory_space<vmem>>, %arg8: memref<16x128xi32, #tpu.memory_space<vmem>>, %arg9: memref<16x128xf32, #tpu.memory_space<vmem>>, %arg10: memref<4x10240xf32, #tpu.memory_space<vmem>>, %arg11: memref<4x10240xf32, #tpu.memory_space<vmem>>) attributes {dimension_semantics = [#tpu.dimension_semantics<core_parallel>, #tpu.dimension_semantics<subcore_parallel>], iteration_bounds = array<i64: 2, 16>, scalar_prefetch = 0 : i64, scratch_operands = 5 : i64, tpu.core_type = #tpu.core_type<sc_vector_subcore>, window_params = [{transform_indices = #map}, {transform_indices = #map}, {transform_indices = #map}, {transform_indices = #map1}, {transform_indices = #map}]} {
    %mul3A = arith.constant 2 : i32
    %mul3A_0 = arith.muli %arg1, %mul3A : i32
    %add3A = arith.addi %mul3A_0, %arg0 : i32
    %mul3A_1 = arith.constant 4 : i32
    %mul3A_2 = arith.muli %arg0, %mul3A_1 : i32
    %jit3A = arith.constant 4 : i32
    %div3A = arith.divsi %arg1, %jit3A : i32
    %sign3A = arith.constant 0 : i32
    %sign3A_3 = arith.cmpi sgt, %arg1, %sign3A : i32
    %sign3A_4 = arith.extui %sign3A_3 : i1 to i32
    %sign3A_5 = arith.constant 0 : i32
    %sign3A_6 = arith.cmpi slt, %arg1, %sign3A_5 : i32
    %sign3A_7 = arith.extui %sign3A_6 : i1 to i32
    %sign3A_8 = arith.subi %sign3A_4, %sign3A_7 : i32
    %sign3A_9 = arith.constant 0 : i32
    %sign3A_10 = arith.cmpi sgt, %jit3A, %sign3A_9 : i32
    %sign3A_11 = arith.extui %sign3A_10 : i1 to i32
    %sign3A_12 = arith.constant 0 : i32
    %sign3A_13 = arith.cmpi slt, %jit3A, %sign3A_12 : i32
    %sign3A_14 = arith.extui %sign3A_13 : i1 to i32
    %sign3A_15 = arith.subi %sign3A_11, %sign3A_14 : i32
    %ne3A = arith.cmpi ne, %sign3A_8, %sign3A_15 : i32
    %rem3A = arith.remsi %arg1, %jit3A : i32
    %ne3A_16 = arith.constant 0 : i32
    %ne3A_17 = arith.cmpi ne, %rem3A, %ne3A_16 : i32
    %and3A = arith.andi %ne3A, %ne3A_17 : i1
    %sub3A = arith.constant 1 : i32
    %sub3A_18 = arith.subi %div3A, %sub3A : i32
    %select_n3A = arith.select %and3A, %sub3A_18, %div3A : i32
    %add3A_19 = arith.addi %mul3A_2, %select_n3A : i32
    %jit3A_20 = arith.constant 4 : i32
    %eq3A = arith.constant 0 : i32
    %eq3A_21 = arith.cmpi eq, %jit3A_20, %eq3A : i32
    %jit3A_22 = arith.constant 1 : i32
    %select_n3A_23 = arith.select %eq3A_21, %jit3A_22, %jit3A_20 : i32
    %rem3A_24 = arith.remsi %arg1, %select_n3A_23 : i32
    %ne3A_25 = arith.constant 0 : i32
    %ne3A_26 = arith.cmpi ne, %rem3A_24, %ne3A_25 : i32
    %lt3A = arith.constant 0 : i32
    %lt3A_27 = arith.cmpi slt, %rem3A_24, %lt3A : i32
    %lt3A_28 = arith.constant 0 : i32
    %lt3A_29 = arith.cmpi slt, %select_n3A_23, %lt3A_28 : i32
    %ne3A_30 = arith.xori %lt3A_27, %lt3A_29 : i1
    %and3A_31 = arith.andi %ne3A_30, %ne3A_26 : i1
    %add3A_32 = arith.addi %rem3A_24, %select_n3A_23 : i32
    %select_n3A_33 = arith.select %and3A_31, %add3A_32, %rem3A_24 : i32
    %mul3A_34 = arith.constant 4 : i32
    %mul3A_35 = arith.muli %select_n3A_33, %mul3A_34 : i32
    "tpu.region"() ({
      %run_scoped3A = tpu.sem_alloc : memref<!tpu.dma_semaphore, #tpu.memory_space<semaphore_mem>>
      %dma_start3A = arith.constant 0 : i32
      %dma_start3A_58 = tpu.memref_slice %arg5[%mul3A_35, %dma_start3A] : memref<16x10240xf32, #tpu.memory_space<hbm>> -> memref<4x10240xf32, #tpu.memory_space<hbm>>
      %dma_start3A_59 = arith.constant 0 : i32
      %dma_start3A_60 = tpu.memref_slice %arg5[%mul3A_35, %dma_start3A_59] : memref<16x10240xf32, #tpu.memory_space<hbm>> -> memref<4x10240xf32, #tpu.memory_space<hbm>>
      tpu.enqueue_dma source(%dma_start3A_60 : memref<4x10240xf32, #tpu.memory_space<hbm>>) target(%arg10 : memref<4x10240xf32, #tpu.memory_space<vmem>>) target_semaphore(%run_scoped3A : memref<!tpu.dma_semaphore, #tpu.memory_space<semaphore_mem>>)
      %dma_wait3A = arith.constant 0 : i32
      %dma_wait3A_61 = tpu.memref_slice %arg5[%mul3A_35, %dma_wait3A] : memref<16x10240xf32, #tpu.memory_space<hbm>> -> memref<4x10240xf32, #tpu.memory_space<hbm>>
      %dma_wait3A_62 = arith.constant 0 : i32
      %dma_wait3A_63 = tpu.memref_slice %arg5[%mul3A_35, %dma_wait3A_62] : memref<16x10240xf32, #tpu.memory_space<hbm>> -> memref<4x10240xf32, #tpu.memory_space<hbm>>
      tpu.wait_dma2 semaphore(%run_scoped3A : memref<!tpu.dma_semaphore, #tpu.memory_space<semaphore_mem>>) src(%dma_wait3A_63 : memref<4x10240xf32, #tpu.memory_space<hbm>>) dst(%arg10 : memref<4x10240xf32, #tpu.memory_space<vmem>>)
      tpu.yield
    }) : () -> ()
    %broadcast_in_dim3A = arith.constant 0.000000e+00 : f32
    %broadcast_in_dim3A_36 = vector.broadcast %broadcast_in_dim3A : f32 to vector<16xf32>
    %scan3A = arith.constant 0 : i32
    %scan3A_37 = arith.constant 0 : i32
    %scan3A_38 = arith.constant 640 : i32
    %scan3A_39 = arith.addi %scan3A_37, %scan3A_38 : i32
    %scan3A_40 = arith.constant 8 : i32
    %scan3A_41 = scf.for %scan3A_58 = %scan3A_37 to %scan3A_39 step %scan3A_40 iter_args(%scan3A_59 = %scan3A) -> (i32)  : i32 {
      %mul3A_60 = arith.constant 16 : i32
      %mul3A_61 = arith.muli %scan3A_58, %mul3A_60 : i32
      %swap3A = arith.constant 0 : i32
      %swap3A_62 = arith.index_cast %swap3A : i32 to index
      %swap3A_63 = arith.index_cast %mul3A_61 : i32 to index
      %swap3A_64 = tpu.vector_load %arg11[%swap3A_62, %swap3A_63] {strides = array<i32>} : memref<4x10240xf32, #tpu.memory_space<vmem>>, vector<16xf32>,
      tpu.vector_store %arg11[%swap3A_62, %swap3A_63], %broadcast_in_dim3A_36 {strides = array<i32>} : memref<4x10240xf32, #tpu.memory_space<vmem>>, vector<16xf32>,
      %mul3A_65 = arith.constant 16 : i32
      %mul3A_66 = arith.muli %scan3A_58, %mul3A_65 : i32
      %swap3A_67 = arith.constant 1 : i32
      %swap3A_68 = arith.index_cast %swap3A_67 : i32 to index
      %swap3A_69 = arith.index_cast %mul3A_66 : i32 to index
      %swap3A_70 = tpu.vector_load %arg11[%swap3A_68, %swap3A_69] {strides = array<i32>} : memref<4x10240xf32, #tpu.memory_space<vmem>>, vector<16xf32>,
      tpu.vector_store %arg11[%swap3A_68, %swap3A_69], %broadcast_in_dim3A_36 {strides = array<i32>} : memref<4x10240xf32, #tpu.memory_space<vmem>>, vector<16xf32>,
      %mul3A_71 = arith.constant 16 : i32
      %mul3A_72 = arith.muli %scan3A_58, %mul3A_71 : i32
      %swap3A_73 = arith.constant 2 : i32
      %swap3A_74 = arith.index_cast %swap3A_73 : i32 to index
      %swap3A_75 = arith.index_cast %mul3A_72 : i32 to index
      %swap3A_76 = tpu.vector_load %arg11[%swap3A_74, %swap3A_75] {strides = array<i32>} : memref<4x10240xf32, #tpu.memory_space<vmem>>, vector<16xf32>,
      tpu.vector_store %arg11[%swap3A_74, %swap3A_75], %broadcast_in_dim3A_36 {strides = array<i32>} : memref<4x10240xf32, #tpu.memory_space<vmem>>, vector<16xf32>,
      %mul3A_77 = arith.constant 16 : i32
      %mul3A_78 = arith.muli %scan3A_58, %mul3A_77 : i32
      %swap3A_79 = arith.constant 3 : i32
      %swap3A_80 = arith.index_cast %swap3A_79 : i32 to index
      %swap3A_81 = arith.index_cast %mul3A_78 : i32 to index
      %swap3A_82 = tpu.vector_load %arg11[%swap3A_80, %swap3A_81] {strides = array<i32>} : memref<4x10240xf32, #tpu.memory_space<vmem>>, vector<16xf32>,
      tpu.vector_store %arg11[%swap3A_80, %swap3A_81], %broadcast_in_dim3A_36 {strides = array<i32>} : memref<4x10240xf32, #tpu.memory_space<vmem>>, vector<16xf32>,
      %scan3A_83 = arith.constant 0 : i32
      %scan3A_84 = arith.constant 1 : i32
      %scan3A_85 = arith.addi %scan3A_58, %scan3A_84 : i32
      %mul3A_86 = arith.constant 16 : i32
      %mul3A_87 = arith.muli %scan3A_85, %mul3A_86 : i32
      %swap3A_88 = arith.constant 0 : i32
      %swap3A_89 = arith.index_cast %swap3A_88 : i32 to index
      %swap3A_90 = arith.index_cast %mul3A_87 : i32 to index
      %swap3A_91 = tpu.vector_load %arg11[%swap3A_89, %swap3A_90] {strides = array<i32>} : memref<4x10240xf32, #tpu.memory_space<vmem>>, vector<16xf32>,
      tpu.vector_store %arg11[%swap3A_89, %swap3A_90], %broadcast_in_dim3A_36 {strides = array<i32>} : memref<4x10240xf32, #tpu.memory_space<vmem>>, vector<16xf32>,
      %mul3A_92 = arith.constant 16 : i32
      %mul3A_93 = arith.muli %scan3A_85, %mul3A_92 : i32
      %swap3A_94 = arith.constant 1 : i32
      %swap3A_95 = arith.index_cast %swap3A_94 : i32 to index
      %swap3A_96 = arith.index_cast %mul3A_93 : i32 to index
      %swap3A_97 = tpu.vector_load %arg11[%swap3A_95, %swap3A_96] {strides = array<i32>} : memref<4x10240xf32, #tpu.memory_space<vmem>>, vector<16xf32>,
      tpu.vector_store %arg11[%swap3A_95, %swap3A_96], %broadcast_in_dim3A_36 {strides = array<i32>} : memref<4x10240xf32, #tpu.memory_space<vmem>>, vector<16xf32>,
      %mul3A_98 = arith.constant 16 : i32
      %mul3A_99 = arith.muli %scan3A_85, %mul3A_98 : i32
      %swap3A_100 = arith.constant 2 : i32
      %swap3A_101 = arith.index_cast %swap3A_100 : i32 to index
      %swap3A_102 = arith.index_cast %mul3A_99 : i32 to index
      %swap3A_103 = tpu.vector_load %arg11[%swap3A_101, %swap3A_102] {strides = array<i32>} : memref<4x10240xf32, #tpu.memory_space<vmem>>, vector<16xf32>,
      tpu.vector_store %arg11[%swap3A_101, %swap3A_102], %broadcast_in_dim3A_36 {strides = array<i32>} : memref<4x10240xf32, #tpu.memory_space<vmem>>, vector<16xf32>,
      %mul3A_104 = arith.constant 16 : i32
      %mul3A_105 = arith.muli %scan3A_85, %mul3A_104 : i32
      %swap3A_106 = arith.constant 3 : i32
      %swap3A_107 = arith.index_cast %swap3A_106 : i32 to index
      %swap3A_108 = arith.index_cast %mul3A_105 : i32 to index
      %swap3A_109 = tpu.vector_load %arg11[%swap3A_107, %swap3A_108] {strides = array<i32>} : memref<4x10240xf32, #tpu.memory_space<vmem>>, vector<16xf32>,
      tpu.vector_store %arg11[%swap3A_107, %swap3A_108], %broadcast_in_dim3A_36 {strides = array<i32>} : memref<4x10240xf32, #tpu.memory_space<vmem>>, vector<16xf32>,
      %scan3A_110 = arith.constant 0 : i32
      %scan3A_111 = arith.constant 2 : i32
      %scan3A_112 = arith.addi %scan3A_58, %scan3A_111 : i32
      %mul3A_113 = arith.constant 16 : i32
      %mul3A_114 = arith.muli %scan3A_112, %mul3A_113 : i32
      %swap3A_115 = arith.constant 0 : i32
      %swap3A_116 = arith.index_cast %swap3A_115 : i32 to index
      %swap3A_117 = arith.index_cast %mul3A_114 : i32 to index
      %swap3A_118 = tpu.vector_load %arg11[%swap3A_116, %swap3A_117] {strides = array<i32>} : memref<4x10240xf32, #tpu.memory_space<vmem>>, vector<16xf32>,
      tpu.vector_store %arg11[%swap3A_116, %swap3A_117], %broadcast_in_dim3A_36 {strides = array<i32>} : memref<4x10240xf32, #tpu.memory_space<vmem>>, vector<16xf32>,
      %mul3A_119 = arith.constant 16 : i32
      %mul3A_120 = arith.muli %scan3A_112, %mul3A_119 : i32
      %swap3A_121 = arith.constant 1 : i32
      %swap3A_122 = arith.index_cast %swap3A_121 : i32 to index
      %swap3A_123 = arith.index_cast %mul3A_120 : i32 to index
      %swap3A_124 = tpu.vector_load %arg11[%swap3A_122, %swap3A_123] {strides = array<i32>} : memref<4x10240xf32, #tpu.memory_space<vmem>>, vector<16xf32>,
      tpu.vector_store %arg11[%swap3A_122, %swap3A_123], %broadcast_in_dim3A_36 {strides = array<i32>} : memref<4x10240xf32, #tpu.memory_space<vmem>>, vector<16xf32>,
      %mul3A_125 = arith.constant 16 : i32
      %mul3A_126 = arith.muli %scan3A_112, %mul3A_125 : i32
      %swap3A_127 = arith.constant 2 : i32
      %swap3A_128 = arith.index_cast %swap3A_127 : i32 to index
      %swap3A_129 = arith.index_cast %mul3A_126 : i32 to index
      %swap3A_130 = tpu.vector_load %arg11[%swap3A_128, %swap3A_129] {strides = array<i32>} : memref<4x10240xf32, #tpu.memory_space<vmem>>, vector<16xf32>,
      tpu.vector_store %arg11[%swap3A_128, %swap3A_129], %broadcast_in_dim3A_36 {strides = array<i32>} : memref<4x10240xf32, #tpu.memory_space<vmem>>, vector<16xf32>,
      %mul3A_131 = arith.constant 16 : i32
      %mul3A_132 = arith.muli %scan3A_112, %mul3A_131 : i32
      %swap3A_133 = arith.constant 3 : i32
      %swap3A_134 = arith.index_cast %swap3A_133 : i32 to index
      %swap3A_135 = arith.index_cast %mul3A_132 : i32 to index
      %swap3A_136 = tpu.vector_load %arg11[%swap3A_134, %swap3A_135] {strides = array<i32>} : memref<4x10240xf32, #tpu.memory_space<vmem>>, vector<16xf32>,
      tpu.vector_store %arg11[%swap3A_134, %swap3A_135], %broadcast_in_dim3A_36 {strides = array<i32>} : memref<4x10240xf32, #tpu.memory_space<vmem>>, vector<16xf32>,
      %scan3A_137 = arith.constant 0 : i32
      %scan3A_138 = arith.constant 3 : i32
      %scan3A_139 = arith.addi %scan3A_58, %scan3A_138 : i32
      %mul3A_140 = arith.constant 16 : i32
      %mul3A_141 = arith.muli %scan3A_139, %mul3A_140 : i32
      %swap3A_142 = arith.constant 0 : i32
      %swap3A_143 = arith.index_cast %swap3A_142 : i32 to index
      %swap3A_144 = arith.index_cast %mul3A_141 : i32 to index
      %swap3A_145 = tpu.vector_load %arg11[%swap3A_143, %swap3A_144] {strides = array<i32>} : memref<4x10240xf32, #tpu.memory_space<vmem>>, vector<16xf32>,
      tpu.vector_store %arg11[%swap3A_143, %swap3A_144], %broadcast_in_dim3A_36 {strides = array<i32>} : memref<4x10240xf32, #tpu.memory_space<vmem>>, vector<16xf32>,
      %mul3A_146 = arith.constant 16 : i32
      %mul3A_147 = arith.muli %scan3A_139, %mul3A_146 : i32
      %swap3A_148 = arith.constant 1 : i32
      %swap3A_149 = arith.index_cast %swap3A_148 : i32 to index
      %swap3A_150 = arith.index_cast %mul3A_147 : i32 to index
      %swap3A_151 = tpu.vector_load %arg11[%swap3A_149, %swap3A_150] {strides = array<i32>} : memref<4x10240xf32, #tpu.memory_space<vmem>>, vector<16xf32>,
      tpu.vector_store %arg11[%swap3A_149, %swap3A_150], %broadcast_in_dim3A_36 {strides = array<i32>} : memref<4x10240xf32, #tpu.memory_space<vmem>>, vector<16xf32>,
      %mul3A_152 = arith.constant 16 : i32
      %mul3A_153 = arith.muli %scan3A_139, %mul3A_152 : i32
      %swap3A_154 = arith.constant 2 : i32
      %swap3A_155 = arith.index_cast %swap3A_154 : i32 to index
      %swap3A_156 = arith.index_cast %mul3A_153 : i32 to index
      %swap3A_157 = tpu.vector_load %arg11[%swap3A_155, %swap3A_156] {strides = array<i32>} : memref<4x10240xf32, #tpu.memory_space<vmem>>, vector<16xf32>,
      tpu.vector_store %arg11[%swap3A_155, %swap3A_156], %broadcast_in_dim3A_36 {strides = array<i32>} : memref<4x10240xf32, #tpu.memory_space<vmem>>, vector<16xf32>,
      %mul3A_158 = arith.constant 16 : i32
      %mul3A_159 = arith.muli %scan3A_139, %mul3A_158 : i32
      %swap3A_160 = arith.constant 3 : i32
      %swap3A_161 = arith.index_cast %swap3A_160 : i32 to index
      %swap3A_162 = arith.index_cast %mul3A_159 : i32 to index
      %swap3A_163 = tpu.vector_load %arg11[%swap3A_161, %swap3A_162] {strides = array<i32>} : memref<4x10240xf32, #tpu.memory_space<vmem>>, vector<16xf32>,
      tpu.vector_store %arg11[%swap3A_161, %swap3A_162], %broadcast_in_dim3A_36 {strides = array<i32>} : memref<4x10240xf32, #tpu.memory_space<vmem>>, vector<16xf32>,
      %scan3A_164 = arith.constant 0 : i32
      %scan3A_165 = arith.constant 4 : i32
      %scan3A_166 = arith.addi %scan3A_58, %scan3A_165 : i32
      %mul3A_167 = arith.constant 16 : i32
      %mul3A_168 = arith.muli %scan3A_166, %mul3A_167 : i32
      %swap3A_169 = arith.constant 0 : i32
      %swap3A_170 = arith.index_cast %swap3A_169 : i32 to index
      %swap3A_171 = arith.index_cast %mul3A_168 : i32 to index
      %swap3A_172 = tpu.vector_load %arg11[%swap3A_170, %swap3A_171] {strides = array<i32>} : memref<4x10240xf32, #tpu.memory_space<vmem>>, vector<16xf32>,
      tpu.vector_store %arg11[%swap3A_170, %swap3A_171], %broadcast_in_dim3A_36 {strides = array<i32>} : memref<4x10240xf32, #tpu.memory_space<vmem>>, vector<16xf32>,
      %mul3A_173 = arith.constant 16 : i32
      %mul3A_174 = arith.muli %scan3A_166, %mul3A_173 : i32
      %swap3A_175 = arith.constant 1 : i32
      %swap3A_176 = arith.index_cast %swap3A_175 : i32 to index
      %swap3A_177 = arith.index_cast %mul3A_174 : i32 to index
      %swap3A_178 = tpu.vector_load %arg11[%swap3A_176, %swap3A_177] {strides = array<i32>} : memref<4x10240xf32, #tpu.memory_space<vmem>>, vector<16xf32>,
      tpu.vector_store %arg11[%swap3A_176, %swap3A_177], %broadcast_in_dim3A_36 {strides = array<i32>} : memref<4x10240xf32, #tpu.memory_space<vmem>>, vector<16xf32>,
      %mul3A_179 = arith.constant 16 : i32
      %mul3A_180 = arith.muli %scan3A_166, %mul3A_179 : i32
      %swap3A_181 = arith.constant 2 : i32
      %swap3A_182 = arith.index_cast %swap3A_181 : i32 to index
      %swap3A_183 = arith.index_cast %mul3A_180 : i32 to index
      %swap3A_184 = tpu.vector_load %arg11[%swap3A_182, %swap3A_183] {strides = array<i32>} : memref<4x10240xf32, #tpu.memory_space<vmem>>, vector<16xf32>,
      tpu.vector_store %arg11[%swap3A_182, %swap3A_183], %broadcast_in_dim3A_36 {strides = array<i32>} : memref<4x10240xf32, #tpu.memory_space<vmem>>, vector<16xf32>,
      %mul3A_185 = arith.constant 16 : i32
      %mul3A_186 = arith.muli %scan3A_166, %mul3A_185 : i32
      %swap3A_187 = arith.constant 3 : i32
      %swap3A_188 = arith.index_cast %swap3A_187 : i32 to index
      %swap3A_189 = arith.index_cast %mul3A_186 : i32 to index
      %swap3A_190 = tpu.vector_load %arg11[%swap3A_188, %swap3A_189] {strides = array<i32>} : memref<4x10240xf32, #tpu.memory_space<vmem>>, vector<16xf32>,
      tpu.vector_store %arg11[%swap3A_188, %swap3A_189], %broadcast_in_dim3A_36 {strides = array<i32>} : memref<4x10240xf32, #tpu.memory_space<vmem>>, vector<16xf32>,
      %scan3A_191 = arith.constant 0 : i32
      %scan3A_192 = arith.constant 5 : i32
      %scan3A_193 = arith.addi %scan3A_58, %scan3A_192 : i32
      %mul3A_194 = arith.constant 16 : i32
      %mul3A_195 = arith.muli %scan3A_193, %mul3A_194 : i32
      %swap3A_196 = arith.constant 0 : i32
      %swap3A_197 = arith.index_cast %swap3A_196 : i32 to index
      %swap3A_198 = arith.index_cast %mul3A_195 : i32 to index
      %swap3A_199 = tpu.vector_load %arg11[%swap3A_197, %swap3A_198] {strides = array<i32>} : memref<4x10240xf32, #tpu.memory_space<vmem>>, vector<16xf32>,
      tpu.vector_store %arg11[%swap3A_197, %swap3A_198], %broadcast_in_dim3A_36 {strides = array<i32>} : memref<4x10240xf32, #tpu.memory_space<vmem>>, vector<16xf32>,
      %mul3A_200 = arith.constant 16 : i32
      %mul3A_201 = arith.muli %scan3A_193, %mul3A_200 : i32
      %swap3A_202 = arith.constant 1 : i32
      %swap3A_203 = arith.index_cast %swap3A_202 : i32 to index
      %swap3A_204 = arith.index_cast %mul3A_201 : i32 to index
      %swap3A_205 = tpu.vector_load %arg11[%swap3A_203, %swap3A_204] {strides = array<i32>} : memref<4x10240xf32, #tpu.memory_space<vmem>>, vector<16xf32>,
      tpu.vector_store %arg11[%swap3A_203, %swap3A_204], %broadcast_in_dim3A_36 {strides = array<i32>} : memref<4x10240xf32, #tpu.memory_space<vmem>>, vector<16xf32>,
      %mul3A_206 = arith.constant 16 : i32
      %mul3A_207 = arith.muli %scan3A_193, %mul3A_206 : i32
      %swap3A_208 = arith.constant 2 : i32
      %swap3A_209 = arith.index_cast %swap3A_208 : i32 to index
      %swap3A_210 = arith.index_cast %mul3A_207 : i32 to index
      %swap3A_211 = tpu.vector_load %arg11[%swap3A_209, %swap3A_210] {strides = array<i32>} : memref<4x10240xf32, #tpu.memory_space<vmem>>, vector<16xf32>,
      tpu.vector_store %arg11[%swap3A_209, %swap3A_210], %broadcast_in_dim3A_36 {strides = array<i32>} : memref<4x10240xf32, #tpu.memory_space<vmem>>, vector<16xf32>,
      %mul3A_212 = arith.constant 16 : i32
      %mul3A_213 = arith.muli %scan3A_193, %mul3A_212 : i32
      %swap3A_214 = arith.constant 3 : i32
      %swap3A_215 = arith.index_cast %swap3A_214 : i32 to index
      %swap3A_216 = arith.index_cast %mul3A_213 : i32 to index
      %swap3A_217 = tpu.vector_load %arg11[%swap3A_215, %swap3A_216] {strides = array<i32>} : memref<4x10240xf32, #tpu.memory_space<vmem>>, vector<16xf32>,
      tpu.vector_store %arg11[%swap3A_215, %swap3A_216], %broadcast_in_dim3A_36 {strides = array<i32>} : memref<4x10240xf32, #tpu.memory_space<vmem>>, vector<16xf32>,
      %scan3A_218 = arith.constant 0 : i32
      %scan3A_219 = arith.constant 6 : i32
      %scan3A_220 = arith.addi %scan3A_58, %scan3A_219 : i32
      %mul3A_221 = arith.constant 16 : i32
      %mul3A_222 = arith.muli %scan3A_220, %mul3A_221 : i32
      %swap3A_223 = arith.constant 0 : i32
      %swap3A_224 = arith.index_cast %swap3A_223 : i32 to index
      %swap3A_225 = arith.index_cast %mul3A_222 : i32 to index
      %swap3A_226 = tpu.vector_load %arg11[%swap3A_224, %swap3A_225] {strides = array<i32>} : memref<4x10240xf32, #tpu.memory_space<vmem>>, vector<16xf32>,
      tpu.vector_store %arg11[%swap3A_224, %swap3A_225], %broadcast_in_dim3A_36 {strides = array<i32>} : memref<4x10240xf32, #tpu.memory_space<vmem>>, vector<16xf32>,
      %mul3A_227 = arith.constant 16 : i32
      %mul3A_228 = arith.muli %scan3A_220, %mul3A_227 : i32
      %swap3A_229 = arith.constant 1 : i32
      %swap3A_230 = arith.index_cast %swap3A_229 : i32 to index
      %swap3A_231 = arith.index_cast %mul3A_228 : i32 to index
      %swap3A_232 = tpu.vector_load %arg11[%swap3A_230, %swap3A_231] {strides = array<i32>} : memref<4x10240xf32, #tpu.memory_space<vmem>>, vector<16xf32>,
      tpu.vector_store %arg11[%swap3A_230, %swap3A_231], %broadcast_in_dim3A_36 {strides = array<i32>} : memref<4x10240xf32, #tpu.memory_space<vmem>>, vector<16xf32>,
      %mul3A_233 = arith.constant 16 : i32
      %mul3A_234 = arith.muli %scan3A_220, %mul3A_233 : i32
      %swap3A_235 = arith.constant 2 : i32
      %swap3A_236 = arith.index_cast %swap3A_235 : i32 to index
      %swap3A_237 = arith.index_cast %mul3A_234 : i32 to index
      %swap3A_238 = tpu.vector_load %arg11[%swap3A_236, %swap3A_237] {strides = array<i32>} : memref<4x10240xf32, #tpu.memory_space<vmem>>, vector<16xf32>,
      tpu.vector_store %arg11[%swap3A_236, %swap3A_237], %broadcast_in_dim3A_36 {strides = array<i32>} : memref<4x10240xf32, #tpu.memory_space<vmem>>, vector<16xf32>,
      %mul3A_239 = arith.constant 16 : i32
      %mul3A_240 = arith.muli %scan3A_220, %mul3A_239 : i32
      %swap3A_241 = arith.constant 3 : i32
      %swap3A_242 = arith.index_cast %swap3A_241 : i32 to index
      %swap3A_243 = arith.index_cast %mul3A_240 : i32 to index
      %swap3A_244 = tpu.vector_load %arg11[%swap3A_242, %swap3A_243] {strides = array<i32>} : memref<4x10240xf32, #tpu.memory_space<vmem>>, vector<16xf32>,
      tpu.vector_store %arg11[%swap3A_242, %swap3A_243], %broadcast_in_dim3A_36 {strides = array<i32>} : memref<4x10240xf32, #tpu.memory_space<vmem>>, vector<16xf32>,
      %scan3A_245 = arith.constant 0 : i32
      %scan3A_246 = arith.constant 7 : i32
      %scan3A_247 = arith.addi %scan3A_58, %scan3A_246 : i32
      %mul3A_248 = arith.constant 16 : i32
      %mul3A_249 = arith.muli %scan3A_247, %mul3A_248 : i32
      %swap3A_250 = arith.constant 0 : i32
      %swap3A_251 = arith.index_cast %swap3A_250 : i32 to index
      %swap3A_252 = arith.index_cast %mul3A_249 : i32 to index
      %swap3A_253 = tpu.vector_load %arg11[%swap3A_251, %swap3A_252] {strides = array<i32>} : memref<4x10240xf32, #tpu.memory_space<vmem>>, vector<16xf32>,
      tpu.vector_store %arg11[%swap3A_251, %swap3A_252], %broadcast_in_dim3A_36 {strides = array<i32>} : memref<4x10240xf32, #tpu.memory_space<vmem>>, vector<16xf32>,
      %mul3A_254 = arith.constant 16 : i32
      %mul3A_255 = arith.muli %scan3A_247, %mul3A_254 : i32
      %swap3A_256 = arith.constant 1 : i32
      %swap3A_257 = arith.index_cast %swap3A_256 : i32 to index
      %swap3A_258 = arith.index_cast %mul3A_255 : i32 to index
      %swap3A_259 = tpu.vector_load %arg11[%swap3A_257, %swap3A_258] {strides = array<i32>} : memref<4x10240xf32, #tpu.memory_space<vmem>>, vector<16xf32>,
      tpu.vector_store %arg11[%swap3A_257, %swap3A_258], %broadcast_in_dim3A_36 {strides = array<i32>} : memref<4x10240xf32, #tpu.memory_space<vmem>>, vector<16xf32>,
      %mul3A_260 = arith.constant 16 : i32
      %mul3A_261 = arith.muli %scan3A_247, %mul3A_260 : i32
      %swap3A_262 = arith.constant 2 : i32
      %swap3A_263 = arith.index_cast %swap3A_262 : i32 to index
      %swap3A_264 = arith.index_cast %mul3A_261 : i32 to index
      %swap3A_265 = tpu.vector_load %arg11[%swap3A_263, %swap3A_264] {strides = array<i32>} : memref<4x10240xf32, #tpu.memory_space<vmem>>, vector<16xf32>,
      tpu.vector_store %arg11[%swap3A_263, %swap3A_264], %broadcast_in_dim3A_36 {strides = array<i32>} : memref<4x10240xf32, #tpu.memory_space<vmem>>, vector<16xf32>,
      %mul3A_266 = arith.constant 16 : i32
      %mul3A_267 = arith.muli %scan3A_247, %mul3A_266 : i32
      %swap3A_268 = arith.constant 3 : i32
      %swap3A_269 = arith.index_cast %swap3A_268 : i32 to index
      %swap3A_270 = arith.index_cast %mul3A_267 : i32 to index
      %swap3A_271 = tpu.vector_load %arg11[%swap3A_269, %swap3A_270] {strides = array<i32>} : memref<4x10240xf32, #tpu.memory_space<vmem>>, vector<16xf32>,
      tpu.vector_store %arg11[%swap3A_269, %swap3A_270], %broadcast_in_dim3A_36 {strides = array<i32>} : memref<4x10240xf32, #tpu.memory_space<vmem>>, vector<16xf32>,
      %scan3A_272 = arith.constant 0 : i32
      scf.yield %scan3A_272 : i32
    }
    %scan3A_42 = arith.constant 640 : i32
    %broadcast_in_dim3A_43 = arith.constant 0 : i32
    %broadcast_in_dim3A_44 = vector.broadcast %broadcast_in_dim3A_43 : i32 to vector<16xi32>
    %broadcast_in_dim3A_45 = arith.constant 1 : i32
    %broadcast_in_dim3A_46 = vector.broadcast %broadcast_in_dim3A_45 : i32 to vector<16xi32>
    %broadcast_in_dim3A_47 = arith.constant 2 : i32
    %broadcast_in_dim3A_48 = vector.broadcast %broadcast_in_dim3A_47 : i32 to vector<16xi32>
    %broadcast_in_dim3A_49 = arith.constant 3 : i32
    %broadcast_in_dim3A_50 = vector.broadcast %broadcast_in_dim3A_49 : i32 to vector<16xi32>
    %scan3A_51 = arith.constant 0 : i32
    %scan3A_52 = arith.constant 0 : i32
    %scan3A_53 = arith.constant 20 : i32
    %scan3A_54 = arith.addi %scan3A_52, %scan3A_53 : i32
    %scan3A_55 = arith.constant 1 : i32
    %scan3A_56 = scf.for %scan3A_58 = %scan3A_52 to %scan3A_54 step %scan3A_55 iter_args(%scan3A_59 = %scan3A_51) -> (i32)  : i32 {
      %mul3A_60 = arith.constant 16 : i32
      %mul3A_61 = arith.muli %scan3A_58, %mul3A_60 : i32
      "tpu.region"() ({
        %run_scoped3A = tpu.sem_alloc : memref<!tpu.dma_semaphore, #tpu.memory_space<semaphore_mem>>
        %dma_start3A = arith.constant 0 : i32
        %dma_start3A_74 = tpu.memref_slice %arg2[%add3A_19, %mul3A_61, %dma_start3A] : memref<8x320x128xi32, #tpu.memory_space<hbm>> -> memref<1x16x128xi32, #tpu.memory_space<hbm>>
        %dma_start3A_75 = tpu.memref_squeeze %dma_start3A_74 : memref<1x16x128xi32, #tpu.memory_space<hbm>> -> memref<16x128xi32, #tpu.memory_space<hbm>>
        %dma_start3A_76 = arith.constant 0 : i32
        %dma_start3A_77 = tpu.memref_slice %arg2[%add3A_19, %mul3A_61, %dma_start3A_76] : memref<8x320x128xi32, #tpu.memory_space<hbm>> -> memref<1x16x128xi32, #tpu.memory_space<hbm>>
        %dma_start3A_78 = tpu.memref_squeeze %dma_start3A_77 : memref<1x16x128xi32, #tpu.memory_space<hbm>> -> memref<16x128xi32, #tpu.memory_space<hbm>>
        tpu.enqueue_dma source(%dma_start3A_78 : memref<16x128xi32, #tpu.memory_space<hbm>>) target(%arg7 : memref<16x128xi32, #tpu.memory_space<vmem>>) target_semaphore(%run_scoped3A : memref<!tpu.dma_semaphore, #tpu.memory_space<semaphore_mem>>)
        %dma_wait3A = arith.constant 0 : i32
        %dma_wait3A_79 = tpu.memref_slice %arg2[%add3A_19, %mul3A_61, %dma_wait3A] : memref<8x320x128xi32, #tpu.memory_space<hbm>> -> memref<1x16x128xi32, #tpu.memory_space<hbm>>
        %dma_wait3A_80 = tpu.memref_squeeze %dma_wait3A_79 : memref<1x16x128xi32, #tpu.memory_space<hbm>> -> memref<16x128xi32, #tpu.memory_space<hbm>>
        %dma_wait3A_81 = arith.constant 0 : i32
        %dma_wait3A_82 = tpu.memref_slice %arg2[%add3A_19, %mul3A_61, %dma_wait3A_81] : memref<8x320x128xi32, #tpu.memory_space<hbm>> -> memref<1x16x128xi32, #tpu.memory_space<hbm>>
        %dma_wait3A_83 = tpu.memref_squeeze %dma_wait3A_82 : memref<1x16x128xi32, #tpu.memory_space<hbm>> -> memref<16x128xi32, #tpu.memory_space<hbm>>
        tpu.wait_dma2 semaphore(%run_scoped3A : memref<!tpu.dma_semaphore, #tpu.memory_space<semaphore_mem>>) src(%dma_wait3A_83 : memref<16x128xi32, #tpu.memory_space<hbm>>) dst(%arg7 : memref<16x128xi32, #tpu.memory_space<vmem>>)
        tpu.yield
      }) : () -> ()
      %mul3A_62 = arith.constant 16 : i32
      %mul3A_63 = arith.muli %scan3A_58, %mul3A_62 : i32
      "tpu.region"() ({
        %run_scoped3A = tpu.sem_alloc : memref<!tpu.dma_semaphore, #tpu.memory_space<semaphore_mem>>
        %dma_start3A = arith.constant 0 : i32
        %dma_start3A_74 = tpu.memref_slice %arg3[%add3A_19, %mul3A_63, %dma_start3A] : memref<8x320x128xi32, #tpu.memory_space<hbm>> -> memref<1x16x128xi32, #tpu.memory_space<hbm>>
        %dma_start3A_75 = tpu.memref_squeeze %dma_start3A_74 : memref<1x16x128xi32, #tpu.memory_space<hbm>> -> memref<16x128xi32, #tpu.memory_space<hbm>>
        %dma_start3A_76 = arith.constant 0 : i32
        %dma_start3A_77 = tpu.memref_slice %arg3[%add3A_19, %mul3A_63, %dma_start3A_76] : memref<8x320x128xi32, #tpu.memory_space<hbm>> -> memref<1x16x128xi32, #tpu.memory_space<hbm>>
        %dma_start3A_78 = tpu.memref_squeeze %dma_start3A_77 : memref<1x16x128xi32, #tpu.memory_space<hbm>> -> memref<16x128xi32, #tpu.memory_space<hbm>>
        tpu.enqueue_dma source(%dma_start3A_78 : memref<16x128xi32, #tpu.memory_space<hbm>>) target(%arg8 : memref<16x128xi32, #tpu.memory_space<vmem>>) target_semaphore(%run_scoped3A : memref<!tpu.dma_semaphore, #tpu.memory_space<semaphore_mem>>)
        %dma_wait3A = arith.constant 0 : i32
        %dma_wait3A_79 = tpu.memref_slice %arg3[%add3A_19, %mul3A_63, %dma_wait3A] : memref<8x320x128xi32, #tpu.memory_space<hbm>> -> memref<1x16x128xi32, #tpu.memory_space<hbm>>
        %dma_wait3A_80 = tpu.memref_squeeze %dma_wait3A_79 : memref<1x16x128xi32, #tpu.memory_space<hbm>> -> memref<16x128xi32, #tpu.memory_space<hbm>>
        %dma_wait3A_81 = arith.constant 0 : i32
        %dma_wait3A_82 = tpu.memref_slice %arg3[%add3A_19, %mul3A_63, %dma_wait3A_81] : memref<8x320x128xi32, #tpu.memory_space<hbm>> -> memref<1x16x128xi32, #tpu.memory_space<hbm>>
        %dma_wait3A_83 = tpu.memref_squeeze %dma_wait3A_82 : memref<1x16x128xi32, #tpu.memory_space<hbm>> -> memref<16x128xi32, #tpu.memory_space<hbm>>
        tpu.wait_dma2 semaphore(%run_scoped3A : memref<!tpu.dma_semaphore, #tpu.memory_space<semaphore_mem>>) src(%dma_wait3A_83 : memref<16x128xi32, #tpu.memory_space<hbm>>) dst(%arg8 : memref<16x128xi32, #tpu.memory_space<vmem>>)
        tpu.yield
      }) : () -> ()
      %mul3A_64 = arith.constant 16 : i32
      %mul3A_65 = arith.muli %scan3A_58, %mul3A_64 : i32
      "tpu.region"() ({
        %run_scoped3A = tpu.sem_alloc : memref<!tpu.dma_semaphore, #tpu.memory_space<semaphore_mem>>
        %dma_start3A = arith.constant 0 : i32
        %dma_start3A_74 = tpu.memref_slice %arg4[%add3A_19, %mul3A_65, %dma_start3A] : memref<8x320x128xf32, #tpu.memory_space<hbm>> -> memref<1x16x128xf32, #tpu.memory_space<hbm>>
        %dma_start3A_75 = tpu.memref_squeeze %dma_start3A_74 : memref<1x16x128xf32, #tpu.memory_space<hbm>> -> memref<16x128xf32, #tpu.memory_space<hbm>>
        %dma_start3A_76 = arith.constant 0 : i32
        %dma_start3A_77 = tpu.memref_slice %arg4[%add3A_19, %mul3A_65, %dma_start3A_76] : memref<8x320x128xf32, #tpu.memory_space<hbm>> -> memref<1x16x128xf32, #tpu.memory_space<hbm>>
        %dma_start3A_78 = tpu.memref_squeeze %dma_start3A_77 : memref<1x16x128xf32, #tpu.memory_space<hbm>> -> memref<16x128xf32, #tpu.memory_space<hbm>>
        tpu.enqueue_dma source(%dma_start3A_78 : memref<16x128xf32, #tpu.memory_space<hbm>>) target(%arg9 : memref<16x128xf32, #tpu.memory_space<vmem>>) target_semaphore(%run_scoped3A : memref<!tpu.dma_semaphore, #tpu.memory_space<semaphore_mem>>)
        %dma_wait3A = arith.constant 0 : i32
        %dma_wait3A_79 = tpu.memref_slice %arg4[%add3A_19, %mul3A_65, %dma_wait3A] : memref<8x320x128xf32, #tpu.memory_space<hbm>> -> memref<1x16x128xf32, #tpu.memory_space<hbm>>
        %dma_wait3A_80 = tpu.memref_squeeze %dma_wait3A_79 : memref<1x16x128xf32, #tpu.memory_space<hbm>> -> memref<16x128xf32, #tpu.memory_space<hbm>>
        %dma_wait3A_81 = arith.constant 0 : i32
        %dma_wait3A_82 = tpu.memref_slice %arg4[%add3A_19, %mul3A_65, %dma_wait3A_81] : memref<8x320x128xf32, #tpu.memory_space<hbm>> -> memref<1x16x128xf32, #tpu.memory_space<hbm>>
        %dma_wait3A_83 = tpu.memref_squeeze %dma_wait3A_82 : memref<1x16x128xf32, #tpu.memory_space<hbm>> -> memref<16x128xf32, #tpu.memory_space<hbm>>
        tpu.wait_dma2 semaphore(%run_scoped3A : memref<!tpu.dma_semaphore, #tpu.memory_space<semaphore_mem>>) src(%dma_wait3A_83 : memref<16x128xf32, #tpu.memory_space<hbm>>) dst(%arg9 : memref<16x128xf32, #tpu.memory_space<vmem>>)
        tpu.yield
      }) : () -> ()
      %scan3A_66 = arith.constant 0 : i32
      %scan3A_67 = arith.constant 0 : i32
      %scan3A_68 = arith.constant 16 : i32
      %scan3A_69 = arith.addi %scan3A_67, %scan3A_68 : i32
      %scan3A_70 = arith.constant 1 : i32
      %scan3A_71 = scf.for %scan3A_74 = %scan3A_67 to %scan3A_69 step %scan3A_70 iter_args(%scan3A_75 = %scan3A_66) -> (i32)  : i32 {
        %get3A = arith.index_cast %scan3A_74 : i32 to index
        %get3A_76 = arith.constant 0 : index
        %get3A_77 = tpu.vector_load %arg7[%get3A, %get3A_76] {strides = array<i32>} : memref<16x128xi32, #tpu.memory_space<vmem>>, vector<16xi32>,
        %get3A_78 = arith.index_cast %scan3A_74 : i32 to index
        %get3A_79 = arith.constant 0 : index
        %get3A_80 = tpu.vector_load %arg8[%get3A_78, %get3A_79] {strides = array<i32>} : memref<16x128xi32, #tpu.memory_space<vmem>>, vector<16xi32>,
        %get3A_81 = arith.index_cast %scan3A_74 : i32 to index
        %get3A_82 = arith.constant 0 : index
        %get3A_83 = tpu.vector_load %arg9[%get3A_81, %get3A_82] {strides = array<i32>} : memref<16x128xf32, #tpu.memory_space<vmem>>, vector<16xf32>,
        %gather3A = tpu.vector_load_idx %arg10[%broadcast_in_dim3A_44, %get3A_77] : memref<4x10240xf32, #tpu.memory_space<vmem>>[vector<16xi32>, vector<16xi32>], vector<16xf32>,
        %mul3A_84 = arith.mulf %gather3A, %get3A_83 : vector<16xf32>
        tpu.vector_store_idx %arg11[%broadcast_in_dim3A_44, %get3A_80], %mul3A_84 {add = true} : memref<4x10240xf32, #tpu.memory_space<vmem>>[vector<16xi32>, vector<16xi32>], vector<16xf32>,
        %gather3A_85 = tpu.vector_load_idx %arg10[%broadcast_in_dim3A_46, %get3A_77] : memref<4x10240xf32, #tpu.memory_space<vmem>>[vector<16xi32>, vector<16xi32>], vector<16xf32>,
        %mul3A_86 = arith.mulf %gather3A_85, %get3A_83 : vector<16xf32>
        tpu.vector_store_idx %arg11[%broadcast_in_dim3A_46, %get3A_80], %mul3A_86 {add = true} : memref<4x10240xf32, #tpu.memory_space<vmem>>[vector<16xi32>, vector<16xi32>], vector<16xf32>,
        %gather3A_87 = tpu.vector_load_idx %arg10[%broadcast_in_dim3A_48, %get3A_77] : memref<4x10240xf32, #tpu.memory_space<vmem>>[vector<16xi32>, vector<16xi32>], vector<16xf32>,
        %mul3A_88 = arith.mulf %gather3A_87, %get3A_83 : vector<16xf32>
        tpu.vector_store_idx %arg11[%broadcast_in_dim3A_48, %get3A_80], %mul3A_88 {add = true} : memref<4x10240xf32, #tpu.memory_space<vmem>>[vector<16xi32>, vector<16xi32>], vector<16xf32>,
        %gather3A_89 = tpu.vector_load_idx %arg10[%broadcast_in_dim3A_50, %get3A_77] : memref<4x10240xf32, #tpu.memory_space<vmem>>[vector<16xi32>, vector<16xi32>], vector<16xf32>,
        %mul3A_90 = arith.mulf %gather3A_89, %get3A_83 : vector<16xf32>
        tpu.vector_store_idx %arg11[%broadcast_in_dim3A_50, %get3A_80], %mul3A_90 {add = true} : memref<4x10240xf32, #tpu.memory_space<vmem>>[vector<16xi32>, vector<16xi32>], vector<16xf32>,
        %get3A_91 = arith.index_cast %scan3A_74 : i32 to index
        %get3A_92 = arith.constant 16 : index
        %get3A_93 = tpu.vector_load %arg7[%get3A_91, %get3A_92] {strides = array<i32>} : memref<16x128xi32, #tpu.memory_space<vmem>>, vector<16xi32>,
        %get3A_94 = arith.index_cast %scan3A_74 : i32 to index
        %get3A_95 = arith.constant 16 : index
        %get3A_96 = tpu.vector_load %arg8[%get3A_94, %get3A_95] {strides = array<i32>} : memref<16x128xi32, #tpu.memory_space<vmem>>, vector<16xi32>,
        %get3A_97 = arith.index_cast %scan3A_74 : i32 to index
        %get3A_98 = arith.constant 16 : index
        %get3A_99 = tpu.vector_load %arg9[%get3A_97, %get3A_98] {strides = array<i32>} : memref<16x128xf32, #tpu.memory_space<vmem>>, vector<16xf32>,
        %gather3A_100 = tpu.vector_load_idx %arg10[%broadcast_in_dim3A_44, %get3A_93] : memref<4x10240xf32, #tpu.memory_space<vmem>>[vector<16xi32>, vector<16xi32>], vector<16xf32>,
        %mul3A_101 = arith.mulf %gather3A_100, %get3A_99 : vector<16xf32>
        tpu.vector_store_idx %arg11[%broadcast_in_dim3A_44, %get3A_96], %mul3A_101 {add = true} : memref<4x10240xf32, #tpu.memory_space<vmem>>[vector<16xi32>, vector<16xi32>], vector<16xf32>,
        %gather3A_102 = tpu.vector_load_idx %arg10[%broadcast_in_dim3A_46, %get3A_93] : memref<4x10240xf32, #tpu.memory_space<vmem>>[vector<16xi32>, vector<16xi32>], vector<16xf32>,
        %mul3A_103 = arith.mulf %gather3A_102, %get3A_99 : vector<16xf32>
        tpu.vector_store_idx %arg11[%broadcast_in_dim3A_46, %get3A_96], %mul3A_103 {add = true} : memref<4x10240xf32, #tpu.memory_space<vmem>>[vector<16xi32>, vector<16xi32>], vector<16xf32>,
        %gather3A_104 = tpu.vector_load_idx %arg10[%broadcast_in_dim3A_48, %get3A_93] : memref<4x10240xf32, #tpu.memory_space<vmem>>[vector<16xi32>, vector<16xi32>], vector<16xf32>,
        %mul3A_105 = arith.mulf %gather3A_104, %get3A_99 : vector<16xf32>
        tpu.vector_store_idx %arg11[%broadcast_in_dim3A_48, %get3A_96], %mul3A_105 {add = true} : memref<4x10240xf32, #tpu.memory_space<vmem>>[vector<16xi32>, vector<16xi32>], vector<16xf32>,
        %gather3A_106 = tpu.vector_load_idx %arg10[%broadcast_in_dim3A_50, %get3A_93] : memref<4x10240xf32, #tpu.memory_space<vmem>>[vector<16xi32>, vector<16xi32>], vector<16xf32>,
        %mul3A_107 = arith.mulf %gather3A_106, %get3A_99 : vector<16xf32>
        tpu.vector_store_idx %arg11[%broadcast_in_dim3A_50, %get3A_96], %mul3A_107 {add = true} : memref<4x10240xf32, #tpu.memory_space<vmem>>[vector<16xi32>, vector<16xi32>], vector<16xf32>,
        %get3A_108 = arith.index_cast %scan3A_74 : i32 to index
        %get3A_109 = arith.constant 32 : index
        %get3A_110 = tpu.vector_load %arg7[%get3A_108, %get3A_109] {strides = array<i32>} : memref<16x128xi32, #tpu.memory_space<vmem>>, vector<16xi32>,
        %get3A_111 = arith.index_cast %scan3A_74 : i32 to index
        %get3A_112 = arith.constant 32 : index
        %get3A_113 = tpu.vector_load %arg8[%get3A_111, %get3A_112] {strides = array<i32>} : memref<16x128xi32, #tpu.memory_space<vmem>>, vector<16xi32>,
        %get3A_114 = arith.index_cast %scan3A_74 : i32 to index
        %get3A_115 = arith.constant 32 : index
        %get3A_116 = tpu.vector_load %arg9[%get3A_114, %get3A_115] {strides = array<i32>} : memref<16x128xf32, #tpu.memory_space<vmem>>, vector<16xf32>,
        %gather3A_117 = tpu.vector_load_idx %arg10[%broadcast_in_dim3A_44, %get3A_110] : memref<4x10240xf32, #tpu.memory_space<vmem>>[vector<16xi32>, vector<16xi32>], vector<16xf32>,
        %mul3A_118 = arith.mulf %gather3A_117, %get3A_116 : vector<16xf32>
        tpu.vector_store_idx %arg11[%broadcast_in_dim3A_44, %get3A_113], %mul3A_118 {add = true} : memref<4x10240xf32, #tpu.memory_space<vmem>>[vector<16xi32>, vector<16xi32>], vector<16xf32>,
        %gather3A_119 = tpu.vector_load_idx %arg10[%broadcast_in_dim3A_46, %get3A_110] : memref<4x10240xf32, #tpu.memory_space<vmem>>[vector<16xi32>, vector<16xi32>], vector<16xf32>,
        %mul3A_120 = arith.mulf %gather3A_119, %get3A_116 : vector<16xf32>
        tpu.vector_store_idx %arg11[%broadcast_in_dim3A_46, %get3A_113], %mul3A_120 {add = true} : memref<4x10240xf32, #tpu.memory_space<vmem>>[vector<16xi32>, vector<16xi32>], vector<16xf32>,
        %gather3A_121 = tpu.vector_load_idx %arg10[%broadcast_in_dim3A_48, %get3A_110] : memref<4x10240xf32, #tpu.memory_space<vmem>>[vector<16xi32>, vector<16xi32>], vector<16xf32>,
        %mul3A_122 = arith.mulf %gather3A_121, %get3A_116 : vector<16xf32>
        tpu.vector_store_idx %arg11[%broadcast_in_dim3A_48, %get3A_113], %mul3A_122 {add = true} : memref<4x10240xf32, #tpu.memory_space<vmem>>[vector<16xi32>, vector<16xi32>], vector<16xf32>,
        %gather3A_123 = tpu.vector_load_idx %arg10[%broadcast_in_dim3A_50, %get3A_110] : memref<4x10240xf32, #tpu.memory_space<vmem>>[vector<16xi32>, vector<16xi32>], vector<16xf32>,
        %mul3A_124 = arith.mulf %gather3A_123, %get3A_116 : vector<16xf32>
        tpu.vector_store_idx %arg11[%broadcast_in_dim3A_50, %get3A_113], %mul3A_124 {add = true} : memref<4x10240xf32, #tpu.memory_space<vmem>>[vector<16xi32>, vector<16xi32>], vector<16xf32>,
        %get3A_125 = arith.index_cast %scan3A_74 : i32 to index
        %get3A_126 = arith.constant 48 : index
        %get3A_127 = tpu.vector_load %arg7[%get3A_125, %get3A_126] {strides = array<i32>} : memref<16x128xi32, #tpu.memory_space<vmem>>, vector<16xi32>,
        %get3A_128 = arith.index_cast %scan3A_74 : i32 to index
        %get3A_129 = arith.constant 48 : index
        %get3A_130 = tpu.vector_load %arg8[%get3A_128, %get3A_129] {strides = array<i32>} : memref<16x128xi32, #tpu.memory_space<vmem>>, vector<16xi32>,
        %get3A_131 = arith.index_cast %scan3A_74 : i32 to index
        %get3A_132 = arith.constant 48 : index
        %get3A_133 = tpu.vector_load %arg9[%get3A_131, %get3A_132] {strides = array<i32>} : memref<16x128xf32, #tpu.memory_space<vmem>>, vector<16xf32>,
        %gather3A_134 = tpu.vector_load_idx %arg10[%broadcast_in_dim3A_44, %get3A_127] : memref<4x10240xf32, #tpu.memory_space<vmem>>[vector<16xi32>, vector<16xi32>], vector<16xf32>,
        %mul3A_135 = arith.mulf %gather3A_134, %get3A_133 : vector<16xf32>
        tpu.vector_store_idx %arg11[%broadcast_in_dim3A_44, %get3A_130], %mul3A_135 {add = true} : memref<4x10240xf32, #tpu.memory_space<vmem>>[vector<16xi32>, vector<16xi32>], vector<16xf32>,
        %gather3A_136 = tpu.vector_load_idx %arg10[%broadcast_in_dim3A_46, %get3A_127] : memref<4x10240xf32, #tpu.memory_space<vmem>>[vector<16xi32>, vector<16xi32>], vector<16xf32>,
        %mul3A_137 = arith.mulf %gather3A_136, %get3A_133 : vector<16xf32>
        tpu.vector_store_idx %arg11[%broadcast_in_dim3A_46, %get3A_130], %mul3A_137 {add = true} : memref<4x10240xf32, #tpu.memory_space<vmem>>[vector<16xi32>, vector<16xi32>], vector<16xf32>,
        %gather3A_138 = tpu.vector_load_idx %arg10[%broadcast_in_dim3A_48, %get3A_127] : memref<4x10240xf32, #tpu.memory_space<vmem>>[vector<16xi32>, vector<16xi32>], vector<16xf32>,
        %mul3A_139 = arith.mulf %gather3A_138, %get3A_133 : vector<16xf32>
        tpu.vector_store_idx %arg11[%broadcast_in_dim3A_48, %get3A_130], %mul3A_139 {add = true} : memref<4x10240xf32, #tpu.memory_space<vmem>>[vector<16xi32>, vector<16xi32>], vector<16xf32>,
        %gather3A_140 = tpu.vector_load_idx %arg10[%broadcast_in_dim3A_50, %get3A_127] : memref<4x10240xf32, #tpu.memory_space<vmem>>[vector<16xi32>, vector<16xi32>], vector<16xf32>,
        %mul3A_141 = arith.mulf %gather3A_140, %get3A_133 : vector<16xf32>
        tpu.vector_store_idx %arg11[%broadcast_in_dim3A_50, %get3A_130], %mul3A_141 {add = true} : memref<4x10240xf32, #tpu.memory_space<vmem>>[vector<16xi32>, vector<16xi32>], vector<16xf32>,
        %get3A_142 = arith.index_cast %scan3A_74 : i32 to index
        %get3A_143 = arith.constant 64 : index
        %get3A_144 = tpu.vector_load %arg7[%get3A_142, %get3A_143] {strides = array<i32>} : memref<16x128xi32, #tpu.memory_space<vmem>>, vector<16xi32>,
        %get3A_145 = arith.index_cast %scan3A_74 : i32 to index
        %get3A_146 = arith.constant 64 : index
        %get3A_147 = tpu.vector_load %arg8[%get3A_145, %get3A_146] {strides = array<i32>} : memref<16x128xi32, #tpu.memory_space<vmem>>, vector<16xi32>,
        %get3A_148 = arith.index_cast %scan3A_74 : i32 to index
        %get3A_149 = arith.constant 64 : index
        %get3A_150 = tpu.vector_load %arg9[%get3A_148, %get3A_149] {strides = array<i32>} : memref<16x128xf32, #tpu.memory_space<vmem>>, vector<16xf32>,
        %gather3A_151 = tpu.vector_load_idx %arg10[%broadcast_in_dim3A_44, %get3A_144] : memref<4x10240xf32, #tpu.memory_space<vmem>>[vector<16xi32>, vector<16xi32>], vector<16xf32>,
        %mul3A_152 = arith.mulf %gather3A_151, %get3A_150 : vector<16xf32>
        tpu.vector_store_idx %arg11[%broadcast_in_dim3A_44, %get3A_147], %mul3A_152 {add = true} : memref<4x10240xf32, #tpu.memory_space<vmem>>[vector<16xi32>, vector<16xi32>], vector<16xf32>,
        %gather3A_153 = tpu.vector_load_idx %arg10[%broadcast_in_dim3A_46, %get3A_144] : memref<4x10240xf32, #tpu.memory_space<vmem>>[vector<16xi32>, vector<16xi32>], vector<16xf32>,
        %mul3A_154 = arith.mulf %gather3A_153, %get3A_150 : vector<16xf32>
        tpu.vector_store_idx %arg11[%broadcast_in_dim3A_46, %get3A_147], %mul3A_154 {add = true} : memref<4x10240xf32, #tpu.memory_space<vmem>>[vector<16xi32>, vector<16xi32>], vector<16xf32>,
        %gather3A_155 = tpu.vector_load_idx %arg10[%broadcast_in_dim3A_48, %get3A_144] : memref<4x10240xf32, #tpu.memory_space<vmem>>[vector<16xi32>, vector<16xi32>], vector<16xf32>,
        %mul3A_156 = arith.mulf %gather3A_155, %get3A_150 : vector<16xf32>
        tpu.vector_store_idx %arg11[%broadcast_in_dim3A_48, %get3A_147], %mul3A_156 {add = true} : memref<4x10240xf32, #tpu.memory_space<vmem>>[vector<16xi32>, vector<16xi32>], vector<16xf32>,
        %gather3A_157 = tpu.vector_load_idx %arg10[%broadcast_in_dim3A_50, %get3A_144] : memref<4x10240xf32, #tpu.memory_space<vmem>>[vector<16xi32>, vector<16xi32>], vector<16xf32>,
        %mul3A_158 = arith.mulf %gather3A_157, %get3A_150 : vector<16xf32>
        tpu.vector_store_idx %arg11[%broadcast_in_dim3A_50, %get3A_147], %mul3A_158 {add = true} : memref<4x10240xf32, #tpu.memory_space<vmem>>[vector<16xi32>, vector<16xi32>], vector<16xf32>,
        %get3A_159 = arith.index_cast %scan3A_74 : i32 to index
        %get3A_160 = arith.constant 80 : index
        %get3A_161 = tpu.vector_load %arg7[%get3A_159, %get3A_160] {strides = array<i32>} : memref<16x128xi32, #tpu.memory_space<vmem>>, vector<16xi32>,
        %get3A_162 = arith.index_cast %scan3A_74 : i32 to index
        %get3A_163 = arith.constant 80 : index
        %get3A_164 = tpu.vector_load %arg8[%get3A_162, %get3A_163] {strides = array<i32>} : memref<16x128xi32, #tpu.memory_space<vmem>>, vector<16xi32>,
        %get3A_165 = arith.index_cast %scan3A_74 : i32 to index
        %get3A_166 = arith.constant 80 : index
        %get3A_167 = tpu.vector_load %arg9[%get3A_165, %get3A_166] {strides = array<i32>} : memref<16x128xf32, #tpu.memory_space<vmem>>, vector<16xf32>,
        %gather3A_168 = tpu.vector_load_idx %arg10[%broadcast_in_dim3A_44, %get3A_161] : memref<4x10240xf32, #tpu.memory_space<vmem>>[vector<16xi32>, vector<16xi32>], vector<16xf32>,
        %mul3A_169 = arith.mulf %gather3A_168, %get3A_167 : vector<16xf32>
        tpu.vector_store_idx %arg11[%broadcast_in_dim3A_44, %get3A_164], %mul3A_169 {add = true} : memref<4x10240xf32, #tpu.memory_space<vmem>>[vector<16xi32>, vector<16xi32>], vector<16xf32>,
        %gather3A_170 = tpu.vector_load_idx %arg10[%broadcast_in_dim3A_46, %get3A_161] : memref<4x10240xf32, #tpu.memory_space<vmem>>[vector<16xi32>, vector<16xi32>], vector<16xf32>,
        %mul3A_171 = arith.mulf %gather3A_170, %get3A_167 : vector<16xf32>
        tpu.vector_store_idx %arg11[%broadcast_in_dim3A_46, %get3A_164], %mul3A_171 {add = true} : memref<4x10240xf32, #tpu.memory_space<vmem>>[vector<16xi32>, vector<16xi32>], vector<16xf32>,
        %gather3A_172 = tpu.vector_load_idx %arg10[%broadcast_in_dim3A_48, %get3A_161] : memref<4x10240xf32, #tpu.memory_space<vmem>>[vector<16xi32>, vector<16xi32>], vector<16xf32>,
        %mul3A_173 = arith.mulf %gather3A_172, %get3A_167 : vector<16xf32>
        tpu.vector_store_idx %arg11[%broadcast_in_dim3A_48, %get3A_164], %mul3A_173 {add = true} : memref<4x10240xf32, #tpu.memory_space<vmem>>[vector<16xi32>, vector<16xi32>], vector<16xf32>,
        %gather3A_174 = tpu.vector_load_idx %arg10[%broadcast_in_dim3A_50, %get3A_161] : memref<4x10240xf32, #tpu.memory_space<vmem>>[vector<16xi32>, vector<16xi32>], vector<16xf32>,
        %mul3A_175 = arith.mulf %gather3A_174, %get3A_167 : vector<16xf32>
        tpu.vector_store_idx %arg11[%broadcast_in_dim3A_50, %get3A_164], %mul3A_175 {add = true} : memref<4x10240xf32, #tpu.memory_space<vmem>>[vector<16xi32>, vector<16xi32>], vector<16xf32>,
        %get3A_176 = arith.index_cast %scan3A_74 : i32 to index
        %get3A_177 = arith.constant 96 : index
        %get3A_178 = tpu.vector_load %arg7[%get3A_176, %get3A_177] {strides = array<i32>} : memref<16x128xi32, #tpu.memory_space<vmem>>, vector<16xi32>,
        %get3A_179 = arith.index_cast %scan3A_74 : i32 to index
        %get3A_180 = arith.constant 96 : index
        %get3A_181 = tpu.vector_load %arg8[%get3A_179, %get3A_180] {strides = array<i32>} : memref<16x128xi32, #tpu.memory_space<vmem>>, vector<16xi32>,
        %get3A_182 = arith.index_cast %scan3A_74 : i32 to index
        %get3A_183 = arith.constant 96 : index
        %get3A_184 = tpu.vector_load %arg9[%get3A_182, %get3A_183] {strides = array<i32>} : memref<16x128xf32, #tpu.memory_space<vmem>>, vector<16xf32>,
        %gather3A_185 = tpu.vector_load_idx %arg10[%broadcast_in_dim3A_44, %get3A_178] : memref<4x10240xf32, #tpu.memory_space<vmem>>[vector<16xi32>, vector<16xi32>], vector<16xf32>,
        %mul3A_186 = arith.mulf %gather3A_185, %get3A_184 : vector<16xf32>
        tpu.vector_store_idx %arg11[%broadcast_in_dim3A_44, %get3A_181], %mul3A_186 {add = true} : memref<4x10240xf32, #tpu.memory_space<vmem>>[vector<16xi32>, vector<16xi32>], vector<16xf32>,
        %gather3A_187 = tpu.vector_load_idx %arg10[%broadcast_in_dim3A_46, %get3A_178] : memref<4x10240xf32, #tpu.memory_space<vmem>>[vector<16xi32>, vector<16xi32>], vector<16xf32>,
        %mul3A_188 = arith.mulf %gather3A_187, %get3A_184 : vector<16xf32>
        tpu.vector_store_idx %arg11[%broadcast_in_dim3A_46, %get3A_181], %mul3A_188 {add = true} : memref<4x10240xf32, #tpu.memory_space<vmem>>[vector<16xi32>, vector<16xi32>], vector<16xf32>,
        %gather3A_189 = tpu.vector_load_idx %arg10[%broadcast_in_dim3A_48, %get3A_178] : memref<4x10240xf32, #tpu.memory_space<vmem>>[vector<16xi32>, vector<16xi32>], vector<16xf32>,
        %mul3A_190 = arith.mulf %gather3A_189, %get3A_184 : vector<16xf32>
        tpu.vector_store_idx %arg11[%broadcast_in_dim3A_48, %get3A_181], %mul3A_190 {add = true} : memref<4x10240xf32, #tpu.memory_space<vmem>>[vector<16xi32>, vector<16xi32>], vector<16xf32>,
        %gather3A_191 = tpu.vector_load_idx %arg10[%broadcast_in_dim3A_50, %get3A_178] : memref<4x10240xf32, #tpu.memory_space<vmem>>[vector<16xi32>, vector<16xi32>], vector<16xf32>,
        %mul3A_192 = arith.mulf %gather3A_191, %get3A_184 : vector<16xf32>
        tpu.vector_store_idx %arg11[%broadcast_in_dim3A_50, %get3A_181], %mul3A_192 {add = true} : memref<4x10240xf32, #tpu.memory_space<vmem>>[vector<16xi32>, vector<16xi32>], vector<16xf32>,
        %get3A_193 = arith.index_cast %scan3A_74 : i32 to index
        %get3A_194 = arith.constant 112 : index
        %get3A_195 = tpu.vector_load %arg7[%get3A_193, %get3A_194] {strides = array<i32>} : memref<16x128xi32, #tpu.memory_space<vmem>>, vector<16xi32>,
        %get3A_196 = arith.index_cast %scan3A_74 : i32 to index
        %get3A_197 = arith.constant 112 : index
        %get3A_198 = tpu.vector_load %arg8[%get3A_196, %get3A_197] {strides = array<i32>} : memref<16x128xi32, #tpu.memory_space<vmem>>, vector<16xi32>,
        %get3A_199 = arith.index_cast %scan3A_74 : i32 to index
        %get3A_200 = arith.constant 112 : index
        %get3A_201 = tpu.vector_load %arg9[%get3A_199, %get3A_200] {strides = array<i32>} : memref<16x128xf32, #tpu.memory_space<vmem>>, vector<16xf32>,
        %gather3A_202 = tpu.vector_load_idx %arg10[%broadcast_in_dim3A_44, %get3A_195] : memref<4x10240xf32, #tpu.memory_space<vmem>>[vector<16xi32>, vector<16xi32>], vector<16xf32>,
        %mul3A_203 = arith.mulf %gather3A_202, %get3A_201 : vector<16xf32>
        tpu.vector_store_idx %arg11[%broadcast_in_dim3A_44, %get3A_198], %mul3A_203 {add = true} : memref<4x10240xf32, #tpu.memory_space<vmem>>[vector<16xi32>, vector<16xi32>], vector<16xf32>,
        %gather3A_204 = tpu.vector_load_idx %arg10[%broadcast_in_dim3A_46, %get3A_195] : memref<4x10240xf32, #tpu.memory_space<vmem>>[vector<16xi32>, vector<16xi32>], vector<16xf32>,
        %mul3A_205 = arith.mulf %gather3A_204, %get3A_201 : vector<16xf32>
        tpu.vector_store_idx %arg11[%broadcast_in_dim3A_46, %get3A_198], %mul3A_205 {add = true} : memref<4x10240xf32, #tpu.memory_space<vmem>>[vector<16xi32>, vector<16xi32>], vector<16xf32>,
        %gather3A_206 = tpu.vector_load_idx %arg10[%broadcast_in_dim3A_48, %get3A_195] : memref<4x10240xf32, #tpu.memory_space<vmem>>[vector<16xi32>, vector<16xi32>], vector<16xf32>,
        %mul3A_207 = arith.mulf %gather3A_206, %get3A_201 : vector<16xf32>
        tpu.vector_store_idx %arg11[%broadcast_in_dim3A_48, %get3A_198], %mul3A_207 {add = true} : memref<4x10240xf32, #tpu.memory_space<vmem>>[vector<16xi32>, vector<16xi32>], vector<16xf32>,
        %gather3A_208 = tpu.vector_load_idx %arg10[%broadcast_in_dim3A_50, %get3A_195] : memref<4x10240xf32, #tpu.memory_space<vmem>>[vector<16xi32>, vector<16xi32>], vector<16xf32>,
        %mul3A_209 = arith.mulf %gather3A_208, %get3A_201 : vector<16xf32>
        tpu.vector_store_idx %arg11[%broadcast_in_dim3A_50, %get3A_198], %mul3A_209 {add = true} : memref<4x10240xf32, #tpu.memory_space<vmem>>[vector<16xi32>, vector<16xi32>], vector<16xf32>,
        %scan3A_210 = arith.constant 0 : i32
        scf.yield %scan3A_210 : i32
      }
      %scan3A_72 = arith.constant 16 : i32
      %scan3A_73 = arith.constant 0 : i32
      scf.yield %scan3A_73 : i32
    }
    %scan3A_57 = arith.constant 20 : i32
    "tpu.region"() ({
      %run_scoped3A = tpu.sem_alloc : memref<!tpu.dma_semaphore, #tpu.memory_space<semaphore_mem>>
      %dma_start3A = arith.constant 0 : i32
      %dma_start3A_58 = arith.constant 0 : i32
      %dma_start3A_59 = tpu.memref_slice %arg6[%add3A, %dma_start3A, %dma_start3A_58] : memref<32x4x10240xf32, #tpu.memory_space<hbm>> -> memref<1x4x10240xf32, #tpu.memory_space<hbm>>
      %dma_start3A_60 = tpu.memref_squeeze %dma_start3A_59 : memref<1x4x10240xf32, #tpu.memory_space<hbm>> -> memref<4x10240xf32, #tpu.memory_space<hbm>>
      %dma_start3A_61 = arith.constant 0 : i32
      %dma_start3A_62 = arith.constant 0 : i32
      %dma_start3A_63 = tpu.memref_slice %arg6[%add3A, %dma_start3A_61, %dma_start3A_62] : memref<32x4x10240xf32, #tpu.memory_space<hbm>> -> memref<1x4x10240xf32, #tpu.memory_space<hbm>>
      %dma_start3A_64 = tpu.memref_squeeze %dma_start3A_63 : memref<1x4x10240xf32, #tpu.memory_space<hbm>> -> memref<4x10240xf32, #tpu.memory_space<hbm>>
      tpu.enqueue_dma source(%arg11 : memref<4x10240xf32, #tpu.memory_space<vmem>>) target(%dma_start3A_64 : memref<4x10240xf32, #tpu.memory_space<hbm>>) target_semaphore(%run_scoped3A : memref<!tpu.dma_semaphore, #tpu.memory_space<semaphore_mem>>)
      %dma_wait3A = arith.constant 0 : i32
      %dma_wait3A_65 = arith.constant 0 : i32
      %dma_wait3A_66 = tpu.memref_slice %arg6[%add3A, %dma_wait3A, %dma_wait3A_65] : memref<32x4x10240xf32, #tpu.memory_space<hbm>> -> memref<1x4x10240xf32, #tpu.memory_space<hbm>>
      %dma_wait3A_67 = tpu.memref_squeeze %dma_wait3A_66 : memref<1x4x10240xf32, #tpu.memory_space<hbm>> -> memref<4x10240xf32, #tpu.memory_space<hbm>>
      %dma_wait3A_68 = arith.constant 0 : i32
      %dma_wait3A_69 = arith.constant 0 : i32
      %dma_wait3A_70 = tpu.memref_slice %arg6[%add3A, %dma_wait3A_68, %dma_wait3A_69] : memref<32x4x10240xf32, #tpu.memory_space<hbm>> -> memref<1x4x10240xf32, #tpu.memory_space<hbm>>
      %dma_wait3A_71 = tpu.memref_squeeze %dma_wait3A_70 : memref<1x4x10240xf32, #tpu.memory_space<hbm>> -> memref<4x10240xf32, #tpu.memory_space<hbm>>
      tpu.wait_dma2 semaphore(%run_scoped3A : memref<!tpu.dma_semaphore, #tpu.memory_space<semaphore_mem>>) src(%arg11 : memref<4x10240xf32, #tpu.memory_space<vmem>>) dst(%dma_wait3A_71 : memref<4x10240xf32, #tpu.memory_space<hbm>>)
      tpu.yield
    }) : () -> ()
    return
  }
}

#map = affine_map<(d0, d1) -> (0, 0, 0)>
#map1 = affine_map<(d0, d1) -> (0)>
#map2 = affine_map<(d0, d1) -> (0, 0)>
module attributes {stable_mosaic.version = 14 : i64} {
  func.func @_sc_deg2(%arg0: i32, %arg1: i32, %arg2: memref<8x320x128xi32, #tpu.memory_space<hbm>>, %arg3: memref<8x320x128xi32, #tpu.memory_space<hbm>>, %arg4: memref<8x320x128xf32, #tpu.memory_space<hbm>>, %arg5: memref<10240xf32, #tpu.memory_space<hbm>>, %arg6: memref<32x10240xf32, #tpu.memory_space<hbm>>, %arg7: memref<8x320x128xf32, #tpu.memory_space<hbm>>, %arg8: memref<80x128xi32, #tpu.memory_space<vmem>>, %arg9: memref<80x128xi32, #tpu.memory_space<vmem>>, %arg10: memref<80x128xf32, #tpu.memory_space<vmem>>, %arg11: memref<80x128xf32, #tpu.memory_space<vmem>>, %arg12: memref<10240xf32, #tpu.memory_space<vmem>>, %arg13: memref<10240xf32, #tpu.memory_space<vmem>>) attributes {dimension_semantics = [#tpu.dimension_semantics<core_parallel>, #tpu.dimension_semantics<subcore_parallel>], iteration_bounds = array<i64: 2, 16>, scalar_prefetch = 0 : i64, scratch_operands = 6 : i64, tpu.core_type = #tpu.core_type<sc_vector_subcore>, window_params = [{transform_indices = #map}, {transform_indices = #map}, {transform_indices = #map}, {transform_indices = #map1}, {transform_indices = #map2}, {transform_indices = #map}]} {
    %mul3A = arith.constant 2 : i32
    %mul3A_0 = arith.muli %arg1, %mul3A : i32
    %add3A = arith.addi %mul3A_0, %arg0 : i32
    %mul3A_1 = arith.constant 4 : i32
    %mul3A_2 = arith.muli %arg0, %mul3A_1 : i32
    %jit3A = arith.constant 4 : i32
    %div3A = arith.divsi %arg1, %jit3A : i32
    %sign3A = arith.constant 0 : i32
    %sign3A_3 = arith.cmpi sgt, %arg1, %sign3A : i32
    %sign3A_4 = arith.extui %sign3A_3 : i1 to i32
    %sign3A_5 = arith.constant 0 : i32
    %sign3A_6 = arith.cmpi slt, %arg1, %sign3A_5 : i32
    %sign3A_7 = arith.extui %sign3A_6 : i1 to i32
    %sign3A_8 = arith.subi %sign3A_4, %sign3A_7 : i32
    %sign3A_9 = arith.constant 0 : i32
    %sign3A_10 = arith.cmpi sgt, %jit3A, %sign3A_9 : i32
    %sign3A_11 = arith.extui %sign3A_10 : i1 to i32
    %sign3A_12 = arith.constant 0 : i32
    %sign3A_13 = arith.cmpi slt, %jit3A, %sign3A_12 : i32
    %sign3A_14 = arith.extui %sign3A_13 : i1 to i32
    %sign3A_15 = arith.subi %sign3A_11, %sign3A_14 : i32
    %ne3A = arith.cmpi ne, %sign3A_8, %sign3A_15 : i32
    %rem3A = arith.remsi %arg1, %jit3A : i32
    %ne3A_16 = arith.constant 0 : i32
    %ne3A_17 = arith.cmpi ne, %rem3A, %ne3A_16 : i32
    %and3A = arith.andi %ne3A, %ne3A_17 : i1
    %sub3A = arith.constant 1 : i32
    %sub3A_18 = arith.subi %div3A, %sub3A : i32
    %select_n3A = arith.select %and3A, %sub3A_18, %div3A : i32
    %add3A_19 = arith.addi %mul3A_2, %select_n3A : i32
    %jit3A_20 = arith.constant 4 : i32
    %eq3A = arith.constant 0 : i32
    %eq3A_21 = arith.cmpi eq, %jit3A_20, %eq3A : i32
    %jit3A_22 = arith.constant 1 : i32
    %select_n3A_23 = arith.select %eq3A_21, %jit3A_22, %jit3A_20 : i32
    %rem3A_24 = arith.remsi %arg1, %select_n3A_23 : i32
    %ne3A_25 = arith.constant 0 : i32
    %ne3A_26 = arith.cmpi ne, %rem3A_24, %ne3A_25 : i32
    %lt3A = arith.constant 0 : i32
    %lt3A_27 = arith.cmpi slt, %rem3A_24, %lt3A : i32
    %lt3A_28 = arith.constant 0 : i32
    %lt3A_29 = arith.cmpi slt, %select_n3A_23, %lt3A_28 : i32
    %ne3A_30 = arith.xori %lt3A_27, %lt3A_29 : i1
    %and3A_31 = arith.andi %ne3A_30, %ne3A_26 : i1
    %add3A_32 = arith.addi %rem3A_24, %select_n3A_23 : i32
    %select_n3A_33 = arith.select %and3A_31, %add3A_32, %rem3A_24 : i32
    %mul3A_34 = arith.constant 80 : i32
    %mul3A_35 = arith.muli %select_n3A_33, %mul3A_34 : i32
    "tpu.region"() ({
      %run_scoped3A = tpu.sem_alloc : memref<!tpu.dma_semaphore, #tpu.memory_space<semaphore_mem>>
      %dma_start3A = arith.constant 0 : i32
      %dma_start3A_56 = tpu.memref_slice %arg2[%add3A_19, %mul3A_35, %dma_start3A] : memref<8x320x128xi32, #tpu.memory_space<hbm>> -> memref<1x80x128xi32, #tpu.memory_space<hbm>>
      %dma_start3A_57 = tpu.memref_squeeze %dma_start3A_56 : memref<1x80x128xi32, #tpu.memory_space<hbm>> -> memref<80x128xi32, #tpu.memory_space<hbm>>
      %dma_start3A_58 = arith.constant 0 : i32
      %dma_start3A_59 = tpu.memref_slice %arg2[%add3A_19, %mul3A_35, %dma_start3A_58] : memref<8x320x128xi32, #tpu.memory_space<hbm>> -> memref<1x80x128xi32, #tpu.memory_space<hbm>>
      %dma_start3A_60 = tpu.memref_squeeze %dma_start3A_59 : memref<1x80x128xi32, #tpu.memory_space<hbm>> -> memref<80x128xi32, #tpu.memory_space<hbm>>
      tpu.enqueue_dma source(%dma_start3A_60 : memref<80x128xi32, #tpu.memory_space<hbm>>) target(%arg8 : memref<80x128xi32, #tpu.memory_space<vmem>>) target_semaphore(%run_scoped3A : memref<!tpu.dma_semaphore, #tpu.memory_space<semaphore_mem>>)
      %dma_wait3A = arith.constant 0 : i32
      %dma_wait3A_61 = tpu.memref_slice %arg2[%add3A_19, %mul3A_35, %dma_wait3A] : memref<8x320x128xi32, #tpu.memory_space<hbm>> -> memref<1x80x128xi32, #tpu.memory_space<hbm>>
      %dma_wait3A_62 = tpu.memref_squeeze %dma_wait3A_61 : memref<1x80x128xi32, #tpu.memory_space<hbm>> -> memref<80x128xi32, #tpu.memory_space<hbm>>
      %dma_wait3A_63 = arith.constant 0 : i32
      %dma_wait3A_64 = tpu.memref_slice %arg2[%add3A_19, %mul3A_35, %dma_wait3A_63] : memref<8x320x128xi32, #tpu.memory_space<hbm>> -> memref<1x80x128xi32, #tpu.memory_space<hbm>>
      %dma_wait3A_65 = tpu.memref_squeeze %dma_wait3A_64 : memref<1x80x128xi32, #tpu.memory_space<hbm>> -> memref<80x128xi32, #tpu.memory_space<hbm>>
      tpu.wait_dma2 semaphore(%run_scoped3A : memref<!tpu.dma_semaphore, #tpu.memory_space<semaphore_mem>>) src(%dma_wait3A_65 : memref<80x128xi32, #tpu.memory_space<hbm>>) dst(%arg8 : memref<80x128xi32, #tpu.memory_space<vmem>>)
      tpu.yield
    }) : () -> ()
    %mul3A_36 = arith.constant 80 : i32
    %mul3A_37 = arith.muli %select_n3A_33, %mul3A_36 : i32
    "tpu.region"() ({
      %run_scoped3A = tpu.sem_alloc : memref<!tpu.dma_semaphore, #tpu.memory_space<semaphore_mem>>
      %dma_start3A = arith.constant 0 : i32
      %dma_start3A_56 = tpu.memref_slice %arg3[%add3A_19, %mul3A_37, %dma_start3A] : memref<8x320x128xi32, #tpu.memory_space<hbm>> -> memref<1x80x128xi32, #tpu.memory_space<hbm>>
      %dma_start3A_57 = tpu.memref_squeeze %dma_start3A_56 : memref<1x80x128xi32, #tpu.memory_space<hbm>> -> memref<80x128xi32, #tpu.memory_space<hbm>>
      %dma_start3A_58 = arith.constant 0 : i32
      %dma_start3A_59 = tpu.memref_slice %arg3[%add3A_19, %mul3A_37, %dma_start3A_58] : memref<8x320x128xi32, #tpu.memory_space<hbm>> -> memref<1x80x128xi32, #tpu.memory_space<hbm>>
      %dma_start3A_60 = tpu.memref_squeeze %dma_start3A_59 : memref<1x80x128xi32, #tpu.memory_space<hbm>> -> memref<80x128xi32, #tpu.memory_space<hbm>>
      tpu.enqueue_dma source(%dma_start3A_60 : memref<80x128xi32, #tpu.memory_space<hbm>>) target(%arg9 : memref<80x128xi32, #tpu.memory_space<vmem>>) target_semaphore(%run_scoped3A : memref<!tpu.dma_semaphore, #tpu.memory_space<semaphore_mem>>)
      %dma_wait3A = arith.constant 0 : i32
      %dma_wait3A_61 = tpu.memref_slice %arg3[%add3A_19, %mul3A_37, %dma_wait3A] : memref<8x320x128xi32, #tpu.memory_space<hbm>> -> memref<1x80x128xi32, #tpu.memory_space<hbm>>
      %dma_wait3A_62 = tpu.memref_squeeze %dma_wait3A_61 : memref<1x80x128xi32, #tpu.memory_space<hbm>> -> memref<80x128xi32, #tpu.memory_space<hbm>>
      %dma_wait3A_63 = arith.constant 0 : i32
      %dma_wait3A_64 = tpu.memref_slice %arg3[%add3A_19, %mul3A_37, %dma_wait3A_63] : memref<8x320x128xi32, #tpu.memory_space<hbm>> -> memref<1x80x128xi32, #tpu.memory_space<hbm>>
      %dma_wait3A_65 = tpu.memref_squeeze %dma_wait3A_64 : memref<1x80x128xi32, #tpu.memory_space<hbm>> -> memref<80x128xi32, #tpu.memory_space<hbm>>
      tpu.wait_dma2 semaphore(%run_scoped3A : memref<!tpu.dma_semaphore, #tpu.memory_space<semaphore_mem>>) src(%dma_wait3A_65 : memref<80x128xi32, #tpu.memory_space<hbm>>) dst(%arg9 : memref<80x128xi32, #tpu.memory_space<vmem>>)
      tpu.yield
    }) : () -> ()
    %mul3A_38 = arith.constant 80 : i32
    %mul3A_39 = arith.muli %select_n3A_33, %mul3A_38 : i32
    "tpu.region"() ({
      %run_scoped3A = tpu.sem_alloc : memref<!tpu.dma_semaphore, #tpu.memory_space<semaphore_mem>>
      %dma_start3A = arith.constant 0 : i32
      %dma_start3A_56 = tpu.memref_slice %arg4[%add3A_19, %mul3A_39, %dma_start3A] : memref<8x320x128xf32, #tpu.memory_space<hbm>> -> memref<1x80x128xf32, #tpu.memory_space<hbm>>
      %dma_start3A_57 = tpu.memref_squeeze %dma_start3A_56 : memref<1x80x128xf32, #tpu.memory_space<hbm>> -> memref<80x128xf32, #tpu.memory_space<hbm>>
      %dma_start3A_58 = arith.constant 0 : i32
      %dma_start3A_59 = tpu.memref_slice %arg4[%add3A_19, %mul3A_39, %dma_start3A_58] : memref<8x320x128xf32, #tpu.memory_space<hbm>> -> memref<1x80x128xf32, #tpu.memory_space<hbm>>
      %dma_start3A_60 = tpu.memref_squeeze %dma_start3A_59 : memref<1x80x128xf32, #tpu.memory_space<hbm>> -> memref<80x128xf32, #tpu.memory_space<hbm>>
      tpu.enqueue_dma source(%dma_start3A_60 : memref<80x128xf32, #tpu.memory_space<hbm>>) target(%arg10 : memref<80x128xf32, #tpu.memory_space<vmem>>) target_semaphore(%run_scoped3A : memref<!tpu.dma_semaphore, #tpu.memory_space<semaphore_mem>>)
      %dma_wait3A = arith.constant 0 : i32
      %dma_wait3A_61 = tpu.memref_slice %arg4[%add3A_19, %mul3A_39, %dma_wait3A] : memref<8x320x128xf32, #tpu.memory_space<hbm>> -> memref<1x80x128xf32, #tpu.memory_space<hbm>>
      %dma_wait3A_62 = tpu.memref_squeeze %dma_wait3A_61 : memref<1x80x128xf32, #tpu.memory_space<hbm>> -> memref<80x128xf32, #tpu.memory_space<hbm>>
      %dma_wait3A_63 = arith.constant 0 : i32
      %dma_wait3A_64 = tpu.memref_slice %arg4[%add3A_19, %mul3A_39, %dma_wait3A_63] : memref<8x320x128xf32, #tpu.memory_space<hbm>> -> memref<1x80x128xf32, #tpu.memory_space<hbm>>
      %dma_wait3A_65 = tpu.memref_squeeze %dma_wait3A_64 : memref<1x80x128xf32, #tpu.memory_space<hbm>> -> memref<80x128xf32, #tpu.memory_space<hbm>>
      tpu.wait_dma2 semaphore(%run_scoped3A : memref<!tpu.dma_semaphore, #tpu.memory_space<semaphore_mem>>) src(%dma_wait3A_65 : memref<80x128xf32, #tpu.memory_space<hbm>>) dst(%arg10 : memref<80x128xf32, #tpu.memory_space<vmem>>)
      tpu.yield
    }) : () -> ()
    "tpu.region"() ({
      %run_scoped3A = tpu.sem_alloc : memref<!tpu.dma_semaphore, #tpu.memory_space<semaphore_mem>>
      tpu.enqueue_dma source(%arg5 : memref<10240xf32, #tpu.memory_space<hbm>>) target(%arg12 : memref<10240xf32, #tpu.memory_space<vmem>>) target_semaphore(%run_scoped3A : memref<!tpu.dma_semaphore, #tpu.memory_space<semaphore_mem>>)
      tpu.wait_dma2 semaphore(%run_scoped3A : memref<!tpu.dma_semaphore, #tpu.memory_space<semaphore_mem>>) src(%arg5 : memref<10240xf32, #tpu.memory_space<hbm>>) dst(%arg12 : memref<10240xf32, #tpu.memory_space<vmem>>)
      tpu.yield
    }) : () -> ()
    %broadcast_in_dim3A = arith.constant 0.000000e+00 : f32
    %broadcast_in_dim3A_40 = vector.broadcast %broadcast_in_dim3A : f32 to vector<16xf32>
    %scan3A = arith.constant 0 : i32
    %scan3A_41 = arith.constant 0 : i32
    %scan3A_42 = arith.constant 640 : i32
    %scan3A_43 = arith.addi %scan3A_41, %scan3A_42 : i32
    %scan3A_44 = arith.constant 8 : i32
    %scan3A_45 = scf.for %scan3A_56 = %scan3A_41 to %scan3A_43 step %scan3A_44 iter_args(%scan3A_57 = %scan3A) -> (i32)  : i32 {
      %mul3A_58 = arith.constant 16 : i32
      %mul3A_59 = arith.muli %scan3A_56, %mul3A_58 : i32
      %swap3A = arith.index_cast %mul3A_59 : i32 to index
      %swap3A_60 = tpu.vector_load %arg13[%swap3A] {strides = array<i32>} : memref<10240xf32, #tpu.memory_space<vmem>>, vector<16xf32>,
      tpu.vector_store %arg13[%swap3A], %broadcast_in_dim3A_40 {strides = array<i32>} : memref<10240xf32, #tpu.memory_space<vmem>>, vector<16xf32>,
      %scan3A_61 = arith.constant 0 : i32
      %scan3A_62 = arith.constant 1 : i32
      %scan3A_63 = arith.addi %scan3A_56, %scan3A_62 : i32
      %mul3A_64 = arith.constant 16 : i32
      %mul3A_65 = arith.muli %scan3A_63, %mul3A_64 : i32
      %swap3A_66 = arith.index_cast %mul3A_65 : i32 to index
      %swap3A_67 = tpu.vector_load %arg13[%swap3A_66] {strides = array<i32>} : memref<10240xf32, #tpu.memory_space<vmem>>, vector<16xf32>,
      tpu.vector_store %arg13[%swap3A_66], %broadcast_in_dim3A_40 {strides = array<i32>} : memref<10240xf32, #tpu.memory_space<vmem>>, vector<16xf32>,
      %scan3A_68 = arith.constant 0 : i32
      %scan3A_69 = arith.constant 2 : i32
      %scan3A_70 = arith.addi %scan3A_56, %scan3A_69 : i32
      %mul3A_71 = arith.constant 16 : i32
      %mul3A_72 = arith.muli %scan3A_70, %mul3A_71 : i32
      %swap3A_73 = arith.index_cast %mul3A_72 : i32 to index
      %swap3A_74 = tpu.vector_load %arg13[%swap3A_73] {strides = array<i32>} : memref<10240xf32, #tpu.memory_space<vmem>>, vector<16xf32>,
      tpu.vector_store %arg13[%swap3A_73], %broadcast_in_dim3A_40 {strides = array<i32>} : memref<10240xf32, #tpu.memory_space<vmem>>, vector<16xf32>,
      %scan3A_75 = arith.constant 0 : i32
      %scan3A_76 = arith.constant 3 : i32
      %scan3A_77 = arith.addi %scan3A_56, %scan3A_76 : i32
      %mul3A_78 = arith.constant 16 : i32
      %mul3A_79 = arith.muli %scan3A_77, %mul3A_78 : i32
      %swap3A_80 = arith.index_cast %mul3A_79 : i32 to index
      %swap3A_81 = tpu.vector_load %arg13[%swap3A_80] {strides = array<i32>} : memref<10240xf32, #tpu.memory_space<vmem>>, vector<16xf32>,
      tpu.vector_store %arg13[%swap3A_80], %broadcast_in_dim3A_40 {strides = array<i32>} : memref<10240xf32, #tpu.memory_space<vmem>>, vector<16xf32>,
      %scan3A_82 = arith.constant 0 : i32
      %scan3A_83 = arith.constant 4 : i32
      %scan3A_84 = arith.addi %scan3A_56, %scan3A_83 : i32
      %mul3A_85 = arith.constant 16 : i32
      %mul3A_86 = arith.muli %scan3A_84, %mul3A_85 : i32
      %swap3A_87 = arith.index_cast %mul3A_86 : i32 to index
      %swap3A_88 = tpu.vector_load %arg13[%swap3A_87] {strides = array<i32>} : memref<10240xf32, #tpu.memory_space<vmem>>, vector<16xf32>,
      tpu.vector_store %arg13[%swap3A_87], %broadcast_in_dim3A_40 {strides = array<i32>} : memref<10240xf32, #tpu.memory_space<vmem>>, vector<16xf32>,
      %scan3A_89 = arith.constant 0 : i32
      %scan3A_90 = arith.constant 5 : i32
      %scan3A_91 = arith.addi %scan3A_56, %scan3A_90 : i32
      %mul3A_92 = arith.constant 16 : i32
      %mul3A_93 = arith.muli %scan3A_91, %mul3A_92 : i32
      %swap3A_94 = arith.index_cast %mul3A_93 : i32 to index
      %swap3A_95 = tpu.vector_load %arg13[%swap3A_94] {strides = array<i32>} : memref<10240xf32, #tpu.memory_space<vmem>>, vector<16xf32>,
      tpu.vector_store %arg13[%swap3A_94], %broadcast_in_dim3A_40 {strides = array<i32>} : memref<10240xf32, #tpu.memory_space<vmem>>, vector<16xf32>,
      %scan3A_96 = arith.constant 0 : i32
      %scan3A_97 = arith.constant 6 : i32
      %scan3A_98 = arith.addi %scan3A_56, %scan3A_97 : i32
      %mul3A_99 = arith.constant 16 : i32
      %mul3A_100 = arith.muli %scan3A_98, %mul3A_99 : i32
      %swap3A_101 = arith.index_cast %mul3A_100 : i32 to index
      %swap3A_102 = tpu.vector_load %arg13[%swap3A_101] {strides = array<i32>} : memref<10240xf32, #tpu.memory_space<vmem>>, vector<16xf32>,
      tpu.vector_store %arg13[%swap3A_101], %broadcast_in_dim3A_40 {strides = array<i32>} : memref<10240xf32, #tpu.memory_space<vmem>>, vector<16xf32>,
      %scan3A_103 = arith.constant 0 : i32
      %scan3A_104 = arith.constant 7 : i32
      %scan3A_105 = arith.addi %scan3A_56, %scan3A_104 : i32
      %mul3A_106 = arith.constant 16 : i32
      %mul3A_107 = arith.muli %scan3A_105, %mul3A_106 : i32
      %swap3A_108 = arith.index_cast %mul3A_107 : i32 to index
      %swap3A_109 = tpu.vector_load %arg13[%swap3A_108] {strides = array<i32>} : memref<10240xf32, #tpu.memory_space<vmem>>, vector<16xf32>,
      tpu.vector_store %arg13[%swap3A_108], %broadcast_in_dim3A_40 {strides = array<i32>} : memref<10240xf32, #tpu.memory_space<vmem>>, vector<16xf32>,
      %scan3A_110 = arith.constant 0 : i32
      scf.yield %scan3A_110 : i32
    }
    %scan3A_46 = arith.constant 640 : i32
    %scan3A_47 = arith.constant 0 : i32
    %scan3A_48 = arith.constant 0 : i32
    %scan3A_49 = arith.constant 80 : i32
    %scan3A_50 = arith.addi %scan3A_48, %scan3A_49 : i32
    %scan3A_51 = arith.constant 1 : i32
    %scan3A_52 = scf.for %scan3A_56 = %scan3A_48 to %scan3A_50 step %scan3A_51 iter_args(%scan3A_57 = %scan3A_47) -> (i32)  : i32 {
      %get3A = arith.index_cast %scan3A_56 : i32 to index
      %get3A_58 = arith.constant 0 : index
      %get3A_59 = tpu.vector_load %arg8[%get3A, %get3A_58] {strides = array<i32>} : memref<80x128xi32, #tpu.memory_space<vmem>>, vector<16xi32>,
      %get3A_60 = arith.index_cast %scan3A_56 : i32 to index
      %get3A_61 = arith.constant 0 : index
      %get3A_62 = tpu.vector_load %arg9[%get3A_60, %get3A_61] {strides = array<i32>} : memref<80x128xi32, #tpu.memory_space<vmem>>, vector<16xi32>,
      %get3A_63 = arith.index_cast %scan3A_56 : i32 to index
      %get3A_64 = arith.constant 0 : index
      %get3A_65 = tpu.vector_load %arg10[%get3A_63, %get3A_64] {strides = array<i32>} : memref<80x128xf32, #tpu.memory_space<vmem>>, vector<16xf32>,
      %gather3A = tpu.vector_load_idx %arg12[%get3A_59] : memref<10240xf32, #tpu.memory_space<vmem>>[vector<16xi32>], vector<16xf32>,
      %gather3A_66 = tpu.vector_load_idx %arg12[%get3A_62] : memref<10240xf32, #tpu.memory_space<vmem>>[vector<16xi32>], vector<16xf32>,
      %mul3A_67 = arith.mulf %get3A_65, %gather3A : vector<16xf32>
      %mul3A_68 = arith.mulf %mul3A_67, %gather3A_66 : vector<16xf32>
      %swap3A = arith.index_cast %scan3A_56 : i32 to index
      %swap3A_69 = arith.constant 0 : index
      %swap3A_70 = tpu.vector_load %arg11[%swap3A, %swap3A_69] {strides = array<i32>} : memref<80x128xf32, #tpu.memory_space<vmem>>, vector<16xf32>,
      tpu.vector_store %arg11[%swap3A, %swap3A_69], %mul3A_68 {strides = array<i32>} : memref<80x128xf32, #tpu.memory_space<vmem>>, vector<16xf32>,
      tpu.vector_store_idx %arg13[%get3A_62], %mul3A_68 {add = true} : memref<10240xf32, #tpu.memory_space<vmem>>[vector<16xi32>], vector<16xf32>,
      %get3A_71 = arith.index_cast %scan3A_56 : i32 to index
      %get3A_72 = arith.constant 16 : index
      %get3A_73 = tpu.vector_load %arg8[%get3A_71, %get3A_72] {strides = array<i32>} : memref<80x128xi32, #tpu.memory_space<vmem>>, vector<16xi32>,
      %get3A_74 = arith.index_cast %scan3A_56 : i32 to index
      %get3A_75 = arith.constant 16 : index
      %get3A_76 = tpu.vector_load %arg9[%get3A_74, %get3A_75] {strides = array<i32>} : memref<80x128xi32, #tpu.memory_space<vmem>>, vector<16xi32>,
      %get3A_77 = arith.index_cast %scan3A_56 : i32 to index
      %get3A_78 = arith.constant 16 : index
      %get3A_79 = tpu.vector_load %arg10[%get3A_77, %get3A_78] {strides = array<i32>} : memref<80x128xf32, #tpu.memory_space<vmem>>, vector<16xf32>,
      %gather3A_80 = tpu.vector_load_idx %arg12[%get3A_73] : memref<10240xf32, #tpu.memory_space<vmem>>[vector<16xi32>], vector<16xf32>,
      %gather3A_81 = tpu.vector_load_idx %arg12[%get3A_76] : memref<10240xf32, #tpu.memory_space<vmem>>[vector<16xi32>], vector<16xf32>,
      %mul3A_82 = arith.mulf %get3A_79, %gather3A_80 : vector<16xf32>
      %mul3A_83 = arith.mulf %mul3A_82, %gather3A_81 : vector<16xf32>
      %swap3A_84 = arith.index_cast %scan3A_56 : i32 to index
      %swap3A_85 = arith.constant 16 : index
      %swap3A_86 = tpu.vector_load %arg11[%swap3A_84, %swap3A_85] {strides = array<i32>} : memref<80x128xf32, #tpu.memory_space<vmem>>, vector<16xf32>,
      tpu.vector_store %arg11[%swap3A_84, %swap3A_85], %mul3A_83 {strides = array<i32>} : memref<80x128xf32, #tpu.memory_space<vmem>>, vector<16xf32>,
      tpu.vector_store_idx %arg13[%get3A_76], %mul3A_83 {add = true} : memref<10240xf32, #tpu.memory_space<vmem>>[vector<16xi32>], vector<16xf32>,
      %get3A_87 = arith.index_cast %scan3A_56 : i32 to index
      %get3A_88 = arith.constant 32 : index
      %get3A_89 = tpu.vector_load %arg8[%get3A_87, %get3A_88] {strides = array<i32>} : memref<80x128xi32, #tpu.memory_space<vmem>>, vector<16xi32>,
      %get3A_90 = arith.index_cast %scan3A_56 : i32 to index
      %get3A_91 = arith.constant 32 : index
      %get3A_92 = tpu.vector_load %arg9[%get3A_90, %get3A_91] {strides = array<i32>} : memref<80x128xi32, #tpu.memory_space<vmem>>, vector<16xi32>,
      %get3A_93 = arith.index_cast %scan3A_56 : i32 to index
      %get3A_94 = arith.constant 32 : index
      %get3A_95 = tpu.vector_load %arg10[%get3A_93, %get3A_94] {strides = array<i32>} : memref<80x128xf32, #tpu.memory_space<vmem>>, vector<16xf32>,
      %gather3A_96 = tpu.vector_load_idx %arg12[%get3A_89] : memref<10240xf32, #tpu.memory_space<vmem>>[vector<16xi32>], vector<16xf32>,
      %gather3A_97 = tpu.vector_load_idx %arg12[%get3A_92] : memref<10240xf32, #tpu.memory_space<vmem>>[vector<16xi32>], vector<16xf32>,
      %mul3A_98 = arith.mulf %get3A_95, %gather3A_96 : vector<16xf32>
      %mul3A_99 = arith.mulf %mul3A_98, %gather3A_97 : vector<16xf32>
      %swap3A_100 = arith.index_cast %scan3A_56 : i32 to index
      %swap3A_101 = arith.constant 32 : index
      %swap3A_102 = tpu.vector_load %arg11[%swap3A_100, %swap3A_101] {strides = array<i32>} : memref<80x128xf32, #tpu.memory_space<vmem>>, vector<16xf32>,
      tpu.vector_store %arg11[%swap3A_100, %swap3A_101], %mul3A_99 {strides = array<i32>} : memref<80x128xf32, #tpu.memory_space<vmem>>, vector<16xf32>,
      tpu.vector_store_idx %arg13[%get3A_92], %mul3A_99 {add = true} : memref<10240xf32, #tpu.memory_space<vmem>>[vector<16xi32>], vector<16xf32>,
      %get3A_103 = arith.index_cast %scan3A_56 : i32 to index
      %get3A_104 = arith.constant 48 : index
      %get3A_105 = tpu.vector_load %arg8[%get3A_103, %get3A_104] {strides = array<i32>} : memref<80x128xi32, #tpu.memory_space<vmem>>, vector<16xi32>,
      %get3A_106 = arith.index_cast %scan3A_56 : i32 to index
      %get3A_107 = arith.constant 48 : index
      %get3A_108 = tpu.vector_load %arg9[%get3A_106, %get3A_107] {strides = array<i32>} : memref<80x128xi32, #tpu.memory_space<vmem>>, vector<16xi32>,
      %get3A_109 = arith.index_cast %scan3A_56 : i32 to index
      %get3A_110 = arith.constant 48 : index
      %get3A_111 = tpu.vector_load %arg10[%get3A_109, %get3A_110] {strides = array<i32>} : memref<80x128xf32, #tpu.memory_space<vmem>>, vector<16xf32>,
      %gather3A_112 = tpu.vector_load_idx %arg12[%get3A_105] : memref<10240xf32, #tpu.memory_space<vmem>>[vector<16xi32>], vector<16xf32>,
      %gather3A_113 = tpu.vector_load_idx %arg12[%get3A_108] : memref<10240xf32, #tpu.memory_space<vmem>>[vector<16xi32>], vector<16xf32>,
      %mul3A_114 = arith.mulf %get3A_111, %gather3A_112 : vector<16xf32>
      %mul3A_115 = arith.mulf %mul3A_114, %gather3A_113 : vector<16xf32>
      %swap3A_116 = arith.index_cast %scan3A_56 : i32 to index
      %swap3A_117 = arith.constant 48 : index
      %swap3A_118 = tpu.vector_load %arg11[%swap3A_116, %swap3A_117] {strides = array<i32>} : memref<80x128xf32, #tpu.memory_space<vmem>>, vector<16xf32>,
      tpu.vector_store %arg11[%swap3A_116, %swap3A_117], %mul3A_115 {strides = array<i32>} : memref<80x128xf32, #tpu.memory_space<vmem>>, vector<16xf32>,
      tpu.vector_store_idx %arg13[%get3A_108], %mul3A_115 {add = true} : memref<10240xf32, #tpu.memory_space<vmem>>[vector<16xi32>], vector<16xf32>,
      %get3A_119 = arith.index_cast %scan3A_56 : i32 to index
      %get3A_120 = arith.constant 64 : index
      %get3A_121 = tpu.vector_load %arg8[%get3A_119, %get3A_120] {strides = array<i32>} : memref<80x128xi32, #tpu.memory_space<vmem>>, vector<16xi32>,
      %get3A_122 = arith.index_cast %scan3A_56 : i32 to index
      %get3A_123 = arith.constant 64 : index
      %get3A_124 = tpu.vector_load %arg9[%get3A_122, %get3A_123] {strides = array<i32>} : memref<80x128xi32, #tpu.memory_space<vmem>>, vector<16xi32>,
      %get3A_125 = arith.index_cast %scan3A_56 : i32 to index
      %get3A_126 = arith.constant 64 : index
      %get3A_127 = tpu.vector_load %arg10[%get3A_125, %get3A_126] {strides = array<i32>} : memref<80x128xf32, #tpu.memory_space<vmem>>, vector<16xf32>,
      %gather3A_128 = tpu.vector_load_idx %arg12[%get3A_121] : memref<10240xf32, #tpu.memory_space<vmem>>[vector<16xi32>], vector<16xf32>,
      %gather3A_129 = tpu.vector_load_idx %arg12[%get3A_124] : memref<10240xf32, #tpu.memory_space<vmem>>[vector<16xi32>], vector<16xf32>,
      %mul3A_130 = arith.mulf %get3A_127, %gather3A_128 : vector<16xf32>
      %mul3A_131 = arith.mulf %mul3A_130, %gather3A_129 : vector<16xf32>
      %swap3A_132 = arith.index_cast %scan3A_56 : i32 to index
      %swap3A_133 = arith.constant 64 : index
      %swap3A_134 = tpu.vector_load %arg11[%swap3A_132, %swap3A_133] {strides = array<i32>} : memref<80x128xf32, #tpu.memory_space<vmem>>, vector<16xf32>,
      tpu.vector_store %arg11[%swap3A_132, %swap3A_133], %mul3A_131 {strides = array<i32>} : memref<80x128xf32, #tpu.memory_space<vmem>>, vector<16xf32>,
      tpu.vector_store_idx %arg13[%get3A_124], %mul3A_131 {add = true} : memref<10240xf32, #tpu.memory_space<vmem>>[vector<16xi32>], vector<16xf32>,
      %get3A_135 = arith.index_cast %scan3A_56 : i32 to index
      %get3A_136 = arith.constant 80 : index
      %get3A_137 = tpu.vector_load %arg8[%get3A_135, %get3A_136] {strides = array<i32>} : memref<80x128xi32, #tpu.memory_space<vmem>>, vector<16xi32>,
      %get3A_138 = arith.index_cast %scan3A_56 : i32 to index
      %get3A_139 = arith.constant 80 : index
      %get3A_140 = tpu.vector_load %arg9[%get3A_138, %get3A_139] {strides = array<i32>} : memref<80x128xi32, #tpu.memory_space<vmem>>, vector<16xi32>,
      %get3A_141 = arith.index_cast %scan3A_56 : i32 to index
      %get3A_142 = arith.constant 80 : index
      %get3A_143 = tpu.vector_load %arg10[%get3A_141, %get3A_142] {strides = array<i32>} : memref<80x128xf32, #tpu.memory_space<vmem>>, vector<16xf32>,
      %gather3A_144 = tpu.vector_load_idx %arg12[%get3A_137] : memref<10240xf32, #tpu.memory_space<vmem>>[vector<16xi32>], vector<16xf32>,
      %gather3A_145 = tpu.vector_load_idx %arg12[%get3A_140] : memref<10240xf32, #tpu.memory_space<vmem>>[vector<16xi32>], vector<16xf32>,
      %mul3A_146 = arith.mulf %get3A_143, %gather3A_144 : vector<16xf32>
      %mul3A_147 = arith.mulf %mul3A_146, %gather3A_145 : vector<16xf32>
      %swap3A_148 = arith.index_cast %scan3A_56 : i32 to index
      %swap3A_149 = arith.constant 80 : index
      %swap3A_150 = tpu.vector_load %arg11[%swap3A_148, %swap3A_149] {strides = array<i32>} : memref<80x128xf32, #tpu.memory_space<vmem>>, vector<16xf32>,
      tpu.vector_store %arg11[%swap3A_148, %swap3A_149], %mul3A_147 {strides = array<i32>} : memref<80x128xf32, #tpu.memory_space<vmem>>, vector<16xf32>,
      tpu.vector_store_idx %arg13[%get3A_140], %mul3A_147 {add = true} : memref<10240xf32, #tpu.memory_space<vmem>>[vector<16xi32>], vector<16xf32>,
      %get3A_151 = arith.index_cast %scan3A_56 : i32 to index
      %get3A_152 = arith.constant 96 : index
      %get3A_153 = tpu.vector_load %arg8[%get3A_151, %get3A_152] {strides = array<i32>} : memref<80x128xi32, #tpu.memory_space<vmem>>, vector<16xi32>,
      %get3A_154 = arith.index_cast %scan3A_56 : i32 to index
      %get3A_155 = arith.constant 96 : index
      %get3A_156 = tpu.vector_load %arg9[%get3A_154, %get3A_155] {strides = array<i32>} : memref<80x128xi32, #tpu.memory_space<vmem>>, vector<16xi32>,
      %get3A_157 = arith.index_cast %scan3A_56 : i32 to index
      %get3A_158 = arith.constant 96 : index
      %get3A_159 = tpu.vector_load %arg10[%get3A_157, %get3A_158] {strides = array<i32>} : memref<80x128xf32, #tpu.memory_space<vmem>>, vector<16xf32>,
      %gather3A_160 = tpu.vector_load_idx %arg12[%get3A_153] : memref<10240xf32, #tpu.memory_space<vmem>>[vector<16xi32>], vector<16xf32>,
      %gather3A_161 = tpu.vector_load_idx %arg12[%get3A_156] : memref<10240xf32, #tpu.memory_space<vmem>>[vector<16xi32>], vector<16xf32>,
      %mul3A_162 = arith.mulf %get3A_159, %gather3A_160 : vector<16xf32>
      %mul3A_163 = arith.mulf %mul3A_162, %gather3A_161 : vector<16xf32>
      %swap3A_164 = arith.index_cast %scan3A_56 : i32 to index
      %swap3A_165 = arith.constant 96 : index
      %swap3A_166 = tpu.vector_load %arg11[%swap3A_164, %swap3A_165] {strides = array<i32>} : memref<80x128xf32, #tpu.memory_space<vmem>>, vector<16xf32>,
      tpu.vector_store %arg11[%swap3A_164, %swap3A_165], %mul3A_163 {strides = array<i32>} : memref<80x128xf32, #tpu.memory_space<vmem>>, vector<16xf32>,
      tpu.vector_store_idx %arg13[%get3A_156], %mul3A_163 {add = true} : memref<10240xf32, #tpu.memory_space<vmem>>[vector<16xi32>], vector<16xf32>,
      %get3A_167 = arith.index_cast %scan3A_56 : i32 to index
      %get3A_168 = arith.constant 112 : index
      %get3A_169 = tpu.vector_load %arg8[%get3A_167, %get3A_168] {strides = array<i32>} : memref<80x128xi32, #tpu.memory_space<vmem>>, vector<16xi32>,
      %get3A_170 = arith.index_cast %scan3A_56 : i32 to index
      %get3A_171 = arith.constant 112 : index
      %get3A_172 = tpu.vector_load %arg9[%get3A_170, %get3A_171] {strides = array<i32>} : memref<80x128xi32, #tpu.memory_space<vmem>>, vector<16xi32>,
      %get3A_173 = arith.index_cast %scan3A_56 : i32 to index
      %get3A_174 = arith.constant 112 : index
      %get3A_175 = tpu.vector_load %arg10[%get3A_173, %get3A_174] {strides = array<i32>} : memref<80x128xf32, #tpu.memory_space<vmem>>, vector<16xf32>,
      %gather3A_176 = tpu.vector_load_idx %arg12[%get3A_169] : memref<10240xf32, #tpu.memory_space<vmem>>[vector<16xi32>], vector<16xf32>,
      %gather3A_177 = tpu.vector_load_idx %arg12[%get3A_172] : memref<10240xf32, #tpu.memory_space<vmem>>[vector<16xi32>], vector<16xf32>,
      %mul3A_178 = arith.mulf %get3A_175, %gather3A_176 : vector<16xf32>
      %mul3A_179 = arith.mulf %mul3A_178, %gather3A_177 : vector<16xf32>
      %swap3A_180 = arith.index_cast %scan3A_56 : i32 to index
      %swap3A_181 = arith.constant 112 : index
      %swap3A_182 = tpu.vector_load %arg11[%swap3A_180, %swap3A_181] {strides = array<i32>} : memref<80x128xf32, #tpu.memory_space<vmem>>, vector<16xf32>,
      tpu.vector_store %arg11[%swap3A_180, %swap3A_181], %mul3A_179 {strides = array<i32>} : memref<80x128xf32, #tpu.memory_space<vmem>>, vector<16xf32>,
      tpu.vector_store_idx %arg13[%get3A_172], %mul3A_179 {add = true} : memref<10240xf32, #tpu.memory_space<vmem>>[vector<16xi32>], vector<16xf32>,
      %scan3A_183 = arith.constant 0 : i32
      scf.yield %scan3A_183 : i32
    }
    %scan3A_53 = arith.constant 80 : i32
    "tpu.region"() ({
      %run_scoped3A = tpu.sem_alloc : memref<!tpu.dma_semaphore, #tpu.memory_space<semaphore_mem>>
      %dma_start3A = arith.constant 0 : i32
      %dma_start3A_56 = tpu.memref_slice %arg6[%add3A, %dma_start3A] : memref<32x10240xf32, #tpu.memory_space<hbm>> -> memref<1x10240xf32, #tpu.memory_space<hbm>>
      %dma_start3A_57 = tpu.memref_squeeze %dma_start3A_56 : memref<1x10240xf32, #tpu.memory_space<hbm>> -> memref<10240xf32, #tpu.memory_space<hbm>>
      %dma_start3A_58 = arith.constant 0 : i32
      %dma_start3A_59 = tpu.memref_slice %arg6[%add3A, %dma_start3A_58] : memref<32x10240xf32, #tpu.memory_space<hbm>> -> memref<1x10240xf32, #tpu.memory_space<hbm>>
      %dma_start3A_60 = tpu.memref_squeeze %dma_start3A_59 : memref<1x10240xf32, #tpu.memory_space<hbm>> -> memref<10240xf32, #tpu.memory_space<hbm>>
      tpu.enqueue_dma source(%arg13 : memref<10240xf32, #tpu.memory_space<vmem>>) target(%dma_start3A_60 : memref<10240xf32, #tpu.memory_space<hbm>>) target_semaphore(%run_scoped3A : memref<!tpu.dma_semaphore, #tpu.memory_space<semaphore_mem>>)
      %dma_wait3A = arith.constant 0 : i32
      %dma_wait3A_61 = tpu.memref_slice %arg6[%add3A, %dma_wait3A] : memref<32x10240xf32, #tpu.memory_space<hbm>> -> memref<1x10240xf32, #tpu.memory_space<hbm>>
      %dma_wait3A_62 = tpu.memref_squeeze %dma_wait3A_61 : memref<1x10240xf32, #tpu.memory_space<hbm>> -> memref<10240xf32, #tpu.memory_space<hbm>>
      %dma_wait3A_63 = arith.constant 0 : i32
      %dma_wait3A_64 = tpu.memref_slice %arg6[%add3A, %dma_wait3A_63] : memref<32x10240xf32, #tpu.memory_space<hbm>> -> memref<1x10240xf32, #tpu.memory_space<hbm>>
      %dma_wait3A_65 = tpu.memref_squeeze %dma_wait3A_64 : memref<1x10240xf32, #tpu.memory_space<hbm>> -> memref<10240xf32, #tpu.memory_space<hbm>>
      tpu.wait_dma2 semaphore(%run_scoped3A : memref<!tpu.dma_semaphore, #tpu.memory_space<semaphore_mem>>) src(%arg13 : memref<10240xf32, #tpu.memory_space<vmem>>) dst(%dma_wait3A_65 : memref<10240xf32, #tpu.memory_space<hbm>>)
      tpu.yield
    }) : () -> ()
    %mul3A_54 = arith.constant 80 : i32
    %mul3A_55 = arith.muli %select_n3A_33, %mul3A_54 : i32
    "tpu.region"() ({
      %run_scoped3A = tpu.sem_alloc : memref<!tpu.dma_semaphore, #tpu.memory_space<semaphore_mem>>
      %dma_start3A = arith.constant 0 : i32
      %dma_start3A_56 = tpu.memref_slice %arg7[%add3A_19, %mul3A_55, %dma_start3A] : memref<8x320x128xf32, #tpu.memory_space<hbm>> -> memref<1x80x128xf32, #tpu.memory_space<hbm>>
      %dma_start3A_57 = tpu.memref_squeeze %dma_start3A_56 : memref<1x80x128xf32, #tpu.memory_space<hbm>> -> memref<80x128xf32, #tpu.memory_space<hbm>>
      %dma_start3A_58 = arith.constant 0 : i32
      %dma_start3A_59 = tpu.memref_slice %arg7[%add3A_19, %mul3A_55, %dma_start3A_58] : memref<8x320x128xf32, #tpu.memory_space<hbm>> -> memref<1x80x128xf32, #tpu.memory_space<hbm>>
      %dma_start3A_60 = tpu.memref_squeeze %dma_start3A_59 : memref<1x80x128xf32, #tpu.memory_space<hbm>> -> memref<80x128xf32, #tpu.memory_space<hbm>>
      tpu.enqueue_dma source(%arg11 : memref<80x128xf32, #tpu.memory_space<vmem>>) target(%dma_start3A_60 : memref<80x128xf32, #tpu.memory_space<hbm>>) target_semaphore(%run_scoped3A : memref<!tpu.dma_semaphore, #tpu.memory_space<semaphore_mem>>)
      %dma_wait3A = arith.constant 0 : i32
      %dma_wait3A_61 = tpu.memref_slice %arg7[%add3A_19, %mul3A_55, %dma_wait3A] : memref<8x320x128xf32, #tpu.memory_space<hbm>> -> memref<1x80x128xf32, #tpu.memory_space<hbm>>
      %dma_wait3A_62 = tpu.memref_squeeze %dma_wait3A_61 : memref<1x80x128xf32, #tpu.memory_space<hbm>> -> memref<80x128xf32, #tpu.memory_space<hbm>>
      %dma_wait3A_63 = arith.constant 0 : i32
      %dma_wait3A_64 = tpu.memref_slice %arg7[%add3A_19, %mul3A_55, %dma_wait3A_63] : memref<8x320x128xf32, #tpu.memory_space<hbm>> -> memref<1x80x128xf32, #tpu.memory_space<hbm>>
      %dma_wait3A_65 = tpu.memref_squeeze %dma_wait3A_64 : memref<1x80x128xf32, #tpu.memory_space<hbm>> -> memref<80x128xf32, #tpu.memory_space<hbm>>
      tpu.wait_dma2 semaphore(%run_scoped3A : memref<!tpu.dma_semaphore, #tpu.memory_space<semaphore_mem>>) src(%arg11 : memref<80x128xf32, #tpu.memory_space<vmem>>) dst(%dma_wait3A_65 : memref<80x128xf32, #tpu.memory_space<hbm>>)
      tpu.yield
    }) : () -> ()
    return
  }
}

#map = affine_map<(d0, d1) -> (0, 0, 0)>
#map1 = affine_map<(d0, d1) -> (0, 0)>
module attributes {stable_mosaic.version = 14 : i64} {
  func.func @_sc_pass(%arg0: i32, %arg1: i32, %arg2: memref<8x320x128xi32, #tpu.memory_space<hbm>>, %arg3: memref<8x320x128xi32, #tpu.memory_space<hbm>>, %arg4: memref<8x320x128xf32, #tpu.memory_space<hbm>>, %arg5: memref<16x10240xf32, #tpu.memory_space<hbm>>, %arg6: memref<32x4x10240xf32, #tpu.memory_space<hbm>>, %arg7: memref<16x128xi32, #tpu.memory_space<vmem>>, %arg8: memref<16x128xi32, #tpu.memory_space<vmem>>, %arg9: memref<16x128xf32, #tpu.memory_space<vmem>>, %arg10: memref<4x10240xf32, #tpu.memory_space<vmem>>, %arg11: memref<4x10240xf32, #tpu.memory_space<vmem>>) attributes {dimension_semantics = [#tpu.dimension_semantics<core_parallel>, #tpu.dimension_semantics<subcore_parallel>], iteration_bounds = array<i64: 2, 16>, scalar_prefetch = 0 : i64, scratch_operands = 5 : i64, tpu.core_type = #tpu.core_type<sc_vector_subcore>, window_params = [{transform_indices = #map}, {transform_indices = #map}, {transform_indices = #map}, {transform_indices = #map1}, {transform_indices = #map}]} {
    %mul3A = arith.constant 2 : i32
    %mul3A_0 = arith.muli %arg1, %mul3A : i32
    %add3A = arith.addi %mul3A_0, %arg0 : i32
    %mul3A_1 = arith.constant 4 : i32
    %mul3A_2 = arith.muli %arg0, %mul3A_1 : i32
    %jit3A = arith.constant 4 : i32
    %div3A = arith.divsi %arg1, %jit3A : i32
    %sign3A = arith.constant 0 : i32
    %sign3A_3 = arith.cmpi sgt, %arg1, %sign3A : i32
    %sign3A_4 = arith.extui %sign3A_3 : i1 to i32
    %sign3A_5 = arith.constant 0 : i32
    %sign3A_6 = arith.cmpi slt, %arg1, %sign3A_5 : i32
    %sign3A_7 = arith.extui %sign3A_6 : i1 to i32
    %sign3A_8 = arith.subi %sign3A_4, %sign3A_7 : i32
    %sign3A_9 = arith.constant 0 : i32
    %sign3A_10 = arith.cmpi sgt, %jit3A, %sign3A_9 : i32
    %sign3A_11 = arith.extui %sign3A_10 : i1 to i32
    %sign3A_12 = arith.constant 0 : i32
    %sign3A_13 = arith.cmpi slt, %jit3A, %sign3A_12 : i32
    %sign3A_14 = arith.extui %sign3A_13 : i1 to i32
    %sign3A_15 = arith.subi %sign3A_11, %sign3A_14 : i32
    %ne3A = arith.cmpi ne, %sign3A_8, %sign3A_15 : i32
    %rem3A = arith.remsi %arg1, %jit3A : i32
    %ne3A_16 = arith.constant 0 : i32
    %ne3A_17 = arith.cmpi ne, %rem3A, %ne3A_16 : i32
    %and3A = arith.andi %ne3A, %ne3A_17 : i1
    %sub3A = arith.constant 1 : i32
    %sub3A_18 = arith.subi %div3A, %sub3A : i32
    %select_n3A = arith.select %and3A, %sub3A_18, %div3A : i32
    %add3A_19 = arith.addi %mul3A_2, %select_n3A : i32
    %jit3A_20 = arith.constant 4 : i32
    %eq3A = arith.constant 0 : i32
    %eq3A_21 = arith.cmpi eq, %jit3A_20, %eq3A : i32
    %jit3A_22 = arith.constant 1 : i32
    %select_n3A_23 = arith.select %eq3A_21, %jit3A_22, %jit3A_20 : i32
    %rem3A_24 = arith.remsi %arg1, %select_n3A_23 : i32
    %ne3A_25 = arith.constant 0 : i32
    %ne3A_26 = arith.cmpi ne, %rem3A_24, %ne3A_25 : i32
    %lt3A = arith.constant 0 : i32
    %lt3A_27 = arith.cmpi slt, %rem3A_24, %lt3A : i32
    %lt3A_28 = arith.constant 0 : i32
    %lt3A_29 = arith.cmpi slt, %select_n3A_23, %lt3A_28 : i32
    %ne3A_30 = arith.xori %lt3A_27, %lt3A_29 : i1
    %and3A_31 = arith.andi %ne3A_30, %ne3A_26 : i1
    %add3A_32 = arith.addi %rem3A_24, %select_n3A_23 : i32
    %select_n3A_33 = arith.select %and3A_31, %add3A_32, %rem3A_24 : i32
    %mul3A_34 = arith.constant 4 : i32
    %mul3A_35 = arith.muli %select_n3A_33, %mul3A_34 : i32
    "tpu.region"() ({
      %run_scoped3A = tpu.sem_alloc : memref<!tpu.dma_semaphore, #tpu.memory_space<semaphore_mem>>
      %dma_start3A = arith.constant 0 : i32
      %dma_start3A_58 = tpu.memref_slice %arg5[%mul3A_35, %dma_start3A] : memref<16x10240xf32, #tpu.memory_space<hbm>> -> memref<4x10240xf32, #tpu.memory_space<hbm>>
      %dma_start3A_59 = arith.constant 0 : i32
      %dma_start3A_60 = tpu.memref_slice %arg5[%mul3A_35, %dma_start3A_59] : memref<16x10240xf32, #tpu.memory_space<hbm>> -> memref<4x10240xf32, #tpu.memory_space<hbm>>
      tpu.enqueue_dma source(%dma_start3A_60 : memref<4x10240xf32, #tpu.memory_space<hbm>>) target(%arg10 : memref<4x10240xf32, #tpu.memory_space<vmem>>) target_semaphore(%run_scoped3A : memref<!tpu.dma_semaphore, #tpu.memory_space<semaphore_mem>>)
      %dma_wait3A = arith.constant 0 : i32
      %dma_wait3A_61 = tpu.memref_slice %arg5[%mul3A_35, %dma_wait3A] : memref<16x10240xf32, #tpu.memory_space<hbm>> -> memref<4x10240xf32, #tpu.memory_space<hbm>>
      %dma_wait3A_62 = arith.constant 0 : i32
      %dma_wait3A_63 = tpu.memref_slice %arg5[%mul3A_35, %dma_wait3A_62] : memref<16x10240xf32, #tpu.memory_space<hbm>> -> memref<4x10240xf32, #tpu.memory_space<hbm>>
      tpu.wait_dma2 semaphore(%run_scoped3A : memref<!tpu.dma_semaphore, #tpu.memory_space<semaphore_mem>>) src(%dma_wait3A_63 : memref<4x10240xf32, #tpu.memory_space<hbm>>) dst(%arg10 : memref<4x10240xf32, #tpu.memory_space<vmem>>)
      tpu.yield
    }) : () -> ()
    %broadcast_in_dim3A = arith.constant 0.000000e+00 : f32
    %broadcast_in_dim3A_36 = vector.broadcast %broadcast_in_dim3A : f32 to vector<16xf32>
    %scan3A = arith.constant 0 : i32
    %scan3A_37 = arith.constant 0 : i32
    %scan3A_38 = arith.constant 640 : i32
    %scan3A_39 = arith.addi %scan3A_37, %scan3A_38 : i32
    %scan3A_40 = arith.constant 8 : i32
    %scan3A_41 = scf.for %scan3A_58 = %scan3A_37 to %scan3A_39 step %scan3A_40 iter_args(%scan3A_59 = %scan3A) -> (i32)  : i32 {
      %mul3A_60 = arith.constant 16 : i32
      %mul3A_61 = arith.muli %scan3A_58, %mul3A_60 : i32
      %swap3A = arith.constant 0 : i32
      %swap3A_62 = arith.index_cast %swap3A : i32 to index
      %swap3A_63 = arith.index_cast %mul3A_61 : i32 to index
      %swap3A_64 = tpu.vector_load %arg11[%swap3A_62, %swap3A_63] {strides = array<i32>} : memref<4x10240xf32, #tpu.memory_space<vmem>>, vector<16xf32>,
      tpu.vector_store %arg11[%swap3A_62, %swap3A_63], %broadcast_in_dim3A_36 {strides = array<i32>} : memref<4x10240xf32, #tpu.memory_space<vmem>>, vector<16xf32>,
      %mul3A_65 = arith.constant 16 : i32
      %mul3A_66 = arith.muli %scan3A_58, %mul3A_65 : i32
      %swap3A_67 = arith.constant 1 : i32
      %swap3A_68 = arith.index_cast %swap3A_67 : i32 to index
      %swap3A_69 = arith.index_cast %mul3A_66 : i32 to index
      %swap3A_70 = tpu.vector_load %arg11[%swap3A_68, %swap3A_69] {strides = array<i32>} : memref<4x10240xf32, #tpu.memory_space<vmem>>, vector<16xf32>,
      tpu.vector_store %arg11[%swap3A_68, %swap3A_69], %broadcast_in_dim3A_36 {strides = array<i32>} : memref<4x10240xf32, #tpu.memory_space<vmem>>, vector<16xf32>,
      %mul3A_71 = arith.constant 16 : i32
      %mul3A_72 = arith.muli %scan3A_58, %mul3A_71 : i32
      %swap3A_73 = arith.constant 2 : i32
      %swap3A_74 = arith.index_cast %swap3A_73 : i32 to index
      %swap3A_75 = arith.index_cast %mul3A_72 : i32 to index
      %swap3A_76 = tpu.vector_load %arg11[%swap3A_74, %swap3A_75] {strides = array<i32>} : memref<4x10240xf32, #tpu.memory_space<vmem>>, vector<16xf32>,
      tpu.vector_store %arg11[%swap3A_74, %swap3A_75], %broadcast_in_dim3A_36 {strides = array<i32>} : memref<4x10240xf32, #tpu.memory_space<vmem>>, vector<16xf32>,
      %mul3A_77 = arith.constant 16 : i32
      %mul3A_78 = arith.muli %scan3A_58, %mul3A_77 : i32
      %swap3A_79 = arith.constant 3 : i32
      %swap3A_80 = arith.index_cast %swap3A_79 : i32 to index
      %swap3A_81 = arith.index_cast %mul3A_78 : i32 to index
      %swap3A_82 = tpu.vector_load %arg11[%swap3A_80, %swap3A_81] {strides = array<i32>} : memref<4x10240xf32, #tpu.memory_space<vmem>>, vector<16xf32>,
      tpu.vector_store %arg11[%swap3A_80, %swap3A_81], %broadcast_in_dim3A_36 {strides = array<i32>} : memref<4x10240xf32, #tpu.memory_space<vmem>>, vector<16xf32>,
      %scan3A_83 = arith.constant 0 : i32
      %scan3A_84 = arith.constant 1 : i32
      %scan3A_85 = arith.addi %scan3A_58, %scan3A_84 : i32
      %mul3A_86 = arith.constant 16 : i32
      %mul3A_87 = arith.muli %scan3A_85, %mul3A_86 : i32
      %swap3A_88 = arith.constant 0 : i32
      %swap3A_89 = arith.index_cast %swap3A_88 : i32 to index
      %swap3A_90 = arith.index_cast %mul3A_87 : i32 to index
      %swap3A_91 = tpu.vector_load %arg11[%swap3A_89, %swap3A_90] {strides = array<i32>} : memref<4x10240xf32, #tpu.memory_space<vmem>>, vector<16xf32>,
      tpu.vector_store %arg11[%swap3A_89, %swap3A_90], %broadcast_in_dim3A_36 {strides = array<i32>} : memref<4x10240xf32, #tpu.memory_space<vmem>>, vector<16xf32>,
      %mul3A_92 = arith.constant 16 : i32
      %mul3A_93 = arith.muli %scan3A_85, %mul3A_92 : i32
      %swap3A_94 = arith.constant 1 : i32
      %swap3A_95 = arith.index_cast %swap3A_94 : i32 to index
      %swap3A_96 = arith.index_cast %mul3A_93 : i32 to index
      %swap3A_97 = tpu.vector_load %arg11[%swap3A_95, %swap3A_96] {strides = array<i32>} : memref<4x10240xf32, #tpu.memory_space<vmem>>, vector<16xf32>,
      tpu.vector_store %arg11[%swap3A_95, %swap3A_96], %broadcast_in_dim3A_36 {strides = array<i32>} : memref<4x10240xf32, #tpu.memory_space<vmem>>, vector<16xf32>,
      %mul3A_98 = arith.constant 16 : i32
      %mul3A_99 = arith.muli %scan3A_85, %mul3A_98 : i32
      %swap3A_100 = arith.constant 2 : i32
      %swap3A_101 = arith.index_cast %swap3A_100 : i32 to index
      %swap3A_102 = arith.index_cast %mul3A_99 : i32 to index
      %swap3A_103 = tpu.vector_load %arg11[%swap3A_101, %swap3A_102] {strides = array<i32>} : memref<4x10240xf32, #tpu.memory_space<vmem>>, vector<16xf32>,
      tpu.vector_store %arg11[%swap3A_101, %swap3A_102], %broadcast_in_dim3A_36 {strides = array<i32>} : memref<4x10240xf32, #tpu.memory_space<vmem>>, vector<16xf32>,
      %mul3A_104 = arith.constant 16 : i32
      %mul3A_105 = arith.muli %scan3A_85, %mul3A_104 : i32
      %swap3A_106 = arith.constant 3 : i32
      %swap3A_107 = arith.index_cast %swap3A_106 : i32 to index
      %swap3A_108 = arith.index_cast %mul3A_105 : i32 to index
      %swap3A_109 = tpu.vector_load %arg11[%swap3A_107, %swap3A_108] {strides = array<i32>} : memref<4x10240xf32, #tpu.memory_space<vmem>>, vector<16xf32>,
      tpu.vector_store %arg11[%swap3A_107, %swap3A_108], %broadcast_in_dim3A_36 {strides = array<i32>} : memref<4x10240xf32, #tpu.memory_space<vmem>>, vector<16xf32>,
      %scan3A_110 = arith.constant 0 : i32
      %scan3A_111 = arith.constant 2 : i32
      %scan3A_112 = arith.addi %scan3A_58, %scan3A_111 : i32
      %mul3A_113 = arith.constant 16 : i32
      %mul3A_114 = arith.muli %scan3A_112, %mul3A_113 : i32
      %swap3A_115 = arith.constant 0 : i32
      %swap3A_116 = arith.index_cast %swap3A_115 : i32 to index
      %swap3A_117 = arith.index_cast %mul3A_114 : i32 to index
      %swap3A_118 = tpu.vector_load %arg11[%swap3A_116, %swap3A_117] {strides = array<i32>} : memref<4x10240xf32, #tpu.memory_space<vmem>>, vector<16xf32>,
      tpu.vector_store %arg11[%swap3A_116, %swap3A_117], %broadcast_in_dim3A_36 {strides = array<i32>} : memref<4x10240xf32, #tpu.memory_space<vmem>>, vector<16xf32>,
      %mul3A_119 = arith.constant 16 : i32
      %mul3A_120 = arith.muli %scan3A_112, %mul3A_119 : i32
      %swap3A_121 = arith.constant 1 : i32
      %swap3A_122 = arith.index_cast %swap3A_121 : i32 to index
      %swap3A_123 = arith.index_cast %mul3A_120 : i32 to index
      %swap3A_124 = tpu.vector_load %arg11[%swap3A_122, %swap3A_123] {strides = array<i32>} : memref<4x10240xf32, #tpu.memory_space<vmem>>, vector<16xf32>,
      tpu.vector_store %arg11[%swap3A_122, %swap3A_123], %broadcast_in_dim3A_36 {strides = array<i32>} : memref<4x10240xf32, #tpu.memory_space<vmem>>, vector<16xf32>,
      %mul3A_125 = arith.constant 16 : i32
      %mul3A_126 = arith.muli %scan3A_112, %mul3A_125 : i32
      %swap3A_127 = arith.constant 2 : i32
      %swap3A_128 = arith.index_cast %swap3A_127 : i32 to index
      %swap3A_129 = arith.index_cast %mul3A_126 : i32 to index
      %swap3A_130 = tpu.vector_load %arg11[%swap3A_128, %swap3A_129] {strides = array<i32>} : memref<4x10240xf32, #tpu.memory_space<vmem>>, vector<16xf32>,
      tpu.vector_store %arg11[%swap3A_128, %swap3A_129], %broadcast_in_dim3A_36 {strides = array<i32>} : memref<4x10240xf32, #tpu.memory_space<vmem>>, vector<16xf32>,
      %mul3A_131 = arith.constant 16 : i32
      %mul3A_132 = arith.muli %scan3A_112, %mul3A_131 : i32
      %swap3A_133 = arith.constant 3 : i32
      %swap3A_134 = arith.index_cast %swap3A_133 : i32 to index
      %swap3A_135 = arith.index_cast %mul3A_132 : i32 to index
      %swap3A_136 = tpu.vector_load %arg11[%swap3A_134, %swap3A_135] {strides = array<i32>} : memref<4x10240xf32, #tpu.memory_space<vmem>>, vector<16xf32>,
      tpu.vector_store %arg11[%swap3A_134, %swap3A_135], %broadcast_in_dim3A_36 {strides = array<i32>} : memref<4x10240xf32, #tpu.memory_space<vmem>>, vector<16xf32>,
      %scan3A_137 = arith.constant 0 : i32
      %scan3A_138 = arith.constant 3 : i32
      %scan3A_139 = arith.addi %scan3A_58, %scan3A_138 : i32
      %mul3A_140 = arith.constant 16 : i32
      %mul3A_141 = arith.muli %scan3A_139, %mul3A_140 : i32
      %swap3A_142 = arith.constant 0 : i32
      %swap3A_143 = arith.index_cast %swap3A_142 : i32 to index
      %swap3A_144 = arith.index_cast %mul3A_141 : i32 to index
      %swap3A_145 = tpu.vector_load %arg11[%swap3A_143, %swap3A_144] {strides = array<i32>} : memref<4x10240xf32, #tpu.memory_space<vmem>>, vector<16xf32>,
      tpu.vector_store %arg11[%swap3A_143, %swap3A_144], %broadcast_in_dim3A_36 {strides = array<i32>} : memref<4x10240xf32, #tpu.memory_space<vmem>>, vector<16xf32>,
      %mul3A_146 = arith.constant 16 : i32
      %mul3A_147 = arith.muli %scan3A_139, %mul3A_146 : i32
      %swap3A_148 = arith.constant 1 : i32
      %swap3A_149 = arith.index_cast %swap3A_148 : i32 to index
      %swap3A_150 = arith.index_cast %mul3A_147 : i32 to index
      %swap3A_151 = tpu.vector_load %arg11[%swap3A_149, %swap3A_150] {strides = array<i32>} : memref<4x10240xf32, #tpu.memory_space<vmem>>, vector<16xf32>,
      tpu.vector_store %arg11[%swap3A_149, %swap3A_150], %broadcast_in_dim3A_36 {strides = array<i32>} : memref<4x10240xf32, #tpu.memory_space<vmem>>, vector<16xf32>,
      %mul3A_152 = arith.constant 16 : i32
      %mul3A_153 = arith.muli %scan3A_139, %mul3A_152 : i32
      %swap3A_154 = arith.constant 2 : i32
      %swap3A_155 = arith.index_cast %swap3A_154 : i32 to index
      %swap3A_156 = arith.index_cast %mul3A_153 : i32 to index
      %swap3A_157 = tpu.vector_load %arg11[%swap3A_155, %swap3A_156] {strides = array<i32>} : memref<4x10240xf32, #tpu.memory_space<vmem>>, vector<16xf32>,
      tpu.vector_store %arg11[%swap3A_155, %swap3A_156], %broadcast_in_dim3A_36 {strides = array<i32>} : memref<4x10240xf32, #tpu.memory_space<vmem>>, vector<16xf32>,
      %mul3A_158 = arith.constant 16 : i32
      %mul3A_159 = arith.muli %scan3A_139, %mul3A_158 : i32
      %swap3A_160 = arith.constant 3 : i32
      %swap3A_161 = arith.index_cast %swap3A_160 : i32 to index
      %swap3A_162 = arith.index_cast %mul3A_159 : i32 to index
      %swap3A_163 = tpu.vector_load %arg11[%swap3A_161, %swap3A_162] {strides = array<i32>} : memref<4x10240xf32, #tpu.memory_space<vmem>>, vector<16xf32>,
      tpu.vector_store %arg11[%swap3A_161, %swap3A_162], %broadcast_in_dim3A_36 {strides = array<i32>} : memref<4x10240xf32, #tpu.memory_space<vmem>>, vector<16xf32>,
      %scan3A_164 = arith.constant 0 : i32
      %scan3A_165 = arith.constant 4 : i32
      %scan3A_166 = arith.addi %scan3A_58, %scan3A_165 : i32
      %mul3A_167 = arith.constant 16 : i32
      %mul3A_168 = arith.muli %scan3A_166, %mul3A_167 : i32
      %swap3A_169 = arith.constant 0 : i32
      %swap3A_170 = arith.index_cast %swap3A_169 : i32 to index
      %swap3A_171 = arith.index_cast %mul3A_168 : i32 to index
      %swap3A_172 = tpu.vector_load %arg11[%swap3A_170, %swap3A_171] {strides = array<i32>} : memref<4x10240xf32, #tpu.memory_space<vmem>>, vector<16xf32>,
      tpu.vector_store %arg11[%swap3A_170, %swap3A_171], %broadcast_in_dim3A_36 {strides = array<i32>} : memref<4x10240xf32, #tpu.memory_space<vmem>>, vector<16xf32>,
      %mul3A_173 = arith.constant 16 : i32
      %mul3A_174 = arith.muli %scan3A_166, %mul3A_173 : i32
      %swap3A_175 = arith.constant 1 : i32
      %swap3A_176 = arith.index_cast %swap3A_175 : i32 to index
      %swap3A_177 = arith.index_cast %mul3A_174 : i32 to index
      %swap3A_178 = tpu.vector_load %arg11[%swap3A_176, %swap3A_177] {strides = array<i32>} : memref<4x10240xf32, #tpu.memory_space<vmem>>, vector<16xf32>,
      tpu.vector_store %arg11[%swap3A_176, %swap3A_177], %broadcast_in_dim3A_36 {strides = array<i32>} : memref<4x10240xf32, #tpu.memory_space<vmem>>, vector<16xf32>,
      %mul3A_179 = arith.constant 16 : i32
      %mul3A_180 = arith.muli %scan3A_166, %mul3A_179 : i32
      %swap3A_181 = arith.constant 2 : i32
      %swap3A_182 = arith.index_cast %swap3A_181 : i32 to index
      %swap3A_183 = arith.index_cast %mul3A_180 : i32 to index
      %swap3A_184 = tpu.vector_load %arg11[%swap3A_182, %swap3A_183] {strides = array<i32>} : memref<4x10240xf32, #tpu.memory_space<vmem>>, vector<16xf32>,
      tpu.vector_store %arg11[%swap3A_182, %swap3A_183], %broadcast_in_dim3A_36 {strides = array<i32>} : memref<4x10240xf32, #tpu.memory_space<vmem>>, vector<16xf32>,
      %mul3A_185 = arith.constant 16 : i32
      %mul3A_186 = arith.muli %scan3A_166, %mul3A_185 : i32
      %swap3A_187 = arith.constant 3 : i32
      %swap3A_188 = arith.index_cast %swap3A_187 : i32 to index
      %swap3A_189 = arith.index_cast %mul3A_186 : i32 to index
      %swap3A_190 = tpu.vector_load %arg11[%swap3A_188, %swap3A_189] {strides = array<i32>} : memref<4x10240xf32, #tpu.memory_space<vmem>>, vector<16xf32>,
      tpu.vector_store %arg11[%swap3A_188, %swap3A_189], %broadcast_in_dim3A_36 {strides = array<i32>} : memref<4x10240xf32, #tpu.memory_space<vmem>>, vector<16xf32>,
      %scan3A_191 = arith.constant 0 : i32
      %scan3A_192 = arith.constant 5 : i32
      %scan3A_193 = arith.addi %scan3A_58, %scan3A_192 : i32
      %mul3A_194 = arith.constant 16 : i32
      %mul3A_195 = arith.muli %scan3A_193, %mul3A_194 : i32
      %swap3A_196 = arith.constant 0 : i32
      %swap3A_197 = arith.index_cast %swap3A_196 : i32 to index
      %swap3A_198 = arith.index_cast %mul3A_195 : i32 to index
      %swap3A_199 = tpu.vector_load %arg11[%swap3A_197, %swap3A_198] {strides = array<i32>} : memref<4x10240xf32, #tpu.memory_space<vmem>>, vector<16xf32>,
      tpu.vector_store %arg11[%swap3A_197, %swap3A_198], %broadcast_in_dim3A_36 {strides = array<i32>} : memref<4x10240xf32, #tpu.memory_space<vmem>>, vector<16xf32>,
      %mul3A_200 = arith.constant 16 : i32
      %mul3A_201 = arith.muli %scan3A_193, %mul3A_200 : i32
      %swap3A_202 = arith.constant 1 : i32
      %swap3A_203 = arith.index_cast %swap3A_202 : i32 to index
      %swap3A_204 = arith.index_cast %mul3A_201 : i32 to index
      %swap3A_205 = tpu.vector_load %arg11[%swap3A_203, %swap3A_204] {strides = array<i32>} : memref<4x10240xf32, #tpu.memory_space<vmem>>, vector<16xf32>,
      tpu.vector_store %arg11[%swap3A_203, %swap3A_204], %broadcast_in_dim3A_36 {strides = array<i32>} : memref<4x10240xf32, #tpu.memory_space<vmem>>, vector<16xf32>,
      %mul3A_206 = arith.constant 16 : i32
      %mul3A_207 = arith.muli %scan3A_193, %mul3A_206 : i32
      %swap3A_208 = arith.constant 2 : i32
      %swap3A_209 = arith.index_cast %swap3A_208 : i32 to index
      %swap3A_210 = arith.index_cast %mul3A_207 : i32 to index
      %swap3A_211 = tpu.vector_load %arg11[%swap3A_209, %swap3A_210] {strides = array<i32>} : memref<4x10240xf32, #tpu.memory_space<vmem>>, vector<16xf32>,
      tpu.vector_store %arg11[%swap3A_209, %swap3A_210], %broadcast_in_dim3A_36 {strides = array<i32>} : memref<4x10240xf32, #tpu.memory_space<vmem>>, vector<16xf32>,
      %mul3A_212 = arith.constant 16 : i32
      %mul3A_213 = arith.muli %scan3A_193, %mul3A_212 : i32
      %swap3A_214 = arith.constant 3 : i32
      %swap3A_215 = arith.index_cast %swap3A_214 : i32 to index
      %swap3A_216 = arith.index_cast %mul3A_213 : i32 to index
      %swap3A_217 = tpu.vector_load %arg11[%swap3A_215, %swap3A_216] {strides = array<i32>} : memref<4x10240xf32, #tpu.memory_space<vmem>>, vector<16xf32>,
      tpu.vector_store %arg11[%swap3A_215, %swap3A_216], %broadcast_in_dim3A_36 {strides = array<i32>} : memref<4x10240xf32, #tpu.memory_space<vmem>>, vector<16xf32>,
      %scan3A_218 = arith.constant 0 : i32
      %scan3A_219 = arith.constant 6 : i32
      %scan3A_220 = arith.addi %scan3A_58, %scan3A_219 : i32
      %mul3A_221 = arith.constant 16 : i32
      %mul3A_222 = arith.muli %scan3A_220, %mul3A_221 : i32
      %swap3A_223 = arith.constant 0 : i32
      %swap3A_224 = arith.index_cast %swap3A_223 : i32 to index
      %swap3A_225 = arith.index_cast %mul3A_222 : i32 to index
      %swap3A_226 = tpu.vector_load %arg11[%swap3A_224, %swap3A_225] {strides = array<i32>} : memref<4x10240xf32, #tpu.memory_space<vmem>>, vector<16xf32>,
      tpu.vector_store %arg11[%swap3A_224, %swap3A_225], %broadcast_in_dim3A_36 {strides = array<i32>} : memref<4x10240xf32, #tpu.memory_space<vmem>>, vector<16xf32>,
      %mul3A_227 = arith.constant 16 : i32
      %mul3A_228 = arith.muli %scan3A_220, %mul3A_227 : i32
      %swap3A_229 = arith.constant 1 : i32
      %swap3A_230 = arith.index_cast %swap3A_229 : i32 to index
      %swap3A_231 = arith.index_cast %mul3A_228 : i32 to index
      %swap3A_232 = tpu.vector_load %arg11[%swap3A_230, %swap3A_231] {strides = array<i32>} : memref<4x10240xf32, #tpu.memory_space<vmem>>, vector<16xf32>,
      tpu.vector_store %arg11[%swap3A_230, %swap3A_231], %broadcast_in_dim3A_36 {strides = array<i32>} : memref<4x10240xf32, #tpu.memory_space<vmem>>, vector<16xf32>,
      %mul3A_233 = arith.constant 16 : i32
      %mul3A_234 = arith.muli %scan3A_220, %mul3A_233 : i32
      %swap3A_235 = arith.constant 2 : i32
      %swap3A_236 = arith.index_cast %swap3A_235 : i32 to index
      %swap3A_237 = arith.index_cast %mul3A_234 : i32 to index
      %swap3A_238 = tpu.vector_load %arg11[%swap3A_236, %swap3A_237] {strides = array<i32>} : memref<4x10240xf32, #tpu.memory_space<vmem>>, vector<16xf32>,
      tpu.vector_store %arg11[%swap3A_236, %swap3A_237], %broadcast_in_dim3A_36 {strides = array<i32>} : memref<4x10240xf32, #tpu.memory_space<vmem>>, vector<16xf32>,
      %mul3A_239 = arith.constant 16 : i32
      %mul3A_240 = arith.muli %scan3A_220, %mul3A_239 : i32
      %swap3A_241 = arith.constant 3 : i32
      %swap3A_242 = arith.index_cast %swap3A_241 : i32 to index
      %swap3A_243 = arith.index_cast %mul3A_240 : i32 to index
      %swap3A_244 = tpu.vector_load %arg11[%swap3A_242, %swap3A_243] {strides = array<i32>} : memref<4x10240xf32, #tpu.memory_space<vmem>>, vector<16xf32>,
      tpu.vector_store %arg11[%swap3A_242, %swap3A_243], %broadcast_in_dim3A_36 {strides = array<i32>} : memref<4x10240xf32, #tpu.memory_space<vmem>>, vector<16xf32>,
      %scan3A_245 = arith.constant 0 : i32
      %scan3A_246 = arith.constant 7 : i32
      %scan3A_247 = arith.addi %scan3A_58, %scan3A_246 : i32
      %mul3A_248 = arith.constant 16 : i32
      %mul3A_249 = arith.muli %scan3A_247, %mul3A_248 : i32
      %swap3A_250 = arith.constant 0 : i32
      %swap3A_251 = arith.index_cast %swap3A_250 : i32 to index
      %swap3A_252 = arith.index_cast %mul3A_249 : i32 to index
      %swap3A_253 = tpu.vector_load %arg11[%swap3A_251, %swap3A_252] {strides = array<i32>} : memref<4x10240xf32, #tpu.memory_space<vmem>>, vector<16xf32>,
      tpu.vector_store %arg11[%swap3A_251, %swap3A_252], %broadcast_in_dim3A_36 {strides = array<i32>} : memref<4x10240xf32, #tpu.memory_space<vmem>>, vector<16xf32>,
      %mul3A_254 = arith.constant 16 : i32
      %mul3A_255 = arith.muli %scan3A_247, %mul3A_254 : i32
      %swap3A_256 = arith.constant 1 : i32
      %swap3A_257 = arith.index_cast %swap3A_256 : i32 to index
      %swap3A_258 = arith.index_cast %mul3A_255 : i32 to index
      %swap3A_259 = tpu.vector_load %arg11[%swap3A_257, %swap3A_258] {strides = array<i32>} : memref<4x10240xf32, #tpu.memory_space<vmem>>, vector<16xf32>,
      tpu.vector_store %arg11[%swap3A_257, %swap3A_258], %broadcast_in_dim3A_36 {strides = array<i32>} : memref<4x10240xf32, #tpu.memory_space<vmem>>, vector<16xf32>,
      %mul3A_260 = arith.constant 16 : i32
      %mul3A_261 = arith.muli %scan3A_247, %mul3A_260 : i32
      %swap3A_262 = arith.constant 2 : i32
      %swap3A_263 = arith.index_cast %swap3A_262 : i32 to index
      %swap3A_264 = arith.index_cast %mul3A_261 : i32 to index
      %swap3A_265 = tpu.vector_load %arg11[%swap3A_263, %swap3A_264] {strides = array<i32>} : memref<4x10240xf32, #tpu.memory_space<vmem>>, vector<16xf32>,
      tpu.vector_store %arg11[%swap3A_263, %swap3A_264], %broadcast_in_dim3A_36 {strides = array<i32>} : memref<4x10240xf32, #tpu.memory_space<vmem>>, vector<16xf32>,
      %mul3A_266 = arith.constant 16 : i32
      %mul3A_267 = arith.muli %scan3A_247, %mul3A_266 : i32
      %swap3A_268 = arith.constant 3 : i32
      %swap3A_269 = arith.index_cast %swap3A_268 : i32 to index
      %swap3A_270 = arith.index_cast %mul3A_267 : i32 to index
      %swap3A_271 = tpu.vector_load %arg11[%swap3A_269, %swap3A_270] {strides = array<i32>} : memref<4x10240xf32, #tpu.memory_space<vmem>>, vector<16xf32>,
      tpu.vector_store %arg11[%swap3A_269, %swap3A_270], %broadcast_in_dim3A_36 {strides = array<i32>} : memref<4x10240xf32, #tpu.memory_space<vmem>>, vector<16xf32>,
      %scan3A_272 = arith.constant 0 : i32
      scf.yield %scan3A_272 : i32
    }
    %scan3A_42 = arith.constant 640 : i32
    %broadcast_in_dim3A_43 = arith.constant 0 : i32
    %broadcast_in_dim3A_44 = vector.broadcast %broadcast_in_dim3A_43 : i32 to vector<16xi32>
    %broadcast_in_dim3A_45 = arith.constant 1 : i32
    %broadcast_in_dim3A_46 = vector.broadcast %broadcast_in_dim3A_45 : i32 to vector<16xi32>
    %broadcast_in_dim3A_47 = arith.constant 2 : i32
    %broadcast_in_dim3A_48 = vector.broadcast %broadcast_in_dim3A_47 : i32 to vector<16xi32>
    %broadcast_in_dim3A_49 = arith.constant 3 : i32
    %broadcast_in_dim3A_50 = vector.broadcast %broadcast_in_dim3A_49 : i32 to vector<16xi32>
    %scan3A_51 = arith.constant 0 : i32
    %scan3A_52 = arith.constant 0 : i32
    %scan3A_53 = arith.constant 20 : i32
    %scan3A_54 = arith.addi %scan3A_52, %scan3A_53 : i32
    %scan3A_55 = arith.constant 1 : i32
    %scan3A_56 = scf.for %scan3A_58 = %scan3A_52 to %scan3A_54 step %scan3A_55 iter_args(%scan3A_59 = %scan3A_51) -> (i32)  : i32 {
      %mul3A_60 = arith.constant 16 : i32
      %mul3A_61 = arith.muli %scan3A_58, %mul3A_60 : i32
      "tpu.region"() ({
        %run_scoped3A = tpu.sem_alloc : memref<!tpu.dma_semaphore, #tpu.memory_space<semaphore_mem>>
        %dma_start3A = arith.constant 0 : i32
        %dma_start3A_74 = tpu.memref_slice %arg2[%add3A_19, %mul3A_61, %dma_start3A] : memref<8x320x128xi32, #tpu.memory_space<hbm>> -> memref<1x16x128xi32, #tpu.memory_space<hbm>>
        %dma_start3A_75 = tpu.memref_squeeze %dma_start3A_74 : memref<1x16x128xi32, #tpu.memory_space<hbm>> -> memref<16x128xi32, #tpu.memory_space<hbm>>
        %dma_start3A_76 = arith.constant 0 : i32
        %dma_start3A_77 = tpu.memref_slice %arg2[%add3A_19, %mul3A_61, %dma_start3A_76] : memref<8x320x128xi32, #tpu.memory_space<hbm>> -> memref<1x16x128xi32, #tpu.memory_space<hbm>>
        %dma_start3A_78 = tpu.memref_squeeze %dma_start3A_77 : memref<1x16x128xi32, #tpu.memory_space<hbm>> -> memref<16x128xi32, #tpu.memory_space<hbm>>
        tpu.enqueue_dma source(%dma_start3A_78 : memref<16x128xi32, #tpu.memory_space<hbm>>) target(%arg7 : memref<16x128xi32, #tpu.memory_space<vmem>>) target_semaphore(%run_scoped3A : memref<!tpu.dma_semaphore, #tpu.memory_space<semaphore_mem>>)
        %dma_wait3A = arith.constant 0 : i32
        %dma_wait3A_79 = tpu.memref_slice %arg2[%add3A_19, %mul3A_61, %dma_wait3A] : memref<8x320x128xi32, #tpu.memory_space<hbm>> -> memref<1x16x128xi32, #tpu.memory_space<hbm>>
        %dma_wait3A_80 = tpu.memref_squeeze %dma_wait3A_79 : memref<1x16x128xi32, #tpu.memory_space<hbm>> -> memref<16x128xi32, #tpu.memory_space<hbm>>
        %dma_wait3A_81 = arith.constant 0 : i32
        %dma_wait3A_82 = tpu.memref_slice %arg2[%add3A_19, %mul3A_61, %dma_wait3A_81] : memref<8x320x128xi32, #tpu.memory_space<hbm>> -> memref<1x16x128xi32, #tpu.memory_space<hbm>>
        %dma_wait3A_83 = tpu.memref_squeeze %dma_wait3A_82 : memref<1x16x128xi32, #tpu.memory_space<hbm>> -> memref<16x128xi32, #tpu.memory_space<hbm>>
        tpu.wait_dma2 semaphore(%run_scoped3A : memref<!tpu.dma_semaphore, #tpu.memory_space<semaphore_mem>>) src(%dma_wait3A_83 : memref<16x128xi32, #tpu.memory_space<hbm>>) dst(%arg7 : memref<16x128xi32, #tpu.memory_space<vmem>>)
        tpu.yield
      }) : () -> ()
      %mul3A_62 = arith.constant 16 : i32
      %mul3A_63 = arith.muli %scan3A_58, %mul3A_62 : i32
      "tpu.region"() ({
        %run_scoped3A = tpu.sem_alloc : memref<!tpu.dma_semaphore, #tpu.memory_space<semaphore_mem>>
        %dma_start3A = arith.constant 0 : i32
        %dma_start3A_74 = tpu.memref_slice %arg3[%add3A_19, %mul3A_63, %dma_start3A] : memref<8x320x128xi32, #tpu.memory_space<hbm>> -> memref<1x16x128xi32, #tpu.memory_space<hbm>>
        %dma_start3A_75 = tpu.memref_squeeze %dma_start3A_74 : memref<1x16x128xi32, #tpu.memory_space<hbm>> -> memref<16x128xi32, #tpu.memory_space<hbm>>
        %dma_start3A_76 = arith.constant 0 : i32
        %dma_start3A_77 = tpu.memref_slice %arg3[%add3A_19, %mul3A_63, %dma_start3A_76] : memref<8x320x128xi32, #tpu.memory_space<hbm>> -> memref<1x16x128xi32, #tpu.memory_space<hbm>>
        %dma_start3A_78 = tpu.memref_squeeze %dma_start3A_77 : memref<1x16x128xi32, #tpu.memory_space<hbm>> -> memref<16x128xi32, #tpu.memory_space<hbm>>
        tpu.enqueue_dma source(%dma_start3A_78 : memref<16x128xi32, #tpu.memory_space<hbm>>) target(%arg8 : memref<16x128xi32, #tpu.memory_space<vmem>>) target_semaphore(%run_scoped3A : memref<!tpu.dma_semaphore, #tpu.memory_space<semaphore_mem>>)
        %dma_wait3A = arith.constant 0 : i32
        %dma_wait3A_79 = tpu.memref_slice %arg3[%add3A_19, %mul3A_63, %dma_wait3A] : memref<8x320x128xi32, #tpu.memory_space<hbm>> -> memref<1x16x128xi32, #tpu.memory_space<hbm>>
        %dma_wait3A_80 = tpu.memref_squeeze %dma_wait3A_79 : memref<1x16x128xi32, #tpu.memory_space<hbm>> -> memref<16x128xi32, #tpu.memory_space<hbm>>
        %dma_wait3A_81 = arith.constant 0 : i32
        %dma_wait3A_82 = tpu.memref_slice %arg3[%add3A_19, %mul3A_63, %dma_wait3A_81] : memref<8x320x128xi32, #tpu.memory_space<hbm>> -> memref<1x16x128xi32, #tpu.memory_space<hbm>>
        %dma_wait3A_83 = tpu.memref_squeeze %dma_wait3A_82 : memref<1x16x128xi32, #tpu.memory_space<hbm>> -> memref<16x128xi32, #tpu.memory_space<hbm>>
        tpu.wait_dma2 semaphore(%run_scoped3A : memref<!tpu.dma_semaphore, #tpu.memory_space<semaphore_mem>>) src(%dma_wait3A_83 : memref<16x128xi32, #tpu.memory_space<hbm>>) dst(%arg8 : memref<16x128xi32, #tpu.memory_space<vmem>>)
        tpu.yield
      }) : () -> ()
      %mul3A_64 = arith.constant 16 : i32
      %mul3A_65 = arith.muli %scan3A_58, %mul3A_64 : i32
      "tpu.region"() ({
        %run_scoped3A = tpu.sem_alloc : memref<!tpu.dma_semaphore, #tpu.memory_space<semaphore_mem>>
        %dma_start3A = arith.constant 0 : i32
        %dma_start3A_74 = tpu.memref_slice %arg4[%add3A_19, %mul3A_65, %dma_start3A] : memref<8x320x128xf32, #tpu.memory_space<hbm>> -> memref<1x16x128xf32, #tpu.memory_space<hbm>>
        %dma_start3A_75 = tpu.memref_squeeze %dma_start3A_74 : memref<1x16x128xf32, #tpu.memory_space<hbm>> -> memref<16x128xf32, #tpu.memory_space<hbm>>
        %dma_start3A_76 = arith.constant 0 : i32
        %dma_start3A_77 = tpu.memref_slice %arg4[%add3A_19, %mul3A_65, %dma_start3A_76] : memref<8x320x128xf32, #tpu.memory_space<hbm>> -> memref<1x16x128xf32, #tpu.memory_space<hbm>>
        %dma_start3A_78 = tpu.memref_squeeze %dma_start3A_77 : memref<1x16x128xf32, #tpu.memory_space<hbm>> -> memref<16x128xf32, #tpu.memory_space<hbm>>
        tpu.enqueue_dma source(%dma_start3A_78 : memref<16x128xf32, #tpu.memory_space<hbm>>) target(%arg9 : memref<16x128xf32, #tpu.memory_space<vmem>>) target_semaphore(%run_scoped3A : memref<!tpu.dma_semaphore, #tpu.memory_space<semaphore_mem>>)
        %dma_wait3A = arith.constant 0 : i32
        %dma_wait3A_79 = tpu.memref_slice %arg4[%add3A_19, %mul3A_65, %dma_wait3A] : memref<8x320x128xf32, #tpu.memory_space<hbm>> -> memref<1x16x128xf32, #tpu.memory_space<hbm>>
        %dma_wait3A_80 = tpu.memref_squeeze %dma_wait3A_79 : memref<1x16x128xf32, #tpu.memory_space<hbm>> -> memref<16x128xf32, #tpu.memory_space<hbm>>
        %dma_wait3A_81 = arith.constant 0 : i32
        %dma_wait3A_82 = tpu.memref_slice %arg4[%add3A_19, %mul3A_65, %dma_wait3A_81] : memref<8x320x128xf32, #tpu.memory_space<hbm>> -> memref<1x16x128xf32, #tpu.memory_space<hbm>>
        %dma_wait3A_83 = tpu.memref_squeeze %dma_wait3A_82 : memref<1x16x128xf32, #tpu.memory_space<hbm>> -> memref<16x128xf32, #tpu.memory_space<hbm>>
        tpu.wait_dma2 semaphore(%run_scoped3A : memref<!tpu.dma_semaphore, #tpu.memory_space<semaphore_mem>>) src(%dma_wait3A_83 : memref<16x128xf32, #tpu.memory_space<hbm>>) dst(%arg9 : memref<16x128xf32, #tpu.memory_space<vmem>>)
        tpu.yield
      }) : () -> ()
      %scan3A_66 = arith.constant 0 : i32
      %scan3A_67 = arith.constant 0 : i32
      %scan3A_68 = arith.constant 16 : i32
      %scan3A_69 = arith.addi %scan3A_67, %scan3A_68 : i32
      %scan3A_70 = arith.constant 1 : i32
      %scan3A_71 = scf.for %scan3A_74 = %scan3A_67 to %scan3A_69 step %scan3A_70 iter_args(%scan3A_75 = %scan3A_66) -> (i32)  : i32 {
        %get3A = arith.index_cast %scan3A_74 : i32 to index
        %get3A_76 = arith.constant 0 : index
        %get3A_77 = tpu.vector_load %arg7[%get3A, %get3A_76] {strides = array<i32>} : memref<16x128xi32, #tpu.memory_space<vmem>>, vector<16xi32>,
        %get3A_78 = arith.index_cast %scan3A_74 : i32 to index
        %get3A_79 = arith.constant 0 : index
        %get3A_80 = tpu.vector_load %arg8[%get3A_78, %get3A_79] {strides = array<i32>} : memref<16x128xi32, #tpu.memory_space<vmem>>, vector<16xi32>,
        %get3A_81 = arith.index_cast %scan3A_74 : i32 to index
        %get3A_82 = arith.constant 0 : index
        %get3A_83 = tpu.vector_load %arg9[%get3A_81, %get3A_82] {strides = array<i32>} : memref<16x128xf32, #tpu.memory_space<vmem>>, vector<16xf32>,
        %gather3A = tpu.vector_load_idx %arg10[%broadcast_in_dim3A_44, %get3A_77] : memref<4x10240xf32, #tpu.memory_space<vmem>>[vector<16xi32>, vector<16xi32>], vector<16xf32>,
        %mul3A_84 = arith.mulf %gather3A, %get3A_83 : vector<16xf32>
        tpu.vector_store_idx %arg11[%broadcast_in_dim3A_44, %get3A_80], %mul3A_84 {add = true} : memref<4x10240xf32, #tpu.memory_space<vmem>>[vector<16xi32>, vector<16xi32>], vector<16xf32>,
        %gather3A_85 = tpu.vector_load_idx %arg10[%broadcast_in_dim3A_46, %get3A_77] : memref<4x10240xf32, #tpu.memory_space<vmem>>[vector<16xi32>, vector<16xi32>], vector<16xf32>,
        %mul3A_86 = arith.mulf %gather3A_85, %get3A_83 : vector<16xf32>
        tpu.vector_store_idx %arg11[%broadcast_in_dim3A_46, %get3A_80], %mul3A_86 {add = true} : memref<4x10240xf32, #tpu.memory_space<vmem>>[vector<16xi32>, vector<16xi32>], vector<16xf32>,
        %gather3A_87 = tpu.vector_load_idx %arg10[%broadcast_in_dim3A_48, %get3A_77] : memref<4x10240xf32, #tpu.memory_space<vmem>>[vector<16xi32>, vector<16xi32>], vector<16xf32>,
        %mul3A_88 = arith.mulf %gather3A_87, %get3A_83 : vector<16xf32>
        tpu.vector_store_idx %arg11[%broadcast_in_dim3A_48, %get3A_80], %mul3A_88 {add = true} : memref<4x10240xf32, #tpu.memory_space<vmem>>[vector<16xi32>, vector<16xi32>], vector<16xf32>,
        %gather3A_89 = tpu.vector_load_idx %arg10[%broadcast_in_dim3A_50, %get3A_77] : memref<4x10240xf32, #tpu.memory_space<vmem>>[vector<16xi32>, vector<16xi32>], vector<16xf32>,
        %mul3A_90 = arith.mulf %gather3A_89, %get3A_83 : vector<16xf32>
        tpu.vector_store_idx %arg11[%broadcast_in_dim3A_50, %get3A_80], %mul3A_90 {add = true} : memref<4x10240xf32, #tpu.memory_space<vmem>>[vector<16xi32>, vector<16xi32>], vector<16xf32>,
        %get3A_91 = arith.index_cast %scan3A_74 : i32 to index
        %get3A_92 = arith.constant 16 : index
        %get3A_93 = tpu.vector_load %arg7[%get3A_91, %get3A_92] {strides = array<i32>} : memref<16x128xi32, #tpu.memory_space<vmem>>, vector<16xi32>,
        %get3A_94 = arith.index_cast %scan3A_74 : i32 to index
        %get3A_95 = arith.constant 16 : index
        %get3A_96 = tpu.vector_load %arg8[%get3A_94, %get3A_95] {strides = array<i32>} : memref<16x128xi32, #tpu.memory_space<vmem>>, vector<16xi32>,
        %get3A_97 = arith.index_cast %scan3A_74 : i32 to index
        %get3A_98 = arith.constant 16 : index
        %get3A_99 = tpu.vector_load %arg9[%get3A_97, %get3A_98] {strides = array<i32>} : memref<16x128xf32, #tpu.memory_space<vmem>>, vector<16xf32>,
        %gather3A_100 = tpu.vector_load_idx %arg10[%broadcast_in_dim3A_44, %get3A_93] : memref<4x10240xf32, #tpu.memory_space<vmem>>[vector<16xi32>, vector<16xi32>], vector<16xf32>,
        %mul3A_101 = arith.mulf %gather3A_100, %get3A_99 : vector<16xf32>
        tpu.vector_store_idx %arg11[%broadcast_in_dim3A_44, %get3A_96], %mul3A_101 {add = true} : memref<4x10240xf32, #tpu.memory_space<vmem>>[vector<16xi32>, vector<16xi32>], vector<16xf32>,
        %gather3A_102 = tpu.vector_load_idx %arg10[%broadcast_in_dim3A_46, %get3A_93] : memref<4x10240xf32, #tpu.memory_space<vmem>>[vector<16xi32>, vector<16xi32>], vector<16xf32>,
        %mul3A_103 = arith.mulf %gather3A_102, %get3A_99 : vector<16xf32>
        tpu.vector_store_idx %arg11[%broadcast_in_dim3A_46, %get3A_96], %mul3A_103 {add = true} : memref<4x10240xf32, #tpu.memory_space<vmem>>[vector<16xi32>, vector<16xi32>], vector<16xf32>,
        %gather3A_104 = tpu.vector_load_idx %arg10[%broadcast_in_dim3A_48, %get3A_93] : memref<4x10240xf32, #tpu.memory_space<vmem>>[vector<16xi32>, vector<16xi32>], vector<16xf32>,
        %mul3A_105 = arith.mulf %gather3A_104, %get3A_99 : vector<16xf32>
        tpu.vector_store_idx %arg11[%broadcast_in_dim3A_48, %get3A_96], %mul3A_105 {add = true} : memref<4x10240xf32, #tpu.memory_space<vmem>>[vector<16xi32>, vector<16xi32>], vector<16xf32>,
        %gather3A_106 = tpu.vector_load_idx %arg10[%broadcast_in_dim3A_50, %get3A_93] : memref<4x10240xf32, #tpu.memory_space<vmem>>[vector<16xi32>, vector<16xi32>], vector<16xf32>,
        %mul3A_107 = arith.mulf %gather3A_106, %get3A_99 : vector<16xf32>
        tpu.vector_store_idx %arg11[%broadcast_in_dim3A_50, %get3A_96], %mul3A_107 {add = true} : memref<4x10240xf32, #tpu.memory_space<vmem>>[vector<16xi32>, vector<16xi32>], vector<16xf32>,
        %get3A_108 = arith.index_cast %scan3A_74 : i32 to index
        %get3A_109 = arith.constant 32 : index
        %get3A_110 = tpu.vector_load %arg7[%get3A_108, %get3A_109] {strides = array<i32>} : memref<16x128xi32, #tpu.memory_space<vmem>>, vector<16xi32>,
        %get3A_111 = arith.index_cast %scan3A_74 : i32 to index
        %get3A_112 = arith.constant 32 : index
        %get3A_113 = tpu.vector_load %arg8[%get3A_111, %get3A_112] {strides = array<i32>} : memref<16x128xi32, #tpu.memory_space<vmem>>, vector<16xi32>,
        %get3A_114 = arith.index_cast %scan3A_74 : i32 to index
        %get3A_115 = arith.constant 32 : index
        %get3A_116 = tpu.vector_load %arg9[%get3A_114, %get3A_115] {strides = array<i32>} : memref<16x128xf32, #tpu.memory_space<vmem>>, vector<16xf32>,
        %gather3A_117 = tpu.vector_load_idx %arg10[%broadcast_in_dim3A_44, %get3A_110] : memref<4x10240xf32, #tpu.memory_space<vmem>>[vector<16xi32>, vector<16xi32>], vector<16xf32>,
        %mul3A_118 = arith.mulf %gather3A_117, %get3A_116 : vector<16xf32>
        tpu.vector_store_idx %arg11[%broadcast_in_dim3A_44, %get3A_113], %mul3A_118 {add = true} : memref<4x10240xf32, #tpu.memory_space<vmem>>[vector<16xi32>, vector<16xi32>], vector<16xf32>,
        %gather3A_119 = tpu.vector_load_idx %arg10[%broadcast_in_dim3A_46, %get3A_110] : memref<4x10240xf32, #tpu.memory_space<vmem>>[vector<16xi32>, vector<16xi32>], vector<16xf32>,
        %mul3A_120 = arith.mulf %gather3A_119, %get3A_116 : vector<16xf32>
        tpu.vector_store_idx %arg11[%broadcast_in_dim3A_46, %get3A_113], %mul3A_120 {add = true} : memref<4x10240xf32, #tpu.memory_space<vmem>>[vector<16xi32>, vector<16xi32>], vector<16xf32>,
        %gather3A_121 = tpu.vector_load_idx %arg10[%broadcast_in_dim3A_48, %get3A_110] : memref<4x10240xf32, #tpu.memory_space<vmem>>[vector<16xi32>, vector<16xi32>], vector<16xf32>,
        %mul3A_122 = arith.mulf %gather3A_121, %get3A_116 : vector<16xf32>
        tpu.vector_store_idx %arg11[%broadcast_in_dim3A_48, %get3A_113], %mul3A_122 {add = true} : memref<4x10240xf32, #tpu.memory_space<vmem>>[vector<16xi32>, vector<16xi32>], vector<16xf32>,
        %gather3A_123 = tpu.vector_load_idx %arg10[%broadcast_in_dim3A_50, %get3A_110] : memref<4x10240xf32, #tpu.memory_space<vmem>>[vector<16xi32>, vector<16xi32>], vector<16xf32>,
        %mul3A_124 = arith.mulf %gather3A_123, %get3A_116 : vector<16xf32>
        tpu.vector_store_idx %arg11[%broadcast_in_dim3A_50, %get3A_113], %mul3A_124 {add = true} : memref<4x10240xf32, #tpu.memory_space<vmem>>[vector<16xi32>, vector<16xi32>], vector<16xf32>,
        %get3A_125 = arith.index_cast %scan3A_74 : i32 to index
        %get3A_126 = arith.constant 48 : index
        %get3A_127 = tpu.vector_load %arg7[%get3A_125, %get3A_126] {strides = array<i32>} : memref<16x128xi32, #tpu.memory_space<vmem>>, vector<16xi32>,
        %get3A_128 = arith.index_cast %scan3A_74 : i32 to index
        %get3A_129 = arith.constant 48 : index
        %get3A_130 = tpu.vector_load %arg8[%get3A_128, %get3A_129] {strides = array<i32>} : memref<16x128xi32, #tpu.memory_space<vmem>>, vector<16xi32>,
        %get3A_131 = arith.index_cast %scan3A_74 : i32 to index
        %get3A_132 = arith.constant 48 : index
        %get3A_133 = tpu.vector_load %arg9[%get3A_131, %get3A_132] {strides = array<i32>} : memref<16x128xf32, #tpu.memory_space<vmem>>, vector<16xf32>,
        %gather3A_134 = tpu.vector_load_idx %arg10[%broadcast_in_dim3A_44, %get3A_127] : memref<4x10240xf32, #tpu.memory_space<vmem>>[vector<16xi32>, vector<16xi32>], vector<16xf32>,
        %mul3A_135 = arith.mulf %gather3A_134, %get3A_133 : vector<16xf32>
        tpu.vector_store_idx %arg11[%broadcast_in_dim3A_44, %get3A_130], %mul3A_135 {add = true} : memref<4x10240xf32, #tpu.memory_space<vmem>>[vector<16xi32>, vector<16xi32>], vector<16xf32>,
        %gather3A_136 = tpu.vector_load_idx %arg10[%broadcast_in_dim3A_46, %get3A_127] : memref<4x10240xf32, #tpu.memory_space<vmem>>[vector<16xi32>, vector<16xi32>], vector<16xf32>,
        %mul3A_137 = arith.mulf %gather3A_136, %get3A_133 : vector<16xf32>
        tpu.vector_store_idx %arg11[%broadcast_in_dim3A_46, %get3A_130], %mul3A_137 {add = true} : memref<4x10240xf32, #tpu.memory_space<vmem>>[vector<16xi32>, vector<16xi32>], vector<16xf32>,
        %gather3A_138 = tpu.vector_load_idx %arg10[%broadcast_in_dim3A_48, %get3A_127] : memref<4x10240xf32, #tpu.memory_space<vmem>>[vector<16xi32>, vector<16xi32>], vector<16xf32>,
        %mul3A_139 = arith.mulf %gather3A_138, %get3A_133 : vector<16xf32>
        tpu.vector_store_idx %arg11[%broadcast_in_dim3A_48, %get3A_130], %mul3A_139 {add = true} : memref<4x10240xf32, #tpu.memory_space<vmem>>[vector<16xi32>, vector<16xi32>], vector<16xf32>,
        %gather3A_140 = tpu.vector_load_idx %arg10[%broadcast_in_dim3A_50, %get3A_127] : memref<4x10240xf32, #tpu.memory_space<vmem>>[vector<16xi32>, vector<16xi32>], vector<16xf32>,
        %mul3A_141 = arith.mulf %gather3A_140, %get3A_133 : vector<16xf32>
        tpu.vector_store_idx %arg11[%broadcast_in_dim3A_50, %get3A_130], %mul3A_141 {add = true} : memref<4x10240xf32, #tpu.memory_space<vmem>>[vector<16xi32>, vector<16xi32>], vector<16xf32>,
        %get3A_142 = arith.index_cast %scan3A_74 : i32 to index
        %get3A_143 = arith.constant 64 : index
        %get3A_144 = tpu.vector_load %arg7[%get3A_142, %get3A_143] {strides = array<i32>} : memref<16x128xi32, #tpu.memory_space<vmem>>, vector<16xi32>,
        %get3A_145 = arith.index_cast %scan3A_74 : i32 to index
        %get3A_146 = arith.constant 64 : index
        %get3A_147 = tpu.vector_load %arg8[%get3A_145, %get3A_146] {strides = array<i32>} : memref<16x128xi32, #tpu.memory_space<vmem>>, vector<16xi32>,
        %get3A_148 = arith.index_cast %scan3A_74 : i32 to index
        %get3A_149 = arith.constant 64 : index
        %get3A_150 = tpu.vector_load %arg9[%get3A_148, %get3A_149] {strides = array<i32>} : memref<16x128xf32, #tpu.memory_space<vmem>>, vector<16xf32>,
        %gather3A_151 = tpu.vector_load_idx %arg10[%broadcast_in_dim3A_44, %get3A_144] : memref<4x10240xf32, #tpu.memory_space<vmem>>[vector<16xi32>, vector<16xi32>], vector<16xf32>,
        %mul3A_152 = arith.mulf %gather3A_151, %get3A_150 : vector<16xf32>
        tpu.vector_store_idx %arg11[%broadcast_in_dim3A_44, %get3A_147], %mul3A_152 {add = true} : memref<4x10240xf32, #tpu.memory_space<vmem>>[vector<16xi32>, vector<16xi32>], vector<16xf32>,
        %gather3A_153 = tpu.vector_load_idx %arg10[%broadcast_in_dim3A_46, %get3A_144] : memref<4x10240xf32, #tpu.memory_space<vmem>>[vector<16xi32>, vector<16xi32>], vector<16xf32>,
        %mul3A_154 = arith.mulf %gather3A_153, %get3A_150 : vector<16xf32>
        tpu.vector_store_idx %arg11[%broadcast_in_dim3A_46, %get3A_147], %mul3A_154 {add = true} : memref<4x10240xf32, #tpu.memory_space<vmem>>[vector<16xi32>, vector<16xi32>], vector<16xf32>,
        %gather3A_155 = tpu.vector_load_idx %arg10[%broadcast_in_dim3A_48, %get3A_144] : memref<4x10240xf32, #tpu.memory_space<vmem>>[vector<16xi32>, vector<16xi32>], vector<16xf32>,
        %mul3A_156 = arith.mulf %gather3A_155, %get3A_150 : vector<16xf32>
        tpu.vector_store_idx %arg11[%broadcast_in_dim3A_48, %get3A_147], %mul3A_156 {add = true} : memref<4x10240xf32, #tpu.memory_space<vmem>>[vector<16xi32>, vector<16xi32>], vector<16xf32>,
        %gather3A_157 = tpu.vector_load_idx %arg10[%broadcast_in_dim3A_50, %get3A_144] : memref<4x10240xf32, #tpu.memory_space<vmem>>[vector<16xi32>, vector<16xi32>], vector<16xf32>,
        %mul3A_158 = arith.mulf %gather3A_157, %get3A_150 : vector<16xf32>
        tpu.vector_store_idx %arg11[%broadcast_in_dim3A_50, %get3A_147], %mul3A_158 {add = true} : memref<4x10240xf32, #tpu.memory_space<vmem>>[vector<16xi32>, vector<16xi32>], vector<16xf32>,
        %get3A_159 = arith.index_cast %scan3A_74 : i32 to index
        %get3A_160 = arith.constant 80 : index
        %get3A_161 = tpu.vector_load %arg7[%get3A_159, %get3A_160] {strides = array<i32>} : memref<16x128xi32, #tpu.memory_space<vmem>>, vector<16xi32>,
        %get3A_162 = arith.index_cast %scan3A_74 : i32 to index
        %get3A_163 = arith.constant 80 : index
        %get3A_164 = tpu.vector_load %arg8[%get3A_162, %get3A_163] {strides = array<i32>} : memref<16x128xi32, #tpu.memory_space<vmem>>, vector<16xi32>,
        %get3A_165 = arith.index_cast %scan3A_74 : i32 to index
        %get3A_166 = arith.constant 80 : index
        %get3A_167 = tpu.vector_load %arg9[%get3A_165, %get3A_166] {strides = array<i32>} : memref<16x128xf32, #tpu.memory_space<vmem>>, vector<16xf32>,
        %gather3A_168 = tpu.vector_load_idx %arg10[%broadcast_in_dim3A_44, %get3A_161] : memref<4x10240xf32, #tpu.memory_space<vmem>>[vector<16xi32>, vector<16xi32>], vector<16xf32>,
        %mul3A_169 = arith.mulf %gather3A_168, %get3A_167 : vector<16xf32>
        tpu.vector_store_idx %arg11[%broadcast_in_dim3A_44, %get3A_164], %mul3A_169 {add = true} : memref<4x10240xf32, #tpu.memory_space<vmem>>[vector<16xi32>, vector<16xi32>], vector<16xf32>,
        %gather3A_170 = tpu.vector_load_idx %arg10[%broadcast_in_dim3A_46, %get3A_161] : memref<4x10240xf32, #tpu.memory_space<vmem>>[vector<16xi32>, vector<16xi32>], vector<16xf32>,
        %mul3A_171 = arith.mulf %gather3A_170, %get3A_167 : vector<16xf32>
        tpu.vector_store_idx %arg11[%broadcast_in_dim3A_46, %get3A_164], %mul3A_171 {add = true} : memref<4x10240xf32, #tpu.memory_space<vmem>>[vector<16xi32>, vector<16xi32>], vector<16xf32>,
        %gather3A_172 = tpu.vector_load_idx %arg10[%broadcast_in_dim3A_48, %get3A_161] : memref<4x10240xf32, #tpu.memory_space<vmem>>[vector<16xi32>, vector<16xi32>], vector<16xf32>,
        %mul3A_173 = arith.mulf %gather3A_172, %get3A_167 : vector<16xf32>
        tpu.vector_store_idx %arg11[%broadcast_in_dim3A_48, %get3A_164], %mul3A_173 {add = true} : memref<4x10240xf32, #tpu.memory_space<vmem>>[vector<16xi32>, vector<16xi32>], vector<16xf32>,
        %gather3A_174 = tpu.vector_load_idx %arg10[%broadcast_in_dim3A_50, %get3A_161] : memref<4x10240xf32, #tpu.memory_space<vmem>>[vector<16xi32>, vector<16xi32>], vector<16xf32>,
        %mul3A_175 = arith.mulf %gather3A_174, %get3A_167 : vector<16xf32>
        tpu.vector_store_idx %arg11[%broadcast_in_dim3A_50, %get3A_164], %mul3A_175 {add = true} : memref<4x10240xf32, #tpu.memory_space<vmem>>[vector<16xi32>, vector<16xi32>], vector<16xf32>,
        %get3A_176 = arith.index_cast %scan3A_74 : i32 to index
        %get3A_177 = arith.constant 96 : index
        %get3A_178 = tpu.vector_load %arg7[%get3A_176, %get3A_177] {strides = array<i32>} : memref<16x128xi32, #tpu.memory_space<vmem>>, vector<16xi32>,
        %get3A_179 = arith.index_cast %scan3A_74 : i32 to index
        %get3A_180 = arith.constant 96 : index
        %get3A_181 = tpu.vector_load %arg8[%get3A_179, %get3A_180] {strides = array<i32>} : memref<16x128xi32, #tpu.memory_space<vmem>>, vector<16xi32>,
        %get3A_182 = arith.index_cast %scan3A_74 : i32 to index
        %get3A_183 = arith.constant 96 : index
        %get3A_184 = tpu.vector_load %arg9[%get3A_182, %get3A_183] {strides = array<i32>} : memref<16x128xf32, #tpu.memory_space<vmem>>, vector<16xf32>,
        %gather3A_185 = tpu.vector_load_idx %arg10[%broadcast_in_dim3A_44, %get3A_178] : memref<4x10240xf32, #tpu.memory_space<vmem>>[vector<16xi32>, vector<16xi32>], vector<16xf32>,
        %mul3A_186 = arith.mulf %gather3A_185, %get3A_184 : vector<16xf32>
        tpu.vector_store_idx %arg11[%broadcast_in_dim3A_44, %get3A_181], %mul3A_186 {add = true} : memref<4x10240xf32, #tpu.memory_space<vmem>>[vector<16xi32>, vector<16xi32>], vector<16xf32>,
        %gather3A_187 = tpu.vector_load_idx %arg10[%broadcast_in_dim3A_46, %get3A_178] : memref<4x10240xf32, #tpu.memory_space<vmem>>[vector<16xi32>, vector<16xi32>], vector<16xf32>,
        %mul3A_188 = arith.mulf %gather3A_187, %get3A_184 : vector<16xf32>
        tpu.vector_store_idx %arg11[%broadcast_in_dim3A_46, %get3A_181], %mul3A_188 {add = true} : memref<4x10240xf32, #tpu.memory_space<vmem>>[vector<16xi32>, vector<16xi32>], vector<16xf32>,
        %gather3A_189 = tpu.vector_load_idx %arg10[%broadcast_in_dim3A_48, %get3A_178] : memref<4x10240xf32, #tpu.memory_space<vmem>>[vector<16xi32>, vector<16xi32>], vector<16xf32>,
        %mul3A_190 = arith.mulf %gather3A_189, %get3A_184 : vector<16xf32>
        tpu.vector_store_idx %arg11[%broadcast_in_dim3A_48, %get3A_181], %mul3A_190 {add = true} : memref<4x10240xf32, #tpu.memory_space<vmem>>[vector<16xi32>, vector<16xi32>], vector<16xf32>,
        %gather3A_191 = tpu.vector_load_idx %arg10[%broadcast_in_dim3A_50, %get3A_178] : memref<4x10240xf32, #tpu.memory_space<vmem>>[vector<16xi32>, vector<16xi32>], vector<16xf32>,
        %mul3A_192 = arith.mulf %gather3A_191, %get3A_184 : vector<16xf32>
        tpu.vector_store_idx %arg11[%broadcast_in_dim3A_50, %get3A_181], %mul3A_192 {add = true} : memref<4x10240xf32, #tpu.memory_space<vmem>>[vector<16xi32>, vector<16xi32>], vector<16xf32>,
        %get3A_193 = arith.index_cast %scan3A_74 : i32 to index
        %get3A_194 = arith.constant 112 : index
        %get3A_195 = tpu.vector_load %arg7[%get3A_193, %get3A_194] {strides = array<i32>} : memref<16x128xi32, #tpu.memory_space<vmem>>, vector<16xi32>,
        %get3A_196 = arith.index_cast %scan3A_74 : i32 to index
        %get3A_197 = arith.constant 112 : index
        %get3A_198 = tpu.vector_load %arg8[%get3A_196, %get3A_197] {strides = array<i32>} : memref<16x128xi32, #tpu.memory_space<vmem>>, vector<16xi32>,
        %get3A_199 = arith.index_cast %scan3A_74 : i32 to index
        %get3A_200 = arith.constant 112 : index
        %get3A_201 = tpu.vector_load %arg9[%get3A_199, %get3A_200] {strides = array<i32>} : memref<16x128xf32, #tpu.memory_space<vmem>>, vector<16xf32>,
        %gather3A_202 = tpu.vector_load_idx %arg10[%broadcast_in_dim3A_44, %get3A_195] : memref<4x10240xf32, #tpu.memory_space<vmem>>[vector<16xi32>, vector<16xi32>], vector<16xf32>,
        %mul3A_203 = arith.mulf %gather3A_202, %get3A_201 : vector<16xf32>
        tpu.vector_store_idx %arg11[%broadcast_in_dim3A_44, %get3A_198], %mul3A_203 {add = true} : memref<4x10240xf32, #tpu.memory_space<vmem>>[vector<16xi32>, vector<16xi32>], vector<16xf32>,
        %gather3A_204 = tpu.vector_load_idx %arg10[%broadcast_in_dim3A_46, %get3A_195] : memref<4x10240xf32, #tpu.memory_space<vmem>>[vector<16xi32>, vector<16xi32>], vector<16xf32>,
        %mul3A_205 = arith.mulf %gather3A_204, %get3A_201 : vector<16xf32>
        tpu.vector_store_idx %arg11[%broadcast_in_dim3A_46, %get3A_198], %mul3A_205 {add = true} : memref<4x10240xf32, #tpu.memory_space<vmem>>[vector<16xi32>, vector<16xi32>], vector<16xf32>,
        %gather3A_206 = tpu.vector_load_idx %arg10[%broadcast_in_dim3A_48, %get3A_195] : memref<4x10240xf32, #tpu.memory_space<vmem>>[vector<16xi32>, vector<16xi32>], vector<16xf32>,
        %mul3A_207 = arith.mulf %gather3A_206, %get3A_201 : vector<16xf32>
        tpu.vector_store_idx %arg11[%broadcast_in_dim3A_48, %get3A_198], %mul3A_207 {add = true} : memref<4x10240xf32, #tpu.memory_space<vmem>>[vector<16xi32>, vector<16xi32>], vector<16xf32>,
        %gather3A_208 = tpu.vector_load_idx %arg10[%broadcast_in_dim3A_50, %get3A_195] : memref<4x10240xf32, #tpu.memory_space<vmem>>[vector<16xi32>, vector<16xi32>], vector<16xf32>,
        %mul3A_209 = arith.mulf %gather3A_208, %get3A_201 : vector<16xf32>
        tpu.vector_store_idx %arg11[%broadcast_in_dim3A_50, %get3A_198], %mul3A_209 {add = true} : memref<4x10240xf32, #tpu.memory_space<vmem>>[vector<16xi32>, vector<16xi32>], vector<16xf32>,
        %scan3A_210 = arith.constant 0 : i32
        scf.yield %scan3A_210 : i32
      }
      %scan3A_72 = arith.constant 16 : i32
      %scan3A_73 = arith.constant 0 : i32
      scf.yield %scan3A_73 : i32
    }
    %scan3A_57 = arith.constant 20 : i32
    "tpu.region"() ({
      %run_scoped3A = tpu.sem_alloc : memref<!tpu.dma_semaphore, #tpu.memory_space<semaphore_mem>>
      %dma_start3A = arith.constant 0 : i32
      %dma_start3A_58 = arith.constant 0 : i32
      %dma_start3A_59 = tpu.memref_slice %arg6[%add3A, %dma_start3A, %dma_start3A_58] : memref<32x4x10240xf32, #tpu.memory_space<hbm>> -> memref<1x4x10240xf32, #tpu.memory_space<hbm>>
      %dma_start3A_60 = tpu.memref_squeeze %dma_start3A_59 : memref<1x4x10240xf32, #tpu.memory_space<hbm>> -> memref<4x10240xf32, #tpu.memory_space<hbm>>
      %dma_start3A_61 = arith.constant 0 : i32
      %dma_start3A_62 = arith.constant 0 : i32
      %dma_start3A_63 = tpu.memref_slice %arg6[%add3A, %dma_start3A_61, %dma_start3A_62] : memref<32x4x10240xf32, #tpu.memory_space<hbm>> -> memref<1x4x10240xf32, #tpu.memory_space<hbm>>
      %dma_start3A_64 = tpu.memref_squeeze %dma_start3A_63 : memref<1x4x10240xf32, #tpu.memory_space<hbm>> -> memref<4x10240xf32, #tpu.memory_space<hbm>>
      tpu.enqueue_dma source(%arg11 : memref<4x10240xf32, #tpu.memory_space<vmem>>) target(%dma_start3A_64 : memref<4x10240xf32, #tpu.memory_space<hbm>>) target_semaphore(%run_scoped3A : memref<!tpu.dma_semaphore, #tpu.memory_space<semaphore_mem>>)
      %dma_wait3A = arith.constant 0 : i32
      %dma_wait3A_65 = arith.constant 0 : i32
      %dma_wait3A_66 = tpu.memref_slice %arg6[%add3A, %dma_wait3A, %dma_wait3A_65] : memref<32x4x10240xf32, #tpu.memory_space<hbm>> -> memref<1x4x10240xf32, #tpu.memory_space<hbm>>
      %dma_wait3A_67 = tpu.memref_squeeze %dma_wait3A_66 : memref<1x4x10240xf32, #tpu.memory_space<hbm>> -> memref<4x10240xf32, #tpu.memory_space<hbm>>
      %dma_wait3A_68 = arith.constant 0 : i32
      %dma_wait3A_69 = arith.constant 0 : i32
      %dma_wait3A_70 = tpu.memref_slice %arg6[%add3A, %dma_wait3A_68, %dma_wait3A_69] : memref<32x4x10240xf32, #tpu.memory_space<hbm>> -> memref<1x4x10240xf32, #tpu.memory_space<hbm>>
      %dma_wait3A_71 = tpu.memref_squeeze %dma_wait3A_70 : memref<1x4x10240xf32, #tpu.memory_space<hbm>> -> memref<4x10240xf32, #tpu.memory_space<hbm>>
      tpu.wait_dma2 semaphore(%run_scoped3A : memref<!tpu.dma_semaphore, #tpu.memory_space<semaphore_mem>>) src(%arg11 : memref<4x10240xf32, #tpu.memory_space<vmem>>) dst(%dma_wait3A_71 : memref<4x10240xf32, #tpu.memory_space<hbm>>)
      tpu.yield
    }) : () -> ()
    return
  }
}

#map = affine_map<(d0, d1) -> (0, 0, 0)>
#map1 = affine_map<(d0, d1) -> (0, 0)>
module attributes {stable_mosaic.version = 14 : i64} {
  func.func @_sc_pass(%arg0: i32, %arg1: i32, %arg2: memref<8x320x128xi32, #tpu.memory_space<hbm>>, %arg3: memref<8x320x128xi32, #tpu.memory_space<hbm>>, %arg4: memref<8x320x128xf32, #tpu.memory_space<hbm>>, %arg5: memref<16x10240xf32, #tpu.memory_space<hbm>>, %arg6: memref<32x4x10240xf32, #tpu.memory_space<hbm>>, %arg7: memref<16x128xi32, #tpu.memory_space<vmem>>, %arg8: memref<16x128xi32, #tpu.memory_space<vmem>>, %arg9: memref<16x128xf32, #tpu.memory_space<vmem>>, %arg10: memref<4x10240xf32, #tpu.memory_space<vmem>>, %arg11: memref<4x10240xf32, #tpu.memory_space<vmem>>) attributes {dimension_semantics = [#tpu.dimension_semantics<core_parallel>, #tpu.dimension_semantics<subcore_parallel>], iteration_bounds = array<i64: 2, 16>, scalar_prefetch = 0 : i64, scratch_operands = 5 : i64, tpu.core_type = #tpu.core_type<sc_vector_subcore>, window_params = [{transform_indices = #map}, {transform_indices = #map}, {transform_indices = #map}, {transform_indices = #map1}, {transform_indices = #map}]} {
    %mul3A = arith.constant 2 : i32
    %mul3A_0 = arith.muli %arg1, %mul3A : i32
    %add3A = arith.addi %mul3A_0, %arg0 : i32
    %mul3A_1 = arith.constant 4 : i32
    %mul3A_2 = arith.muli %arg0, %mul3A_1 : i32
    %jit3A = arith.constant 4 : i32
    %div3A = arith.divsi %arg1, %jit3A : i32
    %sign3A = arith.constant 0 : i32
    %sign3A_3 = arith.cmpi sgt, %arg1, %sign3A : i32
    %sign3A_4 = arith.extui %sign3A_3 : i1 to i32
    %sign3A_5 = arith.constant 0 : i32
    %sign3A_6 = arith.cmpi slt, %arg1, %sign3A_5 : i32
    %sign3A_7 = arith.extui %sign3A_6 : i1 to i32
    %sign3A_8 = arith.subi %sign3A_4, %sign3A_7 : i32
    %sign3A_9 = arith.constant 0 : i32
    %sign3A_10 = arith.cmpi sgt, %jit3A, %sign3A_9 : i32
    %sign3A_11 = arith.extui %sign3A_10 : i1 to i32
    %sign3A_12 = arith.constant 0 : i32
    %sign3A_13 = arith.cmpi slt, %jit3A, %sign3A_12 : i32
    %sign3A_14 = arith.extui %sign3A_13 : i1 to i32
    %sign3A_15 = arith.subi %sign3A_11, %sign3A_14 : i32
    %ne3A = arith.cmpi ne, %sign3A_8, %sign3A_15 : i32
    %rem3A = arith.remsi %arg1, %jit3A : i32
    %ne3A_16 = arith.constant 0 : i32
    %ne3A_17 = arith.cmpi ne, %rem3A, %ne3A_16 : i32
    %and3A = arith.andi %ne3A, %ne3A_17 : i1
    %sub3A = arith.constant 1 : i32
    %sub3A_18 = arith.subi %div3A, %sub3A : i32
    %select_n3A = arith.select %and3A, %sub3A_18, %div3A : i32
    %add3A_19 = arith.addi %mul3A_2, %select_n3A : i32
    %jit3A_20 = arith.constant 4 : i32
    %eq3A = arith.constant 0 : i32
    %eq3A_21 = arith.cmpi eq, %jit3A_20, %eq3A : i32
    %jit3A_22 = arith.constant 1 : i32
    %select_n3A_23 = arith.select %eq3A_21, %jit3A_22, %jit3A_20 : i32
    %rem3A_24 = arith.remsi %arg1, %select_n3A_23 : i32
    %ne3A_25 = arith.constant 0 : i32
    %ne3A_26 = arith.cmpi ne, %rem3A_24, %ne3A_25 : i32
    %lt3A = arith.constant 0 : i32
    %lt3A_27 = arith.cmpi slt, %rem3A_24, %lt3A : i32
    %lt3A_28 = arith.constant 0 : i32
    %lt3A_29 = arith.cmpi slt, %select_n3A_23, %lt3A_28 : i32
    %ne3A_30 = arith.xori %lt3A_27, %lt3A_29 : i1
    %and3A_31 = arith.andi %ne3A_30, %ne3A_26 : i1
    %add3A_32 = arith.addi %rem3A_24, %select_n3A_23 : i32
    %select_n3A_33 = arith.select %and3A_31, %add3A_32, %rem3A_24 : i32
    %mul3A_34 = arith.constant 4 : i32
    %mul3A_35 = arith.muli %select_n3A_33, %mul3A_34 : i32
    "tpu.region"() ({
      %run_scoped3A = tpu.sem_alloc : memref<!tpu.dma_semaphore, #tpu.memory_space<semaphore_mem>>
      %dma_start3A = arith.constant 0 : i32
      %dma_start3A_58 = tpu.memref_slice %arg5[%mul3A_35, %dma_start3A] : memref<16x10240xf32, #tpu.memory_space<hbm>> -> memref<4x10240xf32, #tpu.memory_space<hbm>>
      %dma_start3A_59 = arith.constant 0 : i32
      %dma_start3A_60 = tpu.memref_slice %arg5[%mul3A_35, %dma_start3A_59] : memref<16x10240xf32, #tpu.memory_space<hbm>> -> memref<4x10240xf32, #tpu.memory_space<hbm>>
      tpu.enqueue_dma source(%dma_start3A_60 : memref<4x10240xf32, #tpu.memory_space<hbm>>) target(%arg10 : memref<4x10240xf32, #tpu.memory_space<vmem>>) target_semaphore(%run_scoped3A : memref<!tpu.dma_semaphore, #tpu.memory_space<semaphore_mem>>)
      %dma_wait3A = arith.constant 0 : i32
      %dma_wait3A_61 = tpu.memref_slice %arg5[%mul3A_35, %dma_wait3A] : memref<16x10240xf32, #tpu.memory_space<hbm>> -> memref<4x10240xf32, #tpu.memory_space<hbm>>
      %dma_wait3A_62 = arith.constant 0 : i32
      %dma_wait3A_63 = tpu.memref_slice %arg5[%mul3A_35, %dma_wait3A_62] : memref<16x10240xf32, #tpu.memory_space<hbm>> -> memref<4x10240xf32, #tpu.memory_space<hbm>>
      tpu.wait_dma2 semaphore(%run_scoped3A : memref<!tpu.dma_semaphore, #tpu.memory_space<semaphore_mem>>) src(%dma_wait3A_63 : memref<4x10240xf32, #tpu.memory_space<hbm>>) dst(%arg10 : memref<4x10240xf32, #tpu.memory_space<vmem>>)
      tpu.yield
    }) : () -> ()
    %broadcast_in_dim3A = arith.constant 0.000000e+00 : f32
    %broadcast_in_dim3A_36 = vector.broadcast %broadcast_in_dim3A : f32 to vector<16xf32>
    %scan3A = arith.constant 0 : i32
    %scan3A_37 = arith.constant 0 : i32
    %scan3A_38 = arith.constant 640 : i32
    %scan3A_39 = arith.addi %scan3A_37, %scan3A_38 : i32
    %scan3A_40 = arith.constant 8 : i32
    %scan3A_41 = scf.for %scan3A_58 = %scan3A_37 to %scan3A_39 step %scan3A_40 iter_args(%scan3A_59 = %scan3A) -> (i32)  : i32 {
      %mul3A_60 = arith.constant 16 : i32
      %mul3A_61 = arith.muli %scan3A_58, %mul3A_60 : i32
      %swap3A = arith.constant 0 : i32
      %swap3A_62 = arith.index_cast %swap3A : i32 to index
      %swap3A_63 = arith.index_cast %mul3A_61 : i32 to index
      %swap3A_64 = tpu.vector_load %arg11[%swap3A_62, %swap3A_63] {strides = array<i32>} : memref<4x10240xf32, #tpu.memory_space<vmem>>, vector<16xf32>,
      tpu.vector_store %arg11[%swap3A_62, %swap3A_63], %broadcast_in_dim3A_36 {strides = array<i32>} : memref<4x10240xf32, #tpu.memory_space<vmem>>, vector<16xf32>,
      %mul3A_65 = arith.constant 16 : i32
      %mul3A_66 = arith.muli %scan3A_58, %mul3A_65 : i32
      %swap3A_67 = arith.constant 1 : i32
      %swap3A_68 = arith.index_cast %swap3A_67 : i32 to index
      %swap3A_69 = arith.index_cast %mul3A_66 : i32 to index
      %swap3A_70 = tpu.vector_load %arg11[%swap3A_68, %swap3A_69] {strides = array<i32>} : memref<4x10240xf32, #tpu.memory_space<vmem>>, vector<16xf32>,
      tpu.vector_store %arg11[%swap3A_68, %swap3A_69], %broadcast_in_dim3A_36 {strides = array<i32>} : memref<4x10240xf32, #tpu.memory_space<vmem>>, vector<16xf32>,
      %mul3A_71 = arith.constant 16 : i32
      %mul3A_72 = arith.muli %scan3A_58, %mul3A_71 : i32
      %swap3A_73 = arith.constant 2 : i32
      %swap3A_74 = arith.index_cast %swap3A_73 : i32 to index
      %swap3A_75 = arith.index_cast %mul3A_72 : i32 to index
      %swap3A_76 = tpu.vector_load %arg11[%swap3A_74, %swap3A_75] {strides = array<i32>} : memref<4x10240xf32, #tpu.memory_space<vmem>>, vector<16xf32>,
      tpu.vector_store %arg11[%swap3A_74, %swap3A_75], %broadcast_in_dim3A_36 {strides = array<i32>} : memref<4x10240xf32, #tpu.memory_space<vmem>>, vector<16xf32>,
      %mul3A_77 = arith.constant 16 : i32
      %mul3A_78 = arith.muli %scan3A_58, %mul3A_77 : i32
      %swap3A_79 = arith.constant 3 : i32
      %swap3A_80 = arith.index_cast %swap3A_79 : i32 to index
      %swap3A_81 = arith.index_cast %mul3A_78 : i32 to index
      %swap3A_82 = tpu.vector_load %arg11[%swap3A_80, %swap3A_81] {strides = array<i32>} : memref<4x10240xf32, #tpu.memory_space<vmem>>, vector<16xf32>,
      tpu.vector_store %arg11[%swap3A_80, %swap3A_81], %broadcast_in_dim3A_36 {strides = array<i32>} : memref<4x10240xf32, #tpu.memory_space<vmem>>, vector<16xf32>,
      %scan3A_83 = arith.constant 0 : i32
      %scan3A_84 = arith.constant 1 : i32
      %scan3A_85 = arith.addi %scan3A_58, %scan3A_84 : i32
      %mul3A_86 = arith.constant 16 : i32
      %mul3A_87 = arith.muli %scan3A_85, %mul3A_86 : i32
      %swap3A_88 = arith.constant 0 : i32
      %swap3A_89 = arith.index_cast %swap3A_88 : i32 to index
      %swap3A_90 = arith.index_cast %mul3A_87 : i32 to index
      %swap3A_91 = tpu.vector_load %arg11[%swap3A_89, %swap3A_90] {strides = array<i32>} : memref<4x10240xf32, #tpu.memory_space<vmem>>, vector<16xf32>,
      tpu.vector_store %arg11[%swap3A_89, %swap3A_90], %broadcast_in_dim3A_36 {strides = array<i32>} : memref<4x10240xf32, #tpu.memory_space<vmem>>, vector<16xf32>,
      %mul3A_92 = arith.constant 16 : i32
      %mul3A_93 = arith.muli %scan3A_85, %mul3A_92 : i32
      %swap3A_94 = arith.constant 1 : i32
      %swap3A_95 = arith.index_cast %swap3A_94 : i32 to index
      %swap3A_96 = arith.index_cast %mul3A_93 : i32 to index
      %swap3A_97 = tpu.vector_load %arg11[%swap3A_95, %swap3A_96] {strides = array<i32>} : memref<4x10240xf32, #tpu.memory_space<vmem>>, vector<16xf32>,
      tpu.vector_store %arg11[%swap3A_95, %swap3A_96], %broadcast_in_dim3A_36 {strides = array<i32>} : memref<4x10240xf32, #tpu.memory_space<vmem>>, vector<16xf32>,
      %mul3A_98 = arith.constant 16 : i32
      %mul3A_99 = arith.muli %scan3A_85, %mul3A_98 : i32
      %swap3A_100 = arith.constant 2 : i32
      %swap3A_101 = arith.index_cast %swap3A_100 : i32 to index
      %swap3A_102 = arith.index_cast %mul3A_99 : i32 to index
      %swap3A_103 = tpu.vector_load %arg11[%swap3A_101, %swap3A_102] {strides = array<i32>} : memref<4x10240xf32, #tpu.memory_space<vmem>>, vector<16xf32>,
      tpu.vector_store %arg11[%swap3A_101, %swap3A_102], %broadcast_in_dim3A_36 {strides = array<i32>} : memref<4x10240xf32, #tpu.memory_space<vmem>>, vector<16xf32>,
      %mul3A_104 = arith.constant 16 : i32
      %mul3A_105 = arith.muli %scan3A_85, %mul3A_104 : i32
      %swap3A_106 = arith.constant 3 : i32
      %swap3A_107 = arith.index_cast %swap3A_106 : i32 to index
      %swap3A_108 = arith.index_cast %mul3A_105 : i32 to index
      %swap3A_109 = tpu.vector_load %arg11[%swap3A_107, %swap3A_108] {strides = array<i32>} : memref<4x10240xf32, #tpu.memory_space<vmem>>, vector<16xf32>,
      tpu.vector_store %arg11[%swap3A_107, %swap3A_108], %broadcast_in_dim3A_36 {strides = array<i32>} : memref<4x10240xf32, #tpu.memory_space<vmem>>, vector<16xf32>,
      %scan3A_110 = arith.constant 0 : i32
      %scan3A_111 = arith.constant 2 : i32
      %scan3A_112 = arith.addi %scan3A_58, %scan3A_111 : i32
      %mul3A_113 = arith.constant 16 : i32
      %mul3A_114 = arith.muli %scan3A_112, %mul3A_113 : i32
      %swap3A_115 = arith.constant 0 : i32
      %swap3A_116 = arith.index_cast %swap3A_115 : i32 to index
      %swap3A_117 = arith.index_cast %mul3A_114 : i32 to index
      %swap3A_118 = tpu.vector_load %arg11[%swap3A_116, %swap3A_117] {strides = array<i32>} : memref<4x10240xf32, #tpu.memory_space<vmem>>, vector<16xf32>,
      tpu.vector_store %arg11[%swap3A_116, %swap3A_117], %broadcast_in_dim3A_36 {strides = array<i32>} : memref<4x10240xf32, #tpu.memory_space<vmem>>, vector<16xf32>,
      %mul3A_119 = arith.constant 16 : i32
      %mul3A_120 = arith.muli %scan3A_112, %mul3A_119 : i32
      %swap3A_121 = arith.constant 1 : i32
      %swap3A_122 = arith.index_cast %swap3A_121 : i32 to index
      %swap3A_123 = arith.index_cast %mul3A_120 : i32 to index
      %swap3A_124 = tpu.vector_load %arg11[%swap3A_122, %swap3A_123] {strides = array<i32>} : memref<4x10240xf32, #tpu.memory_space<vmem>>, vector<16xf32>,
      tpu.vector_store %arg11[%swap3A_122, %swap3A_123], %broadcast_in_dim3A_36 {strides = array<i32>} : memref<4x10240xf32, #tpu.memory_space<vmem>>, vector<16xf32>,
      %mul3A_125 = arith.constant 16 : i32
      %mul3A_126 = arith.muli %scan3A_112, %mul3A_125 : i32
      %swap3A_127 = arith.constant 2 : i32
      %swap3A_128 = arith.index_cast %swap3A_127 : i32 to index
      %swap3A_129 = arith.index_cast %mul3A_126 : i32 to index
      %swap3A_130 = tpu.vector_load %arg11[%swap3A_128, %swap3A_129] {strides = array<i32>} : memref<4x10240xf32, #tpu.memory_space<vmem>>, vector<16xf32>,
      tpu.vector_store %arg11[%swap3A_128, %swap3A_129], %broadcast_in_dim3A_36 {strides = array<i32>} : memref<4x10240xf32, #tpu.memory_space<vmem>>, vector<16xf32>,
      %mul3A_131 = arith.constant 16 : i32
      %mul3A_132 = arith.muli %scan3A_112, %mul3A_131 : i32
      %swap3A_133 = arith.constant 3 : i32
      %swap3A_134 = arith.index_cast %swap3A_133 : i32 to index
      %swap3A_135 = arith.index_cast %mul3A_132 : i32 to index
      %swap3A_136 = tpu.vector_load %arg11[%swap3A_134, %swap3A_135] {strides = array<i32>} : memref<4x10240xf32, #tpu.memory_space<vmem>>, vector<16xf32>,
      tpu.vector_store %arg11[%swap3A_134, %swap3A_135], %broadcast_in_dim3A_36 {strides = array<i32>} : memref<4x10240xf32, #tpu.memory_space<vmem>>, vector<16xf32>,
      %scan3A_137 = arith.constant 0 : i32
      %scan3A_138 = arith.constant 3 : i32
      %scan3A_139 = arith.addi %scan3A_58, %scan3A_138 : i32
      %mul3A_140 = arith.constant 16 : i32
      %mul3A_141 = arith.muli %scan3A_139, %mul3A_140 : i32
      %swap3A_142 = arith.constant 0 : i32
      %swap3A_143 = arith.index_cast %swap3A_142 : i32 to index
      %swap3A_144 = arith.index_cast %mul3A_141 : i32 to index
      %swap3A_145 = tpu.vector_load %arg11[%swap3A_143, %swap3A_144] {strides = array<i32>} : memref<4x10240xf32, #tpu.memory_space<vmem>>, vector<16xf32>,
      tpu.vector_store %arg11[%swap3A_143, %swap3A_144], %broadcast_in_dim3A_36 {strides = array<i32>} : memref<4x10240xf32, #tpu.memory_space<vmem>>, vector<16xf32>,
      %mul3A_146 = arith.constant 16 : i32
      %mul3A_147 = arith.muli %scan3A_139, %mul3A_146 : i32
      %swap3A_148 = arith.constant 1 : i32
      %swap3A_149 = arith.index_cast %swap3A_148 : i32 to index
      %swap3A_150 = arith.index_cast %mul3A_147 : i32 to index
      %swap3A_151 = tpu.vector_load %arg11[%swap3A_149, %swap3A_150] {strides = array<i32>} : memref<4x10240xf32, #tpu.memory_space<vmem>>, vector<16xf32>,
      tpu.vector_store %arg11[%swap3A_149, %swap3A_150], %broadcast_in_dim3A_36 {strides = array<i32>} : memref<4x10240xf32, #tpu.memory_space<vmem>>, vector<16xf32>,
      %mul3A_152 = arith.constant 16 : i32
      %mul3A_153 = arith.muli %scan3A_139, %mul3A_152 : i32
      %swap3A_154 = arith.constant 2 : i32
      %swap3A_155 = arith.index_cast %swap3A_154 : i32 to index
      %swap3A_156 = arith.index_cast %mul3A_153 : i32 to index
      %swap3A_157 = tpu.vector_load %arg11[%swap3A_155, %swap3A_156] {strides = array<i32>} : memref<4x10240xf32, #tpu.memory_space<vmem>>, vector<16xf32>,
      tpu.vector_store %arg11[%swap3A_155, %swap3A_156], %broadcast_in_dim3A_36 {strides = array<i32>} : memref<4x10240xf32, #tpu.memory_space<vmem>>, vector<16xf32>,
      %mul3A_158 = arith.constant 16 : i32
      %mul3A_159 = arith.muli %scan3A_139, %mul3A_158 : i32
      %swap3A_160 = arith.constant 3 : i32
      %swap3A_161 = arith.index_cast %swap3A_160 : i32 to index
      %swap3A_162 = arith.index_cast %mul3A_159 : i32 to index
      %swap3A_163 = tpu.vector_load %arg11[%swap3A_161, %swap3A_162] {strides = array<i32>} : memref<4x10240xf32, #tpu.memory_space<vmem>>, vector<16xf32>,
      tpu.vector_store %arg11[%swap3A_161, %swap3A_162], %broadcast_in_dim3A_36 {strides = array<i32>} : memref<4x10240xf32, #tpu.memory_space<vmem>>, vector<16xf32>,
      %scan3A_164 = arith.constant 0 : i32
      %scan3A_165 = arith.constant 4 : i32
      %scan3A_166 = arith.addi %scan3A_58, %scan3A_165 : i32
      %mul3A_167 = arith.constant 16 : i32
      %mul3A_168 = arith.muli %scan3A_166, %mul3A_167 : i32
      %swap3A_169 = arith.constant 0 : i32
      %swap3A_170 = arith.index_cast %swap3A_169 : i32 to index
      %swap3A_171 = arith.index_cast %mul3A_168 : i32 to index
      %swap3A_172 = tpu.vector_load %arg11[%swap3A_170, %swap3A_171] {strides = array<i32>} : memref<4x10240xf32, #tpu.memory_space<vmem>>, vector<16xf32>,
      tpu.vector_store %arg11[%swap3A_170, %swap3A_171], %broadcast_in_dim3A_36 {strides = array<i32>} : memref<4x10240xf32, #tpu.memory_space<vmem>>, vector<16xf32>,
      %mul3A_173 = arith.constant 16 : i32
      %mul3A_174 = arith.muli %scan3A_166, %mul3A_173 : i32
      %swap3A_175 = arith.constant 1 : i32
      %swap3A_176 = arith.index_cast %swap3A_175 : i32 to index
      %swap3A_177 = arith.index_cast %mul3A_174 : i32 to index
      %swap3A_178 = tpu.vector_load %arg11[%swap3A_176, %swap3A_177] {strides = array<i32>} : memref<4x10240xf32, #tpu.memory_space<vmem>>, vector<16xf32>,
      tpu.vector_store %arg11[%swap3A_176, %swap3A_177], %broadcast_in_dim3A_36 {strides = array<i32>} : memref<4x10240xf32, #tpu.memory_space<vmem>>, vector<16xf32>,
      %mul3A_179 = arith.constant 16 : i32
      %mul3A_180 = arith.muli %scan3A_166, %mul3A_179 : i32
      %swap3A_181 = arith.constant 2 : i32
      %swap3A_182 = arith.index_cast %swap3A_181 : i32 to index
      %swap3A_183 = arith.index_cast %mul3A_180 : i32 to index
      %swap3A_184 = tpu.vector_load %arg11[%swap3A_182, %swap3A_183] {strides = array<i32>} : memref<4x10240xf32, #tpu.memory_space<vmem>>, vector<16xf32>,
      tpu.vector_store %arg11[%swap3A_182, %swap3A_183], %broadcast_in_dim3A_36 {strides = array<i32>} : memref<4x10240xf32, #tpu.memory_space<vmem>>, vector<16xf32>,
      %mul3A_185 = arith.constant 16 : i32
      %mul3A_186 = arith.muli %scan3A_166, %mul3A_185 : i32
      %swap3A_187 = arith.constant 3 : i32
      %swap3A_188 = arith.index_cast %swap3A_187 : i32 to index
      %swap3A_189 = arith.index_cast %mul3A_186 : i32 to index
      %swap3A_190 = tpu.vector_load %arg11[%swap3A_188, %swap3A_189] {strides = array<i32>} : memref<4x10240xf32, #tpu.memory_space<vmem>>, vector<16xf32>,
      tpu.vector_store %arg11[%swap3A_188, %swap3A_189], %broadcast_in_dim3A_36 {strides = array<i32>} : memref<4x10240xf32, #tpu.memory_space<vmem>>, vector<16xf32>,
      %scan3A_191 = arith.constant 0 : i32
      %scan3A_192 = arith.constant 5 : i32
      %scan3A_193 = arith.addi %scan3A_58, %scan3A_192 : i32
      %mul3A_194 = arith.constant 16 : i32
      %mul3A_195 = arith.muli %scan3A_193, %mul3A_194 : i32
      %swap3A_196 = arith.constant 0 : i32
      %swap3A_197 = arith.index_cast %swap3A_196 : i32 to index
      %swap3A_198 = arith.index_cast %mul3A_195 : i32 to index
      %swap3A_199 = tpu.vector_load %arg11[%swap3A_197, %swap3A_198] {strides = array<i32>} : memref<4x10240xf32, #tpu.memory_space<vmem>>, vector<16xf32>,
      tpu.vector_store %arg11[%swap3A_197, %swap3A_198], %broadcast_in_dim3A_36 {strides = array<i32>} : memref<4x10240xf32, #tpu.memory_space<vmem>>, vector<16xf32>,
      %mul3A_200 = arith.constant 16 : i32
      %mul3A_201 = arith.muli %scan3A_193, %mul3A_200 : i32
      %swap3A_202 = arith.constant 1 : i32
      %swap3A_203 = arith.index_cast %swap3A_202 : i32 to index
      %swap3A_204 = arith.index_cast %mul3A_201 : i32 to index
      %swap3A_205 = tpu.vector_load %arg11[%swap3A_203, %swap3A_204] {strides = array<i32>} : memref<4x10240xf32, #tpu.memory_space<vmem>>, vector<16xf32>,
      tpu.vector_store %arg11[%swap3A_203, %swap3A_204], %broadcast_in_dim3A_36 {strides = array<i32>} : memref<4x10240xf32, #tpu.memory_space<vmem>>, vector<16xf32>,
      %mul3A_206 = arith.constant 16 : i32
      %mul3A_207 = arith.muli %scan3A_193, %mul3A_206 : i32
      %swap3A_208 = arith.constant 2 : i32
      %swap3A_209 = arith.index_cast %swap3A_208 : i32 to index
      %swap3A_210 = arith.index_cast %mul3A_207 : i32 to index
      %swap3A_211 = tpu.vector_load %arg11[%swap3A_209, %swap3A_210] {strides = array<i32>} : memref<4x10240xf32, #tpu.memory_space<vmem>>, vector<16xf32>,
      tpu.vector_store %arg11[%swap3A_209, %swap3A_210], %broadcast_in_dim3A_36 {strides = array<i32>} : memref<4x10240xf32, #tpu.memory_space<vmem>>, vector<16xf32>,
      %mul3A_212 = arith.constant 16 : i32
      %mul3A_213 = arith.muli %scan3A_193, %mul3A_212 : i32
      %swap3A_214 = arith.constant 3 : i32
      %swap3A_215 = arith.index_cast %swap3A_214 : i32 to index
      %swap3A_216 = arith.index_cast %mul3A_213 : i32 to index
      %swap3A_217 = tpu.vector_load %arg11[%swap3A_215, %swap3A_216] {strides = array<i32>} : memref<4x10240xf32, #tpu.memory_space<vmem>>, vector<16xf32>,
      tpu.vector_store %arg11[%swap3A_215, %swap3A_216], %broadcast_in_dim3A_36 {strides = array<i32>} : memref<4x10240xf32, #tpu.memory_space<vmem>>, vector<16xf32>,
      %scan3A_218 = arith.constant 0 : i32
      %scan3A_219 = arith.constant 6 : i32
      %scan3A_220 = arith.addi %scan3A_58, %scan3A_219 : i32
      %mul3A_221 = arith.constant 16 : i32
      %mul3A_222 = arith.muli %scan3A_220, %mul3A_221 : i32
      %swap3A_223 = arith.constant 0 : i32
      %swap3A_224 = arith.index_cast %swap3A_223 : i32 to index
      %swap3A_225 = arith.index_cast %mul3A_222 : i32 to index
      %swap3A_226 = tpu.vector_load %arg11[%swap3A_224, %swap3A_225] {strides = array<i32>} : memref<4x10240xf32, #tpu.memory_space<vmem>>, vector<16xf32>,
      tpu.vector_store %arg11[%swap3A_224, %swap3A_225], %broadcast_in_dim3A_36 {strides = array<i32>} : memref<4x10240xf32, #tpu.memory_space<vmem>>, vector<16xf32>,
      %mul3A_227 = arith.constant 16 : i32
      %mul3A_228 = arith.muli %scan3A_220, %mul3A_227 : i32
      %swap3A_229 = arith.constant 1 : i32
      %swap3A_230 = arith.index_cast %swap3A_229 : i32 to index
      %swap3A_231 = arith.index_cast %mul3A_228 : i32 to index
      %swap3A_232 = tpu.vector_load %arg11[%swap3A_230, %swap3A_231] {strides = array<i32>} : memref<4x10240xf32, #tpu.memory_space<vmem>>, vector<16xf32>,
      tpu.vector_store %arg11[%swap3A_230, %swap3A_231], %broadcast_in_dim3A_36 {strides = array<i32>} : memref<4x10240xf32, #tpu.memory_space<vmem>>, vector<16xf32>,
      %mul3A_233 = arith.constant 16 : i32
      %mul3A_234 = arith.muli %scan3A_220, %mul3A_233 : i32
      %swap3A_235 = arith.constant 2 : i32
      %swap3A_236 = arith.index_cast %swap3A_235 : i32 to index
      %swap3A_237 = arith.index_cast %mul3A_234 : i32 to index
      %swap3A_238 = tpu.vector_load %arg11[%swap3A_236, %swap3A_237] {strides = array<i32>} : memref<4x10240xf32, #tpu.memory_space<vmem>>, vector<16xf32>,
      tpu.vector_store %arg11[%swap3A_236, %swap3A_237], %broadcast_in_dim3A_36 {strides = array<i32>} : memref<4x10240xf32, #tpu.memory_space<vmem>>, vector<16xf32>,
      %mul3A_239 = arith.constant 16 : i32
      %mul3A_240 = arith.muli %scan3A_220, %mul3A_239 : i32
      %swap3A_241 = arith.constant 3 : i32
      %swap3A_242 = arith.index_cast %swap3A_241 : i32 to index
      %swap3A_243 = arith.index_cast %mul3A_240 : i32 to index
      %swap3A_244 = tpu.vector_load %arg11[%swap3A_242, %swap3A_243] {strides = array<i32>} : memref<4x10240xf32, #tpu.memory_space<vmem>>, vector<16xf32>,
      tpu.vector_store %arg11[%swap3A_242, %swap3A_243], %broadcast_in_dim3A_36 {strides = array<i32>} : memref<4x10240xf32, #tpu.memory_space<vmem>>, vector<16xf32>,
      %scan3A_245 = arith.constant 0 : i32
      %scan3A_246 = arith.constant 7 : i32
      %scan3A_247 = arith.addi %scan3A_58, %scan3A_246 : i32
      %mul3A_248 = arith.constant 16 : i32
      %mul3A_249 = arith.muli %scan3A_247, %mul3A_248 : i32
      %swap3A_250 = arith.constant 0 : i32
      %swap3A_251 = arith.index_cast %swap3A_250 : i32 to index
      %swap3A_252 = arith.index_cast %mul3A_249 : i32 to index
      %swap3A_253 = tpu.vector_load %arg11[%swap3A_251, %swap3A_252] {strides = array<i32>} : memref<4x10240xf32, #tpu.memory_space<vmem>>, vector<16xf32>,
      tpu.vector_store %arg11[%swap3A_251, %swap3A_252], %broadcast_in_dim3A_36 {strides = array<i32>} : memref<4x10240xf32, #tpu.memory_space<vmem>>, vector<16xf32>,
      %mul3A_254 = arith.constant 16 : i32
      %mul3A_255 = arith.muli %scan3A_247, %mul3A_254 : i32
      %swap3A_256 = arith.constant 1 : i32
      %swap3A_257 = arith.index_cast %swap3A_256 : i32 to index
      %swap3A_258 = arith.index_cast %mul3A_255 : i32 to index
      %swap3A_259 = tpu.vector_load %arg11[%swap3A_257, %swap3A_258] {strides = array<i32>} : memref<4x10240xf32, #tpu.memory_space<vmem>>, vector<16xf32>,
      tpu.vector_store %arg11[%swap3A_257, %swap3A_258], %broadcast_in_dim3A_36 {strides = array<i32>} : memref<4x10240xf32, #tpu.memory_space<vmem>>, vector<16xf32>,
      %mul3A_260 = arith.constant 16 : i32
      %mul3A_261 = arith.muli %scan3A_247, %mul3A_260 : i32
      %swap3A_262 = arith.constant 2 : i32
      %swap3A_263 = arith.index_cast %swap3A_262 : i32 to index
      %swap3A_264 = arith.index_cast %mul3A_261 : i32 to index
      %swap3A_265 = tpu.vector_load %arg11[%swap3A_263, %swap3A_264] {strides = array<i32>} : memref<4x10240xf32, #tpu.memory_space<vmem>>, vector<16xf32>,
      tpu.vector_store %arg11[%swap3A_263, %swap3A_264], %broadcast_in_dim3A_36 {strides = array<i32>} : memref<4x10240xf32, #tpu.memory_space<vmem>>, vector<16xf32>,
      %mul3A_266 = arith.constant 16 : i32
      %mul3A_267 = arith.muli %scan3A_247, %mul3A_266 : i32
      %swap3A_268 = arith.constant 3 : i32
      %swap3A_269 = arith.index_cast %swap3A_268 : i32 to index
      %swap3A_270 = arith.index_cast %mul3A_267 : i32 to index
      %swap3A_271 = tpu.vector_load %arg11[%swap3A_269, %swap3A_270] {strides = array<i32>} : memref<4x10240xf32, #tpu.memory_space<vmem>>, vector<16xf32>,
      tpu.vector_store %arg11[%swap3A_269, %swap3A_270], %broadcast_in_dim3A_36 {strides = array<i32>} : memref<4x10240xf32, #tpu.memory_space<vmem>>, vector<16xf32>,
      %scan3A_272 = arith.constant 0 : i32
      scf.yield %scan3A_272 : i32
    }
    %scan3A_42 = arith.constant 640 : i32
    %broadcast_in_dim3A_43 = arith.constant 0 : i32
    %broadcast_in_dim3A_44 = vector.broadcast %broadcast_in_dim3A_43 : i32 to vector<16xi32>
    %broadcast_in_dim3A_45 = arith.constant 1 : i32
    %broadcast_in_dim3A_46 = vector.broadcast %broadcast_in_dim3A_45 : i32 to vector<16xi32>
    %broadcast_in_dim3A_47 = arith.constant 2 : i32
    %broadcast_in_dim3A_48 = vector.broadcast %broadcast_in_dim3A_47 : i32 to vector<16xi32>
    %broadcast_in_dim3A_49 = arith.constant 3 : i32
    %broadcast_in_dim3A_50 = vector.broadcast %broadcast_in_dim3A_49 : i32 to vector<16xi32>
    %scan3A_51 = arith.constant 0 : i32
    %scan3A_52 = arith.constant 0 : i32
    %scan3A_53 = arith.constant 20 : i32
    %scan3A_54 = arith.addi %scan3A_52, %scan3A_53 : i32
    %scan3A_55 = arith.constant 1 : i32
    %scan3A_56 = scf.for %scan3A_58 = %scan3A_52 to %scan3A_54 step %scan3A_55 iter_args(%scan3A_59 = %scan3A_51) -> (i32)  : i32 {
      %mul3A_60 = arith.constant 16 : i32
      %mul3A_61 = arith.muli %scan3A_58, %mul3A_60 : i32
      "tpu.region"() ({
        %run_scoped3A = tpu.sem_alloc : memref<!tpu.dma_semaphore, #tpu.memory_space<semaphore_mem>>
        %dma_start3A = arith.constant 0 : i32
        %dma_start3A_74 = tpu.memref_slice %arg2[%add3A_19, %mul3A_61, %dma_start3A] : memref<8x320x128xi32, #tpu.memory_space<hbm>> -> memref<1x16x128xi32, #tpu.memory_space<hbm>>
        %dma_start3A_75 = tpu.memref_squeeze %dma_start3A_74 : memref<1x16x128xi32, #tpu.memory_space<hbm>> -> memref<16x128xi32, #tpu.memory_space<hbm>>
        %dma_start3A_76 = arith.constant 0 : i32
        %dma_start3A_77 = tpu.memref_slice %arg2[%add3A_19, %mul3A_61, %dma_start3A_76] : memref<8x320x128xi32, #tpu.memory_space<hbm>> -> memref<1x16x128xi32, #tpu.memory_space<hbm>>
        %dma_start3A_78 = tpu.memref_squeeze %dma_start3A_77 : memref<1x16x128xi32, #tpu.memory_space<hbm>> -> memref<16x128xi32, #tpu.memory_space<hbm>>
        tpu.enqueue_dma source(%dma_start3A_78 : memref<16x128xi32, #tpu.memory_space<hbm>>) target(%arg7 : memref<16x128xi32, #tpu.memory_space<vmem>>) target_semaphore(%run_scoped3A : memref<!tpu.dma_semaphore, #tpu.memory_space<semaphore_mem>>)
        %dma_wait3A = arith.constant 0 : i32
        %dma_wait3A_79 = tpu.memref_slice %arg2[%add3A_19, %mul3A_61, %dma_wait3A] : memref<8x320x128xi32, #tpu.memory_space<hbm>> -> memref<1x16x128xi32, #tpu.memory_space<hbm>>
        %dma_wait3A_80 = tpu.memref_squeeze %dma_wait3A_79 : memref<1x16x128xi32, #tpu.memory_space<hbm>> -> memref<16x128xi32, #tpu.memory_space<hbm>>
        %dma_wait3A_81 = arith.constant 0 : i32
        %dma_wait3A_82 = tpu.memref_slice %arg2[%add3A_19, %mul3A_61, %dma_wait3A_81] : memref<8x320x128xi32, #tpu.memory_space<hbm>> -> memref<1x16x128xi32, #tpu.memory_space<hbm>>
        %dma_wait3A_83 = tpu.memref_squeeze %dma_wait3A_82 : memref<1x16x128xi32, #tpu.memory_space<hbm>> -> memref<16x128xi32, #tpu.memory_space<hbm>>
        tpu.wait_dma2 semaphore(%run_scoped3A : memref<!tpu.dma_semaphore, #tpu.memory_space<semaphore_mem>>) src(%dma_wait3A_83 : memref<16x128xi32, #tpu.memory_space<hbm>>) dst(%arg7 : memref<16x128xi32, #tpu.memory_space<vmem>>)
        tpu.yield
      }) : () -> ()
      %mul3A_62 = arith.constant 16 : i32
      %mul3A_63 = arith.muli %scan3A_58, %mul3A_62 : i32
      "tpu.region"() ({
        %run_scoped3A = tpu.sem_alloc : memref<!tpu.dma_semaphore, #tpu.memory_space<semaphore_mem>>
        %dma_start3A = arith.constant 0 : i32
        %dma_start3A_74 = tpu.memref_slice %arg3[%add3A_19, %mul3A_63, %dma_start3A] : memref<8x320x128xi32, #tpu.memory_space<hbm>> -> memref<1x16x128xi32, #tpu.memory_space<hbm>>
        %dma_start3A_75 = tpu.memref_squeeze %dma_start3A_74 : memref<1x16x128xi32, #tpu.memory_space<hbm>> -> memref<16x128xi32, #tpu.memory_space<hbm>>
        %dma_start3A_76 = arith.constant 0 : i32
        %dma_start3A_77 = tpu.memref_slice %arg3[%add3A_19, %mul3A_63, %dma_start3A_76] : memref<8x320x128xi32, #tpu.memory_space<hbm>> -> memref<1x16x128xi32, #tpu.memory_space<hbm>>
        %dma_start3A_78 = tpu.memref_squeeze %dma_start3A_77 : memref<1x16x128xi32, #tpu.memory_space<hbm>> -> memref<16x128xi32, #tpu.memory_space<hbm>>
        tpu.enqueue_dma source(%dma_start3A_78 : memref<16x128xi32, #tpu.memory_space<hbm>>) target(%arg8 : memref<16x128xi32, #tpu.memory_space<vmem>>) target_semaphore(%run_scoped3A : memref<!tpu.dma_semaphore, #tpu.memory_space<semaphore_mem>>)
        %dma_wait3A = arith.constant 0 : i32
        %dma_wait3A_79 = tpu.memref_slice %arg3[%add3A_19, %mul3A_63, %dma_wait3A] : memref<8x320x128xi32, #tpu.memory_space<hbm>> -> memref<1x16x128xi32, #tpu.memory_space<hbm>>
        %dma_wait3A_80 = tpu.memref_squeeze %dma_wait3A_79 : memref<1x16x128xi32, #tpu.memory_space<hbm>> -> memref<16x128xi32, #tpu.memory_space<hbm>>
        %dma_wait3A_81 = arith.constant 0 : i32
        %dma_wait3A_82 = tpu.memref_slice %arg3[%add3A_19, %mul3A_63, %dma_wait3A_81] : memref<8x320x128xi32, #tpu.memory_space<hbm>> -> memref<1x16x128xi32, #tpu.memory_space<hbm>>
        %dma_wait3A_83 = tpu.memref_squeeze %dma_wait3A_82 : memref<1x16x128xi32, #tpu.memory_space<hbm>> -> memref<16x128xi32, #tpu.memory_space<hbm>>
        tpu.wait_dma2 semaphore(%run_scoped3A : memref<!tpu.dma_semaphore, #tpu.memory_space<semaphore_mem>>) src(%dma_wait3A_83 : memref<16x128xi32, #tpu.memory_space<hbm>>) dst(%arg8 : memref<16x128xi32, #tpu.memory_space<vmem>>)
        tpu.yield
      }) : () -> ()
      %mul3A_64 = arith.constant 16 : i32
      %mul3A_65 = arith.muli %scan3A_58, %mul3A_64 : i32
      "tpu.region"() ({
        %run_scoped3A = tpu.sem_alloc : memref<!tpu.dma_semaphore, #tpu.memory_space<semaphore_mem>>
        %dma_start3A = arith.constant 0 : i32
        %dma_start3A_74 = tpu.memref_slice %arg4[%add3A_19, %mul3A_65, %dma_start3A] : memref<8x320x128xf32, #tpu.memory_space<hbm>> -> memref<1x16x128xf32, #tpu.memory_space<hbm>>
        %dma_start3A_75 = tpu.memref_squeeze %dma_start3A_74 : memref<1x16x128xf32, #tpu.memory_space<hbm>> -> memref<16x128xf32, #tpu.memory_space<hbm>>
        %dma_start3A_76 = arith.constant 0 : i32
        %dma_start3A_77 = tpu.memref_slice %arg4[%add3A_19, %mul3A_65, %dma_start3A_76] : memref<8x320x128xf32, #tpu.memory_space<hbm>> -> memref<1x16x128xf32, #tpu.memory_space<hbm>>
        %dma_start3A_78 = tpu.memref_squeeze %dma_start3A_77 : memref<1x16x128xf32, #tpu.memory_space<hbm>> -> memref<16x128xf32, #tpu.memory_space<hbm>>
        tpu.enqueue_dma source(%dma_start3A_78 : memref<16x128xf32, #tpu.memory_space<hbm>>) target(%arg9 : memref<16x128xf32, #tpu.memory_space<vmem>>) target_semaphore(%run_scoped3A : memref<!tpu.dma_semaphore, #tpu.memory_space<semaphore_mem>>)
        %dma_wait3A = arith.constant 0 : i32
        %dma_wait3A_79 = tpu.memref_slice %arg4[%add3A_19, %mul3A_65, %dma_wait3A] : memref<8x320x128xf32, #tpu.memory_space<hbm>> -> memref<1x16x128xf32, #tpu.memory_space<hbm>>
        %dma_wait3A_80 = tpu.memref_squeeze %dma_wait3A_79 : memref<1x16x128xf32, #tpu.memory_space<hbm>> -> memref<16x128xf32, #tpu.memory_space<hbm>>
        %dma_wait3A_81 = arith.constant 0 : i32
        %dma_wait3A_82 = tpu.memref_slice %arg4[%add3A_19, %mul3A_65, %dma_wait3A_81] : memref<8x320x128xf32, #tpu.memory_space<hbm>> -> memref<1x16x128xf32, #tpu.memory_space<hbm>>
        %dma_wait3A_83 = tpu.memref_squeeze %dma_wait3A_82 : memref<1x16x128xf32, #tpu.memory_space<hbm>> -> memref<16x128xf32, #tpu.memory_space<hbm>>
        tpu.wait_dma2 semaphore(%run_scoped3A : memref<!tpu.dma_semaphore, #tpu.memory_space<semaphore_mem>>) src(%dma_wait3A_83 : memref<16x128xf32, #tpu.memory_space<hbm>>) dst(%arg9 : memref<16x128xf32, #tpu.memory_space<vmem>>)
        tpu.yield
      }) : () -> ()
      %scan3A_66 = arith.constant 0 : i32
      %scan3A_67 = arith.constant 0 : i32
      %scan3A_68 = arith.constant 16 : i32
      %scan3A_69 = arith.addi %scan3A_67, %scan3A_68 : i32
      %scan3A_70 = arith.constant 1 : i32
      %scan3A_71 = scf.for %scan3A_74 = %scan3A_67 to %scan3A_69 step %scan3A_70 iter_args(%scan3A_75 = %scan3A_66) -> (i32)  : i32 {
        %get3A = arith.index_cast %scan3A_74 : i32 to index
        %get3A_76 = arith.constant 0 : index
        %get3A_77 = tpu.vector_load %arg7[%get3A, %get3A_76] {strides = array<i32>} : memref<16x128xi32, #tpu.memory_space<vmem>>, vector<16xi32>,
        %get3A_78 = arith.index_cast %scan3A_74 : i32 to index
        %get3A_79 = arith.constant 0 : index
        %get3A_80 = tpu.vector_load %arg8[%get3A_78, %get3A_79] {strides = array<i32>} : memref<16x128xi32, #tpu.memory_space<vmem>>, vector<16xi32>,
        %get3A_81 = arith.index_cast %scan3A_74 : i32 to index
        %get3A_82 = arith.constant 0 : index
        %get3A_83 = tpu.vector_load %arg9[%get3A_81, %get3A_82] {strides = array<i32>} : memref<16x128xf32, #tpu.memory_space<vmem>>, vector<16xf32>,
        %gather3A = tpu.vector_load_idx %arg10[%broadcast_in_dim3A_44, %get3A_77] : memref<4x10240xf32, #tpu.memory_space<vmem>>[vector<16xi32>, vector<16xi32>], vector<16xf32>,
        %mul3A_84 = arith.mulf %gather3A, %get3A_83 : vector<16xf32>
        tpu.vector_store_idx %arg11[%broadcast_in_dim3A_44, %get3A_80], %mul3A_84 {add = true} : memref<4x10240xf32, #tpu.memory_space<vmem>>[vector<16xi32>, vector<16xi32>], vector<16xf32>,
        %gather3A_85 = tpu.vector_load_idx %arg10[%broadcast_in_dim3A_46, %get3A_77] : memref<4x10240xf32, #tpu.memory_space<vmem>>[vector<16xi32>, vector<16xi32>], vector<16xf32>,
        %mul3A_86 = arith.mulf %gather3A_85, %get3A_83 : vector<16xf32>
        tpu.vector_store_idx %arg11[%broadcast_in_dim3A_46, %get3A_80], %mul3A_86 {add = true} : memref<4x10240xf32, #tpu.memory_space<vmem>>[vector<16xi32>, vector<16xi32>], vector<16xf32>,
        %gather3A_87 = tpu.vector_load_idx %arg10[%broadcast_in_dim3A_48, %get3A_77] : memref<4x10240xf32, #tpu.memory_space<vmem>>[vector<16xi32>, vector<16xi32>], vector<16xf32>,
        %mul3A_88 = arith.mulf %gather3A_87, %get3A_83 : vector<16xf32>
        tpu.vector_store_idx %arg11[%broadcast_in_dim3A_48, %get3A_80], %mul3A_88 {add = true} : memref<4x10240xf32, #tpu.memory_space<vmem>>[vector<16xi32>, vector<16xi32>], vector<16xf32>,
        %gather3A_89 = tpu.vector_load_idx %arg10[%broadcast_in_dim3A_50, %get3A_77] : memref<4x10240xf32, #tpu.memory_space<vmem>>[vector<16xi32>, vector<16xi32>], vector<16xf32>,
        %mul3A_90 = arith.mulf %gather3A_89, %get3A_83 : vector<16xf32>
        tpu.vector_store_idx %arg11[%broadcast_in_dim3A_50, %get3A_80], %mul3A_90 {add = true} : memref<4x10240xf32, #tpu.memory_space<vmem>>[vector<16xi32>, vector<16xi32>], vector<16xf32>,
        %get3A_91 = arith.index_cast %scan3A_74 : i32 to index
        %get3A_92 = arith.constant 16 : index
        %get3A_93 = tpu.vector_load %arg7[%get3A_91, %get3A_92] {strides = array<i32>} : memref<16x128xi32, #tpu.memory_space<vmem>>, vector<16xi32>,
        %get3A_94 = arith.index_cast %scan3A_74 : i32 to index
        %get3A_95 = arith.constant 16 : index
        %get3A_96 = tpu.vector_load %arg8[%get3A_94, %get3A_95] {strides = array<i32>} : memref<16x128xi32, #tpu.memory_space<vmem>>, vector<16xi32>,
        %get3A_97 = arith.index_cast %scan3A_74 : i32 to index
        %get3A_98 = arith.constant 16 : index
        %get3A_99 = tpu.vector_load %arg9[%get3A_97, %get3A_98] {strides = array<i32>} : memref<16x128xf32, #tpu.memory_space<vmem>>, vector<16xf32>,
        %gather3A_100 = tpu.vector_load_idx %arg10[%broadcast_in_dim3A_44, %get3A_93] : memref<4x10240xf32, #tpu.memory_space<vmem>>[vector<16xi32>, vector<16xi32>], vector<16xf32>,
        %mul3A_101 = arith.mulf %gather3A_100, %get3A_99 : vector<16xf32>
        tpu.vector_store_idx %arg11[%broadcast_in_dim3A_44, %get3A_96], %mul3A_101 {add = true} : memref<4x10240xf32, #tpu.memory_space<vmem>>[vector<16xi32>, vector<16xi32>], vector<16xf32>,
        %gather3A_102 = tpu.vector_load_idx %arg10[%broadcast_in_dim3A_46, %get3A_93] : memref<4x10240xf32, #tpu.memory_space<vmem>>[vector<16xi32>, vector<16xi32>], vector<16xf32>,
        %mul3A_103 = arith.mulf %gather3A_102, %get3A_99 : vector<16xf32>
        tpu.vector_store_idx %arg11[%broadcast_in_dim3A_46, %get3A_96], %mul3A_103 {add = true} : memref<4x10240xf32, #tpu.memory_space<vmem>>[vector<16xi32>, vector<16xi32>], vector<16xf32>,
        %gather3A_104 = tpu.vector_load_idx %arg10[%broadcast_in_dim3A_48, %get3A_93] : memref<4x10240xf32, #tpu.memory_space<vmem>>[vector<16xi32>, vector<16xi32>], vector<16xf32>,
        %mul3A_105 = arith.mulf %gather3A_104, %get3A_99 : vector<16xf32>
        tpu.vector_store_idx %arg11[%broadcast_in_dim3A_48, %get3A_96], %mul3A_105 {add = true} : memref<4x10240xf32, #tpu.memory_space<vmem>>[vector<16xi32>, vector<16xi32>], vector<16xf32>,
        %gather3A_106 = tpu.vector_load_idx %arg10[%broadcast_in_dim3A_50, %get3A_93] : memref<4x10240xf32, #tpu.memory_space<vmem>>[vector<16xi32>, vector<16xi32>], vector<16xf32>,
        %mul3A_107 = arith.mulf %gather3A_106, %get3A_99 : vector<16xf32>
        tpu.vector_store_idx %arg11[%broadcast_in_dim3A_50, %get3A_96], %mul3A_107 {add = true} : memref<4x10240xf32, #tpu.memory_space<vmem>>[vector<16xi32>, vector<16xi32>], vector<16xf32>,
        %get3A_108 = arith.index_cast %scan3A_74 : i32 to index
        %get3A_109 = arith.constant 32 : index
        %get3A_110 = tpu.vector_load %arg7[%get3A_108, %get3A_109] {strides = array<i32>} : memref<16x128xi32, #tpu.memory_space<vmem>>, vector<16xi32>,
        %get3A_111 = arith.index_cast %scan3A_74 : i32 to index
        %get3A_112 = arith.constant 32 : index
        %get3A_113 = tpu.vector_load %arg8[%get3A_111, %get3A_112] {strides = array<i32>} : memref<16x128xi32, #tpu.memory_space<vmem>>, vector<16xi32>,
        %get3A_114 = arith.index_cast %scan3A_74 : i32 to index
        %get3A_115 = arith.constant 32 : index
        %get3A_116 = tpu.vector_load %arg9[%get3A_114, %get3A_115] {strides = array<i32>} : memref<16x128xf32, #tpu.memory_space<vmem>>, vector<16xf32>,
        %gather3A_117 = tpu.vector_load_idx %arg10[%broadcast_in_dim3A_44, %get3A_110] : memref<4x10240xf32, #tpu.memory_space<vmem>>[vector<16xi32>, vector<16xi32>], vector<16xf32>,
        %mul3A_118 = arith.mulf %gather3A_117, %get3A_116 : vector<16xf32>
        tpu.vector_store_idx %arg11[%broadcast_in_dim3A_44, %get3A_113], %mul3A_118 {add = true} : memref<4x10240xf32, #tpu.memory_space<vmem>>[vector<16xi32>, vector<16xi32>], vector<16xf32>,
        %gather3A_119 = tpu.vector_load_idx %arg10[%broadcast_in_dim3A_46, %get3A_110] : memref<4x10240xf32, #tpu.memory_space<vmem>>[vector<16xi32>, vector<16xi32>], vector<16xf32>,
        %mul3A_120 = arith.mulf %gather3A_119, %get3A_116 : vector<16xf32>
        tpu.vector_store_idx %arg11[%broadcast_in_dim3A_46, %get3A_113], %mul3A_120 {add = true} : memref<4x10240xf32, #tpu.memory_space<vmem>>[vector<16xi32>, vector<16xi32>], vector<16xf32>,
        %gather3A_121 = tpu.vector_load_idx %arg10[%broadcast_in_dim3A_48, %get3A_110] : memref<4x10240xf32, #tpu.memory_space<vmem>>[vector<16xi32>, vector<16xi32>], vector<16xf32>,
        %mul3A_122 = arith.mulf %gather3A_121, %get3A_116 : vector<16xf32>
        tpu.vector_store_idx %arg11[%broadcast_in_dim3A_48, %get3A_113], %mul3A_122 {add = true} : memref<4x10240xf32, #tpu.memory_space<vmem>>[vector<16xi32>, vector<16xi32>], vector<16xf32>,
        %gather3A_123 = tpu.vector_load_idx %arg10[%broadcast_in_dim3A_50, %get3A_110] : memref<4x10240xf32, #tpu.memory_space<vmem>>[vector<16xi32>, vector<16xi32>], vector<16xf32>,
        %mul3A_124 = arith.mulf %gather3A_123, %get3A_116 : vector<16xf32>
        tpu.vector_store_idx %arg11[%broadcast_in_dim3A_50, %get3A_113], %mul3A_124 {add = true} : memref<4x10240xf32, #tpu.memory_space<vmem>>[vector<16xi32>, vector<16xi32>], vector<16xf32>,
        %get3A_125 = arith.index_cast %scan3A_74 : i32 to index
        %get3A_126 = arith.constant 48 : index
        %get3A_127 = tpu.vector_load %arg7[%get3A_125, %get3A_126] {strides = array<i32>} : memref<16x128xi32, #tpu.memory_space<vmem>>, vector<16xi32>,
        %get3A_128 = arith.index_cast %scan3A_74 : i32 to index
        %get3A_129 = arith.constant 48 : index
        %get3A_130 = tpu.vector_load %arg8[%get3A_128, %get3A_129] {strides = array<i32>} : memref<16x128xi32, #tpu.memory_space<vmem>>, vector<16xi32>,
        %get3A_131 = arith.index_cast %scan3A_74 : i32 to index
        %get3A_132 = arith.constant 48 : index
        %get3A_133 = tpu.vector_load %arg9[%get3A_131, %get3A_132] {strides = array<i32>} : memref<16x128xf32, #tpu.memory_space<vmem>>, vector<16xf32>,
        %gather3A_134 = tpu.vector_load_idx %arg10[%broadcast_in_dim3A_44, %get3A_127] : memref<4x10240xf32, #tpu.memory_space<vmem>>[vector<16xi32>, vector<16xi32>], vector<16xf32>,
        %mul3A_135 = arith.mulf %gather3A_134, %get3A_133 : vector<16xf32>
        tpu.vector_store_idx %arg11[%broadcast_in_dim3A_44, %get3A_130], %mul3A_135 {add = true} : memref<4x10240xf32, #tpu.memory_space<vmem>>[vector<16xi32>, vector<16xi32>], vector<16xf32>,
        %gather3A_136 = tpu.vector_load_idx %arg10[%broadcast_in_dim3A_46, %get3A_127] : memref<4x10240xf32, #tpu.memory_space<vmem>>[vector<16xi32>, vector<16xi32>], vector<16xf32>,
        %mul3A_137 = arith.mulf %gather3A_136, %get3A_133 : vector<16xf32>
        tpu.vector_store_idx %arg11[%broadcast_in_dim3A_46, %get3A_130], %mul3A_137 {add = true} : memref<4x10240xf32, #tpu.memory_space<vmem>>[vector<16xi32>, vector<16xi32>], vector<16xf32>,
        %gather3A_138 = tpu.vector_load_idx %arg10[%broadcast_in_dim3A_48, %get3A_127] : memref<4x10240xf32, #tpu.memory_space<vmem>>[vector<16xi32>, vector<16xi32>], vector<16xf32>,
        %mul3A_139 = arith.mulf %gather3A_138, %get3A_133 : vector<16xf32>
        tpu.vector_store_idx %arg11[%broadcast_in_dim3A_48, %get3A_130], %mul3A_139 {add = true} : memref<4x10240xf32, #tpu.memory_space<vmem>>[vector<16xi32>, vector<16xi32>], vector<16xf32>,
        %gather3A_140 = tpu.vector_load_idx %arg10[%broadcast_in_dim3A_50, %get3A_127] : memref<4x10240xf32, #tpu.memory_space<vmem>>[vector<16xi32>, vector<16xi32>], vector<16xf32>,
        %mul3A_141 = arith.mulf %gather3A_140, %get3A_133 : vector<16xf32>
        tpu.vector_store_idx %arg11[%broadcast_in_dim3A_50, %get3A_130], %mul3A_141 {add = true} : memref<4x10240xf32, #tpu.memory_space<vmem>>[vector<16xi32>, vector<16xi32>], vector<16xf32>,
        %get3A_142 = arith.index_cast %scan3A_74 : i32 to index
        %get3A_143 = arith.constant 64 : index
        %get3A_144 = tpu.vector_load %arg7[%get3A_142, %get3A_143] {strides = array<i32>} : memref<16x128xi32, #tpu.memory_space<vmem>>, vector<16xi32>,
        %get3A_145 = arith.index_cast %scan3A_74 : i32 to index
        %get3A_146 = arith.constant 64 : index
        %get3A_147 = tpu.vector_load %arg8[%get3A_145, %get3A_146] {strides = array<i32>} : memref<16x128xi32, #tpu.memory_space<vmem>>, vector<16xi32>,
        %get3A_148 = arith.index_cast %scan3A_74 : i32 to index
        %get3A_149 = arith.constant 64 : index
        %get3A_150 = tpu.vector_load %arg9[%get3A_148, %get3A_149] {strides = array<i32>} : memref<16x128xf32, #tpu.memory_space<vmem>>, vector<16xf32>,
        %gather3A_151 = tpu.vector_load_idx %arg10[%broadcast_in_dim3A_44, %get3A_144] : memref<4x10240xf32, #tpu.memory_space<vmem>>[vector<16xi32>, vector<16xi32>], vector<16xf32>,
        %mul3A_152 = arith.mulf %gather3A_151, %get3A_150 : vector<16xf32>
        tpu.vector_store_idx %arg11[%broadcast_in_dim3A_44, %get3A_147], %mul3A_152 {add = true} : memref<4x10240xf32, #tpu.memory_space<vmem>>[vector<16xi32>, vector<16xi32>], vector<16xf32>,
        %gather3A_153 = tpu.vector_load_idx %arg10[%broadcast_in_dim3A_46, %get3A_144] : memref<4x10240xf32, #tpu.memory_space<vmem>>[vector<16xi32>, vector<16xi32>], vector<16xf32>,
        %mul3A_154 = arith.mulf %gather3A_153, %get3A_150 : vector<16xf32>
        tpu.vector_store_idx %arg11[%broadcast_in_dim3A_46, %get3A_147], %mul3A_154 {add = true} : memref<4x10240xf32, #tpu.memory_space<vmem>>[vector<16xi32>, vector<16xi32>], vector<16xf32>,
        %gather3A_155 = tpu.vector_load_idx %arg10[%broadcast_in_dim3A_48, %get3A_144] : memref<4x10240xf32, #tpu.memory_space<vmem>>[vector<16xi32>, vector<16xi32>], vector<16xf32>,
        %mul3A_156 = arith.mulf %gather3A_155, %get3A_150 : vector<16xf32>
        tpu.vector_store_idx %arg11[%broadcast_in_dim3A_48, %get3A_147], %mul3A_156 {add = true} : memref<4x10240xf32, #tpu.memory_space<vmem>>[vector<16xi32>, vector<16xi32>], vector<16xf32>,
        %gather3A_157 = tpu.vector_load_idx %arg10[%broadcast_in_dim3A_50, %get3A_144] : memref<4x10240xf32, #tpu.memory_space<vmem>>[vector<16xi32>, vector<16xi32>], vector<16xf32>,
        %mul3A_158 = arith.mulf %gather3A_157, %get3A_150 : vector<16xf32>
        tpu.vector_store_idx %arg11[%broadcast_in_dim3A_50, %get3A_147], %mul3A_158 {add = true} : memref<4x10240xf32, #tpu.memory_space<vmem>>[vector<16xi32>, vector<16xi32>], vector<16xf32>,
        %get3A_159 = arith.index_cast %scan3A_74 : i32 to index
        %get3A_160 = arith.constant 80 : index
        %get3A_161 = tpu.vector_load %arg7[%get3A_159, %get3A_160] {strides = array<i32>} : memref<16x128xi32, #tpu.memory_space<vmem>>, vector<16xi32>,
        %get3A_162 = arith.index_cast %scan3A_74 : i32 to index
        %get3A_163 = arith.constant 80 : index
        %get3A_164 = tpu.vector_load %arg8[%get3A_162, %get3A_163] {strides = array<i32>} : memref<16x128xi32, #tpu.memory_space<vmem>>, vector<16xi32>,
        %get3A_165 = arith.index_cast %scan3A_74 : i32 to index
        %get3A_166 = arith.constant 80 : index
        %get3A_167 = tpu.vector_load %arg9[%get3A_165, %get3A_166] {strides = array<i32>} : memref<16x128xf32, #tpu.memory_space<vmem>>, vector<16xf32>,
        %gather3A_168 = tpu.vector_load_idx %arg10[%broadcast_in_dim3A_44, %get3A_161] : memref<4x10240xf32, #tpu.memory_space<vmem>>[vector<16xi32>, vector<16xi32>], vector<16xf32>,
        %mul3A_169 = arith.mulf %gather3A_168, %get3A_167 : vector<16xf32>
        tpu.vector_store_idx %arg11[%broadcast_in_dim3A_44, %get3A_164], %mul3A_169 {add = true} : memref<4x10240xf32, #tpu.memory_space<vmem>>[vector<16xi32>, vector<16xi32>], vector<16xf32>,
        %gather3A_170 = tpu.vector_load_idx %arg10[%broadcast_in_dim3A_46, %get3A_161] : memref<4x10240xf32, #tpu.memory_space<vmem>>[vector<16xi32>, vector<16xi32>], vector<16xf32>,
        %mul3A_171 = arith.mulf %gather3A_170, %get3A_167 : vector<16xf32>
        tpu.vector_store_idx %arg11[%broadcast_in_dim3A_46, %get3A_164], %mul3A_171 {add = true} : memref<4x10240xf32, #tpu.memory_space<vmem>>[vector<16xi32>, vector<16xi32>], vector<16xf32>,
        %gather3A_172 = tpu.vector_load_idx %arg10[%broadcast_in_dim3A_48, %get3A_161] : memref<4x10240xf32, #tpu.memory_space<vmem>>[vector<16xi32>, vector<16xi32>], vector<16xf32>,
        %mul3A_173 = arith.mulf %gather3A_172, %get3A_167 : vector<16xf32>
        tpu.vector_store_idx %arg11[%broadcast_in_dim3A_48, %get3A_164], %mul3A_173 {add = true} : memref<4x10240xf32, #tpu.memory_space<vmem>>[vector<16xi32>, vector<16xi32>], vector<16xf32>,
        %gather3A_174 = tpu.vector_load_idx %arg10[%broadcast_in_dim3A_50, %get3A_161] : memref<4x10240xf32, #tpu.memory_space<vmem>>[vector<16xi32>, vector<16xi32>], vector<16xf32>,
        %mul3A_175 = arith.mulf %gather3A_174, %get3A_167 : vector<16xf32>
        tpu.vector_store_idx %arg11[%broadcast_in_dim3A_50, %get3A_164], %mul3A_175 {add = true} : memref<4x10240xf32, #tpu.memory_space<vmem>>[vector<16xi32>, vector<16xi32>], vector<16xf32>,
        %get3A_176 = arith.index_cast %scan3A_74 : i32 to index
        %get3A_177 = arith.constant 96 : index
        %get3A_178 = tpu.vector_load %arg7[%get3A_176, %get3A_177] {strides = array<i32>} : memref<16x128xi32, #tpu.memory_space<vmem>>, vector<16xi32>,
        %get3A_179 = arith.index_cast %scan3A_74 : i32 to index
        %get3A_180 = arith.constant 96 : index
        %get3A_181 = tpu.vector_load %arg8[%get3A_179, %get3A_180] {strides = array<i32>} : memref<16x128xi32, #tpu.memory_space<vmem>>, vector<16xi32>,
        %get3A_182 = arith.index_cast %scan3A_74 : i32 to index
        %get3A_183 = arith.constant 96 : index
        %get3A_184 = tpu.vector_load %arg9[%get3A_182, %get3A_183] {strides = array<i32>} : memref<16x128xf32, #tpu.memory_space<vmem>>, vector<16xf32>,
        %gather3A_185 = tpu.vector_load_idx %arg10[%broadcast_in_dim3A_44, %get3A_178] : memref<4x10240xf32, #tpu.memory_space<vmem>>[vector<16xi32>, vector<16xi32>], vector<16xf32>,
        %mul3A_186 = arith.mulf %gather3A_185, %get3A_184 : vector<16xf32>
        tpu.vector_store_idx %arg11[%broadcast_in_dim3A_44, %get3A_181], %mul3A_186 {add = true} : memref<4x10240xf32, #tpu.memory_space<vmem>>[vector<16xi32>, vector<16xi32>], vector<16xf32>,
        %gather3A_187 = tpu.vector_load_idx %arg10[%broadcast_in_dim3A_46, %get3A_178] : memref<4x10240xf32, #tpu.memory_space<vmem>>[vector<16xi32>, vector<16xi32>], vector<16xf32>,
        %mul3A_188 = arith.mulf %gather3A_187, %get3A_184 : vector<16xf32>
        tpu.vector_store_idx %arg11[%broadcast_in_dim3A_46, %get3A_181], %mul3A_188 {add = true} : memref<4x10240xf32, #tpu.memory_space<vmem>>[vector<16xi32>, vector<16xi32>], vector<16xf32>,
        %gather3A_189 = tpu.vector_load_idx %arg10[%broadcast_in_dim3A_48, %get3A_178] : memref<4x10240xf32, #tpu.memory_space<vmem>>[vector<16xi32>, vector<16xi32>], vector<16xf32>,
        %mul3A_190 = arith.mulf %gather3A_189, %get3A_184 : vector<16xf32>
        tpu.vector_store_idx %arg11[%broadcast_in_dim3A_48, %get3A_181], %mul3A_190 {add = true} : memref<4x10240xf32, #tpu.memory_space<vmem>>[vector<16xi32>, vector<16xi32>], vector<16xf32>,
        %gather3A_191 = tpu.vector_load_idx %arg10[%broadcast_in_dim3A_50, %get3A_178] : memref<4x10240xf32, #tpu.memory_space<vmem>>[vector<16xi32>, vector<16xi32>], vector<16xf32>,
        %mul3A_192 = arith.mulf %gather3A_191, %get3A_184 : vector<16xf32>
        tpu.vector_store_idx %arg11[%broadcast_in_dim3A_50, %get3A_181], %mul3A_192 {add = true} : memref<4x10240xf32, #tpu.memory_space<vmem>>[vector<16xi32>, vector<16xi32>], vector<16xf32>,
        %get3A_193 = arith.index_cast %scan3A_74 : i32 to index
        %get3A_194 = arith.constant 112 : index
        %get3A_195 = tpu.vector_load %arg7[%get3A_193, %get3A_194] {strides = array<i32>} : memref<16x128xi32, #tpu.memory_space<vmem>>, vector<16xi32>,
        %get3A_196 = arith.index_cast %scan3A_74 : i32 to index
        %get3A_197 = arith.constant 112 : index
        %get3A_198 = tpu.vector_load %arg8[%get3A_196, %get3A_197] {strides = array<i32>} : memref<16x128xi32, #tpu.memory_space<vmem>>, vector<16xi32>,
        %get3A_199 = arith.index_cast %scan3A_74 : i32 to index
        %get3A_200 = arith.constant 112 : index
        %get3A_201 = tpu.vector_load %arg9[%get3A_199, %get3A_200] {strides = array<i32>} : memref<16x128xf32, #tpu.memory_space<vmem>>, vector<16xf32>,
        %gather3A_202 = tpu.vector_load_idx %arg10[%broadcast_in_dim3A_44, %get3A_195] : memref<4x10240xf32, #tpu.memory_space<vmem>>[vector<16xi32>, vector<16xi32>], vector<16xf32>,
        %mul3A_203 = arith.mulf %gather3A_202, %get3A_201 : vector<16xf32>
        tpu.vector_store_idx %arg11[%broadcast_in_dim3A_44, %get3A_198], %mul3A_203 {add = true} : memref<4x10240xf32, #tpu.memory_space<vmem>>[vector<16xi32>, vector<16xi32>], vector<16xf32>,
        %gather3A_204 = tpu.vector_load_idx %arg10[%broadcast_in_dim3A_46, %get3A_195] : memref<4x10240xf32, #tpu.memory_space<vmem>>[vector<16xi32>, vector<16xi32>], vector<16xf32>,
        %mul3A_205 = arith.mulf %gather3A_204, %get3A_201 : vector<16xf32>
        tpu.vector_store_idx %arg11[%broadcast_in_dim3A_46, %get3A_198], %mul3A_205 {add = true} : memref<4x10240xf32, #tpu.memory_space<vmem>>[vector<16xi32>, vector<16xi32>], vector<16xf32>,
        %gather3A_206 = tpu.vector_load_idx %arg10[%broadcast_in_dim3A_48, %get3A_195] : memref<4x10240xf32, #tpu.memory_space<vmem>>[vector<16xi32>, vector<16xi32>], vector<16xf32>,
        %mul3A_207 = arith.mulf %gather3A_206, %get3A_201 : vector<16xf32>
        tpu.vector_store_idx %arg11[%broadcast_in_dim3A_48, %get3A_198], %mul3A_207 {add = true} : memref<4x10240xf32, #tpu.memory_space<vmem>>[vector<16xi32>, vector<16xi32>], vector<16xf32>,
        %gather3A_208 = tpu.vector_load_idx %arg10[%broadcast_in_dim3A_50, %get3A_195] : memref<4x10240xf32, #tpu.memory_space<vmem>>[vector<16xi32>, vector<16xi32>], vector<16xf32>,
        %mul3A_209 = arith.mulf %gather3A_208, %get3A_201 : vector<16xf32>
        tpu.vector_store_idx %arg11[%broadcast_in_dim3A_50, %get3A_198], %mul3A_209 {add = true} : memref<4x10240xf32, #tpu.memory_space<vmem>>[vector<16xi32>, vector<16xi32>], vector<16xf32>,
        %scan3A_210 = arith.constant 0 : i32
        scf.yield %scan3A_210 : i32
      }
      %scan3A_72 = arith.constant 16 : i32
      %scan3A_73 = arith.constant 0 : i32
      scf.yield %scan3A_73 : i32
    }
    %scan3A_57 = arith.constant 20 : i32
    "tpu.region"() ({
      %run_scoped3A = tpu.sem_alloc : memref<!tpu.dma_semaphore, #tpu.memory_space<semaphore_mem>>
      %dma_start3A = arith.constant 0 : i32
      %dma_start3A_58 = arith.constant 0 : i32
      %dma_start3A_59 = tpu.memref_slice %arg6[%add3A, %dma_start3A, %dma_start3A_58] : memref<32x4x10240xf32, #tpu.memory_space<hbm>> -> memref<1x4x10240xf32, #tpu.memory_space<hbm>>
      %dma_start3A_60 = tpu.memref_squeeze %dma_start3A_59 : memref<1x4x10240xf32, #tpu.memory_space<hbm>> -> memref<4x10240xf32, #tpu.memory_space<hbm>>
      %dma_start3A_61 = arith.constant 0 : i32
      %dma_start3A_62 = arith.constant 0 : i32
      %dma_start3A_63 = tpu.memref_slice %arg6[%add3A, %dma_start3A_61, %dma_start3A_62] : memref<32x4x10240xf32, #tpu.memory_space<hbm>> -> memref<1x4x10240xf32, #tpu.memory_space<hbm>>
      %dma_start3A_64 = tpu.memref_squeeze %dma_start3A_63 : memref<1x4x10240xf32, #tpu.memory_space<hbm>> -> memref<4x10240xf32, #tpu.memory_space<hbm>>
      tpu.enqueue_dma source(%arg11 : memref<4x10240xf32, #tpu.memory_space<vmem>>) target(%dma_start3A_64 : memref<4x10240xf32, #tpu.memory_space<hbm>>) target_semaphore(%run_scoped3A : memref<!tpu.dma_semaphore, #tpu.memory_space<semaphore_mem>>)
      %dma_wait3A = arith.constant 0 : i32
      %dma_wait3A_65 = arith.constant 0 : i32
      %dma_wait3A_66 = tpu.memref_slice %arg6[%add3A, %dma_wait3A, %dma_wait3A_65] : memref<32x4x10240xf32, #tpu.memory_space<hbm>> -> memref<1x4x10240xf32, #tpu.memory_space<hbm>>
      %dma_wait3A_67 = tpu.memref_squeeze %dma_wait3A_66 : memref<1x4x10240xf32, #tpu.memory_space<hbm>> -> memref<4x10240xf32, #tpu.memory_space<hbm>>
      %dma_wait3A_68 = arith.constant 0 : i32
      %dma_wait3A_69 = arith.constant 0 : i32
      %dma_wait3A_70 = tpu.memref_slice %arg6[%add3A, %dma_wait3A_68, %dma_wait3A_69] : memref<32x4x10240xf32, #tpu.memory_space<hbm>> -> memref<1x4x10240xf32, #tpu.memory_space<hbm>>
      %dma_wait3A_71 = tpu.memref_squeeze %dma_wait3A_70 : memref<1x4x10240xf32, #tpu.memory_space<hbm>> -> memref<4x10240xf32, #tpu.memory_space<hbm>>
      tpu.wait_dma2 semaphore(%run_scoped3A : memref<!tpu.dma_semaphore, #tpu.memory_space<semaphore_mem>>) src(%arg11 : memref<4x10240xf32, #tpu.memory_space<vmem>>) dst(%dma_wait3A_71 : memref<4x10240xf32, #tpu.memory_space<hbm>>)
      tpu.yield
    }) : () -> ()
    return
  }
}

module attributes {stable_mosaic.version = 14 : i64} {
  func.func @_tc1_body(%arg0: memref<128x10240xf32, #tpu.memory_space<vmem>>, %arg1: memref<16x128xf32, #tpu.memory_space<vmem>>, %arg2: memref<32x10240xf32, #tpu.memory_space<vmem>>, %arg3: memref<16x10240xf32, #tpu.memory_space<vmem>>, %arg4: memref<16x10240xf32, #tpu.memory_space<vmem>>, %arg5: memref<10240xf32, #tpu.memory_space<vmem>>) attributes {dimension_semantics = [], scalar_prefetch = 0 : i64, scratch_operands = 0 : i64, tpu.core_type = #tpu.core_type<tc>} {
    %get3A = arith.constant 0 : index
    %get3A_0 = arith.constant 0 : index
    %get3A_1 = vector.load %arg1[%get3A, %get3A_0] : memref<16x128xf32, #tpu.memory_space<vmem>>, vector<16x128xf32>
    %get3A_2 = arith.constant 0 : index
    %get3A_3 = arith.constant 0 : index
    %get3A_4 = vector.load %arg0[%get3A_2, %get3A_3] : memref<128x10240xf32, #tpu.memory_space<vmem>>, vector<128x10240xf32>
    %dot_general3A = arith.constant dense<0.000000e+00> : vector<16x10240xf32>
    %dot_general3A_5 = tpu.matmul %get3A_1, %get3A_4, %dot_general3A {dimension_numbers = #tpu.dot_dimension_numbers<[1], [0], [0], [1], [0, 0, 1, 1], [], []>, transpose_lhs_hint = false} : vector<16x128xf32>, vector<128x10240xf32>, vector<16x10240xf32> -> vector<16x10240xf32>
    %get3A_6 = arith.constant 0 : index
    %get3A_7 = arith.constant 0 : index
    %get3A_8 = vector.load %arg2[%get3A_6, %get3A_7] : memref<32x10240xf32, #tpu.memory_space<vmem>>, vector<32x10240xf32>
    %reduce_sum3A = arith.constant dense<0.000000e+00> : vector<10240xf32>
    %reduce_sum3A_9 = vector.multi_reduction <add>, %get3A_8, %reduce_sum3A [0] : vector<32x10240xf32> to vector<10240xf32>
    %add3A = arith.constant 1.000000e+00 : f32
    %add3A_10 = vector.broadcast %add3A : f32 to vector<10240xf32>
    %add3A_11 = arith.addf %add3A_10, %reduce_sum3A_9 : vector<10240xf32>
    %rsqrt3A = math.rsqrt %add3A_11 : vector<10240xf32>
    %swap3A = arith.constant 0 : index
    %swap3A_12 = arith.constant 0 : index
    %swap3A_13 = vector.load %arg3[%swap3A, %swap3A_12] : memref<16x10240xf32, #tpu.memory_space<vmem>>, vector<16x10240xf32>
    tpu.vector_store %arg3[%swap3A, %swap3A_12], %dot_general3A_5 {strides = array<i32>} : memref<16x10240xf32, #tpu.memory_space<vmem>>, vector<16x10240xf32>,
    %broadcast_in_dim3A = vector.shape_cast %rsqrt3A : vector<10240xf32> to vector<1x10240xf32>
    %mul3A = vector.broadcast %broadcast_in_dim3A : vector<1x10240xf32> to vector<16x10240xf32>
    %mul3A_14 = arith.mulf %dot_general3A_5, %mul3A : vector<16x10240xf32>
    %swap3A_15 = arith.constant 0 : index
    %swap3A_16 = arith.constant 0 : index
    %swap3A_17 = vector.load %arg4[%swap3A_15, %swap3A_16] : memref<16x10240xf32, #tpu.memory_space<vmem>>, vector<16x10240xf32>
    tpu.vector_store %arg4[%swap3A_15, %swap3A_16], %mul3A_14 {strides = array<i32>} : memref<16x10240xf32, #tpu.memory_space<vmem>>, vector<16x10240xf32>,
    %swap3A_18 = arith.constant 0 : index
    %swap3A_19 = vector.load %arg5[%swap3A_18] : memref<10240xf32, #tpu.memory_space<vmem>>, vector<10240xf32>
    tpu.vector_store %arg5[%swap3A_18], %rsqrt3A {strides = array<i32>} : memref<10240xf32, #tpu.memory_space<vmem>>, vector<10240xf32>,
    return
  }
}

module attributes {stable_mosaic.version = 14 : i64} {
  func.func @_tc2_body(%arg0: memref<8x4x10240xf32, #tpu.memory_space<vmem>>, %arg1: memref<8x4x10240xf32, #tpu.memory_space<vmem>>, %arg2: memref<8x4x10240xf32, #tpu.memory_space<vmem>>, %arg3: memref<8x4x10240xf32, #tpu.memory_space<vmem>>, %arg4: memref<10240xf32, #tpu.memory_space<vmem>>, %arg5: memref<16x10240xf32, #tpu.memory_space<vmem>>, %arg6: memref<16x1xf32, #tpu.memory_space<vmem>>, %arg7: memref<16x10240xf32, #tpu.memory_space<vmem>>) attributes {dimension_semantics = [], scalar_prefetch = 0 : i64, scratch_operands = 0 : i64, tpu.core_type = #tpu.core_type<tc>} {
    %get3A = arith.constant 0 : index
    %get3A_0 = vector.load %arg4[%get3A] : memref<10240xf32, #tpu.memory_space<vmem>>, vector<10240xf32>
    %mul3A = arith.mulf %get3A_0, %get3A_0 : vector<10240xf32>
    %get3A_1 = arith.constant 0 : index
    %get3A_2 = arith.constant 0 : index
    %get3A_3 = arith.constant 0 : index
    %get3A_4 = vector.load %arg0[%get3A_1, %get3A_2, %get3A_3] : memref<8x4x10240xf32, #tpu.memory_space<vmem>>, vector<8x4x10240xf32>
    %reduce_sum3A = arith.constant dense<0.000000e+00> : vector<4x10240xf32>
    %reduce_sum3A_5 = vector.multi_reduction <add>, %get3A_4, %reduce_sum3A [0] : vector<8x4x10240xf32> to vector<4x10240xf32>
    %broadcast_in_dim3A = vector.shape_cast %get3A_0 : vector<10240xf32> to vector<1x10240xf32>
    %mul3A_6 = vector.broadcast %broadcast_in_dim3A : vector<1x10240xf32> to vector<4x10240xf32>
    %mul3A_7 = arith.mulf %mul3A_6, %reduce_sum3A_5 : vector<4x10240xf32>
    %broadcast_in_dim3A_8 = vector.shape_cast %mul3A : vector<10240xf32> to vector<1x10240xf32>
    %get3A_9 = arith.constant 0 : index
    %get3A_10 = arith.constant 0 : index
    %get3A_11 = vector.load %arg5[%get3A_9, %get3A_10] : memref<16x10240xf32, #tpu.memory_space<vmem>>, vector<4x10240xf32>
    %mul3A_12 = vector.broadcast %broadcast_in_dim3A_8 : vector<1x10240xf32> to vector<4x10240xf32>
    %mul3A_13 = arith.mulf %mul3A_12, %get3A_11 : vector<4x10240xf32>
    %add3A = arith.addf %mul3A_7, %mul3A_13 : vector<4x10240xf32>
    %get3A_14 = arith.constant 0 : index
    %get3A_15 = arith.constant 0 : index
    %get3A_16 = vector.load %arg6[%get3A_14, %get3A_15] : memref<16x1xf32, #tpu.memory_space<vmem>>, vector<4x1xf32>
    %add3A_17 = vector.broadcast %get3A_16 : vector<4x1xf32> to vector<4x10240xf32>
    %add3A_18 = arith.addf %add3A, %add3A_17 : vector<4x10240xf32>
    %max3A = arith.constant 0.000000e+00 : f32
    %max3A_19 = vector.broadcast %max3A : f32 to vector<4x10240xf32>
    %max3A_20 = arith.maximumf %add3A_18, %max3A_19 : vector<4x10240xf32>
    %swap3A = arith.constant 0 : index
    %swap3A_21 = arith.constant 0 : index
    %swap3A_22 = vector.load %arg7[%swap3A, %swap3A_21] : memref<16x10240xf32, #tpu.memory_space<vmem>>, vector<4x10240xf32>
    tpu.vector_store %arg7[%swap3A, %swap3A_21], %max3A_20 {strides = array<i32>} : memref<16x10240xf32, #tpu.memory_space<vmem>>, vector<4x10240xf32>,
    %get3A_23 = arith.constant 0 : index
    %get3A_24 = arith.constant 0 : index
    %get3A_25 = arith.constant 0 : index
    %get3A_26 = vector.load %arg1[%get3A_23, %get3A_24, %get3A_25] : memref<8x4x10240xf32, #tpu.memory_space<vmem>>, vector<8x4x10240xf32>
    %reduce_sum3A_27 = arith.constant dense<0.000000e+00> : vector<4x10240xf32>
    %reduce_sum3A_28 = vector.multi_reduction <add>, %get3A_26, %reduce_sum3A_27 [0] : vector<8x4x10240xf32> to vector<4x10240xf32>
    %broadcast_in_dim3A_29 = vector.shape_cast %get3A_0 : vector<10240xf32> to vector<1x10240xf32>
    %mul3A_30 = vector.broadcast %broadcast_in_dim3A_29 : vector<1x10240xf32> to vector<4x10240xf32>
    %mul3A_31 = arith.mulf %mul3A_30, %reduce_sum3A_28 : vector<4x10240xf32>
    %broadcast_in_dim3A_32 = vector.shape_cast %mul3A : vector<10240xf32> to vector<1x10240xf32>
    %get3A_33 = arith.constant 4 : index
    %get3A_34 = arith.constant 0 : index
    %get3A_35 = vector.load %arg5[%get3A_33, %get3A_34] : memref<16x10240xf32, #tpu.memory_space<vmem>>, vector<4x10240xf32>
    %mul3A_36 = vector.broadcast %broadcast_in_dim3A_32 : vector<1x10240xf32> to vector<4x10240xf32>
    %mul3A_37 = arith.mulf %mul3A_36, %get3A_35 : vector<4x10240xf32>
    %add3A_38 = arith.addf %mul3A_31, %mul3A_37 : vector<4x10240xf32>
    %get3A_39 = arith.constant 4 : index
    %get3A_40 = arith.constant 0 : index
    %get3A_41 = vector.load %arg6[%get3A_39, %get3A_40] : memref<16x1xf32, #tpu.memory_space<vmem>>, vector<4x1xf32>
    %add3A_42 = vector.broadcast %get3A_41 : vector<4x1xf32> to vector<4x10240xf32>
    %add3A_43 = arith.addf %add3A_38, %add3A_42 : vector<4x10240xf32>
    %max3A_44 = arith.constant 0.000000e+00 : f32
    %max3A_45 = vector.broadcast %max3A_44 : f32 to vector<4x10240xf32>
    %max3A_46 = arith.maximumf %add3A_43, %max3A_45 : vector<4x10240xf32>
    %swap3A_47 = arith.constant 4 : index
    %swap3A_48 = arith.constant 0 : index
    %swap3A_49 = vector.load %arg7[%swap3A_47, %swap3A_48] : memref<16x10240xf32, #tpu.memory_space<vmem>>, vector<4x10240xf32>
    tpu.vector_store %arg7[%swap3A_47, %swap3A_48], %max3A_46 {strides = array<i32>} : memref<16x10240xf32, #tpu.memory_space<vmem>>, vector<4x10240xf32>,
    %get3A_50 = arith.constant 0 : index
    %get3A_51 = arith.constant 0 : index
    %get3A_52 = arith.constant 0 : index
    %get3A_53 = vector.load %arg2[%get3A_50, %get3A_51, %get3A_52] : memref<8x4x10240xf32, #tpu.memory_space<vmem>>, vector<8x4x10240xf32>
    %reduce_sum3A_54 = arith.constant dense<0.000000e+00> : vector<4x10240xf32>
    %reduce_sum3A_55 = vector.multi_reduction <add>, %get3A_53, %reduce_sum3A_54 [0] : vector<8x4x10240xf32> to vector<4x10240xf32>
    %broadcast_in_dim3A_56 = vector.shape_cast %get3A_0 : vector<10240xf32> to vector<1x10240xf32>
    %mul3A_57 = vector.broadcast %broadcast_in_dim3A_56 : vector<1x10240xf32> to vector<4x10240xf32>
    %mul3A_58 = arith.mulf %mul3A_57, %reduce_sum3A_55 : vector<4x10240xf32>
    %broadcast_in_dim3A_59 = vector.shape_cast %mul3A : vector<10240xf32> to vector<1x10240xf32>
    %get3A_60 = arith.constant 8 : index
    %get3A_61 = arith.constant 0 : index
    %get3A_62 = vector.load %arg5[%get3A_60, %get3A_61] : memref<16x10240xf32, #tpu.memory_space<vmem>>, vector<4x10240xf32>
    %mul3A_63 = vector.broadcast %broadcast_in_dim3A_59 : vector<1x10240xf32> to vector<4x10240xf32>
    %mul3A_64 = arith.mulf %mul3A_63, %get3A_62 : vector<4x10240xf32>
    %add3A_65 = arith.addf %mul3A_58, %mul3A_64 : vector<4x10240xf32>
    %get3A_66 = arith.constant 8 : index
    %get3A_67 = arith.constant 0 : index
    %get3A_68 = vector.load %arg6[%get3A_66, %get3A_67] : memref<16x1xf32, #tpu.memory_space<vmem>>, vector<4x1xf32>
    %add3A_69 = vector.broadcast %get3A_68 : vector<4x1xf32> to vector<4x10240xf32>
    %add3A_70 = arith.addf %add3A_65, %add3A_69 : vector<4x10240xf32>
    %max3A_71 = arith.constant 0.000000e+00 : f32
    %max3A_72 = vector.broadcast %max3A_71 : f32 to vector<4x10240xf32>
    %max3A_73 = arith.maximumf %add3A_70, %max3A_72 : vector<4x10240xf32>
    %swap3A_74 = arith.constant 8 : index
    %swap3A_75 = arith.constant 0 : index
    %swap3A_76 = vector.load %arg7[%swap3A_74, %swap3A_75] : memref<16x10240xf32, #tpu.memory_space<vmem>>, vector<4x10240xf32>
    tpu.vector_store %arg7[%swap3A_74, %swap3A_75], %max3A_73 {strides = array<i32>} : memref<16x10240xf32, #tpu.memory_space<vmem>>, vector<4x10240xf32>,
    %get3A_77 = arith.constant 0 : index
    %get3A_78 = arith.constant 0 : index
    %get3A_79 = arith.constant 0 : index
    %get3A_80 = vector.load %arg3[%get3A_77, %get3A_78, %get3A_79] : memref<8x4x10240xf32, #tpu.memory_space<vmem>>, vector<8x4x10240xf32>
    %reduce_sum3A_81 = arith.constant dense<0.000000e+00> : vector<4x10240xf32>
    %reduce_sum3A_82 = vector.multi_reduction <add>, %get3A_80, %reduce_sum3A_81 [0] : vector<8x4x10240xf32> to vector<4x10240xf32>
    %broadcast_in_dim3A_83 = vector.shape_cast %get3A_0 : vector<10240xf32> to vector<1x10240xf32>
    %mul3A_84 = vector.broadcast %broadcast_in_dim3A_83 : vector<1x10240xf32> to vector<4x10240xf32>
    %mul3A_85 = arith.mulf %mul3A_84, %reduce_sum3A_82 : vector<4x10240xf32>
    %broadcast_in_dim3A_86 = vector.shape_cast %mul3A : vector<10240xf32> to vector<1x10240xf32>
    %get3A_87 = arith.constant 12 : index
    %get3A_88 = arith.constant 0 : index
    %get3A_89 = vector.load %arg5[%get3A_87, %get3A_88] : memref<16x10240xf32, #tpu.memory_space<vmem>>, vector<4x10240xf32>
    %mul3A_90 = vector.broadcast %broadcast_in_dim3A_86 : vector<1x10240xf32> to vector<4x10240xf32>
    %mul3A_91 = arith.mulf %mul3A_90, %get3A_89 : vector<4x10240xf32>
    %add3A_92 = arith.addf %mul3A_85, %mul3A_91 : vector<4x10240xf32>
    %get3A_93 = arith.constant 12 : index
    %get3A_94 = arith.constant 0 : index
    %get3A_95 = vector.load %arg6[%get3A_93, %get3A_94] : memref<16x1xf32, #tpu.memory_space<vmem>>, vector<4x1xf32>
    %add3A_96 = vector.broadcast %get3A_95 : vector<4x1xf32> to vector<4x10240xf32>
    %add3A_97 = arith.addf %add3A_92, %add3A_96 : vector<4x10240xf32>
    %max3A_98 = arith.constant 0.000000e+00 : f32
    %max3A_99 = vector.broadcast %max3A_98 : f32 to vector<4x10240xf32>
    %max3A_100 = arith.maximumf %add3A_97, %max3A_99 : vector<4x10240xf32>
    %swap3A_101 = arith.constant 12 : index
    %swap3A_102 = arith.constant 0 : index
    %swap3A_103 = vector.load %arg7[%swap3A_101, %swap3A_102] : memref<16x10240xf32, #tpu.memory_space<vmem>>, vector<4x10240xf32>
    tpu.vector_store %arg7[%swap3A_101, %swap3A_102], %max3A_100 {strides = array<i32>} : memref<16x10240xf32, #tpu.memory_space<vmem>>, vector<4x10240xf32>,
    return
  }
}

module attributes {stable_mosaic.version = 14 : i64} {
  func.func @_tc3_body(%arg0: memref<8x4x10240xf32, #tpu.memory_space<vmem>>, %arg1: memref<8x4x10240xf32, #tpu.memory_space<vmem>>, %arg2: memref<8x4x10240xf32, #tpu.memory_space<vmem>>, %arg3: memref<8x4x10240xf32, #tpu.memory_space<vmem>>, %arg4: memref<16x10240xf32, #tpu.memory_space<vmem>>, %arg5: memref<16x1xf32, #tpu.memory_space<vmem>>, %arg6: memref<16x1xf32, #tpu.memory_space<vmem>>, %arg7: memref<1x1xf32, #tpu.memory_space<vmem>>, %arg8: memref<10240xf32, #tpu.memory_space<vmem>>, %arg9: memref<16x10240xf32, #tpu.memory_space<vmem>>) attributes {dimension_semantics = [], scalar_prefetch = 0 : i64, scratch_operands = 0 : i64, tpu.core_type = #tpu.core_type<tc>} {
    %get3A = arith.constant 0 : index
    %get3A_0 = arith.constant 0 : index
    %get3A_1 = vector.load %arg4[%get3A, %get3A_0] : memref<16x10240xf32, #tpu.memory_space<vmem>>, vector<16x10240xf32>
    %convert_element_type3A = arith.truncf %get3A_1 : vector<16x10240xf32> to vector<16x10240xbf16>
    %convert_element_type3A_2 = arith.extf %convert_element_type3A : vector<16x10240xbf16> to vector<16x10240xf32>
    %get3A_3 = arith.constant 0 : index
    %get3A_4 = arith.constant 0 : index
    %get3A_5 = vector.load %arg6[%get3A_3, %get3A_4] : memref<16x1xf32, #tpu.memory_space<vmem>>, vector<16x1xf32>
    %convert_element_type3A_6 = arith.truncf %get3A_5 : vector<16x1xf32> to vector<16x1xbf16>
    %convert_element_type3A_7 = arith.extf %convert_element_type3A_6 : vector<16x1xbf16> to vector<16x1xf32>
    %mul3A = vector.broadcast %convert_element_type3A_7 : vector<16x1xf32> to vector<16x10240xf32>
    %mul3A_8 = arith.mulf %convert_element_type3A_2, %mul3A : vector<16x10240xf32>
    %reduce_sum3A = arith.constant dense<0.000000e+00> : vector<10240xf32>
    %reduce_sum3A_9 = vector.multi_reduction <add>, %mul3A_8, %reduce_sum3A [0] : vector<16x10240xf32> to vector<10240xf32>
    %get3A_10 = arith.constant 0 : index
    %get3A_11 = arith.constant 0 : index
    %get3A_12 = vector.load %arg7[%get3A_10, %get3A_11] : memref<1x1xf32, #tpu.memory_space<vmem>>, vector<1x1xf32>
    %get3A_13 = vector.extract %get3A_12[0, 0] : f32 from vector<1x1xf32>
    %add3A = vector.broadcast %get3A_13 : f32 to vector<10240xf32>
    %add3A_14 = arith.addf %reduce_sum3A_9, %add3A : vector<10240xf32>
    %get3A_15 = arith.constant 0 : index
    %get3A_16 = arith.constant 0 : index
    %get3A_17 = arith.constant 0 : index
    %get3A_18 = vector.load %arg0[%get3A_15, %get3A_16, %get3A_17] : memref<8x4x10240xf32, #tpu.memory_space<vmem>>, vector<8x4x10240xf32>
    %reduce_sum3A_19 = arith.constant dense<0.000000e+00> : vector<4x10240xf32>
    %reduce_sum3A_20 = vector.multi_reduction <add>, %get3A_18, %reduce_sum3A_19 [0] : vector<8x4x10240xf32> to vector<4x10240xf32>
    %convert_element_type3A_21 = arith.truncf %reduce_sum3A_20 : vector<4x10240xf32> to vector<4x10240xbf16>
    %convert_element_type3A_22 = arith.extf %convert_element_type3A_21 : vector<4x10240xbf16> to vector<4x10240xf32>
    %get3A_23 = arith.constant 0 : index
    %get3A_24 = arith.constant 0 : index
    %get3A_25 = vector.load %arg5[%get3A_23, %get3A_24] : memref<16x1xf32, #tpu.memory_space<vmem>>, vector<4x1xf32>
    %convert_element_type3A_26 = arith.truncf %get3A_25 : vector<4x1xf32> to vector<4x1xbf16>
    %convert_element_type3A_27 = arith.extf %convert_element_type3A_26 : vector<4x1xbf16> to vector<4x1xf32>
    %mul3A_28 = vector.broadcast %convert_element_type3A_27 : vector<4x1xf32> to vector<4x10240xf32>
    %mul3A_29 = arith.mulf %convert_element_type3A_22, %mul3A_28 : vector<4x10240xf32>
    %reduce_sum3A_30 = arith.constant dense<0.000000e+00> : vector<10240xf32>
    %reduce_sum3A_31 = vector.multi_reduction <add>, %mul3A_29, %reduce_sum3A_30 [0] : vector<4x10240xf32> to vector<10240xf32>
    %add3A_32 = arith.addf %add3A_14, %reduce_sum3A_31 : vector<10240xf32>
    %get3A_33 = arith.constant 0 : index
    %get3A_34 = arith.constant 0 : index
    %get3A_35 = arith.constant 0 : index
    %get3A_36 = vector.load %arg1[%get3A_33, %get3A_34, %get3A_35] : memref<8x4x10240xf32, #tpu.memory_space<vmem>>, vector<8x4x10240xf32>
    %reduce_sum3A_37 = arith.constant dense<0.000000e+00> : vector<4x10240xf32>
    %reduce_sum3A_38 = vector.multi_reduction <add>, %get3A_36, %reduce_sum3A_37 [0] : vector<8x4x10240xf32> to vector<4x10240xf32>
    %convert_element_type3A_39 = arith.truncf %reduce_sum3A_38 : vector<4x10240xf32> to vector<4x10240xbf16>
    %convert_element_type3A_40 = arith.extf %convert_element_type3A_39 : vector<4x10240xbf16> to vector<4x10240xf32>
    %get3A_41 = arith.constant 4 : index
    %get3A_42 = arith.constant 0 : index
    %get3A_43 = vector.load %arg5[%get3A_41, %get3A_42] : memref<16x1xf32, #tpu.memory_space<vmem>>, vector<4x1xf32>
    %convert_element_type3A_44 = arith.truncf %get3A_43 : vector<4x1xf32> to vector<4x1xbf16>
    %convert_element_type3A_45 = arith.extf %convert_element_type3A_44 : vector<4x1xbf16> to vector<4x1xf32>
    %mul3A_46 = vector.broadcast %convert_element_type3A_45 : vector<4x1xf32> to vector<4x10240xf32>
    %mul3A_47 = arith.mulf %convert_element_type3A_40, %mul3A_46 : vector<4x10240xf32>
    %reduce_sum3A_48 = arith.constant dense<0.000000e+00> : vector<10240xf32>
    %reduce_sum3A_49 = vector.multi_reduction <add>, %mul3A_47, %reduce_sum3A_48 [0] : vector<4x10240xf32> to vector<10240xf32>
    %add3A_50 = arith.addf %add3A_32, %reduce_sum3A_49 : vector<10240xf32>
    %get3A_51 = arith.constant 0 : index
    %get3A_52 = arith.constant 0 : index
    %get3A_53 = arith.constant 0 : index
    %get3A_54 = vector.load %arg2[%get3A_51, %get3A_52, %get3A_53] : memref<8x4x10240xf32, #tpu.memory_space<vmem>>, vector<8x4x10240xf32>
    %reduce_sum3A_55 = arith.constant dense<0.000000e+00> : vector<4x10240xf32>
    %reduce_sum3A_56 = vector.multi_reduction <add>, %get3A_54, %reduce_sum3A_55 [0] : vector<8x4x10240xf32> to vector<4x10240xf32>
    %convert_element_type3A_57 = arith.truncf %reduce_sum3A_56 : vector<4x10240xf32> to vector<4x10240xbf16>
    %convert_element_type3A_58 = arith.extf %convert_element_type3A_57 : vector<4x10240xbf16> to vector<4x10240xf32>
    %get3A_59 = arith.constant 8 : index
    %get3A_60 = arith.constant 0 : index
    %get3A_61 = vector.load %arg5[%get3A_59, %get3A_60] : memref<16x1xf32, #tpu.memory_space<vmem>>, vector<4x1xf32>
    %convert_element_type3A_62 = arith.truncf %get3A_61 : vector<4x1xf32> to vector<4x1xbf16>
    %convert_element_type3A_63 = arith.extf %convert_element_type3A_62 : vector<4x1xbf16> to vector<4x1xf32>
    %mul3A_64 = vector.broadcast %convert_element_type3A_63 : vector<4x1xf32> to vector<4x10240xf32>
    %mul3A_65 = arith.mulf %convert_element_type3A_58, %mul3A_64 : vector<4x10240xf32>
    %reduce_sum3A_66 = arith.constant dense<0.000000e+00> : vector<10240xf32>
    %reduce_sum3A_67 = vector.multi_reduction <add>, %mul3A_65, %reduce_sum3A_66 [0] : vector<4x10240xf32> to vector<10240xf32>
    %add3A_68 = arith.addf %add3A_50, %reduce_sum3A_67 : vector<10240xf32>
    %get3A_69 = arith.constant 0 : index
    %get3A_70 = arith.constant 0 : index
    %get3A_71 = arith.constant 0 : index
    %get3A_72 = vector.load %arg3[%get3A_69, %get3A_70, %get3A_71] : memref<8x4x10240xf32, #tpu.memory_space<vmem>>, vector<8x4x10240xf32>
    %reduce_sum3A_73 = arith.constant dense<0.000000e+00> : vector<4x10240xf32>
    %reduce_sum3A_74 = vector.multi_reduction <add>, %get3A_72, %reduce_sum3A_73 [0] : vector<8x4x10240xf32> to vector<4x10240xf32>
    %convert_element_type3A_75 = arith.truncf %reduce_sum3A_74 : vector<4x10240xf32> to vector<4x10240xbf16>
    %convert_element_type3A_76 = arith.extf %convert_element_type3A_75 : vector<4x10240xbf16> to vector<4x10240xf32>
    %get3A_77 = arith.constant 12 : index
    %get3A_78 = arith.constant 0 : index
    %get3A_79 = vector.load %arg5[%get3A_77, %get3A_78] : memref<16x1xf32, #tpu.memory_space<vmem>>, vector<4x1xf32>
    %convert_element_type3A_80 = arith.truncf %get3A_79 : vector<4x1xf32> to vector<4x1xbf16>
    %convert_element_type3A_81 = arith.extf %convert_element_type3A_80 : vector<4x1xbf16> to vector<4x1xf32>
    %mul3A_82 = vector.broadcast %convert_element_type3A_81 : vector<4x1xf32> to vector<4x10240xf32>
    %mul3A_83 = arith.mulf %convert_element_type3A_76, %mul3A_82 : vector<4x10240xf32>
    %reduce_sum3A_84 = arith.constant dense<0.000000e+00> : vector<10240xf32>
    %reduce_sum3A_85 = vector.multi_reduction <add>, %mul3A_83, %reduce_sum3A_84 [0] : vector<4x10240xf32> to vector<10240xf32>
    %add3A_86 = arith.addf %add3A_68, %reduce_sum3A_85 : vector<10240xf32>
    %tanh3A = math.tanh %add3A_86 : vector<10240xf32>
    %bitcast_convert_type3A = tpu.bitcast %tanh3A : vector<10240xf32> -> vector<10240xi32>
    %lt3A = arith.constant 0 : i32
    %lt3A_87 = vector.broadcast %lt3A : i32 to vector<10240xi32>
    %lt3A_88 = arith.cmpi slt, %bitcast_convert_type3A, %lt3A_87 : vector<10240xi32>
    %not3A = arith.constant dense<-1> : vector<10240xi32>
    %not3A_89 = arith.xori %bitcast_convert_type3A, %not3A : vector<10240xi32>
    %xor3A = arith.constant -2147483648 : i32
    %xor3A_90 = vector.broadcast %xor3A : i32 to vector<10240xi32>
    %xor3A_91 = arith.xori %bitcast_convert_type3A, %xor3A_90 : vector<10240xi32>
    %select_n3A = arith.select %lt3A_88, %not3A_89, %xor3A_91 : vector<10240xi1>, vector<10240xi32>
    %iota3A = tpu.iota {dimensions = array<i32: 1>} : vector<1x10240xi32>
    %iota3A_92 = vector.shape_cast %iota3A : vector<1x10240xi32> to vector<10240xi32>
    %lt3A_93 = arith.constant 10000 : i32
    %lt3A_94 = vector.broadcast %lt3A_93 : i32 to vector<10240xi32>
    %lt3A_95 = arith.cmpi slt, %iota3A_92, %lt3A_94 : vector<10240xi32>
    %jit3A = arith.constant 0 : i32
    %broadcast_in_dim3A = vector.broadcast %jit3A : i32 to vector<10240xi32>
    %select_n3A_96 = arith.select %lt3A_95, %select_n3A, %broadcast_in_dim3A : vector<10240xi1>, vector<10240xi32>
    %scan3A = arith.constant 0 : i32
    %scan3A_97 = arith.constant -1 : i32
    %scan3A_98 = arith.constant 0 : i32
    %scan3A_99 = arith.constant 33 : i32
    %scan3A_100 = arith.addi %scan3A_98, %scan3A_99 : i32
    %scan3A_101 = arith.constant 1 : i32
    %scan3A_102:2 = scf.for %scan3A_114 = %scan3A_98 to %scan3A_100 step %scan3A_101 iter_args(%scan3A_115 = %scan3A, %scan3A_116 = %scan3A_97) -> (i32, i32)  : i32 {
      %sub3A = arith.subi %scan3A_116, %scan3A_115 : i32
      %jit3A_117 = arith.constant 2 : i32
      %div3A = arith.divui %sub3A, %jit3A_117 : i32
      %add3A_118 = arith.addi %scan3A_115, %div3A : i32
      %add3A_119 = arith.constant 1 : i32
      %add3A_120 = arith.addi %add3A_118, %add3A_119 : i32
      %ge3A_121 = vector.broadcast %add3A_120 : i32 to vector<10240xi32>
      %ge3A_122 = arith.cmpi uge, %select_n3A_96, %ge3A_121 : vector<10240xi32>
      %convert_element_type3A_123 = arith.extui %ge3A_122 : vector<10240xi1> to vector<10240xi32>
      %reduce_sum3A_124 = vector.shape_cast %convert_element_type3A_123 : vector<10240xi32> to vector<1x10240xi32>
      %reduce_sum3A_125 = arith.constant dense<0> : vector<1xi32>
      %reduce_sum3A_126 = vector.multi_reduction <add>, %reduce_sum3A_124, %reduce_sum3A_125 [1] : vector<1x10240xi32> to vector<1xi32>
      %reduce_sum3A_127 = vector.shape_cast %reduce_sum3A_126 : vector<1xi32> to vector<1x1xi32>
      %reduce_sum3A_128 = vector.extract %reduce_sum3A_127[0, 0] : i32 from vector<1x1xi32>
      %ge3A_129 = arith.constant 8000 : i32
      %ge3A_130 = arith.cmpi sge, %reduce_sum3A_128, %ge3A_129 : i32
      %select_n3A_131 = arith.select %ge3A_130, %add3A_120, %scan3A_115 : i32
      %sub3A_132 = arith.constant 1 : i32
      %sub3A_133 = arith.subi %add3A_120, %sub3A_132 : i32
      %select_n3A_134 = arith.select %ge3A_130, %scan3A_116, %sub3A_133 : i32
      scf.yield %select_n3A_131, %select_n3A_134 : i32, i32
    }
    %ge3A = vector.broadcast %scan3A_102#0 : i32 to vector<10240xi32>
    %ge3A_103 = arith.cmpi uge, %select_n3A_96, %ge3A : vector<10240xi32>
    %convert_element_type3A_104 = arith.extui %ge3A_103 : vector<10240xi1> to vector<10240xi32>
    %convert_element_type3A_105 = arith.sitofp %convert_element_type3A_104 : vector<10240xi32> to vector<10240xf32>
    %swap3A = arith.constant 0 : index
    %swap3A_106 = vector.load %arg8[%swap3A] : memref<10240xf32, #tpu.memory_space<vmem>>, vector<10240xf32>
    tpu.vector_store %arg8[%swap3A], %convert_element_type3A_105 {strides = array<i32>} : memref<10240xf32, #tpu.memory_space<vmem>>, vector<10240xf32>,
    %mul3A_107 = arith.mulf %tanh3A, %convert_element_type3A_105 : vector<10240xf32>
    %broadcast_in_dim3A_108 = vector.shape_cast %mul3A_107 : vector<10240xf32> to vector<1x10240xf32>
    %mul3A_109 = vector.broadcast %broadcast_in_dim3A_108 : vector<1x10240xf32> to vector<16x10240xf32>
    %mul3A_110 = arith.mulf %get3A_1, %mul3A_109 : vector<16x10240xf32>
    %swap3A_111 = arith.constant 0 : index
    %swap3A_112 = arith.constant 0 : index
    %swap3A_113 = vector.load %arg9[%swap3A_111, %swap3A_112] : memref<16x10240xf32, #tpu.memory_space<vmem>>, vector<16x10240xf32>
    tpu.vector_store %arg9[%swap3A_111, %swap3A_112], %mul3A_110 {strides = array<i32>} : memref<16x10240xf32, #tpu.memory_space<vmem>>, vector<16x10240xf32>,
    return
  }
}

module attributes {stable_mosaic.version = 14 : i64} {
  func.func @_tc4_body(%arg0: memref<32x10240xf32, #tpu.memory_space<vmem>>, %arg1: memref<16x10240xf32, #tpu.memory_space<vmem>>, %arg2: memref<10240xf32, #tpu.memory_space<vmem>>, %arg3: memref<16x10240xf32, #tpu.memory_space<vmem>>) attributes {dimension_semantics = [], scalar_prefetch = 0 : i64, scratch_operands = 0 : i64, tpu.core_type = #tpu.core_type<tc>} {
    %get3A = arith.constant 0 : index
    %get3A_0 = arith.constant 0 : index
    %get3A_1 = vector.load %arg0[%get3A, %get3A_0] : memref<32x10240xf32, #tpu.memory_space<vmem>>, vector<32x10240xf32>
    %reduce_sum3A = arith.constant dense<0.000000e+00> : vector<10240xf32>
    %reduce_sum3A_2 = vector.multi_reduction <add>, %get3A_1, %reduce_sum3A [0] : vector<32x10240xf32> to vector<10240xf32>
    %add3A = arith.constant 1.000000e+00 : f32
    %add3A_3 = vector.broadcast %add3A : f32 to vector<10240xf32>
    %add3A_4 = arith.addf %add3A_3, %reduce_sum3A_2 : vector<10240xf32>
    %rsqrt3A = math.rsqrt %add3A_4 : vector<10240xf32>
    %swap3A = arith.constant 0 : index
    %swap3A_5 = vector.load %arg2[%swap3A] : memref<10240xf32, #tpu.memory_space<vmem>>, vector<10240xf32>
    tpu.vector_store %arg2[%swap3A], %rsqrt3A {strides = array<i32>} : memref<10240xf32, #tpu.memory_space<vmem>>, vector<10240xf32>,
    %broadcast_in_dim3A = vector.shape_cast %rsqrt3A : vector<10240xf32> to vector<1x10240xf32>
    %get3A_6 = arith.constant 0 : index
    %get3A_7 = arith.constant 0 : index
    %get3A_8 = vector.load %arg1[%get3A_6, %get3A_7] : memref<16x10240xf32, #tpu.memory_space<vmem>>, vector<16x10240xf32>
    %convert_element_type3A = arith.truncf %get3A_8 : vector<16x10240xf32> to vector<16x10240xbf16>
    %convert_element_type3A_9 = arith.extf %convert_element_type3A : vector<16x10240xbf16> to vector<16x10240xf32>
    %mul3A = vector.broadcast %broadcast_in_dim3A : vector<1x10240xf32> to vector<16x10240xf32>
    %mul3A_10 = arith.mulf %mul3A, %convert_element_type3A_9 : vector<16x10240xf32>
    %swap3A_11 = arith.constant 0 : index
    %swap3A_12 = arith.constant 0 : index
    %swap3A_13 = vector.load %arg3[%swap3A_11, %swap3A_12] : memref<16x10240xf32, #tpu.memory_space<vmem>>, vector<16x10240xf32>
    tpu.vector_store %arg3[%swap3A_11, %swap3A_12], %mul3A_10 {strides = array<i32>} : memref<16x10240xf32, #tpu.memory_space<vmem>>, vector<16x10240xf32>,
    return
  }
}

module attributes {stable_mosaic.version = 14 : i64} {
  func.func @_tc5_body(%arg0: memref<8x4x10240xf32, #tpu.memory_space<vmem>>, %arg1: memref<8x4x10240xf32, #tpu.memory_space<vmem>>, %arg2: memref<8x4x10240xf32, #tpu.memory_space<vmem>>, %arg3: memref<8x4x10240xf32, #tpu.memory_space<vmem>>, %arg4: memref<10240xf32, #tpu.memory_space<vmem>>, %arg5: memref<16x10240xf32, #tpu.memory_space<vmem>>, %arg6: memref<128x16xf32, #tpu.memory_space<vmem>>, %arg7: memref<128x1xf32, #tpu.memory_space<vmem>>, %arg8: memref<10240xf32, #tpu.memory_space<vmem>>, %arg9: memref<128x1xf32, #tpu.memory_space<vmem>>) attributes {dimension_semantics = [], scalar_prefetch = 0 : i64, scratch_operands = 0 : i64, tpu.core_type = #tpu.core_type<tc>} {
    %get3A = arith.constant 0 : index
    %get3A_0 = vector.load %arg4[%get3A] : memref<10240xf32, #tpu.memory_space<vmem>>, vector<10240xf32>
    %mul3A = arith.mulf %get3A_0, %get3A_0 : vector<10240xf32>
    %get3A_1 = arith.constant 0 : index
    %get3A_2 = arith.constant 0 : index
    %get3A_3 = arith.constant 0 : index
    %get3A_4 = vector.load %arg0[%get3A_1, %get3A_2, %get3A_3] : memref<8x4x10240xf32, #tpu.memory_space<vmem>>, vector<8x4x10240xf32>
    %reduce_sum3A = arith.constant dense<0.000000e+00> : vector<4x10240xf32>
    %reduce_sum3A_5 = vector.multi_reduction <add>, %get3A_4, %reduce_sum3A [0] : vector<8x4x10240xf32> to vector<4x10240xf32>
    %broadcast_in_dim3A = vector.shape_cast %get3A_0 : vector<10240xf32> to vector<1x10240xf32>
    %mul3A_6 = vector.broadcast %broadcast_in_dim3A : vector<1x10240xf32> to vector<4x10240xf32>
    %mul3A_7 = arith.mulf %mul3A_6, %reduce_sum3A_5 : vector<4x10240xf32>
    %broadcast_in_dim3A_8 = vector.shape_cast %mul3A : vector<10240xf32> to vector<1x10240xf32>
    %get3A_9 = arith.constant 0 : index
    %get3A_10 = arith.constant 0 : index
    %get3A_11 = vector.load %arg5[%get3A_9, %get3A_10] : memref<16x10240xf32, #tpu.memory_space<vmem>>, vector<4x10240xf32>
    %convert_element_type3A = arith.truncf %get3A_11 : vector<4x10240xf32> to vector<4x10240xbf16>
    %convert_element_type3A_12 = arith.extf %convert_element_type3A : vector<4x10240xbf16> to vector<4x10240xf32>
    %mul3A_13 = vector.broadcast %broadcast_in_dim3A_8 : vector<1x10240xf32> to vector<4x10240xf32>
    %mul3A_14 = arith.mulf %mul3A_13, %convert_element_type3A_12 : vector<4x10240xf32>
    %add3A = arith.addf %mul3A_7, %mul3A_14 : vector<4x10240xf32>
    %get3A_15 = arith.constant 0 : index
    %get3A_16 = arith.constant 0 : index
    %get3A_17 = arith.constant 0 : index
    %get3A_18 = vector.load %arg1[%get3A_15, %get3A_16, %get3A_17] : memref<8x4x10240xf32, #tpu.memory_space<vmem>>, vector<8x4x10240xf32>
    %reduce_sum3A_19 = arith.constant dense<0.000000e+00> : vector<4x10240xf32>
    %reduce_sum3A_20 = vector.multi_reduction <add>, %get3A_18, %reduce_sum3A_19 [0] : vector<8x4x10240xf32> to vector<4x10240xf32>
    %broadcast_in_dim3A_21 = vector.shape_cast %get3A_0 : vector<10240xf32> to vector<1x10240xf32>
    %mul3A_22 = vector.broadcast %broadcast_in_dim3A_21 : vector<1x10240xf32> to vector<4x10240xf32>
    %mul3A_23 = arith.mulf %mul3A_22, %reduce_sum3A_20 : vector<4x10240xf32>
    %broadcast_in_dim3A_24 = vector.shape_cast %mul3A : vector<10240xf32> to vector<1x10240xf32>
    %get3A_25 = arith.constant 4 : index
    %get3A_26 = arith.constant 0 : index
    %get3A_27 = vector.load %arg5[%get3A_25, %get3A_26] : memref<16x10240xf32, #tpu.memory_space<vmem>>, vector<4x10240xf32>
    %convert_element_type3A_28 = arith.truncf %get3A_27 : vector<4x10240xf32> to vector<4x10240xbf16>
    %convert_element_type3A_29 = arith.extf %convert_element_type3A_28 : vector<4x10240xbf16> to vector<4x10240xf32>
    %mul3A_30 = vector.broadcast %broadcast_in_dim3A_24 : vector<1x10240xf32> to vector<4x10240xf32>
    %mul3A_31 = arith.mulf %mul3A_30, %convert_element_type3A_29 : vector<4x10240xf32>
    %add3A_32 = arith.addf %mul3A_23, %mul3A_31 : vector<4x10240xf32>
    %get3A_33 = arith.constant 0 : index
    %get3A_34 = arith.constant 0 : index
    %get3A_35 = arith.constant 0 : index
    %get3A_36 = vector.load %arg2[%get3A_33, %get3A_34, %get3A_35] : memref<8x4x10240xf32, #tpu.memory_space<vmem>>, vector<8x4x10240xf32>
    %reduce_sum3A_37 = arith.constant dense<0.000000e+00> : vector<4x10240xf32>
    %reduce_sum3A_38 = vector.multi_reduction <add>, %get3A_36, %reduce_sum3A_37 [0] : vector<8x4x10240xf32> to vector<4x10240xf32>
    %broadcast_in_dim3A_39 = vector.shape_cast %get3A_0 : vector<10240xf32> to vector<1x10240xf32>
    %mul3A_40 = vector.broadcast %broadcast_in_dim3A_39 : vector<1x10240xf32> to vector<4x10240xf32>
    %mul3A_41 = arith.mulf %mul3A_40, %reduce_sum3A_38 : vector<4x10240xf32>
    %broadcast_in_dim3A_42 = vector.shape_cast %mul3A : vector<10240xf32> to vector<1x10240xf32>
    %get3A_43 = arith.constant 8 : index
    %get3A_44 = arith.constant 0 : index
    %get3A_45 = vector.load %arg5[%get3A_43, %get3A_44] : memref<16x10240xf32, #tpu.memory_space<vmem>>, vector<4x10240xf32>
    %convert_element_type3A_46 = arith.truncf %get3A_45 : vector<4x10240xf32> to vector<4x10240xbf16>
    %convert_element_type3A_47 = arith.extf %convert_element_type3A_46 : vector<4x10240xbf16> to vector<4x10240xf32>
    %mul3A_48 = vector.broadcast %broadcast_in_dim3A_42 : vector<1x10240xf32> to vector<4x10240xf32>
    %mul3A_49 = arith.mulf %mul3A_48, %convert_element_type3A_47 : vector<4x10240xf32>
    %add3A_50 = arith.addf %mul3A_41, %mul3A_49 : vector<4x10240xf32>
    %get3A_51 = arith.constant 0 : index
    %get3A_52 = arith.constant 0 : index
    %get3A_53 = arith.constant 0 : index
    %get3A_54 = vector.load %arg3[%get3A_51, %get3A_52, %get3A_53] : memref<8x4x10240xf32, #tpu.memory_space<vmem>>, vector<8x4x10240xf32>
    %reduce_sum3A_55 = arith.constant dense<0.000000e+00> : vector<4x10240xf32>
    %reduce_sum3A_56 = vector.multi_reduction <add>, %get3A_54, %reduce_sum3A_55 [0] : vector<8x4x10240xf32> to vector<4x10240xf32>
    %broadcast_in_dim3A_57 = vector.shape_cast %get3A_0 : vector<10240xf32> to vector<1x10240xf32>
    %mul3A_58 = vector.broadcast %broadcast_in_dim3A_57 : vector<1x10240xf32> to vector<4x10240xf32>
    %mul3A_59 = arith.mulf %mul3A_58, %reduce_sum3A_56 : vector<4x10240xf32>
    %broadcast_in_dim3A_60 = vector.shape_cast %mul3A : vector<10240xf32> to vector<1x10240xf32>
    %get3A_61 = arith.constant 12 : index
    %get3A_62 = arith.constant 0 : index
    %get3A_63 = vector.load %arg5[%get3A_61, %get3A_62] : memref<16x10240xf32, #tpu.memory_space<vmem>>, vector<4x10240xf32>
    %convert_element_type3A_64 = arith.truncf %get3A_63 : vector<4x10240xf32> to vector<4x10240xbf16>
    %convert_element_type3A_65 = arith.extf %convert_element_type3A_64 : vector<4x10240xbf16> to vector<4x10240xf32>
    %mul3A_66 = vector.broadcast %broadcast_in_dim3A_60 : vector<1x10240xf32> to vector<4x10240xf32>
    %mul3A_67 = arith.mulf %mul3A_66, %convert_element_type3A_65 : vector<4x10240xf32>
    %add3A_68 = arith.addf %mul3A_59, %mul3A_67 : vector<4x10240xf32>
    %concatenate3A = tpu.concatenate %add3A, %add3A_32, %add3A_50, %add3A_68 in 0 : vector<4x10240xf32>, vector<4x10240xf32>, vector<4x10240xf32>, vector<4x10240xf32> -> vector<16x10240xf32>
    %get3A_69 = arith.constant 0 : index
    %get3A_70 = arith.constant 0 : index
    %get3A_71 = vector.load %arg6[%get3A_69, %get3A_70] : memref<128x16xf32, #tpu.memory_space<vmem>>, vector<128x16xf32>
    %convert_element_type3A_72 = arith.truncf %get3A_71 : vector<128x16xf32> to vector<128x16xbf16>
    %convert_element_type3A_73 = arith.extf %convert_element_type3A_72 : vector<128x16xbf16> to vector<128x16xf32>
    %dot_general3A = arith.constant dense<0.000000e+00> : vector<128x10240xf32>
    %dot_general3A_74 = tpu.matmul %convert_element_type3A_73, %concatenate3A, %dot_general3A {dimension_numbers = #tpu.dot_dimension_numbers<[1], [0], [0], [1], [0, 0, 1, 1], [], []>, precision = #tpu.contract_precision<fp32>, transpose_lhs_hint = false} : vector<128x16xf32>, vector<16x10240xf32>, vector<128x10240xf32> -> vector<128x10240xf32>
    %get3A_75 = arith.constant 0 : index
    %get3A_76 = arith.constant 0 : index
    %get3A_77 = vector.load %arg7[%get3A_75, %get3A_76] : memref<128x1xf32, #tpu.memory_space<vmem>>, vector<128x1xf32>
    %add3A_78 = vector.broadcast %get3A_77 : vector<128x1xf32> to vector<128x10240xf32>
    %add3A_79 = arith.addf %dot_general3A_74, %add3A_78 : vector<128x10240xf32>
    %max3A = arith.constant 0.000000e+00 : f32
    %max3A_80 = vector.broadcast %max3A : f32 to vector<128x10240xf32>
    %max3A_81 = arith.maximumf %add3A_79, %max3A_80 : vector<128x10240xf32>
    %get3A_82 = arith.constant 0 : index
    %get3A_83 = vector.load %arg8[%get3A_82] : memref<10240xf32, #tpu.memory_space<vmem>>, vector<10240xf32>
    %broadcast_in_dim3A_84 = vector.shape_cast %get3A_83 : vector<10240xf32> to vector<1x10240xf32>
    %mul3A_85 = vector.broadcast %broadcast_in_dim3A_84 : vector<1x10240xf32> to vector<128x10240xf32>
    %mul3A_86 = arith.mulf %max3A_81, %mul3A_85 : vector<128x10240xf32>
    %reduce_sum3A_87 = arith.constant dense<0.000000e+00> : vector<128xf32>
    %reduce_sum3A_88 = vector.multi_reduction <add>, %mul3A_86, %reduce_sum3A_87 [1] : vector<128x10240xf32> to vector<128xf32>
    %broadcast_in_dim3A_89 = vector.shape_cast %reduce_sum3A_88 : vector<128xf32> to vector<128x1xf32>
    %div3A = arith.constant 8.000000e+03 : f32
    %div3A_90 = vector.broadcast %div3A : f32 to vector<128x1xf32>
    %div3A_91 = arith.divf %broadcast_in_dim3A_89, %div3A_90 : vector<128x1xf32>
    %swap3A = arith.constant 0 : index
    %swap3A_92 = arith.constant 0 : index
    %swap3A_93 = vector.load %arg9[%swap3A, %swap3A_92] : memref<128x1xf32, #tpu.memory_space<vmem>>, vector<128x1xf32>
    tpu.vector_store %arg9[%swap3A, %swap3A_92], %div3A_91 {strides = array<i32>} : memref<128x1xf32, #tpu.memory_space<vmem>>, vector<128x1xf32>,
    return
  }
}

</mosaic_0001>

<sc_bundles>
// kernel: _pipeline.12.cloned.1.call-start
scs
__scs_entry_jumppad:
0x0: {  	(pc) =	sbr.rel $0x88, $3  }
0x1: {  	(tag) =	ssettag $0x0;
	lr =	simm.s32 $0x1  }
0x2: {  	[smem:$0x3F97] =	sst lr;
	_ =	strace $0xD0000000  }
0x3: {  	_ = 	snop  }
0x4: {  	_ = 	snop  }
0x5: {  	_ = 	snop  }
0x6: {  	_ = 	snop  }
0x7: {  	_ = 	snop  }
__scs_overlays_trampoline_lowered:
0x8: {  	[smem:$0x3FA6] =	sst s0  }
0x9: {  	[smem:$0x3FA7] =	sst s1  }
0xa: {  	[smem:$0x3FA8] =	sst s2  }
0xb: {  	[smem:$0x3FA9] =	sst s3  }
0xc: {  	[smem:$0x3FAA] =	sst s4  }
0xd: {  	[smem:$0x3FAB] =	sst s5  }
0xe: {  	[smem:$0x3FAC] =	sst s6  }
0xf: {  	[smem:$0x3FAD] =	sst s7  }
0x10: {  	[smem:$0x3FAE] =	sst s8  }
0x11: {  	[smem:$0x3FAF] =	sst s9;
	s0 =	simm.s32 @!p0 $0x0  }
0x12: {  	s1 =	sld [smem:$0x3F95];
	s0 =	simm.s32 @p0 $0x1  }
0x13: {  	[smem:$0x3FB0] =	sst s0;
	s0 =	simm.s32 @!p1 $0x0  }
0x14: {  	s2 =	sld [smem:$0x3F94];
	s0 =	simm.s32 @p1 $0x1  }
0x15: {  	[smem:$0x3FB1] =	sst s0;
	s0 =	simm.s32 @!p2 $0x0  }
0x16: {  	s3 =	sld [smem:$0x3FDB];
	s0 =	simm.s32 @p2 $0x1  }
0x17: {  	s4 =	simm.s32 $0x1BF5;
	[smem:$0x3FB3] =	sst s0  }
0x18: {  	s0 =	sld [smem:$0x3F96];
	_ =	swait.ge [sflag:s4], $0x0  }
0x19: {  	s7 =	sld [smem:$0x3F97]  }
0x1a: {  	s8 =	sadd.s32 $0xFFFFE003, lr  }
0x1b: {  	s9 =	sadd.s32 $0xFFFFFEF7, lr;
	s5 =	simm.s32 $0xFFFFFFFF;
	p2 =	slt.u32 s8, $0xFFFFF086  }
0x1c: {  	p1 =	slt.u32 s9, $0xF7A;
	s5 =	simm.s32 @!p2 $0x0  }
0x1d: {  	s5 =	simm.s32 @p1 $0x1;
	p0 =	seq.s32 s7, s2  }
0x1e: {  	s7 =	smul.u32 @!p0 $0xF7A, s2;
	p2 =	seq.s32 @!p0 s5, $0x0  }
0x1f: {  	s9 =	smul.u32 $0xF7A, s1;
	s8 =	simm.s32 @!p0 $0x1BF5;
	p2 =	por !p2, p0  }
0x20: {  	[sflag:s8] =	ssyncset.s32 @!p0 $0xFFFFF086;
	s6 =	sadd.s32 @!p0 s3, s7;
	s7 =	simm.s32 @!p0 $0x108  }
0x21: {  	s3 =	sadd.s32 s3, s9;
	s6 =	sadd.s32 @!p0 $0x88, s6;
	s7 =	simm.s32 @p2 $0x1082  }
0x22: {  	[simem:s7], [sflag:s8] =	dma.local @!p0 [hbm:s6], $0xF7A  }
0x23: {  	s9 =	sor.u32 $0xD0000000, s2;
	s6 =	simm.s32 $0x108;
	_ =	swait.ge @!p0 [sflag:s8], $0x0  }
0x24: {  	s3 =	sadd.s32 $0x88, s3;
	s6 =	simm.s32 @!p1 $0x1082;
	[sflag:s4] =	ssyncset.s32 $0xFFFFF086  }
0x25: {  	[simem:s6], [sflag:s4] =	dma.local [hbm:s3], $0xF7A  }
0x26: {  	[smem:$0x3F97] =	sst s1;
	(tag) =	ssettag s2;
	_ =	strace s9  }
0x27: {  	s1 =	sld [smem:$0x3FA7]  }
0x28: {  	s2 =	sld [smem:$0x3FA8]  }
0x29: {  	s4 =	sld [smem:$0x3FAA]  }
0x2a: {  	p0 =	seq.s32 s5, $0x0;
	s5 =	sld [smem:$0x3FAB]  }
0x2b: {  	s6 =	sld [smem:$0x3FAC]  }
0x2c: {  	s7 =	sld [smem:$0x3FAD]  }
0x2d: {  	s3 =	simm.s32 $0x108;
	s8 =	sld [smem:$0x3FAE]  }
0x2e: {  	s3 =	simm.s32 @!p0 $0x1082;
	s9 =	sld [smem:$0x3FAF]  }
0x2f: {  	lr =	sadd.s32 s0, s3;
	s0 =	sld [smem:$0x3FA6]  }
0x30: {  	s3 =	sld [smem:$0x3FA9]  }
0x31: {  	[smem:$0x3FB2] =	sst s10  }
0x32: {  	s10 =	sld [smem:$0x3FB0];
	_ =	sdelay $0x3  }
0x33: {  	p0 =	seq.s32 s10, $0x1;
	s10 =	sld [smem:$0x3FB2];
	_ =	sdelay $0x3  }
0x34: {  	[smem:$0x3FB2] =	sst s10  }
0x35: {  	s10 =	sld [smem:$0x3FB1];
	_ =	sdelay $0x3  }
0x36: {  	p1 =	seq.s32 s10, $0x1;
	s10 =	sld [smem:$0x3FB2];
	_ =	sdelay $0x3  }
0x37: {  	[smem:$0x3FB2] =	sst s10  }
0x38: {  	s10 =	sld [smem:$0x3FB3]  }
0x39: {  	_ = 	snop;
	(pc) =	sbr.ind lr, $3  }
0x3a: {  	_ = 	snop  }
0x3b: {  	_ = 	snop  }
0x3c: {  	p2 =	seq.s32 s10, $0x1;
	s10 =	sld [smem:$0x3FB2]  }
0x3d: {  	_ =	shalt  }
0x3e: {  	_ =	shalt  }
0x3f: {  	_ =	shalt  }
0x40: {  	_ =	shalt  }
0x41: {  	_ =	shalt  }
0x42: {  	_ =	shalt  }
0x43: {  	_ =	shalt  }
0x44: {  	_ =	shalt  }
0x45: {  	_ =	shalt  }
0x46: {  	_ =	shalt  }
0x47: {  	_ =	shalt  }
0x48: {  	_ =	shalt  }
0x49: {  	_ =	shalt  }
0x4a: {  	_ =	shalt  }
0x4b: {  	_ =	shalt  }
0x4c: {  	_ =	shalt  }
0x4d: {  	_ =	shalt  }
0x4e: {  	_ =	shalt  }
0x4f: {  	_ =	shalt  }
0x50: {  	_ =	shalt  }
0x51: {  	_ =	shalt  }
0x52: {  	_ =	shalt  }
0x53: {  	_ =	shalt  }
0x54: {  	_ =	shalt  }
0x55: {  	_ =	shalt  }
0x56: {  	_ =	shalt  }
0x57: {  	_ =	shalt  }
0x58: {  	_ =	shalt  }
0x59: {  	_ =	shalt  }
0x5a: {  	_ =	shalt  }
0x5b: {  	_ =	shalt  }
0x5c: {  	_ =	shalt  }
0x5d: {  	_ =	shalt  }
0x5e: {  	_ =	shalt  }
0x5f: {  	_ =	shalt  }
0x60: {  	_ =	shalt  }
0x61: {  	_ =	shalt  }
0x62: {  	_ =	shalt  }
0x63: {  	_ =	shalt  }
0x64: {  	_ =	shalt  }
0x65: {  	_ =	shalt  }
0x66: {  	_ =	shalt  }
0x67: {  	_ =	shalt  }
0x68: {  	_ =	shalt  }
0x69: {  	_ =	shalt  }
0x6a: {  	_ =	shalt  }
0x6b: {  	_ =	shalt  }
0x6c: {  	_ =	shalt  }
0x6d: {  	_ =	shalt  }
0x6e: {  	_ =	shalt  }
0x6f: {  	_ =	shalt  }
0x70: {  	_ =	shalt  }
0x71: {  	_ =	shalt  }
0x72: {  	_ =	shalt  }
0x73: {  	_ =	shalt  }
0x74: {  	_ =	shalt  }
0x75: {  	_ =	shalt  }
0x76: {  	_ =	shalt  }
0x77: {  	_ =	shalt  }
0x78: {  	_ =	shalt  }
0x79: {  	_ =	shalt  }
0x7a: {  	_ =	shalt  }
0x7b: {  	_ =	shalt  }
0x7c: {  	_ =	shalt  }
0x7d: {  	_ =	shalt  }
0x7e: {  	_ =	shalt  }
0x7f: {  	_ =	shalt  }
0x80: {  	_ =	shalt  }
0x81: {  	_ =	shalt  }
0x82: {  	_ =	shalt  }
0x83: {  	_ =	shalt  }
0x84: {  	_ =	shalt  }
0x85: {  	_ =	shalt  }
0x86: {  	_ =	shalt  }
0x87: {  	_ =	shalt  }
.Lfunc_end0:
.L_simem_size_0:
called_computation_lowered:
.L_overlay_start_0:
0x88: {  	s2 =	sld [smem:$0x3FD9]  }
0x89: {  	s3 =	sld [smem:$0x3FFE];
	_ =	sdelay $0x1  }
0x8a: {  	s1 =	srdreg.scid  }
0x8b: {  	s0 =	sand.u32 $0x1, s1  }
0x8c: {  	s16 =	sshll.u32 s0, $0xA;
	s2 =	sadd.s32 s3, s2  }
0x8d: {  	s2 =	sadd.s32 s2, s16  }
0x8e: {  	[smem:$0x3FBE] =	sst s2  }
0x8f: {  	_ = 	snop  }
0x90: {  	(tm) =	ssettm $0x1  }
0x91: {  	s17 =	sld [smem:$0x3FFB];
	_ =	sdelay $0x3  }
0x92: {  	_ =	strace s17  }
0x93: {  	s2 =	sld [smem:$0x3FFC];
	_ =	sdelay $0x3  }
0x94: {  	_ =	strace s2  }
0x95: {  	s2 =	sld [smem:$0x3FFD];
	_ =	sdelay $0x3  }
0x96: {  	_ =	strace s2  }
0x97: {  	_ =	strace $0x8FFFFFFF  }
0x98: {  	s18 =	sld [smem:$0x3FDB];
	_ =	sdelay $0x1  }
0x99: {  	s19 =	simm.s32 $_scs_section_size  }
0x9a: {  	s4 =	simm.s32 $_size__tile_overlayer_lowered;
	s5 =	simm.s32 $_tile_overlayer_lowered  }
0x9b: {  	s22 =	simm.s32 $0x1BFF;
	s21 =	sshll.u32 s5, $0x1;
	s2 =	sadd.s32 s19, s18  }
0x9c: {  	s6 =	simm.s32 $0x0;
	s20 =	sshll.u32 s4, $0x1;
	s4 =	sadd.s32 s21, s2  }
0x9d: {  	[timem:s6], [sflag:s22] =	dma.local [hbm:s4], s20  }
0x9e: {  	_ =	swait.ge [sflag:s22], s20  }
0x9f: {  	s3 =	ssub.s32 $0x0, s20;
	[sflag:s22] =	ssyncset.done $0x0  }
0xa0: {  	[sflag:s22] =	ssyncadd.s32 s3;
	_ =	sdelay $0x1  }
0xa1: {  	s23 =	simm.s32 $0x1B8B  }
0xa2: {  	_ =	swait.ge [sflag:s23], $0x1  }
0xa3: {  	[sflag:s23] =	ssyncset.done $0x0  }
0xa4: {  	s25 =	simm.s32 $0x1B8E;
	s24 =	sld [smem:$0x3FFE];
	[sflag:s23] =	ssyncadd.s32 $0xFFFFFFFF  }
0xa5: {  	s26 =	simm.s32 $execute0_lowered;
	[smem:$0x3FD2] =	sst s25  }
0xa6: {  	s4 =	sshll.u32 s26, $0x1;
	_ =	strace $0x80000046;
	[dreg:$0x1] =	wrdreg $0xFFFFFFFF  }
0xa7: {  	s28 =	simm.s32 $_size_execute0_lowered;
	s2 =	sadd.s32 s2, s4;
	[dreg:$0x0] =	wrdreg $0x0  }
0xa8: {  	s4 =	sshll.u32 s28, $0x1;
	[dreg:$0x2] =	wrdreg s2  }
0xa9: {  	[dreg:$0x3] =	wrdreg s4  }
0xaa: {  	[dreg:$0x4] =	wrdreg $0xC0  }
0xab: {  	_ =	task [dreg:s6], $0x5FFFF  }
0xac: {  	[dreg:$0x1] =	wrdreg $0xFFFFFFFF  }
0xad: {  	[dreg:$0x0] =	wrdreg $0x60  }
0xae: {  	[dreg:$0x2] =	wrdreg s24  }
0xaf: {  	[dreg:$0x3] =	wrdreg $0x9  }
0xb0: {  	_ =	task.clear_ibuf [dreg:s6], $0x4FFFF;
	_ =	strace $0x90000046  }
0xb1: {  	s29 =	simm.s32 $0x9;
	_ =	strace $0x80000048  }
0xb2: {  	_ =	swait.ge [sflag:s29], $0x1  }
0xb3: {  	[sflag:s29] =	ssyncadd.s32 $0xFFFFFFFF  }
0xb4: {  	_ =	strace $0x90000048  }
0xb5: {  	_ =	sfence  }
0xb6: {  	s30 =	sld [smem:$0x0];
	_ =	sdelay $0x2  }
0xb7: {  	s31 =	sshll.u32 s1, $0xD;
	s1 =	sshrl.u32 s1, $0x2  }
0xb8: {  	s3 =	sand.u32 $0x4000, s31;
	s1 =	sadd.s32 s1, s30  }
0xb9: {  	s0 =	sor.u32 s3, s0;
	s1 =	sshll.u32 s1, $0x11  }
0xba: {  	s0 =	sor.u32 s1, s0  }
0xbb: {  	s0 =	sadd.s32 $0x8F2B, s0  }
0xbc: {  	[sflag:s0] =	ssyncadd.remote.s32 $0x1  }
0xbd: {  	_ =	sfence.sel $0xFFFF  }
0xbe: {  	[dreg:$0x0] =	wrdreg $0xFFFFFFFF;
	(pc) =	sbr.abs _section_cstart, $3  }
0xbf: {  	[dreg:$0x1] =	wrdreg $0xFFFFFFFF  }
0xc0: {  	_ =	task.clear_ibuf [dreg:s6], $0x2FFFF;
	_ =	strace $0x9FFFFFFF  }
0xc1: {  	(tm) =	ssettm $0x7FFFFFFF  }
tec
execute0_lowered:
.L_overlay_start_1:
0x0: {  	(tag) =	ssettag $0x1  }
0x1: {  	s1 =	srdreg.scid;
	s0 =	stileid.u32  }
0x2: {  	s4 =	rddreg [dreg:$0x0];
	s10 =	simm.s32 $0x80;
	s11 =	simm.s32 $0x400  }
0x3: {  	s12 =	simm.s32 $0x0;
	s3 =	sand.u32 $0x1, s1;
	s5 =	sshrl.u32 s0, $0x2  }
0x4: {  	s1 =	rddreg [dreg:$0x1];
	s7 =	sand.u32 $0x3, s0;
	s8 =	sshll.u32 s0, $0x8  }
0x5: {  	s2 =	sshll.u32 s3, $0x2;
	s7 =	smul.u32 $0x2800, s7;
	s9 =	sshll.u32 s3, $0x7  }
0x6: {  	s8 =	sand.u32 $0x300, s8;
	s6 =	sor.u32 s5, s2;
	s5 =	smul.u32 $0x14000, s5  }
0x7: {  	s3 =	ssub.s32 $0x2, s3;
	s2 =	simm.s32 $0x0;
	s6 =	smul.u32 $0xA000, s6  }
0x8: {  	s30 =	sor.u32 s9, s8;
	s31 =	sshrl.u32 s3, $0x1;
	s8 =	simm.s32 $0x2800  }
0x9: {  	s9 =	simm.s32 $0x5000;
	s5 =	sor.u32 s5, s30;
	s6 =	sadd.s32 s7, s6  }
0xa: {  	[smem:$0x7FF] =	sst s2;
	s5 =	sshrl.u32 s5, $0x3;
	s6 =	sshrl.u32 s6, $0x3  }
0xb: {  	_ =	strace $0x80000047;
	s5 =	sadd.s32 s5, s4;
	s6 =	sadd.s32 s6, s4  }
0xc: {  	s7 =	ssub.s32 s3, s31;
	s5 =	sadd.s32 $0x21E00, s5;
	s3 =	sadd.s32 $0xDE00, s6  }
0xd: {  	v0 =	vimm.f32 $0.0e+00;
	s4 =	sadd.s32 $0x3E00, s6;
	s6 =	smax.u32 s7, $0x1;
	s7 =	simm.s32 $0x1  }
.LBB2_1:
0xe: {  	[tilespmem:s2], [sflag:$0x1] =	stream.linear.gather [hbm4b:s3+s2], $0x2800, $0x38;
	[tilespmem:$0x7800] =	vst v63  }
0xf: {  	_ =	swait.ge [sflag:s7], $0x2800  }
0x10: {  	[sflag:s7] =	ssyncset.done $0x0  }
0x11: {  	[sflag:s7] =	ssyncadd.s32 $0xFFFFD800  }
0x12: {  	[tilespmem:s8], [sflag:$0x1] =	stream.linear.gather [hbm4b:s4+s2], $0x2800, $0x38;
	[tilespmem:$0x7800] =	vst v63  }
0x13: {  	_ =	swait.ge [sflag:s7], $0x2800  }
0x14: {  	[sflag:s7] =	ssyncset.done $0x0  }
0x15: {  	s13 =	simm.s32 $0x5040;
	[sflag:s7] =	ssyncadd.s32 $0xFFFFD800  }
0x16: {  	[tilespmem:s13+$0xFFFFFFC0] =	vst v0  }
0x17: {  	[tilespmem:s13+$0x30] =	vst v0  }
0x18: {  	[tilespmem:s13+$0x20] =	vst v0  }
0x19: {  	[tilespmem:s13+$0x10] =	vst v0  }
0x1a: {  	[tilespmem:s13+$0x0] =	vst v0  }
0x1b: {  	[tilespmem:s13+$0xFFFFFFF0] =	vst v0  }
0x1c: {  	s14 =	simm.s32 $0x0;
	[tilespmem:s13+$0xFFFFFFE0] =	vst v0  }
.LBB2_2:
0x1d: {  	s14 =	sadd.s32 $0x8, s14;
	[tilespmem:s13+$0xFFFFFFD0] =	vst v0;
	s13 =	sadd.s32 $0x80, s13  }
0x1e: {  	[tilespmem:s13+$0xFFFFFFC0] =	vst v0;
	p0 =	slt.u32 s14, $0x278  }
0x1f: {  	[tilespmem:s13+$0x30] =	vst v0  }
.Ltmp0:
0x20: {  	[tilespmem:s13+$0x20] =	vst v0;
	(pc) =	sbr.rel @p0 .LBB2_2-.Ltmp0, $4  }
0x21: {  	[tilespmem:s13+$0x10] =	vst v0  }
0x22: {  	[tilespmem:s13+$0x0] =	vst v0  }
0x23: {  	[tilespmem:s13+$0xFFFFFFF0] =	vst v0  }
0x24: {  	[tilespmem:s13+$0xFFFFFFE0] =	vst v0  }
0x25: {  	[tilespmem:s13+$0xFFFFFFD0] =	vst v0;
	s13 =	simm.s32 $0x0  }
.LBB2_4:
0x26: {  	s14 =	sshra.s32 s13, $0x2  }
0x27: {  	v1 =	vld [tilespmem:s14+$0x0];
	_ =	sdelay $0x2  }
0x28: {  	v2 =	vld [tilespmem:s14+$0x2800];
	_ =	sdelay $0x4  }
0x29: {  	[tilespmem:v1+s9+$0x0] =	vst.idx.add.f32.msk $0xffff, v2  }
0x2a: {  	v1 =	vld [tilespmem:s14+$0x10];
	_ =	sdelay $0x2  }
0x2b: {  	v2 =	vld [tilespmem:s14+$0x2810];
	_ =	sdelay $0x4  }
0x2c: {  	[tilespmem:v1+s9+$0x0] =	vst.idx.add.f32.msk $0xffff, v2  }
0x2d: {  	v1 =	vld [tilespmem:s14+$0x20];
	_ =	sdelay $0x2  }
0x2e: {  	v2 =	vld [tilespmem:s14+$0x2820];
	_ =	sdelay $0x4  }
0x2f: {  	[tilespmem:v1+s9+$0x0] =	vst.idx.add.f32.msk $0xffff, v2  }
0x30: {  	v1 =	vld [tilespmem:s14+$0x30];
	_ =	sdelay $0x2  }
0x31: {  	v2 =	vld [tilespmem:s14+$0x2830];
	_ =	sdelay $0x4  }
0x32: {  	[tilespmem:v1+s9+$0x0] =	vst.idx.add.f32.msk $0xffff, v2  }
0x33: {  	v1 =	vld [tilespmem:s14+$0x40];
	_ =	sdelay $0x2  }
0x34: {  	v2 =	vld [tilespmem:s14+$0x2840];
	_ =	sdelay $0x4  }
0x35: {  	[tilespmem:v1+s9+$0x0] =	vst.idx.add.f32.msk $0xffff, v2  }
0x36: {  	v1 =	vld [tilespmem:s14+$0x50];
	_ =	sdelay $0x2  }
0x37: {  	v2 =	vld [tilespmem:s14+$0x2850];
	_ =	sdelay $0x4  }
0x38: {  	[tilespmem:v1+s9+$0x0] =	vst.idx.add.f32.msk $0xffff, v2  }
0x39: {  	v1 =	vld [tilespmem:s14+$0x60];
	_ =	sdelay $0x2  }
0x3a: {  	v2 =	vld [tilespmem:s14+$0x2860];
	_ =	sdelay $0x4  }
0x3b: {  	[tilespmem:v1+s9+$0x0] =	vst.idx.add.f32.msk $0xffff, v2  }
0x3c: {  	v1 =	vld [tilespmem:s14+$0x70];
	_ =	sdelay $0x2  }
0x3d: {  	p0 =	sne.s32 s13, $0x9E00;
	v2 =	vld [tilespmem:s14+$0x2870]  }
.Ltmp1:
0x3e: {  	_ = 	snop;
	(pc) =	sbr.rel @p0 .LBB2_4-.Ltmp1, $2  }
0x3f: {  	_ =	sdelay $0x2  }
0x40: {  	s13 =	sadd.s32 $0x200, s13;
	[tilespmem:v1+s9+$0x0] =	vst.idx.add.f32.msk $0xffff, v2  }
0x41: {  	s12 =	sadd.s32 $0x1, s12  }
0x42: {  	p0 =	sne.s32 s12, s6  }
.Ltmp2:
0x43: {  	_ = 	snop;
	(pc) =	sbr.rel @p0 .LBB2_1-.Ltmp2, $4  }
0x44: {  	[hbm4b:s5+s10] =	stream.strided.scatter [tilespmem:s9], [sflag:$0x1], $0x2800, s11, s10, $0x38;
	[tilespmem:$0x7800] =	vst v63  }
0x45: {  	_ =	swait.ge [sflag:s7], $0x2800  }
0x46: {  	[sflag:s7] =	ssyncset.done $0x0  }
0x47: {  	[sflag:s7] =	ssyncadd.s32 $0xFFFFD800  }
0x48: {  	_ =	sfence.sel $0x180000  }
0x49: {  	[bflag:$0x0] =	sbarrier.arrive $0xFFFF  }
0x4a: {  	p0 =	sne.s32 s0, $0x0;
	_ =	strace $0x90000047  }
0x4b: {  	s0 =	sadd.s32 @!p0 $0x100000, s1;
	[bflag:$0x2] =	sbarrier.arrive $0xFFFF  }
0x4c: {  	[sflag:s0] =	ssyncadd.tile.s32 @!p0 $0x1;
	_ =	shalt  }
.Lfunc_end2:
_tile_overlayer_lowered:
.L_overlay_start_2:
0x4d: {  	(tag) =	ssettag $0x2  }
0x4e: {  	s0 =	rddreg [dreg:$0x0];
	s2 =	stileid.u32  }
0x4f: {  	s1 =	rddreg [dreg:$0x1];
	p0 =	sne.s32 s2, $0x0  }
0x50: {  	s3 =	rddreg [dreg:$0x2];
	[bflag:$0x3] =	sbarrier.arrive $0xFFFF;
	s2 =	simm.s32 @!p0 $0x1C01  }
0x51: {  	[timem:s3], [sflag:s2] =	dma.local @!p0 [hbm:s0], s1  }
0x52: {  	s0 =	simm.s32 @!p0 $0x1  }
0x53: {  	_ =	swait.ge @!p0 [sflag:s0], s1  }
0x54: {  	s1 =	ssub.s32 @!p0 $0x0, s1;
	[sflag:s0] =	ssyncset.done @!p0 $0x0  }
0x55: {  	[sflag:s0] =	ssyncadd.s32 @!p0 s1  }
0x56: {  	[bflag:$0x3] =	sbarrier.arrive $0xFFFF  }
0x57: {  	_ =	shalt  }

// kernel: _pipeline.15.cloned.1.call-start
scs
__scs_entry_jumppad:
0x0: {  	(pc) =	sbr.rel $0x88, $3  }
0x1: {  	(tag) =	ssettag $0x0;
	lr =	simm.s32 $0x1  }
0x2: {  	[smem:$0x3F97] =	sst lr;
	_ =	strace $0xD0000000  }
0x3: {  	_ = 	snop  }
0x4: {  	_ = 	snop  }
0x5: {  	_ = 	snop  }
0x6: {  	_ = 	snop  }
0x7: {  	_ = 	snop  }
__scs_overlays_trampoline_lowered:
0x8: {  	[smem:$0x3FA6] =	sst s0  }
0x9: {  	[smem:$0x3FA7] =	sst s1  }
0xa: {  	[smem:$0x3FA8] =	sst s2  }
0xb: {  	[smem:$0x3FA9] =	sst s3  }
0xc: {  	[smem:$0x3FAA] =	sst s4  }
0xd: {  	[smem:$0x3FAB] =	sst s5  }
0xe: {  	[smem:$0x3FAC] =	sst s6  }
0xf: {  	[smem:$0x3FAD] =	sst s7  }
0x10: {  	[smem:$0x3FAE] =	sst s8  }
0x11: {  	[smem:$0x3FAF] =	sst s9;
	s0 =	simm.s32 @!p0 $0x0  }
0x12: {  	s1 =	sld [smem:$0x3F95];
	s0 =	simm.s32 @p0 $0x1  }
0x13: {  	[smem:$0x3FB0] =	sst s0;
	s0 =	simm.s32 @!p1 $0x0  }
0x14: {  	s2 =	sld [smem:$0x3F94];
	s0 =	simm.s32 @p1 $0x1  }
0x15: {  	[smem:$0x3FB1] =	sst s0;
	s0 =	simm.s32 @!p2 $0x0  }
0x16: {  	s3 =	sld [smem:$0x3FDB];
	s0 =	simm.s32 @p2 $0x1  }
0x17: {  	s4 =	simm.s32 $0x1BF5;
	[smem:$0x3FB3] =	sst s0  }
0x18: {  	s0 =	sld [smem:$0x3F96];
	_ =	swait.ge [sflag:s4], $0x0  }
0x19: {  	s7 =	sld [smem:$0x3F97]  }
0x1a: {  	s8 =	sadd.s32 $0xFFFFE003, lr  }
0x1b: {  	s9 =	sadd.s32 $0xFFFFFEF7, lr;
	s5 =	simm.s32 $0xFFFFFFFF;
	p2 =	slt.u32 s8, $0xFFFFF086  }
0x1c: {  	p1 =	slt.u32 s9, $0xF7A;
	s5 =	simm.s32 @!p2 $0x0  }
0x1d: {  	s5 =	simm.s32 @p1 $0x1;
	p0 =	seq.s32 s7, s2  }
0x1e: {  	s7 =	smul.u32 @!p0 $0xF7A, s2;
	p2 =	seq.s32 @!p0 s5, $0x0  }
0x1f: {  	s9 =	smul.u32 $0xF7A, s1;
	s8 =	simm.s32 @!p0 $0x1BF5;
	p2 =	por !p2, p0  }
0x20: {  	[sflag:s8] =	ssyncset.s32 @!p0 $0xFFFFF086;
	s6 =	sadd.s32 @!p0 s3, s7;
	s7 =	simm.s32 @!p0 $0x108  }
0x21: {  	s3 =	sadd.s32 s3, s9;
	s6 =	sadd.s32 @!p0 $0x88, s6;
	s7 =	simm.s32 @p2 $0x1082  }
0x22: {  	[simem:s7], [sflag:s8] =	dma.local @!p0 [hbm:s6], $0xF7A  }
0x23: {  	s9 =	sor.u32 $0xD0000000, s2;
	s6 =	simm.s32 $0x108;
	_ =	swait.ge @!p0 [sflag:s8], $0x0  }
0x24: {  	s3 =	sadd.s32 $0x88, s3;
	s6 =	simm.s32 @!p1 $0x1082;
	[sflag:s4] =	ssyncset.s32 $0xFFFFF086  }
0x25: {  	[simem:s6], [sflag:s4] =	dma.local [hbm:s3], $0xF7A  }
0x26: {  	[smem:$0x3F97] =	sst s1;
	(tag) =	ssettag s2;
	_ =	strace s9  }
0x27: {  	s1 =	sld [smem:$0x3FA7]  }
0x28: {  	s2 =	sld [smem:$0x3FA8]  }
0x29: {  	s4 =	sld [smem:$0x3FAA]  }
0x2a: {  	p0 =	seq.s32 s5, $0x0;
	s5 =	sld [smem:$0x3FAB]  }
0x2b: {  	s6 =	sld [smem:$0x3FAC]  }
0x2c: {  	s7 =	sld [smem:$0x3FAD]  }
0x2d: {  	s3 =	simm.s32 $0x108;
	s8 =	sld [smem:$0x3FAE]  }
0x2e: {  	s3 =	simm.s32 @!p0 $0x1082;
	s9 =	sld [smem:$0x3FAF]  }
0x2f: {  	lr =	sadd.s32 s0, s3;
	s0 =	sld [smem:$0x3FA6]  }
0x30: {  	s3 =	sld [smem:$0x3FA9]  }
0x31: {  	[smem:$0x3FB2] =	sst s10  }
0x32: {  	s10 =	sld [smem:$0x3FB0];
	_ =	sdelay $0x3  }
0x33: {  	p0 =	seq.s32 s10, $0x1;
	s10 =	sld [smem:$0x3FB2];
	_ =	sdelay $0x3  }
0x34: {  	[smem:$0x3FB2] =	sst s10  }
0x35: {  	s10 =	sld [smem:$0x3FB1];
	_ =	sdelay $0x3  }
0x36: {  	p1 =	seq.s32 s10, $0x1;
	s10 =	sld [smem:$0x3FB2];
	_ =	sdelay $0x3  }
0x37: {  	[smem:$0x3FB2] =	sst s10  }
0x38: {  	s10 =	sld [smem:$0x3FB3]  }
0x39: {  	_ = 	snop;
	(pc) =	sbr.ind lr, $3  }
0x3a: {  	_ = 	snop  }
0x3b: {  	_ = 	snop  }
0x3c: {  	p2 =	seq.s32 s10, $0x1;
	s10 =	sld [smem:$0x3FB2]  }
0x3d: {  	_ =	shalt  }
0x3e: {  	_ =	shalt  }
0x3f: {  	_ =	shalt  }
0x40: {  	_ =	shalt  }
0x41: {  	_ =	shalt  }
0x42: {  	_ =	shalt  }
0x43: {  	_ =	shalt  }
0x44: {  	_ =	shalt  }
0x45: {  	_ =	shalt  }
0x46: {  	_ =	shalt  }
0x47: {  	_ =	shalt  }
0x48: {  	_ =	shalt  }
0x49: {  	_ =	shalt  }
0x4a: {  	_ =	shalt  }
0x4b: {  	_ =	shalt  }
0x4c: {  	_ =	shalt  }
0x4d: {  	_ =	shalt  }
0x4e: {  	_ =	shalt  }
0x4f: {  	_ =	shalt  }
0x50: {  	_ =	shalt  }
0x51: {  	_ =	shalt  }
0x52: {  	_ =	shalt  }
0x53: {  	_ =	shalt  }
0x54: {  	_ =	shalt  }
0x55: {  	_ =	shalt  }
0x56: {  	_ =	shalt  }
0x57: {  	_ =	shalt  }
0x58: {  	_ =	shalt  }
0x59: {  	_ =	shalt  }
0x5a: {  	_ =	shalt  }
0x5b: {  	_ =	shalt  }
0x5c: {  	_ =	shalt  }
0x5d: {  	_ =	shalt  }
0x5e: {  	_ =	shalt  }
0x5f: {  	_ =	shalt  }
0x60: {  	_ =	shalt  }
0x61: {  	_ =	shalt  }
0x62: {  	_ =	shalt  }
0x63: {  	_ =	shalt  }
0x64: {  	_ =	shalt  }
0x65: {  	_ =	shalt  }
0x66: {  	_ =	shalt  }
0x67: {  	_ =	shalt  }
0x68: {  	_ =	shalt  }
0x69: {  	_ =	shalt  }
0x6a: {  	_ =	shalt  }
0x6b: {  	_ =	shalt  }
0x6c: {  	_ =	shalt  }
0x6d: {  	_ =	shalt  }
0x6e: {  	_ =	shalt  }
0x6f: {  	_ =	shalt  }
0x70: {  	_ =	shalt  }
0x71: {  	_ =	shalt  }
0x72: {  	_ =	shalt  }
0x73: {  	_ =	shalt  }
0x74: {  	_ =	shalt  }
0x75: {  	_ =	shalt  }
0x76: {  	_ =	shalt  }
0x77: {  	_ =	shalt  }
0x78: {  	_ =	shalt  }
0x79: {  	_ =	shalt  }
0x7a: {  	_ =	shalt  }
0x7b: {  	_ =	shalt  }
0x7c: {  	_ =	shalt  }
0x7d: {  	_ =	shalt  }
0x7e: {  	_ =	shalt  }
0x7f: {  	_ =	shalt  }
0x80: {  	_ =	shalt  }
0x81: {  	_ =	shalt  }
0x82: {  	_ =	shalt  }
0x83: {  	_ =	shalt  }
0x84: {  	_ =	shalt  }
0x85: {  	_ =	shalt  }
0x86: {  	_ =	shalt  }
0x87: {  	_ =	shalt  }
.Lfunc_end0:
.L_simem_size_0:
called_computation.1_lowered:
.L_overlay_start_0:
0x88: {  	s2 =	sld [smem:$0x3FD9]  }
0x89: {  	s3 =	sld [smem:$0x3FFE];
	_ =	sdelay $0x1  }
0x8a: {  	s1 =	srdreg.scid  }
0x8b: {  	s0 =	sand.u32 $0x1, s1  }
0x8c: {  	s16 =	sshll.u32 s0, $0xA;
	s2 =	sadd.s32 s3, s2  }
0x8d: {  	s2 =	sadd.s32 s2, s16  }
0x8e: {  	[smem:$0x3FBE] =	sst s2  }
0x8f: {  	_ = 	snop  }
0x90: {  	(tm) =	ssettm $0x1  }
0x91: {  	s17 =	sld [smem:$0x3FFB];
	_ =	sdelay $0x3  }
0x92: {  	_ =	strace s17  }
0x93: {  	s2 =	sld [smem:$0x3FFC];
	_ =	sdelay $0x3  }
0x94: {  	_ =	strace s2  }
0x95: {  	s2 =	sld [smem:$0x3FFD];
	_ =	sdelay $0x3  }
0x96: {  	_ =	strace s2  }
0x97: {  	_ =	strace $0x8FFFFFFF  }
0x98: {  	s18 =	sld [smem:$0x3FDB];
	_ =	sdelay $0x1  }
0x99: {  	s19 =	simm.s32 $_scs_section_size  }
0x9a: {  	s4 =	simm.s32 $_size__tile_overlayer_lowered;
	s5 =	simm.s32 $_tile_overlayer_lowered  }
0x9b: {  	s22 =	simm.s32 $0x1BFF;
	s21 =	sshll.u32 s5, $0x1;
	s2 =	sadd.s32 s19, s18  }
0x9c: {  	s6 =	simm.s32 $0x0;
	s20 =	sshll.u32 s4, $0x1;
	s4 =	sadd.s32 s21, s2  }
0x9d: {  	[timem:s6], [sflag:s22] =	dma.local [hbm:s4], s20  }
0x9e: {  	_ =	swait.ge [sflag:s22], s20  }
0x9f: {  	s3 =	ssub.s32 $0x0, s20;
	[sflag:s22] =	ssyncset.done $0x0  }
0xa0: {  	[sflag:s22] =	ssyncadd.s32 s3;
	_ =	sdelay $0x1  }
0xa1: {  	s23 =	simm.s32 $0x1B8B  }
0xa2: {  	_ =	swait.ge [sflag:s23], $0x1  }
0xa3: {  	[sflag:s23] =	ssyncset.done $0x0  }
0xa4: {  	s25 =	simm.s32 $0x1B8E;
	s24 =	sld [smem:$0x3FFE];
	[sflag:s23] =	ssyncadd.s32 $0xFFFFFFFF  }
0xa5: {  	s26 =	simm.s32 $execute0_lowered;
	[smem:$0x3FD2] =	sst s25  }
0xa6: {  	s4 =	sshll.u32 s26, $0x1;
	_ =	strace $0x80000049;
	[dreg:$0x1] =	wrdreg $0xFFFFFFFF  }
0xa7: {  	s28 =	simm.s32 $_size_execute0_lowered;
	s2 =	sadd.s32 s2, s4;
	[dreg:$0x0] =	wrdreg $0x0  }
0xa8: {  	s4 =	sshll.u32 s28, $0x1;
	[dreg:$0x2] =	wrdreg s2  }
0xa9: {  	[dreg:$0x3] =	wrdreg s4  }
0xaa: {  	[dreg:$0x4] =	wrdreg $0xC0  }
0xab: {  	_ =	task [dreg:s6], $0x5FFFF  }
0xac: {  	[dreg:$0x1] =	wrdreg $0xFFFFFFFF  }
0xad: {  	[dreg:$0x0] =	wrdreg $0x60  }
0xae: {  	[dreg:$0x2] =	wrdreg s24  }
0xaf: {  	[dreg:$0x3] =	wrdreg $0x9  }
0xb0: {  	_ =	task.clear_ibuf [dreg:s6], $0x4FFFF;
	_ =	strace $0x90000049  }
0xb1: {  	s29 =	simm.s32 $0x9;
	_ =	strace $0x8000004B  }
0xb2: {  	_ =	swait.ge [sflag:s29], $0x1  }
0xb3: {  	[sflag:s29] =	ssyncadd.s32 $0xFFFFFFFF  }
0xb4: {  	_ =	strace $0x9000004B  }
0xb5: {  	_ =	sfence  }
0xb6: {  	s30 =	sld [smem:$0x0];
	_ =	sdelay $0x2  }
0xb7: {  	s31 =	sshll.u32 s1, $0xD;
	s1 =	sshrl.u32 s1, $0x2  }
0xb8: {  	s3 =	sand.u32 $0x4000, s31;
	s1 =	sadd.s32 s1, s30  }
0xb9: {  	s0 =	sor.u32 s3, s0;
	s1 =	sshll.u32 s1, $0x11  }
0xba: {  	s0 =	sor.u32 s1, s0  }
0xbb: {  	s0 =	sadd.s32 $0x8F2B, s0  }
0xbc: {  	[sflag:s0] =	ssyncadd.remote.s32 $0x1  }
0xbd: {  	_ =	sfence.sel $0xFFFF  }
0xbe: {  	[dreg:$0x0] =	wrdreg $0xFFFFFFFF;
	(pc) =	sbr.abs _section_cstart, $3  }
0xbf: {  	[dreg:$0x1] =	wrdreg $0xFFFFFFFF  }
0xc0: {  	_ =	task.clear_ibuf [dreg:s6], $0x2FFFF;
	_ =	strace $0x9FFFFFFF  }
0xc1: {  	(tm) =	ssettm $0x7FFFFFFF  }
tec
execute0_lowered:
.L_overlay_start_1:
0x0: {  	(tag) =	ssettag $0x1  }
0x1: {  	s6 =	rddreg [dreg:$0x0]  }
0x2: {  	s0 =	rddreg [dreg:$0x1];
	s2 =	simm.s32 $0x0;
	s1 =	stileid.u32  }
0x3: {  	s4 =	srdreg.scid;
	s13 =	simm.s32 $0x1;
	s14 =	simm.s32 $0x800  }
0x4: {  	s15 =	simm.s32 $0x1000;
	s16 =	simm.s32 $0xB800;
	s17 =	simm.s32 $0x0  }
0x5: {  	[smem:$0x7FF] =	sst s2;
	s3 =	sadd.s32 $0x17E00, s6;
	s7 =	sand.u32 $0x1, s4  }
0x6: {  	s5 =	sshll.u32 s1, $0x1;
	s4 =	sadd.s32 $0xDE00, s6;
	s8 =	sshll.u32 s1, $0x6  }
0x7: {  	s11 =	sshll.u32 s1, $0x1E;
	s12 =	sshrl.u32 s1, $0x2;
	_ =	strace $0x8000004A  }
0x8: {  	s9 =	sor.u32 s7, s5;
	s5 =	sadd.s32 $0x3E00, s6;
	s8 =	sand.u32 $0x40, s8  }
0x9: {  	s10 =	ssub.s32 $0x2, s7;
	s11 =	sshra.s32 s11, $0x1F;
	s7 =	sshll.u32 s7, $0x2  }
0xa: {  	s9 =	smul.u32 $0x1400, s9;
	s8 =	sadd.s32 s8, s6;
	s30 =	sshrl.u32 s10, $0x1  }
0xb: {  	s11 =	sand.u32 $0x2800, s11;
	s7 =	sor.u32 s12, s7;
	s12 =	simm.s32 $0x1800  }
0xc: {  	s10 =	ssub.s32 s10, s30;
	s31 =	sadd.s32 s11, s8;
	s7 =	smul.u32 $0xA000, s7  }
0xd: {  	s11 =	simm.s32 $0x400;
	s9 =	sadd.s32 s9, s6;
	s6 =	sadd.s32 $0x21E00, s31  }
0xe: {  	v0 =	vimm.f32 $0.0e+00;
	s8 =	sadd.s32 $0x26E00, s9;
	s9 =	smax.u32 s10, $0x1;
	s10 =	simm.s32 $0x200  }
.LBB2_1:
0xf: {  	[tilespmem:s12], [sflag:$0x1] =	stream.strided.gather [hbm4b:s6+s10], $0xA000, s11, s10, $0x38;
	[tilespmem:$0x15800] =	vst v63  }
0x10: {  	_ =	swait.ge [sflag:s13], $0xA000  }
0x11: {  	[sflag:s13] =	ssyncset.done $0x0  }
0x12: {  	s18 =	simm.s32 $0xB900;
	[sflag:s13] =	ssyncadd.s32 $0xFFFF6000  }
0x13: {  	[tilespmem:s18+$0xFFFFFF00] =	vst v0  }
0x14: {  	[tilespmem:s18+$0xF0] =	vst v0  }
0x15: {  	[tilespmem:s18+$0x70] =	vst v0  }
0x16: {  	[tilespmem:s18+$0xFFFFFFF0] =	vst v0  }
0x17: {  	[tilespmem:s18+$0xFFFFFF70] =	vst v0  }
0x18: {  	[tilespmem:s18+$0xE0] =	vst v0  }
0x19: {  	[tilespmem:s18+$0x60] =	vst v0  }
0x1a: {  	[tilespmem:s18+$0xFFFFFFE0] =	vst v0  }
0x1b: {  	[tilespmem:s18+$0xFFFFFF60] =	vst v0  }
0x1c: {  	[tilespmem:s18+$0xD0] =	vst v0  }
0x1d: {  	[tilespmem:s18+$0x50] =	vst v0  }
0x1e: {  	[tilespmem:s18+$0xFFFFFFD0] =	vst v0  }
0x1f: {  	[tilespmem:s18+$0xFFFFFF50] =	vst v0  }
0x20: {  	[tilespmem:s18+$0xC0] =	vst v0  }
0x21: {  	[tilespmem:s18+$0x40] =	vst v0  }
0x22: {  	[tilespmem:s18+$0xFFFFFFC0] =	vst v0  }
0x23: {  	[tilespmem:s18+$0xFFFFFF40] =	vst v0  }
0x24: {  	[tilespmem:s18+$0xB0] =	vst v0  }
0x25: {  	[tilespmem:s18+$0x30] =	vst v0  }
0x26: {  	[tilespmem:s18+$0xFFFFFFB0] =	vst v0  }
0x27: {  	[tilespmem:s18+$0xFFFFFF30] =	vst v0  }
0x28: {  	[tilespmem:s18+$0xA0] =	vst v0  }
0x29: {  	[tilespmem:s18+$0x20] =	vst v0  }
0x2a: {  	[tilespmem:s18+$0xFFFFFFA0] =	vst v0  }
0x2b: {  	[tilespmem:s18+$0xFFFFFF20] =	vst v0  }
0x2c: {  	[tilespmem:s18+$0x90] =	vst v0  }
0x2d: {  	[tilespmem:s18+$0x10] =	vst v0  }
0x2e: {  	[tilespmem:s18+$0xFFFFFF90] =	vst v0  }
0x2f: {  	[tilespmem:s18+$0xFFFFFF10] =	vst v0  }
0x30: {  	[tilespmem:s18+$0x80] =	vst v0  }
0x31: {  	s19 =	simm.s32 $0x0;
	[tilespmem:s18+$0x0] =	vst v0  }
.LBB2_2:
0x32: {  	s19 =	sadd.s32 $0x8, s19;
	[tilespmem:s18+$0xFFFFFF80] =	vst v0;
	s18 =	sadd.s32 $0x200, s18  }
0x33: {  	[tilespmem:s18+$0xFFFFFF00] =	vst v0;
	p0 =	slt.u32 s19, $0x278  }
0x34: {  	[tilespmem:s18+$0xF0] =	vst v0  }
0x35: {  	[tilespmem:s18+$0x70] =	vst v0  }
0x36: {  	[tilespmem:s18+$0xFFFFFFF0] =	vst v0  }
0x37: {  	[tilespmem:s18+$0xFFFFFF70] =	vst v0  }
0x38: {  	[tilespmem:s18+$0xE0] =	vst v0  }
0x39: {  	[tilespmem:s18+$0x60] =	vst v0  }
0x3a: {  	[tilespmem:s18+$0xFFFFFFE0] =	vst v0  }
0x3b: {  	[tilespmem:s18+$0xFFFFFF60] =	vst v0  }
0x3c: {  	[tilespmem:s18+$0xD0] =	vst v0  }
0x3d: {  	[tilespmem:s18+$0x50] =	vst v0  }
0x3e: {  	[tilespmem:s18+$0xFFFFFFD0] =	vst v0  }
0x3f: {  	[tilespmem:s18+$0xFFFFFF50] =	vst v0  }
0x40: {  	[tilespmem:s18+$0xC0] =	vst v0  }
0x41: {  	[tilespmem:s18+$0x40] =	vst v0  }
0x42: {  	[tilespmem:s18+$0xFFFFFFC0] =	vst v0  }
0x43: {  	[tilespmem:s18+$0xFFFFFF40] =	vst v0  }
0x44: {  	[tilespmem:s18+$0xB0] =	vst v0  }
0x45: {  	[tilespmem:s18+$0x30] =	vst v0  }
0x46: {  	[tilespmem:s18+$0xFFFFFFB0] =	vst v0  }
0x47: {  	[tilespmem:s18+$0xFFFFFF30] =	vst v0  }
0x48: {  	[tilespmem:s18+$0xA0] =	vst v0  }
0x49: {  	[tilespmem:s18+$0x20] =	vst v0  }
0x4a: {  	[tilespmem:s18+$0xFFFFFFA0] =	vst v0  }
0x4b: {  	[tilespmem:s18+$0xFFFFFF20] =	vst v0  }
0x4c: {  	[tilespmem:s18+$0x90] =	vst v0  }
.Ltmp0:
0x4d: {  	[tilespmem:s18+$0x10] =	vst v0;
	(pc) =	sbr.rel @p0 .LBB2_2-.Ltmp0, $4  }
0x4e: {  	[tilespmem:s18+$0xFFFFFF90] =	vst v0  }
0x4f: {  	[tilespmem:s18+$0xFFFFFF10] =	vst v0  }
0x50: {  	[tilespmem:s18+$0x80] =	vst v0  }
0x51: {  	[tilespmem:s18+$0x0] =	vst v0  }
0x52: {  	[tilespmem:s18+$0xFFFFFF80] =	vst v0;
	s18 =	simm.s32 $0x0;
	s19 =	simm.s32 $0x0  }
.LBB2_4:
0x53: {  	s20 =	sshll.u32 s19, $0xB  }
0x54: {  	s20 =	sadd.s32 s7, s20  }
0x55: {  	s20 =	sshrl.u32 s20, $0x3  }
0x56: {  	s21 =	sadd.s32 s3, s20  }
0x57: {  	[tilespmem:s18], [sflag:$0x1] =	stream.linear.gather [hbm4b:s21+s18], $0x800, $0x38;
	[tilespmem:$0x15800] =	vst v63  }
0x58: {  	_ =	swait.ge [sflag:s13], $0x800  }
0x59: {  	[sflag:s13] =	ssyncset.done $0x0  }
0x5a: {  	s31 =	sadd.s32 s4, s20;
	[sflag:s13] =	ssyncadd.s32 $0xFFFFF800  }
0x5b: {  	[tilespmem:s14], [sflag:$0x1] =	stream.linear.gather [hbm4b:s31+s18], $0x800, $0x38;
	[tilespmem:$0x15800] =	vst v63  }
0x5c: {  	_ =	swait.ge [sflag:s13], $0x800  }
0x5d: {  	[sflag:s13] =	ssyncset.done $0x0  }
0x5e: {  	s20 =	sadd.s32 s5, s20;
	[sflag:s13] =	ssyncadd.s32 $0xFFFFF800  }
0x5f: {  	[tilespmem:s15], [sflag:$0x1] =	stream.linear.gather [hbm4b:s20+s18], $0x800, $0x38;
	[tilespmem:$0x15800] =	vst v63  }
0x60: {  	_ =	swait.ge [sflag:s13], $0x800  }
0x61: {  	[sflag:s13] =	ssyncset.done $0x0  }
0x62: {  	s20 =	simm.s32 $0x0;
	[sflag:s13] =	ssyncadd.s32 $0xFFFFF800  }
.LBB2_5:
0x63: {  	s21 =	sshra.s32 s20, $0x2  }
0x64: {  	v1 =	vld [tilespmem:s21+$0x0];
	_ =	sdelay $0x4  }
0x65: {  	v2 =	vshll.u32 v1, $0x2  }
0x66: {  	v1 =	vand.u32 $0x7F, v1;
	v2 =	vand.u32 $0xFFFFFE00, v2  }
0x67: {  	v3 =	vld [tilespmem:s21+$0x800];
	v1 =	vor.u32 v1, v2;
	_ =	sdelay $0x3  }
0x68: {  	v2 =	vld [tilespmem:s21+$0x1000]  }
0x69: {  	v5 =	vshll.u32 v3, $0x2;
	v4 =	vld.idx.msk [tilespmem:v1+s12+$0x0], $0xffff  }
0x6a: {  	v3 =	vand.u32 $0x7F, v3;
	v5 =	vand.u32 $0xFFFFFE00, v5  }
0x6b: {  	v3 =	vor.u32 v3, v5  }
0x6c: {  	v26 =	vor.u32 $0x80, v1;
	_ =	sdelay $0x1  }
0x6d: {  	v4 =	vmul.f32 v4, v2;
	_ =	sdelay $0x1  }
0x6e: {  	[tilespmem:v3+s16+$0x0] =	vst.idx.add.f32.msk $0xffff, v4  }
0x6f: {  	v4 =	vld.idx.msk [tilespmem:v26+s12+$0x0], $0xffff;
	_ =	sdelay $0x1  }
0x70: {  	v27 =	vor.u32 $0x80, v3  }
0x71: {  	v6 =	vor.u32 $0x100, v1;
	_ =	sdelay $0x1  }
0x72: {  	v4 =	vmul.f32 v4, v2;
	_ =	sdelay $0x1  }
0x73: {  	[tilespmem:v27+s16+$0x0] =	vst.idx.add.f32.msk $0xffff, v4  }
0x74: {  	v4 =	vld.idx.msk [tilespmem:v6+s12+$0x0], $0xffff;
	_ =	sdelay $0x1  }
0x75: {  	v28 =	vor.u32 $0x100, v3  }
0x76: {  	v1 =	vor.u32 $0x180, v1;
	_ =	sdelay $0x1  }
0x77: {  	v4 =	vmul.f32 v4, v2;
	_ =	sdelay $0x1  }
0x78: {  	[tilespmem:v28+s16+$0x0] =	vst.idx.add.f32.msk $0xffff, v4  }
0x79: {  	v1 =	vld.idx.msk [tilespmem:v1+s12+$0x0], $0xffff;
	_ =	sdelay $0x1  }
0x7a: {  	v3 =	vor.u32 $0x180, v3;
	_ =	sdelay $0x2  }
0x7b: {  	v1 =	vmul.f32 v1, v2;
	_ =	sdelay $0x1  }
0x7c: {  	[tilespmem:v3+s16+$0x0] =	vst.idx.add.f32.msk $0xffff, v1  }
0x7d: {  	v1 =	vld [tilespmem:s21+$0x10];
	_ =	sdelay $0x4  }
0x7e: {  	v2 =	vshll.u32 v1, $0x2  }
0x7f: {  	v1 =	vand.u32 $0x7F, v1;
	v2 =	vand.u32 $0xFFFFFE00, v2  }
0x80: {  	v3 =	vld [tilespmem:s21+$0x810];
	v1 =	vor.u32 v1, v2;
	_ =	sdelay $0x3  }
0x81: {  	v2 =	vld [tilespmem:s21+$0x1010]  }
0x82: {  	v29 =	vshll.u32 v3, $0x2;
	v4 =	vld.idx.msk [tilespmem:v1+s12+$0x0], $0xffff  }
0x83: {  	v3 =	vand.u32 $0x7F, v3;
	v5 =	vand.u32 $0xFFFFFE00, v29  }
0x84: {  	v3 =	vor.u32 v3, v5  }
0x85: {  	v30 =	vor.u32 $0x80, v1;
	_ =	sdelay $0x1  }
0x86: {  	v4 =	vmul.f32 v4, v2;
	_ =	sdelay $0x1  }
0x87: {  	[tilespmem:v3+s16+$0x0] =	vst.idx.add.f32.msk $0xffff, v4  }
0x88: {  	v4 =	vld.idx.msk [tilespmem:v30+s12+$0x0], $0xffff;
	_ =	sdelay $0x1  }
0x89: {  	v31 =	vor.u32 $0x80, v3  }
0x8a: {  	v32 =	vor.u32 $0x100, v1;
	_ =	sdelay $0x1  }
0x8b: {  	v4 =	vmul.f32 v4, v2;
	_ =	sdelay $0x1  }
0x8c: {  	[tilespmem:v31+s16+$0x0] =	vst.idx.add.f32.msk $0xffff, v4  }
0x8d: {  	v4 =	vld.idx.msk [tilespmem:v32+s12+$0x0], $0xffff;
	_ =	sdelay $0x1  }
0x8e: {  	v33 =	vor.u32 $0x100, v3  }
0x8f: {  	v1 =	vor.u32 $0x180, v1;
	_ =	sdelay $0x1  }
0x90: {  	v4 =	vmul.f32 v4, v2;
	_ =	sdelay $0x1  }
0x91: {  	[tilespmem:v33+s16+$0x0] =	vst.idx.add.f32.msk $0xffff, v4  }
0x92: {  	v1 =	vld.idx.msk [tilespmem:v1+s12+$0x0], $0xffff;
	_ =	sdelay $0x1  }
0x93: {  	v3 =	vor.u32 $0x180, v3;
	_ =	sdelay $0x2  }
0x94: {  	v1 =	vmul.f32 v1, v2;
	_ =	sdelay $0x1  }
0x95: {  	[tilespmem:v3+s16+$0x0] =	vst.idx.add.f32.msk $0xffff, v1  }
0x96: {  	v1 =	vld [tilespmem:s21+$0x20];
	_ =	sdelay $0x4  }
0x97: {  	v2 =	vshll.u32 v1, $0x2  }
0x98: {  	v1 =	vand.u32 $0x7F, v1;
	v2 =	vand.u32 $0xFFFFFE00, v2  }
0x99: {  	v3 =	vld [tilespmem:s21+$0x820];
	v1 =	vor.u32 v1, v2;
	_ =	sdelay $0x3  }
0x9a: {  	v2 =	vld [tilespmem:s21+$0x1020]  }
0x9b: {  	v34 =	vshll.u32 v3, $0x2;
	v4 =	vld.idx.msk [tilespmem:v1+s12+$0x0], $0xffff  }
0x9c: {  	v3 =	vand.u32 $0x7F, v3;
	v5 =	vand.u32 $0xFFFFFE00, v34  }
0x9d: {  	v3 =	vor.u32 v3, v5  }
0x9e: {  	v35 =	vor.u32 $0x80, v1;
	_ =	sdelay $0x1  }
0x9f: {  	v4 =	vmul.f32 v4, v2;
	_ =	sdelay $0x1  }
0xa0: {  	[tilespmem:v3+s16+$0x0] =	vst.idx.add.f32.msk $0xffff, v4  }
0xa1: {  	v4 =	vld.idx.msk [tilespmem:v35+s12+$0x0], $0xffff;
	_ =	sdelay $0x1  }
0xa2: {  	v36 =	vor.u32 $0x80, v3  }
0xa3: {  	v37 =	vor.u32 $0x100, v1;
	_ =	sdelay $0x1  }
0xa4: {  	v4 =	vmul.f32 v4, v2;
	_ =	sdelay $0x1  }
0xa5: {  	[tilespmem:v36+s16+$0x0] =	vst.idx.add.f32.msk $0xffff, v4  }
0xa6: {  	v4 =	vld.idx.msk [tilespmem:v37+s12+$0x0], $0xffff;
	_ =	sdelay $0x1  }
0xa7: {  	v38 =	vor.u32 $0x100, v3  }
0xa8: {  	v1 =	vor.u32 $0x180, v1;
	_ =	sdelay $0x1  }
0xa9: {  	v4 =	vmul.f32 v4, v2;
	_ =	sdelay $0x1  }
0xaa: {  	[tilespmem:v38+s16+$0x0] =	vst.idx.add.f32.msk $0xffff, v4  }
0xab: {  	v1 =	vld.idx.msk [tilespmem:v1+s12+$0x0], $0xffff;
	_ =	sdelay $0x1  }
0xac: {  	v3 =	vor.u32 $0x180, v3;
	_ =	sdelay $0x2  }
0xad: {  	v1 =	vmul.f32 v1, v2;
	_ =	sdelay $0x1  }
0xae: {  	[tilespmem:v3+s16+$0x0] =	vst.idx.add.f32.msk $0xffff, v1  }
0xaf: {  	v1 =	vld [tilespmem:s21+$0x30];
	_ =	sdelay $0x4  }
0xb0: {  	v2 =	vshll.u32 v1, $0x2  }
0xb1: {  	v1 =	vand.u32 $0x7F, v1;
	v2 =	vand.u32 $0xFFFFFE00, v2  }
0xb2: {  	v3 =	vld [tilespmem:s21+$0x830];
	v1 =	vor.u32 v1, v2;
	_ =	sdelay $0x3  }
0xb3: {  	v2 =	vld [tilespmem:s21+$0x1030]  }
0xb4: {  	v39 =	vshll.u32 v3, $0x2;
	v4 =	vld.idx.msk [tilespmem:v1+s12+$0x0], $0xffff  }
0xb5: {  	v3 =	vand.u32 $0x7F, v3;
	v5 =	vand.u32 $0xFFFFFE00, v39  }
0xb6: {  	v3 =	vor.u32 v3, v5  }
0xb7: {  	v40 =	vor.u32 $0x80, v1;
	_ =	sdelay $0x1  }
0xb8: {  	v4 =	vmul.f32 v4, v2;
	_ =	sdelay $0x1  }
0xb9: {  	[tilespmem:v3+s16+$0x0] =	vst.idx.add.f32.msk $0xffff, v4  }
0xba: {  	v4 =	vld.idx.msk [tilespmem:v40+s12+$0x0], $0xffff;
	_ =	sdelay $0x1  }
0xbb: {  	v41 =	vor.u32 $0x80, v3  }
0xbc: {  	v42 =	vor.u32 $0x100, v1;
	_ =	sdelay $0x1  }
0xbd: {  	v4 =	vmul.f32 v4, v2;
	_ =	sdelay $0x1  }
0xbe: {  	[tilespmem:v41+s16+$0x0] =	vst.idx.add.f32.msk $0xffff, v4  }
0xbf: {  	v4 =	vld.idx.msk [tilespmem:v42+s12+$0x0], $0xffff;
	_ =	sdelay $0x1  }
0xc0: {  	v43 =	vor.u32 $0x100, v3  }
0xc1: {  	v1 =	vor.u32 $0x180, v1;
	_ =	sdelay $0x1  }
0xc2: {  	v4 =	vmul.f32 v4, v2;
	_ =	sdelay $0x1  }
0xc3: {  	[tilespmem:v43+s16+$0x0] =	vst.idx.add.f32.msk $0xffff, v4  }
0xc4: {  	v1 =	vld.idx.msk [tilespmem:v1+s12+$0x0], $0xffff;
	_ =	sdelay $0x1  }
0xc5: {  	v3 =	vor.u32 $0x180, v3;
	_ =	sdelay $0x2  }
0xc6: {  	v1 =	vmul.f32 v1, v2;
	_ =	sdelay $0x1  }
0xc7: {  	[tilespmem:v3+s16+$0x0] =	vst.idx.add.f32.msk $0xffff, v1  }
0xc8: {  	v1 =	vld [tilespmem:s21+$0x40];
	_ =	sdelay $0x4  }
0xc9: {  	v2 =	vshll.u32 v1, $0x2  }
0xca: {  	v1 =	vand.u32 $0x7F, v1;
	v2 =	vand.u32 $0xFFFFFE00, v2  }
0xcb: {  	v3 =	vld [tilespmem:s21+$0x840];
	v1 =	vor.u32 v1, v2;
	_ =	sdelay $0x3  }
0xcc: {  	v2 =	vld [tilespmem:s21+$0x1040]  }
0xcd: {  	v44 =	vshll.u32 v3, $0x2;
	v4 =	vld.idx.msk [tilespmem:v1+s12+$0x0], $0xffff  }
0xce: {  	v3 =	vand.u32 $0x7F, v3;
	v5 =	vand.u32 $0xFFFFFE00, v44  }
0xcf: {  	v3 =	vor.u32 v3, v5  }
0xd0: {  	v45 =	vor.u32 $0x80, v1;
	_ =	sdelay $0x1  }
0xd1: {  	v4 =	vmul.f32 v4, v2;
	_ =	sdelay $0x1  }
0xd2: {  	[tilespmem:v3+s16+$0x0] =	vst.idx.add.f32.msk $0xffff, v4  }
0xd3: {  	v4 =	vld.idx.msk [tilespmem:v45+s12+$0x0], $0xffff;
	_ =	sdelay $0x1  }
0xd4: {  	v46 =	vor.u32 $0x80, v3  }
0xd5: {  	v47 =	vor.u32 $0x100, v1;
	_ =	sdelay $0x1  }
0xd6: {  	v4 =	vmul.f32 v4, v2;
	_ =	sdelay $0x1  }
0xd7: {  	[tilespmem:v46+s16+$0x0] =	vst.idx.add.f32.msk $0xffff, v4  }
0xd8: {  	v4 =	vld.idx.msk [tilespmem:v47+s12+$0x0], $0xffff;
	_ =	sdelay $0x1  }
0xd9: {  	v48 =	vor.u32 $0x100, v3  }
0xda: {  	v1 =	vor.u32 $0x180, v1;
	_ =	sdelay $0x1  }
0xdb: {  	v4 =	vmul.f32 v4, v2;
	_ =	sdelay $0x1  }
0xdc: {  	[tilespmem:v48+s16+$0x0] =	vst.idx.add.f32.msk $0xffff, v4  }
0xdd: {  	v1 =	vld.idx.msk [tilespmem:v1+s12+$0x0], $0xffff;
	_ =	sdelay $0x1  }
0xde: {  	v3 =	vor.u32 $0x180, v3;
	_ =	sdelay $0x2  }
0xdf: {  	v1 =	vmul.f32 v1, v2;
	_ =	sdelay $0x1  }
0xe0: {  	[tilespmem:v3+s16+$0x0] =	vst.idx.add.f32.msk $0xffff, v1  }
0xe1: {  	v1 =	vld [tilespmem:s21+$0x50];
	_ =	sdelay $0x4  }
0xe2: {  	v2 =	vshll.u32 v1, $0x2  }
0xe3: {  	v1 =	vand.u32 $0x7F, v1;
	v2 =	vand.u32 $0xFFFFFE00, v2  }
0xe4: {  	v3 =	vld [tilespmem:s21+$0x850];
	v1 =	vor.u32 v1, v2;
	_ =	sdelay $0x3  }
0xe5: {  	v2 =	vld [tilespmem:s21+$0x1050]  }
0xe6: {  	v49 =	vshll.u32 v3, $0x2;
	v4 =	vld.idx.msk [tilespmem:v1+s12+$0x0], $0xffff  }
0xe7: {  	v3 =	vand.u32 $0x7F, v3;
	v5 =	vand.u32 $0xFFFFFE00, v49  }
0xe8: {  	v3 =	vor.u32 v3, v5  }
0xe9: {  	v50 =	vor.u32 $0x80, v1;
	_ =	sdelay $0x1  }
0xea: {  	v4 =	vmul.f32 v4, v2;
	_ =	sdelay $0x1  }
0xeb: {  	[tilespmem:v3+s16+$0x0] =	vst.idx.add.f32.msk $0xffff, v4  }
0xec: {  	v4 =	vld.idx.msk [tilespmem:v50+s12+$0x0], $0xffff;
	_ =	sdelay $0x1  }
0xed: {  	v51 =	vor.u32 $0x80, v3  }
0xee: {  	v52 =	vor.u32 $0x100, v1;
	_ =	sdelay $0x1  }
0xef: {  	v4 =	vmul.f32 v4, v2;
	_ =	sdelay $0x1  }
0xf0: {  	[tilespmem:v51+s16+$0x0] =	vst.idx.add.f32.msk $0xffff, v4  }
0xf1: {  	v4 =	vld.idx.msk [tilespmem:v52+s12+$0x0], $0xffff;
	_ =	sdelay $0x1  }
0xf2: {  	v53 =	vor.u32 $0x100, v3  }
0xf3: {  	v1 =	vor.u32 $0x180, v1;
	_ =	sdelay $0x1  }
0xf4: {  	v4 =	vmul.f32 v4, v2;
	_ =	sdelay $0x1  }
0xf5: {  	[tilespmem:v53+s16+$0x0] =	vst.idx.add.f32.msk $0xffff, v4  }
0xf6: {  	v1 =	vld.idx.msk [tilespmem:v1+s12+$0x0], $0xffff;
	_ =	sdelay $0x1  }
0xf7: {  	v3 =	vor.u32 $0x180, v3;
	_ =	sdelay $0x2  }
0xf8: {  	v1 =	vmul.f32 v1, v2;
	_ =	sdelay $0x1  }
0xf9: {  	[tilespmem:v3+s16+$0x0] =	vst.idx.add.f32.msk $0xffff, v1  }
0xfa: {  	v1 =	vld [tilespmem:s21+$0x60];
	_ =	sdelay $0x4  }
0xfb: {  	v2 =	vshll.u32 v1, $0x2  }
0xfc: {  	v1 =	vand.u32 $0x7F, v1;
	v2 =	vand.u32 $0xFFFFFE00, v2  }
0xfd: {  	v3 =	vld [tilespmem:s21+$0x860];
	v1 =	vor.u32 v1, v2;
	_ =	sdelay $0x3  }
0xfe: {  	v2 =	vld [tilespmem:s21+$0x1060]  }
0xff: {  	v54 =	vshll.u32 v3, $0x2;
	v4 =	vld.idx.msk [tilespmem:v1+s12+$0x0], $0xffff  }
0x100: {  	v3 =	vand.u32 $0x7F, v3;
	v5 =	vand.u32 $0xFFFFFE00, v54  }
0x101: {  	v3 =	vor.u32 v3, v5  }
0x102: {  	v55 =	vor.u32 $0x80, v1;
	_ =	sdelay $0x1  }
0x103: {  	v4 =	vmul.f32 v4, v2;
	_ =	sdelay $0x1  }
0x104: {  	[tilespmem:v3+s16+$0x0] =	vst.idx.add.f32.msk $0xffff, v4  }
0x105: {  	v4 =	vld.idx.msk [tilespmem:v55+s12+$0x0], $0xffff;
	_ =	sdelay $0x1  }
0x106: {  	v56 =	vor.u32 $0x80, v3  }
0x107: {  	v57 =	vor.u32 $0x100, v1;
	_ =	sdelay $0x1  }
0x108: {  	v4 =	vmul.f32 v4, v2;
	_ =	sdelay $0x1  }
0x109: {  	[tilespmem:v56+s16+$0x0] =	vst.idx.add.f32.msk $0xffff, v4  }
0x10a: {  	v4 =	vld.idx.msk [tilespmem:v57+s12+$0x0], $0xffff;
	_ =	sdelay $0x1  }
0x10b: {  	v58 =	vor.u32 $0x100, v3  }
0x10c: {  	v1 =	vor.u32 $0x180, v1;
	_ =	sdelay $0x1  }
0x10d: {  	v4 =	vmul.f32 v4, v2;
	_ =	sdelay $0x1  }
0x10e: {  	[tilespmem:v58+s16+$0x0] =	vst.idx.add.f32.msk $0xffff, v4  }
0x10f: {  	v1 =	vld.idx.msk [tilespmem:v1+s12+$0x0], $0xffff;
	_ =	sdelay $0x1  }
0x110: {  	v3 =	vor.u32 $0x180, v3;
	_ =	sdelay $0x2  }
0x111: {  	v1 =	vmul.f32 v1, v2;
	_ =	sdelay $0x1  }
0x112: {  	[tilespmem:v3+s16+$0x0] =	vst.idx.add.f32.msk $0xffff, v1  }
0x113: {  	v1 =	vld [tilespmem:s21+$0x70];
	_ =	sdelay $0x4  }
0x114: {  	v2 =	vshll.u32 v1, $0x2  }
0x115: {  	v1 =	vand.u32 $0x7F, v1;
	v2 =	vand.u32 $0xFFFFFE00, v2  }
0x116: {  	v3 =	vld [tilespmem:s21+$0x870];
	v1 =	vor.u32 v1, v2;
	_ =	sdelay $0x3  }
0x117: {  	v2 =	vld [tilespmem:s21+$0x1070]  }
0x118: {  	v59 =	vshll.u32 v3, $0x2;
	v4 =	vld.idx.msk [tilespmem:v1+s12+$0x0], $0xffff  }
0x119: {  	v3 =	vand.u32 $0x7F, v3;
	v5 =	vand.u32 $0xFFFFFE00, v59  }
0x11a: {  	v3 =	vor.u32 v3, v5  }
0x11b: {  	v60 =	vor.u32 $0x80, v1;
	_ =	sdelay $0x1  }
0x11c: {  	v4 =	vmul.f32 v4, v2;
	_ =	sdelay $0x1  }
0x11d: {  	[tilespmem:v3+s16+$0x0] =	vst.idx.add.f32.msk $0xffff, v4  }
0x11e: {  	v4 =	vld.idx.msk [tilespmem:v60+s12+$0x0], $0xffff;
	_ =	sdelay $0x1  }
0x11f: {  	v61 =	vor.u32 $0x80, v3  }
0x120: {  	v62 =	vor.u32 $0x100, v1;
	_ =	sdelay $0x1  }
0x121: {  	v4 =	vmul.f32 v4, v2;
	_ =	sdelay $0x1  }
0x122: {  	[tilespmem:v61+s16+$0x0] =	vst.idx.add.f32.msk $0xffff, v4  }
0x123: {  	v4 =	vld.idx.msk [tilespmem:v62+s12+$0x0], $0xffff;
	_ =	sdelay $0x1  }
0x124: {  	v63 =	vor.u32 $0x100, v3  }
0x125: {  	v1 =	vor.u32 $0x180, v1;
	_ =	sdelay $0x1  }
0x126: {  	v4 =	vmul.f32 v4, v2;
	_ =	sdelay $0x1  }
0x127: {  	[tilespmem:v63+s16+$0x0] =	vst.idx.add.f32.msk $0xffff, v4  }
0x128: {  	v1 =	vld.idx.msk [tilespmem:v1+s12+$0x0], $0xffff;
	_ =	sdelay $0x1  }
0x129: {  	p0 =	sne.s32 s20, $0x1E00;
	v3 =	vor.u32 $0x180, v3  }
.Ltmp1:
0x12a: {  	_ = 	snop;
	(pc) =	sbr.rel @p0 .LBB2_5-.Ltmp1, $3  }
0x12b: {  	_ = 	snop  }
0x12c: {  	v1 =	vmul.f32 v1, v2;
	_ =	sdelay $0x1  }
0x12d: {  	s20 =	sadd.s32 $0x200, s20;
	[tilespmem:v3+s16+$0x0] =	vst.idx.add.f32.msk $0xffff, v1  }
0x12e: {  	s19 =	sadd.s32 $0x1, s19  }
0x12f: {  	p0 =	sne.s32 s19, $0x14  }
.Ltmp2:
0x130: {  	_ = 	snop;
	(pc) =	sbr.rel @p0 .LBB2_4-.Ltmp2, $1  }
0x131: {  	_ =	sdelay $0x3  }
0x132: {  	s17 =	sadd.s32 $0x1, s17  }
0x133: {  	p0 =	sne.s32 s17, s9  }
.Ltmp3:
0x134: {  	_ = 	snop;
	(pc) =	sbr.rel @p0 .LBB2_1-.Ltmp3, $4  }
0x135: {  	[hbm4b:s8+s2] =	stream.linear.scatter [tilespmem:s16], [sflag:$0x1], $0xA000, $0x38;
	[tilespmem:$0x15800] =	vst v63  }
0x136: {  	_ =	swait.ge [sflag:s13], $0xA000  }
0x137: {  	[sflag:s13] =	ssyncset.done $0x0  }
0x138: {  	[sflag:s13] =	ssyncadd.s32 $0xFFFF6000  }
0x139: {  	_ =	sfence.sel $0x180000  }
0x13a: {  	[bflag:$0x0] =	sbarrier.arrive $0xFFFF  }
0x13b: {  	p0 =	sne.s32 s1, $0x0;
	_ =	strace $0x9000004A  }
0x13c: {  	s0 =	sadd.s32 @!p0 $0x100000, s0;
	[bflag:$0x2] =	sbarrier.arrive $0xFFFF  }
0x13d: {  	[sflag:s0] =	ssyncadd.tile.s32 @!p0 $0x1;
	_ =	shalt  }
.Lfunc_end2:
_tile_overlayer_lowered:
.L_overlay_start_2:
0x13e: {  	(tag) =	ssettag $0x2  }
0x13f: {  	s0 =	rddreg [dreg:$0x0];
	s2 =	stileid.u32  }
0x140: {  	s1 =	rddreg [dreg:$0x1];
	p0 =	sne.s32 s2, $0x0  }
0x141: {  	s3 =	rddreg [dreg:$0x2];
	[bflag:$0x3] =	sbarrier.arrive $0xFFFF;
	s2 =	simm.s32 @!p0 $0x1C01  }
0x142: {  	[timem:s3], [sflag:s2] =	dma.local @!p0 [hbm:s0], s1  }
0x143: {  	s0 =	simm.s32 @!p0 $0x1  }
0x144: {  	_ =	swait.ge @!p0 [sflag:s0], s1  }
0x145: {  	s1 =	ssub.s32 @!p0 $0x0, s1;
	[sflag:s0] =	ssyncset.done @!p0 $0x0  }
0x146: {  	[sflag:s0] =	ssyncadd.s32 @!p0 s1  }
0x147: {  	[bflag:$0x3] =	sbarrier.arrive $0xFFFF  }
0x148: {  	_ =	shalt  }

// kernel: _pipeline.18.cloned.1.call-start
scs
__scs_entry_jumppad:
0x0: {  	(pc) =	sbr.rel $0x88, $3  }
0x1: {  	(tag) =	ssettag $0x0;
	lr =	simm.s32 $0x1  }
0x2: {  	[smem:$0x3F97] =	sst lr;
	_ =	strace $0xD0000000  }
0x3: {  	_ = 	snop  }
0x4: {  	_ = 	snop  }
0x5: {  	_ = 	snop  }
0x6: {  	_ = 	snop  }
0x7: {  	_ = 	snop  }
__scs_overlays_trampoline_lowered:
0x8: {  	[smem:$0x3FA6] =	sst s0  }
0x9: {  	[smem:$0x3FA7] =	sst s1  }
0xa: {  	[smem:$0x3FA8] =	sst s2  }
0xb: {  	[smem:$0x3FA9] =	sst s3  }
0xc: {  	[smem:$0x3FAA] =	sst s4  }
0xd: {  	[smem:$0x3FAB] =	sst s5  }
0xe: {  	[smem:$0x3FAC] =	sst s6  }
0xf: {  	[smem:$0x3FAD] =	sst s7  }
0x10: {  	[smem:$0x3FAE] =	sst s8  }
0x11: {  	[smem:$0x3FAF] =	sst s9;
	s0 =	simm.s32 @!p0 $0x0  }
0x12: {  	s1 =	sld [smem:$0x3F95];
	s0 =	simm.s32 @p0 $0x1  }
0x13: {  	[smem:$0x3FB0] =	sst s0;
	s0 =	simm.s32 @!p1 $0x0  }
0x14: {  	s2 =	sld [smem:$0x3F94];
	s0 =	simm.s32 @p1 $0x1  }
0x15: {  	[smem:$0x3FB1] =	sst s0;
	s0 =	simm.s32 @!p2 $0x0  }
0x16: {  	s3 =	sld [smem:$0x3FDB];
	s0 =	simm.s32 @p2 $0x1  }
0x17: {  	s4 =	simm.s32 $0x1BF5;
	[smem:$0x3FB3] =	sst s0  }
0x18: {  	s0 =	sld [smem:$0x3F96];
	_ =	swait.ge [sflag:s4], $0x0  }
0x19: {  	s7 =	sld [smem:$0x3F97]  }
0x1a: {  	s8 =	sadd.s32 $0xFFFFE003, lr  }
0x1b: {  	s9 =	sadd.s32 $0xFFFFFEF7, lr;
	s5 =	simm.s32 $0xFFFFFFFF;
	p2 =	slt.u32 s8, $0xFFFFF086  }
0x1c: {  	p1 =	slt.u32 s9, $0xF7A;
	s5 =	simm.s32 @!p2 $0x0  }
0x1d: {  	s5 =	simm.s32 @p1 $0x1;
	p0 =	seq.s32 s7, s2  }
0x1e: {  	s7 =	smul.u32 @!p0 $0xF7A, s2;
	p2 =	seq.s32 @!p0 s5, $0x0  }
0x1f: {  	s9 =	smul.u32 $0xF7A, s1;
	s8 =	simm.s32 @!p0 $0x1BF5;
	p2 =	por !p2, p0  }
0x20: {  	[sflag:s8] =	ssyncset.s32 @!p0 $0xFFFFF086;
	s6 =	sadd.s32 @!p0 s3, s7;
	s7 =	simm.s32 @!p0 $0x108  }
0x21: {  	s3 =	sadd.s32 s3, s9;
	s6 =	sadd.s32 @!p0 $0x88, s6;
	s7 =	simm.s32 @p2 $0x1082  }
0x22: {  	[simem:s7], [sflag:s8] =	dma.local @!p0 [hbm:s6], $0xF7A  }
0x23: {  	s9 =	sor.u32 $0xD0000000, s2;
	s6 =	simm.s32 $0x108;
	_ =	swait.ge @!p0 [sflag:s8], $0x0  }
0x24: {  	s3 =	sadd.s32 $0x88, s3;
	s6 =	simm.s32 @!p1 $0x1082;
	[sflag:s4] =	ssyncset.s32 $0xFFFFF086  }
0x25: {  	[simem:s6], [sflag:s4] =	dma.local [hbm:s3], $0xF7A  }
0x26: {  	[smem:$0x3F97] =	sst s1;
	(tag) =	ssettag s2;
	_ =	strace s9  }
0x27: {  	s1 =	sld [smem:$0x3FA7]  }
0x28: {  	s2 =	sld [smem:$0x3FA8]  }
0x29: {  	s4 =	sld [smem:$0x3FAA]  }
0x2a: {  	p0 =	seq.s32 s5, $0x0;
	s5 =	sld [smem:$0x3FAB]  }
0x2b: {  	s6 =	sld [smem:$0x3FAC]  }
0x2c: {  	s7 =	sld [smem:$0x3FAD]  }
0x2d: {  	s3 =	simm.s32 $0x108;
	s8 =	sld [smem:$0x3FAE]  }
0x2e: {  	s3 =	simm.s32 @!p0 $0x1082;
	s9 =	sld [smem:$0x3FAF]  }
0x2f: {  	lr =	sadd.s32 s0, s3;
	s0 =	sld [smem:$0x3FA6]  }
0x30: {  	s3 =	sld [smem:$0x3FA9]  }
0x31: {  	[smem:$0x3FB2] =	sst s10  }
0x32: {  	s10 =	sld [smem:$0x3FB0];
	_ =	sdelay $0x3  }
0x33: {  	p0 =	seq.s32 s10, $0x1;
	s10 =	sld [smem:$0x3FB2];
	_ =	sdelay $0x3  }
0x34: {  	[smem:$0x3FB2] =	sst s10  }
0x35: {  	s10 =	sld [smem:$0x3FB1];
	_ =	sdelay $0x3  }
0x36: {  	p1 =	seq.s32 s10, $0x1;
	s10 =	sld [smem:$0x3FB2];
	_ =	sdelay $0x3  }
0x37: {  	[smem:$0x3FB2] =	sst s10  }
0x38: {  	s10 =	sld [smem:$0x3FB3]  }
0x39: {  	_ = 	snop;
	(pc) =	sbr.ind lr, $3  }
0x3a: {  	_ = 	snop  }
0x3b: {  	_ = 	snop  }
0x3c: {  	p2 =	seq.s32 s10, $0x1;
	s10 =	sld [smem:$0x3FB2]  }
0x3d: {  	_ =	shalt  }
0x3e: {  	_ =	shalt  }
0x3f: {  	_ =	shalt  }
0x40: {  	_ =	shalt  }
0x41: {  	_ =	shalt  }
0x42: {  	_ =	shalt  }
0x43: {  	_ =	shalt  }
0x44: {  	_ =	shalt  }
0x45: {  	_ =	shalt  }
0x46: {  	_ =	shalt  }
0x47: {  	_ =	shalt  }
0x48: {  	_ =	shalt  }
0x49: {  	_ =	shalt  }
0x4a: {  	_ =	shalt  }
0x4b: {  	_ =	shalt  }
0x4c: {  	_ =	shalt  }
0x4d: {  	_ =	shalt  }
0x4e: {  	_ =	shalt  }
0x4f: {  	_ =	shalt  }
0x50: {  	_ =	shalt  }
0x51: {  	_ =	shalt  }
0x52: {  	_ =	shalt  }
0x53: {  	_ =	shalt  }
0x54: {  	_ =	shalt  }
0x55: {  	_ =	shalt  }
0x56: {  	_ =	shalt  }
0x57: {  	_ =	shalt  }
0x58: {  	_ =	shalt  }
0x59: {  	_ =	shalt  }
0x5a: {  	_ =	shalt  }
0x5b: {  	_ =	shalt  }
0x5c: {  	_ =	shalt  }
0x5d: {  	_ =	shalt  }
0x5e: {  	_ =	shalt  }
0x5f: {  	_ =	shalt  }
0x60: {  	_ =	shalt  }
0x61: {  	_ =	shalt  }
0x62: {  	_ =	shalt  }
0x63: {  	_ =	shalt  }
0x64: {  	_ =	shalt  }
0x65: {  	_ =	shalt  }
0x66: {  	_ =	shalt  }
0x67: {  	_ =	shalt  }
0x68: {  	_ =	shalt  }
0x69: {  	_ =	shalt  }
0x6a: {  	_ =	shalt  }
0x6b: {  	_ =	shalt  }
0x6c: {  	_ =	shalt  }
0x6d: {  	_ =	shalt  }
0x6e: {  	_ =	shalt  }
0x6f: {  	_ =	shalt  }
0x70: {  	_ =	shalt  }
0x71: {  	_ =	shalt  }
0x72: {  	_ =	shalt  }
0x73: {  	_ =	shalt  }
0x74: {  	_ =	shalt  }
0x75: {  	_ =	shalt  }
0x76: {  	_ =	shalt  }
0x77: {  	_ =	shalt  }
0x78: {  	_ =	shalt  }
0x79: {  	_ =	shalt  }
0x7a: {  	_ =	shalt  }
0x7b: {  	_ =	shalt  }
0x7c: {  	_ =	shalt  }
0x7d: {  	_ =	shalt  }
0x7e: {  	_ =	shalt  }
0x7f: {  	_ =	shalt  }
0x80: {  	_ =	shalt  }
0x81: {  	_ =	shalt  }
0x82: {  	_ =	shalt  }
0x83: {  	_ =	shalt  }
0x84: {  	_ =	shalt  }
0x85: {  	_ =	shalt  }
0x86: {  	_ =	shalt  }
0x87: {  	_ =	shalt  }
.Lfunc_end0:
.L_simem_size_0:
called_computation.2_lowered:
.L_overlay_start_0:
0x88: {  	s2 =	sld [smem:$0x3FD9]  }
0x89: {  	s3 =	sld [smem:$0x3FFE];
	_ =	sdelay $0x1  }
0x8a: {  	s1 =	srdreg.scid  }
0x8b: {  	s0 =	sand.u32 $0x1, s1  }
0x8c: {  	s16 =	sshll.u32 s0, $0xA;
	s2 =	sadd.s32 s3, s2  }
0x8d: {  	s2 =	sadd.s32 s2, s16  }
0x8e: {  	[smem:$0x3FBE] =	sst s2  }
0x8f: {  	_ = 	snop  }
0x90: {  	(tm) =	ssettm $0x1  }
0x91: {  	s17 =	sld [smem:$0x3FFB];
	_ =	sdelay $0x3  }
0x92: {  	_ =	strace s17  }
0x93: {  	s2 =	sld [smem:$0x3FFC];
	_ =	sdelay $0x3  }
0x94: {  	_ =	strace s2  }
0x95: {  	s2 =	sld [smem:$0x3FFD];
	_ =	sdelay $0x3  }
0x96: {  	_ =	strace s2  }
0x97: {  	_ =	strace $0x8FFFFFFF  }
0x98: {  	s18 =	sld [smem:$0x3FDB];
	_ =	sdelay $0x1  }
0x99: {  	s19 =	simm.s32 $_scs_section_size  }
0x9a: {  	s4 =	simm.s32 $_size__tile_overlayer_lowered;
	s5 =	simm.s32 $_tile_overlayer_lowered  }
0x9b: {  	s22 =	simm.s32 $0x1BFF;
	s21 =	sshll.u32 s5, $0x1;
	s2 =	sadd.s32 s19, s18  }
0x9c: {  	s6 =	simm.s32 $0x0;
	s20 =	sshll.u32 s4, $0x1;
	s4 =	sadd.s32 s21, s2  }
0x9d: {  	[timem:s6], [sflag:s22] =	dma.local [hbm:s4], s20  }
0x9e: {  	_ =	swait.ge [sflag:s22], s20  }
0x9f: {  	s3 =	ssub.s32 $0x0, s20;
	[sflag:s22] =	ssyncset.done $0x0  }
0xa0: {  	[sflag:s22] =	ssyncadd.s32 s3;
	_ =	sdelay $0x1  }
0xa1: {  	s23 =	simm.s32 $0x1B8B  }
0xa2: {  	_ =	swait.ge [sflag:s23], $0x1  }
0xa3: {  	[sflag:s23] =	ssyncset.done $0x0  }
0xa4: {  	s25 =	simm.s32 $0x1B8E;
	s24 =	sld [smem:$0x3FFE];
	[sflag:s23] =	ssyncadd.s32 $0xFFFFFFFF  }
0xa5: {  	s26 =	simm.s32 $execute0_lowered;
	[smem:$0x3FD2] =	sst s25  }
0xa6: {  	s4 =	sshll.u32 s26, $0x1;
	_ =	strace $0x8000004C;
	[dreg:$0x1] =	wrdreg $0xFFFFFFFF  }
0xa7: {  	s28 =	simm.s32 $_size_execute0_lowered;
	s2 =	sadd.s32 s2, s4;
	[dreg:$0x0] =	wrdreg $0x0  }
0xa8: {  	s4 =	sshll.u32 s28, $0x1;
	[dreg:$0x2] =	wrdreg s2  }
0xa9: {  	[dreg:$0x3] =	wrdreg s4  }
0xaa: {  	[dreg:$0x4] =	wrdreg $0xC0  }
0xab: {  	_ =	task [dreg:s6], $0x5FFFF  }
0xac: {  	[dreg:$0x1] =	wrdreg $0xFFFFFFFF  }
0xad: {  	[dreg:$0x0] =	wrdreg $0x60  }
0xae: {  	[dreg:$0x2] =	wrdreg s24  }
0xaf: {  	[dreg:$0x3] =	wrdreg $0x9  }
0xb0: {  	_ =	task.clear_ibuf [dreg:s6], $0x4FFFF;
	_ =	strace $0x9000004C  }
0xb1: {  	s29 =	simm.s32 $0x9;
	_ =	strace $0x8000004E  }
0xb2: {  	_ =	swait.ge [sflag:s29], $0x1  }
0xb3: {  	[sflag:s29] =	ssyncadd.s32 $0xFFFFFFFF  }
0xb4: {  	_ =	strace $0x9000004E  }
0xb5: {  	_ =	sfence  }
0xb6: {  	s30 =	sld [smem:$0x0];
	_ =	sdelay $0x2  }
0xb7: {  	s31 =	sshll.u32 s1, $0xD;
	s1 =	sshrl.u32 s1, $0x2  }
0xb8: {  	s3 =	sand.u32 $0x4000, s31;
	s1 =	sadd.s32 s1, s30  }
0xb9: {  	s0 =	sor.u32 s3, s0;
	s1 =	sshll.u32 s1, $0x11  }
0xba: {  	s0 =	sor.u32 s1, s0  }
0xbb: {  	s0 =	sadd.s32 $0x8F2B, s0  }
0xbc: {  	[sflag:s0] =	ssyncadd.remote.s32 $0x1  }
0xbd: {  	_ =	sfence.sel $0xFFFF  }
0xbe: {  	[dreg:$0x0] =	wrdreg $0xFFFFFFFF;
	(pc) =	sbr.abs _section_cstart, $3  }
0xbf: {  	[dreg:$0x1] =	wrdreg $0xFFFFFFFF  }
0xc0: {  	_ =	task.clear_ibuf [dreg:s6], $0x2FFFF;
	_ =	strace $0x9FFFFFFF  }
0xc1: {  	(tm) =	ssettm $0x7FFFFFFF  }
tec
execute0_lowered:
.L_overlay_start_1:
0x0: {  	(tag) =	ssettag $0x1  }
0x1: {  	s6 =	rddreg [dreg:$0x0]  }
0x2: {  	s0 =	rddreg [dreg:$0x1];
	s2 =	simm.s32 $0x0;
	s1 =	stileid.u32  }
0x3: {  	s4 =	srdreg.scid;
	s13 =	simm.s32 $0x1;
	s14 =	simm.s32 $0x800  }
0x4: {  	s15 =	simm.s32 $0x1000;
	s16 =	simm.s32 $0xB800;
	s17 =	simm.s32 $0x0  }
0x5: {  	[smem:$0x7FF] =	sst s2;
	s3 =	sadd.s32 $0x17E00, s6;
	s7 =	sand.u32 $0x1, s4  }
0x6: {  	s5 =	sshll.u32 s1, $0x1;
	s4 =	sadd.s32 $0xDE00, s6;
	s8 =	sshll.u32 s1, $0x6  }
0x7: {  	s11 =	sshll.u32 s1, $0x1E;
	s12 =	sshrl.u32 s1, $0x2;
	_ =	strace $0x8000004D  }
0x8: {  	s9 =	sor.u32 s7, s5;
	s5 =	sadd.s32 $0x3E00, s6;
	s8 =	sand.u32 $0x40, s8  }
0x9: {  	s10 =	ssub.s32 $0x2, s7;
	s11 =	sshra.s32 s11, $0x1F;
	s7 =	sshll.u32 s7, $0x2  }
0xa: {  	s9 =	smul.u32 $0x1400, s9;
	s8 =	sadd.s32 s8, s6;
	s30 =	sshrl.u32 s10, $0x1  }
0xb: {  	s11 =	sand.u32 $0x2800, s11;
	s7 =	sor.u32 s12, s7;
	s12 =	simm.s32 $0x1800  }
0xc: {  	s10 =	ssub.s32 s10, s30;
	s31 =	sadd.s32 s11, s8;
	s7 =	smul.u32 $0xA000, s7  }
0xd: {  	s11 =	simm.s32 $0x400;
	s9 =	sadd.s32 s9, s6;
	s6 =	sadd.s32 $0x21E00, s31  }
0xe: {  	v0 =	vimm.f32 $0.0e+00;
	s8 =	sadd.s32 $0x26E00, s9;
	s9 =	smax.u32 s10, $0x1;
	s10 =	simm.s32 $0x200  }
.LBB2_1:
0xf: {  	[tilespmem:s12], [sflag:$0x1] =	stream.strided.gather [hbm4b:s6+s10], $0xA000, s11, s10, $0x38;
	[tilespmem:$0x15800] =	vst v63  }
0x10: {  	_ =	swait.ge [sflag:s13], $0xA000  }
0x11: {  	[sflag:s13] =	ssyncset.done $0x0  }
0x12: {  	s18 =	simm.s32 $0xB900;
	[sflag:s13] =	ssyncadd.s32 $0xFFFF6000  }
0x13: {  	[tilespmem:s18+$0xFFFFFF00] =	vst v0  }
0x14: {  	[tilespmem:s18+$0xF0] =	vst v0  }
0x15: {  	[tilespmem:s18+$0x70] =	vst v0  }
0x16: {  	[tilespmem:s18+$0xFFFFFFF0] =	vst v0  }
0x17: {  	[tilespmem:s18+$0xFFFFFF70] =	vst v0  }
0x18: {  	[tilespmem:s18+$0xE0] =	vst v0  }
0x19: {  	[tilespmem:s18+$0x60] =	vst v0  }
0x1a: {  	[tilespmem:s18+$0xFFFFFFE0] =	vst v0  }
0x1b: {  	[tilespmem:s18+$0xFFFFFF60] =	vst v0  }
0x1c: {  	[tilespmem:s18+$0xD0] =	vst v0  }
0x1d: {  	[tilespmem:s18+$0x50] =	vst v0  }
0x1e: {  	[tilespmem:s18+$0xFFFFFFD0] =	vst v0  }
0x1f: {  	[tilespmem:s18+$0xFFFFFF50] =	vst v0  }
0x20: {  	[tilespmem:s18+$0xC0] =	vst v0  }
0x21: {  	[tilespmem:s18+$0x40] =	vst v0  }
0x22: {  	[tilespmem:s18+$0xFFFFFFC0] =	vst v0  }
0x23: {  	[tilespmem:s18+$0xFFFFFF40] =	vst v0  }
0x24: {  	[tilespmem:s18+$0xB0] =	vst v0  }
0x25: {  	[tilespmem:s18+$0x30] =	vst v0  }
0x26: {  	[tilespmem:s18+$0xFFFFFFB0] =	vst v0  }
0x27: {  	[tilespmem:s18+$0xFFFFFF30] =	vst v0  }
0x28: {  	[tilespmem:s18+$0xA0] =	vst v0  }
0x29: {  	[tilespmem:s18+$0x20] =	vst v0  }
0x2a: {  	[tilespmem:s18+$0xFFFFFFA0] =	vst v0  }
0x2b: {  	[tilespmem:s18+$0xFFFFFF20] =	vst v0  }
0x2c: {  	[tilespmem:s18+$0x90] =	vst v0  }
0x2d: {  	[tilespmem:s18+$0x10] =	vst v0  }
0x2e: {  	[tilespmem:s18+$0xFFFFFF90] =	vst v0  }
0x2f: {  	[tilespmem:s18+$0xFFFFFF10] =	vst v0  }
0x30: {  	[tilespmem:s18+$0x80] =	vst v0  }
0x31: {  	s19 =	simm.s32 $0x0;
	[tilespmem:s18+$0x0] =	vst v0  }
.LBB2_2:
0x32: {  	s19 =	sadd.s32 $0x8, s19;
	[tilespmem:s18+$0xFFFFFF80] =	vst v0;
	s18 =	sadd.s32 $0x200, s18  }
0x33: {  	[tilespmem:s18+$0xFFFFFF00] =	vst v0;
	p0 =	slt.u32 s19, $0x278  }
0x34: {  	[tilespmem:s18+$0xF0] =	vst v0  }
0x35: {  	[tilespmem:s18+$0x70] =	vst v0  }
0x36: {  	[tilespmem:s18+$0xFFFFFFF0] =	vst v0  }
0x37: {  	[tilespmem:s18+$0xFFFFFF70] =	vst v0  }
0x38: {  	[tilespmem:s18+$0xE0] =	vst v0  }
0x39: {  	[tilespmem:s18+$0x60] =	vst v0  }
0x3a: {  	[tilespmem:s18+$0xFFFFFFE0] =	vst v0  }
0x3b: {  	[tilespmem:s18+$0xFFFFFF60] =	vst v0  }
0x3c: {  	[tilespmem:s18+$0xD0] =	vst v0  }
0x3d: {  	[tilespmem:s18+$0x50] =	vst v0  }
0x3e: {  	[tilespmem:s18+$0xFFFFFFD0] =	vst v0  }
0x3f: {  	[tilespmem:s18+$0xFFFFFF50] =	vst v0  }
0x40: {  	[tilespmem:s18+$0xC0] =	vst v0  }
0x41: {  	[tilespmem:s18+$0x40] =	vst v0  }
0x42: {  	[tilespmem:s18+$0xFFFFFFC0] =	vst v0  }
0x43: {  	[tilespmem:s18+$0xFFFFFF40] =	vst v0  }
0x44: {  	[tilespmem:s18+$0xB0] =	vst v0  }
0x45: {  	[tilespmem:s18+$0x30] =	vst v0  }
0x46: {  	[tilespmem:s18+$0xFFFFFFB0] =	vst v0  }
0x47: {  	[tilespmem:s18+$0xFFFFFF30] =	vst v0  }
0x48: {  	[tilespmem:s18+$0xA0] =	vst v0  }
0x49: {  	[tilespmem:s18+$0x20] =	vst v0  }
0x4a: {  	[tilespmem:s18+$0xFFFFFFA0] =	vst v0  }
0x4b: {  	[tilespmem:s18+$0xFFFFFF20] =	vst v0  }
0x4c: {  	[tilespmem:s18+$0x90] =	vst v0  }
.Ltmp0:
0x4d: {  	[tilespmem:s18+$0x10] =	vst v0;
	(pc) =	sbr.rel @p0 .LBB2_2-.Ltmp0, $4  }
0x4e: {  	[tilespmem:s18+$0xFFFFFF90] =	vst v0  }
0x4f: {  	[tilespmem:s18+$0xFFFFFF10] =	vst v0  }
0x50: {  	[tilespmem:s18+$0x80] =	vst v0  }
0x51: {  	[tilespmem:s18+$0x0] =	vst v0  }
0x52: {  	[tilespmem:s18+$0xFFFFFF80] =	vst v0;
	s18 =	simm.s32 $0x0;
	s19 =	simm.s32 $0x0  }
.LBB2_4:
0x53: {  	s20 =	sshll.u32 s19, $0xB  }
0x54: {  	s20 =	sadd.s32 s7, s20  }
0x55: {  	s20 =	sshrl.u32 s20, $0x3  }
0x56: {  	s21 =	sadd.s32 s3, s20  }
0x57: {  	[tilespmem:s18], [sflag:$0x1] =	stream.linear.gather [hbm4b:s21+s18], $0x800, $0x38;
	[tilespmem:$0x15800] =	vst v63  }
0x58: {  	_ =	swait.ge [sflag:s13], $0x800  }
0x59: {  	[sflag:s13] =	ssyncset.done $0x0  }
0x5a: {  	s31 =	sadd.s32 s4, s20;
	[sflag:s13] =	ssyncadd.s32 $0xFFFFF800  }
0x5b: {  	[tilespmem:s14], [sflag:$0x1] =	stream.linear.gather [hbm4b:s31+s18], $0x800, $0x38;
	[tilespmem:$0x15800] =	vst v63  }
0x5c: {  	_ =	swait.ge [sflag:s13], $0x800  }
0x5d: {  	[sflag:s13] =	ssyncset.done $0x0  }
0x5e: {  	s20 =	sadd.s32 s5, s20;
	[sflag:s13] =	ssyncadd.s32 $0xFFFFF800  }
0x5f: {  	[tilespmem:s15], [sflag:$0x1] =	stream.linear.gather [hbm4b:s20+s18], $0x800, $0x38;
	[tilespmem:$0x15800] =	vst v63  }
0x60: {  	_ =	swait.ge [sflag:s13], $0x800  }
0x61: {  	[sflag:s13] =	ssyncset.done $0x0  }
0x62: {  	s20 =	simm.s32 $0x0;
	[sflag:s13] =	ssyncadd.s32 $0xFFFFF800  }
.LBB2_5:
0x63: {  	s21 =	sshra.s32 s20, $0x2  }
0x64: {  	v1 =	vld [tilespmem:s21+$0x0];
	_ =	sdelay $0x4  }
0x65: {  	v2 =	vshll.u32 v1, $0x2  }
0x66: {  	v1 =	vand.u32 $0x7F, v1;
	v2 =	vand.u32 $0xFFFFFE00, v2  }
0x67: {  	v3 =	vld [tilespmem:s21+$0x800];
	v1 =	vor.u32 v1, v2;
	_ =	sdelay $0x3  }
0x68: {  	v2 =	vld [tilespmem:s21+$0x1000]  }
0x69: {  	v5 =	vshll.u32 v3, $0x2;
	v4 =	vld.idx.msk [tilespmem:v1+s12+$0x0], $0xffff  }
0x6a: {  	v3 =	vand.u32 $0x7F, v3;
	v5 =	vand.u32 $0xFFFFFE00, v5  }
0x6b: {  	v3 =	vor.u32 v3, v5  }
0x6c: {  	v26 =	vor.u32 $0x80, v1;
	_ =	sdelay $0x1  }
0x6d: {  	v4 =	vmul.f32 v4, v2;
	_ =	sdelay $0x1  }
0x6e: {  	[tilespmem:v3+s16+$0x0] =	vst.idx.add.f32.msk $0xffff, v4  }
0x6f: {  	v4 =	vld.idx.msk [tilespmem:v26+s12+$0x0], $0xffff;
	_ =	sdelay $0x1  }
0x70: {  	v27 =	vor.u32 $0x80, v3  }
0x71: {  	v6 =	vor.u32 $0x100, v1;
	_ =	sdelay $0x1  }
0x72: {  	v4 =	vmul.f32 v4, v2;
	_ =	sdelay $0x1  }
0x73: {  	[tilespmem:v27+s16+$0x0] =	vst.idx.add.f32.msk $0xffff, v4  }
0x74: {  	v4 =	vld.idx.msk [tilespmem:v6+s12+$0x0], $0xffff;
	_ =	sdelay $0x1  }
0x75: {  	v28 =	vor.u32 $0x100, v3  }
0x76: {  	v1 =	vor.u32 $0x180, v1;
	_ =	sdelay $0x1  }
0x77: {  	v4 =	vmul.f32 v4, v2;
	_ =	sdelay $0x1  }
0x78: {  	[tilespmem:v28+s16+$0x0] =	vst.idx.add.f32.msk $0xffff, v4  }
0x79: {  	v1 =	vld.idx.msk [tilespmem:v1+s12+$0x0], $0xffff;
	_ =	sdelay $0x1  }
0x7a: {  	v3 =	vor.u32 $0x180, v3;
	_ =	sdelay $0x2  }
0x7b: {  	v1 =	vmul.f32 v1, v2;
	_ =	sdelay $0x1  }
0x7c: {  	[tilespmem:v3+s16+$0x0] =	vst.idx.add.f32.msk $0xffff, v1  }
0x7d: {  	v1 =	vld [tilespmem:s21+$0x10];
	_ =	sdelay $0x4  }
0x7e: {  	v2 =	vshll.u32 v1, $0x2  }
0x7f: {  	v1 =	vand.u32 $0x7F, v1;
	v2 =	vand.u32 $0xFFFFFE00, v2  }
0x80: {  	v3 =	vld [tilespmem:s21+$0x810];
	v1 =	vor.u32 v1, v2;
	_ =	sdelay $0x3  }
0x81: {  	v2 =	vld [tilespmem:s21+$0x1010]  }
0x82: {  	v29 =	vshll.u32 v3, $0x2;
	v4 =	vld.idx.msk [tilespmem:v1+s12+$0x0], $0xffff  }
0x83: {  	v3 =	vand.u32 $0x7F, v3;
	v5 =	vand.u32 $0xFFFFFE00, v29  }
0x84: {  	v3 =	vor.u32 v3, v5  }
0x85: {  	v30 =	vor.u32 $0x80, v1;
	_ =	sdelay $0x1  }
0x86: {  	v4 =	vmul.f32 v4, v2;
	_ =	sdelay $0x1  }
0x87: {  	[tilespmem:v3+s16+$0x0] =	vst.idx.add.f32.msk $0xffff, v4  }
0x88: {  	v4 =	vld.idx.msk [tilespmem:v30+s12+$0x0], $0xffff;
	_ =	sdelay $0x1  }
0x89: {  	v31 =	vor.u32 $0x80, v3  }
0x8a: {  	v32 =	vor.u32 $0x100, v1;
	_ =	sdelay $0x1  }
0x8b: {  	v4 =	vmul.f32 v4, v2;
	_ =	sdelay $0x1  }
0x8c: {  	[tilespmem:v31+s16+$0x0] =	vst.idx.add.f32.msk $0xffff, v4  }
0x8d: {  	v4 =	vld.idx.msk [tilespmem:v32+s12+$0x0], $0xffff;
	_ =	sdelay $0x1  }
0x8e: {  	v33 =	vor.u32 $0x100, v3  }
0x8f: {  	v1 =	vor.u32 $0x180, v1;
	_ =	sdelay $0x1  }
0x90: {  	v4 =	vmul.f32 v4, v2;
	_ =	sdelay $0x1  }
0x91: {  	[tilespmem:v33+s16+$0x0] =	vst.idx.add.f32.msk $0xffff, v4  }
0x92: {  	v1 =	vld.idx.msk [tilespmem:v1+s12+$0x0], $0xffff;
	_ =	sdelay $0x1  }
0x93: {  	v3 =	vor.u32 $0x180, v3;
	_ =	sdelay $0x2  }
0x94: {  	v1 =	vmul.f32 v1, v2;
	_ =	sdelay $0x1  }
0x95: {  	[tilespmem:v3+s16+$0x0] =	vst.idx.add.f32.msk $0xffff, v1  }
0x96: {  	v1 =	vld [tilespmem:s21+$0x20];
	_ =	sdelay $0x4  }
0x97: {  	v2 =	vshll.u32 v1, $0x2  }
0x98: {  	v1 =	vand.u32 $0x7F, v1;
	v2 =	vand.u32 $0xFFFFFE00, v2  }
0x99: {  	v3 =	vld [tilespmem:s21+$0x820];
	v1 =	vor.u32 v1, v2;
	_ =	sdelay $0x3  }
0x9a: {  	v2 =	vld [tilespmem:s21+$0x1020]  }
0x9b: {  	v34 =	vshll.u32 v3, $0x2;
	v4 =	vld.idx.msk [tilespmem:v1+s12+$0x0], $0xffff  }
0x9c: {  	v3 =	vand.u32 $0x7F, v3;
	v5 =	vand.u32 $0xFFFFFE00, v34  }
0x9d: {  	v3 =	vor.u32 v3, v5  }
0x9e: {  	v35 =	vor.u32 $0x80, v1;
	_ =	sdelay $0x1  }
0x9f: {  	v4 =	vmul.f32 v4, v2;
	_ =	sdelay $0x1  }
0xa0: {  	[tilespmem:v3+s16+$0x0] =	vst.idx.add.f32.msk $0xffff, v4  }
0xa1: {  	v4 =	vld.idx.msk [tilespmem:v35+s12+$0x0], $0xffff;
	_ =	sdelay $0x1  }
0xa2: {  	v36 =	vor.u32 $0x80, v3  }
0xa3: {  	v37 =	vor.u32 $0x100, v1;
	_ =	sdelay $0x1  }
0xa4: {  	v4 =	vmul.f32 v4, v2;
	_ =	sdelay $0x1  }
0xa5: {  	[tilespmem:v36+s16+$0x0] =	vst.idx.add.f32.msk $0xffff, v4  }
0xa6: {  	v4 =	vld.idx.msk [tilespmem:v37+s12+$0x0], $0xffff;
	_ =	sdelay $0x1  }
0xa7: {  	v38 =	vor.u32 $0x100, v3  }
0xa8: {  	v1 =	vor.u32 $0x180, v1;
	_ =	sdelay $0x1  }
0xa9: {  	v4 =	vmul.f32 v4, v2;
	_ =	sdelay $0x1  }
0xaa: {  	[tilespmem:v38+s16+$0x0] =	vst.idx.add.f32.msk $0xffff, v4  }
0xab: {  	v1 =	vld.idx.msk [tilespmem:v1+s12+$0x0], $0xffff;
	_ =	sdelay $0x1  }
0xac: {  	v3 =	vor.u32 $0x180, v3;
	_ =	sdelay $0x2  }
0xad: {  	v1 =	vmul.f32 v1, v2;
	_ =	sdelay $0x1  }
0xae: {  	[tilespmem:v3+s16+$0x0] =	vst.idx.add.f32.msk $0xffff, v1  }
0xaf: {  	v1 =	vld [tilespmem:s21+$0x30];
	_ =	sdelay $0x4  }
0xb0: {  	v2 =	vshll.u32 v1, $0x2  }
0xb1: {  	v1 =	vand.u32 $0x7F, v1;
	v2 =	vand.u32 $0xFFFFFE00, v2  }
0xb2: {  	v3 =	vld [tilespmem:s21+$0x830];
	v1 =	vor.u32 v1, v2;
	_ =	sdelay $0x3  }
0xb3: {  	v2 =	vld [tilespmem:s21+$0x1030]  }
0xb4: {  	v39 =	vshll.u32 v3, $0x2;
	v4 =	vld.idx.msk [tilespmem:v1+s12+$0x0], $0xffff  }
0xb5: {  	v3 =	vand.u32 $0x7F, v3;
	v5 =	vand.u32 $0xFFFFFE00, v39  }
0xb6: {  	v3 =	vor.u32 v3, v5  }
0xb7: {  	v40 =	vor.u32 $0x80, v1;
	_ =	sdelay $0x1  }
0xb8: {  	v4 =	vmul.f32 v4, v2;
	_ =	sdelay $0x1  }
0xb9: {  	[tilespmem:v3+s16+$0x0] =	vst.idx.add.f32.msk $0xffff, v4  }
0xba: {  	v4 =	vld.idx.msk [tilespmem:v40+s12+$0x0], $0xffff;
	_ =	sdelay $0x1  }
0xbb: {  	v41 =	vor.u32 $0x80, v3  }
0xbc: {  	v42 =	vor.u32 $0x100, v1;
	_ =	sdelay $0x1  }
0xbd: {  	v4 =	vmul.f32 v4, v2;
	_ =	sdelay $0x1  }
0xbe: {  	[tilespmem:v41+s16+$0x0] =	vst.idx.add.f32.msk $0xffff, v4  }
0xbf: {  	v4 =	vld.idx.msk [tilespmem:v42+s12+$0x0], $0xffff;
	_ =	sdelay $0x1  }
0xc0: {  	v43 =	vor.u32 $0x100, v3  }
0xc1: {  	v1 =	vor.u32 $0x180, v1;
	_ =	sdelay $0x1  }
0xc2: {  	v4 =	vmul.f32 v4, v2;
	_ =	sdelay $0x1  }
0xc3: {  	[tilespmem:v43+s16+$0x0] =	vst.idx.add.f32.msk $0xffff, v4  }
0xc4: {  	v1 =	vld.idx.msk [tilespmem:v1+s12+$0x0], $0xffff;
	_ =	sdelay $0x1  }
0xc5: {  	v3 =	vor.u32 $0x180, v3;
	_ =	sdelay $0x2  }
0xc6: {  	v1 =	vmul.f32 v1, v2;
	_ =	sdelay $0x1  }
0xc7: {  	[tilespmem:v3+s16+$0x0] =	vst.idx.add.f32.msk $0xffff, v1  }
0xc8: {  	v1 =	vld [tilespmem:s21+$0x40];
	_ =	sdelay $0x4  }
0xc9: {  	v2 =	vshll.u32 v1, $0x2  }
0xca: {  	v1 =	vand.u32 $0x7F, v1;
	v2 =	vand.u32 $0xFFFFFE00, v2  }
0xcb: {  	v3 =	vld [tilespmem:s21+$0x840];
	v1 =	vor.u32 v1, v2;
	_ =	sdelay $0x3  }
0xcc: {  	v2 =	vld [tilespmem:s21+$0x1040]  }
0xcd: {  	v44 =	vshll.u32 v3, $0x2;
	v4 =	vld.idx.msk [tilespmem:v1+s12+$0x0], $0xffff  }
0xce: {  	v3 =	vand.u32 $0x7F, v3;
	v5 =	vand.u32 $0xFFFFFE00, v44  }
0xcf: {  	v3 =	vor.u32 v3, v5  }
0xd0: {  	v45 =	vor.u32 $0x80, v1;
	_ =	sdelay $0x1  }
0xd1: {  	v4 =	vmul.f32 v4, v2;
	_ =	sdelay $0x1  }
0xd2: {  	[tilespmem:v3+s16+$0x0] =	vst.idx.add.f32.msk $0xffff, v4  }
0xd3: {  	v4 =	vld.idx.msk [tilespmem:v45+s12+$0x0], $0xffff;
	_ =	sdelay $0x1  }
0xd4: {  	v46 =	vor.u32 $0x80, v3  }
0xd5: {  	v47 =	vor.u32 $0x100, v1;
	_ =	sdelay $0x1  }
0xd6: {  	v4 =	vmul.f32 v4, v2;
	_ =	sdelay $0x1  }
0xd7: {  	[tilespmem:v46+s16+$0x0] =	vst.idx.add.f32.msk $0xffff, v4  }
0xd8: {  	v4 =	vld.idx.msk [tilespmem:v47+s12+$0x0], $0xffff;
	_ =	sdelay $0x1  }
0xd9: {  	v48 =	vor.u32 $0x100, v3  }
0xda: {  	v1 =	vor.u32 $0x180, v1;
	_ =	sdelay $0x1  }
0xdb: {  	v4 =	vmul.f32 v4, v2;
	_ =	sdelay $0x1  }
0xdc: {  	[tilespmem:v48+s16+$0x0] =	vst.idx.add.f32.msk $0xffff, v4  }
0xdd: {  	v1 =	vld.idx.msk [tilespmem:v1+s12+$0x0], $0xffff;
	_ =	sdelay $0x1  }
0xde: {  	v3 =	vor.u32 $0x180, v3;
	_ =	sdelay $0x2  }
0xdf: {  	v1 =	vmul.f32 v1, v2;
	_ =	sdelay $0x1  }
0xe0: {  	[tilespmem:v3+s16+$0x0] =	vst.idx.add.f32.msk $0xffff, v1  }
0xe1: {  	v1 =	vld [tilespmem:s21+$0x50];
	_ =	sdelay $0x4  }
0xe2: {  	v2 =	vshll.u32 v1, $0x2  }
0xe3: {  	v1 =	vand.u32 $0x7F, v1;
	v2 =	vand.u32 $0xFFFFFE00, v2  }
0xe4: {  	v3 =	vld [tilespmem:s21+$0x850];
	v1 =	vor.u32 v1, v2;
	_ =	sdelay $0x3  }
0xe5: {  	v2 =	vld [tilespmem:s21+$0x1050]  }
0xe6: {  	v49 =	vshll.u32 v3, $0x2;
	v4 =	vld.idx.msk [tilespmem:v1+s12+$0x0], $0xffff  }
0xe7: {  	v3 =	vand.u32 $0x7F, v3;
	v5 =	vand.u32 $0xFFFFFE00, v49  }
0xe8: {  	v3 =	vor.u32 v3, v5  }
0xe9: {  	v50 =	vor.u32 $0x80, v1;
	_ =	sdelay $0x1  }
0xea: {  	v4 =	vmul.f32 v4, v2;
	_ =	sdelay $0x1  }
0xeb: {  	[tilespmem:v3+s16+$0x0] =	vst.idx.add.f32.msk $0xffff, v4  }
0xec: {  	v4 =	vld.idx.msk [tilespmem:v50+s12+$0x0], $0xffff;
	_ =	sdelay $0x1  }
0xed: {  	v51 =	vor.u32 $0x80, v3  }
0xee: {  	v52 =	vor.u32 $0x100, v1;
	_ =	sdelay $0x1  }
0xef: {  	v4 =	vmul.f32 v4, v2;
	_ =	sdelay $0x1  }
0xf0: {  	[tilespmem:v51+s16+$0x0] =	vst.idx.add.f32.msk $0xffff, v4  }
0xf1: {  	v4 =	vld.idx.msk [tilespmem:v52+s12+$0x0], $0xffff;
	_ =	sdelay $0x1  }
0xf2: {  	v53 =	vor.u32 $0x100, v3  }
0xf3: {  	v1 =	vor.u32 $0x180, v1;
	_ =	sdelay $0x1  }
0xf4: {  	v4 =	vmul.f32 v4, v2;
	_ =	sdelay $0x1  }
0xf5: {  	[tilespmem:v53+s16+$0x0] =	vst.idx.add.f32.msk $0xffff, v4  }
0xf6: {  	v1 =	vld.idx.msk [tilespmem:v1+s12+$0x0], $0xffff;
	_ =	sdelay $0x1  }
0xf7: {  	v3 =	vor.u32 $0x180, v3;
	_ =	sdelay $0x2  }
0xf8: {  	v1 =	vmul.f32 v1, v2;
	_ =	sdelay $0x1  }
0xf9: {  	[tilespmem:v3+s16+$0x0] =	vst.idx.add.f32.msk $0xffff, v1  }
0xfa: {  	v1 =	vld [tilespmem:s21+$0x60];
	_ =	sdelay $0x4  }
0xfb: {  	v2 =	vshll.u32 v1, $0x2  }
0xfc: {  	v1 =	vand.u32 $0x7F, v1;
	v2 =	vand.u32 $0xFFFFFE00, v2  }
0xfd: {  	v3 =	vld [tilespmem:s21+$0x860];
	v1 =	vor.u32 v1, v2;
	_ =	sdelay $0x3  }
0xfe: {  	v2 =	vld [tilespmem:s21+$0x1060]  }
0xff: {  	v54 =	vshll.u32 v3, $0x2;
	v4 =	vld.idx.msk [tilespmem:v1+s12+$0x0], $0xffff  }
0x100: {  	v3 =	vand.u32 $0x7F, v3;
	v5 =	vand.u32 $0xFFFFFE00, v54  }
0x101: {  	v3 =	vor.u32 v3, v5  }
0x102: {  	v55 =	vor.u32 $0x80, v1;
	_ =	sdelay $0x1  }
0x103: {  	v4 =	vmul.f32 v4, v2;
	_ =	sdelay $0x1  }
0x104: {  	[tilespmem:v3+s16+$0x0] =	vst.idx.add.f32.msk $0xffff, v4  }
0x105: {  	v4 =	vld.idx.msk [tilespmem:v55+s12+$0x0], $0xffff;
	_ =	sdelay $0x1  }
0x106: {  	v56 =	vor.u32 $0x80, v3  }
0x107: {  	v57 =	vor.u32 $0x100, v1;
	_ =	sdelay $0x1  }
0x108: {  	v4 =	vmul.f32 v4, v2;
	_ =	sdelay $0x1  }
0x109: {  	[tilespmem:v56+s16+$0x0] =	vst.idx.add.f32.msk $0xffff, v4  }
0x10a: {  	v4 =	vld.idx.msk [tilespmem:v57+s12+$0x0], $0xffff;
	_ =	sdelay $0x1  }
0x10b: {  	v58 =	vor.u32 $0x100, v3  }
0x10c: {  	v1 =	vor.u32 $0x180, v1;
	_ =	sdelay $0x1  }
0x10d: {  	v4 =	vmul.f32 v4, v2;
	_ =	sdelay $0x1  }
0x10e: {  	[tilespmem:v58+s16+$0x0] =	vst.idx.add.f32.msk $0xffff, v4  }
0x10f: {  	v1 =	vld.idx.msk [tilespmem:v1+s12+$0x0], $0xffff;
	_ =	sdelay $0x1  }
0x110: {  	v3 =	vor.u32 $0x180, v3;
	_ =	sdelay $0x2  }
0x111: {  	v1 =	vmul.f32 v1, v2;
	_ =	sdelay $0x1  }
0x112: {  	[tilespmem:v3+s16+$0x0] =	vst.idx.add.f32.msk $0xffff, v1  }
0x113: {  	v1 =	vld [tilespmem:s21+$0x70];
	_ =	sdelay $0x4  }
0x114: {  	v2 =	vshll.u32 v1, $0x2  }
0x115: {  	v1 =	vand.u32 $0x7F, v1;
	v2 =	vand.u32 $0xFFFFFE00, v2  }
0x116: {  	v3 =	vld [tilespmem:s21+$0x870];
	v1 =	vor.u32 v1, v2;
	_ =	sdelay $0x3  }
0x117: {  	v2 =	vld [tilespmem:s21+$0x1070]  }
0x118: {  	v59 =	vshll.u32 v3, $0x2;
	v4 =	vld.idx.msk [tilespmem:v1+s12+$0x0], $0xffff  }
0x119: {  	v3 =	vand.u32 $0x7F, v3;
	v5 =	vand.u32 $0xFFFFFE00, v59  }
0x11a: {  	v3 =	vor.u32 v3, v5  }
0x11b: {  	v60 =	vor.u32 $0x80, v1;
	_ =	sdelay $0x1  }
0x11c: {  	v4 =	vmul.f32 v4, v2;
	_ =	sdelay $0x1  }
0x11d: {  	[tilespmem:v3+s16+$0x0] =	vst.idx.add.f32.msk $0xffff, v4  }
0x11e: {  	v4 =	vld.idx.msk [tilespmem:v60+s12+$0x0], $0xffff;
	_ =	sdelay $0x1  }
0x11f: {  	v61 =	vor.u32 $0x80, v3  }
0x120: {  	v62 =	vor.u32 $0x100, v1;
	_ =	sdelay $0x1  }
0x121: {  	v4 =	vmul.f32 v4, v2;
	_ =	sdelay $0x1  }
0x122: {  	[tilespmem:v61+s16+$0x0] =	vst.idx.add.f32.msk $0xffff, v4  }
0x123: {  	v4 =	vld.idx.msk [tilespmem:v62+s12+$0x0], $0xffff;
	_ =	sdelay $0x1  }
0x124: {  	v63 =	vor.u32 $0x100, v3  }
0x125: {  	v1 =	vor.u32 $0x180, v1;
	_ =	sdelay $0x1  }
0x126: {  	v4 =	vmul.f32 v4, v2;
	_ =	sdelay $0x1  }
0x127: {  	[tilespmem:v63+s16+$0x0] =	vst.idx.add.f32.msk $0xffff, v4  }
0x128: {  	v1 =	vld.idx.msk [tilespmem:v1+s12+$0x0], $0xffff;
	_ =	sdelay $0x1  }
0x129: {  	p0 =	sne.s32 s20, $0x1E00;
	v3 =	vor.u32 $0x180, v3  }
.Ltmp1:
0x12a: {  	_ = 	snop;
	(pc) =	sbr.rel @p0 .LBB2_5-.Ltmp1, $3  }
0x12b: {  	_ = 	snop  }
0x12c: {  	v1 =	vmul.f32 v1, v2;
	_ =	sdelay $0x1  }
0x12d: {  	s20 =	sadd.s32 $0x200, s20;
	[tilespmem:v3+s16+$0x0] =	vst.idx.add.f32.msk $0xffff, v1  }
0x12e: {  	s19 =	sadd.s32 $0x1, s19  }
0x12f: {  	p0 =	sne.s32 s19, $0x14  }
.Ltmp2:
0x130: {  	_ = 	snop;
	(pc) =	sbr.rel @p0 .LBB2_4-.Ltmp2, $1  }
0x131: {  	_ =	sdelay $0x3  }
0x132: {  	s17 =	sadd.s32 $0x1, s17  }
0x133: {  	p0 =	sne.s32 s17, s9  }
.Ltmp3:
0x134: {  	_ = 	snop;
	(pc) =	sbr.rel @p0 .LBB2_1-.Ltmp3, $4  }
0x135: {  	[hbm4b:s8+s2] =	stream.linear.scatter [tilespmem:s16], [sflag:$0x1], $0xA000, $0x38;
	[tilespmem:$0x15800] =	vst v63  }
0x136: {  	_ =	swait.ge [sflag:s13], $0xA000  }
0x137: {  	[sflag:s13] =	ssyncset.done $0x0  }
0x138: {  	[sflag:s13] =	ssyncadd.s32 $0xFFFF6000  }
0x139: {  	_ =	sfence.sel $0x180000  }
0x13a: {  	[bflag:$0x0] =	sbarrier.arrive $0xFFFF  }
0x13b: {  	p0 =	sne.s32 s1, $0x0;
	_ =	strace $0x9000004D  }
0x13c: {  	s0 =	sadd.s32 @!p0 $0x100000, s0;
	[bflag:$0x2] =	sbarrier.arrive $0xFFFF  }
0x13d: {  	[sflag:s0] =	ssyncadd.tile.s32 @!p0 $0x1;
	_ =	shalt  }
.Lfunc_end2:
_tile_overlayer_lowered:
.L_overlay_start_2:
0x13e: {  	(tag) =	ssettag $0x2  }
0x13f: {  	s0 =	rddreg [dreg:$0x0];
	s2 =	stileid.u32  }
0x140: {  	s1 =	rddreg [dreg:$0x1];
	p0 =	sne.s32 s2, $0x0  }
0x141: {  	s3 =	rddreg [dreg:$0x2];
	[bflag:$0x3] =	sbarrier.arrive $0xFFFF;
	s2 =	simm.s32 @!p0 $0x1C01  }
0x142: {  	[timem:s3], [sflag:s2] =	dma.local @!p0 [hbm:s0], s1  }
0x143: {  	s0 =	simm.s32 @!p0 $0x1  }
0x144: {  	_ =	swait.ge @!p0 [sflag:s0], s1  }
0x145: {  	s1 =	ssub.s32 @!p0 $0x0, s1;
	[sflag:s0] =	ssyncset.done @!p0 $0x0  }
0x146: {  	[sflag:s0] =	ssyncadd.s32 @!p0 s1  }
0x147: {  	[bflag:$0x3] =	sbarrier.arrive $0xFFFF  }
0x148: {  	_ =	shalt  }

// kernel: _pipeline.21.cloned.1.call-start
scs
__scs_entry_jumppad:
0x0: {  	(pc) =	sbr.rel $0x88, $3  }
0x1: {  	(tag) =	ssettag $0x0;
	lr =	simm.s32 $0x1  }
0x2: {  	[smem:$0x3F97] =	sst lr;
	_ =	strace $0xD0000000  }
0x3: {  	_ = 	snop  }
0x4: {  	_ = 	snop  }
0x5: {  	_ = 	snop  }
0x6: {  	_ = 	snop  }
0x7: {  	_ = 	snop  }
__scs_overlays_trampoline_lowered:
0x8: {  	[smem:$0x3FA6] =	sst s0  }
0x9: {  	[smem:$0x3FA7] =	sst s1  }
0xa: {  	[smem:$0x3FA8] =	sst s2  }
0xb: {  	[smem:$0x3FA9] =	sst s3  }
0xc: {  	[smem:$0x3FAA] =	sst s4  }
0xd: {  	[smem:$0x3FAB] =	sst s5  }
0xe: {  	[smem:$0x3FAC] =	sst s6  }
0xf: {  	[smem:$0x3FAD] =	sst s7  }
0x10: {  	[smem:$0x3FAE] =	sst s8  }
0x11: {  	[smem:$0x3FAF] =	sst s9;
	s0 =	simm.s32 @!p0 $0x0  }
0x12: {  	s1 =	sld [smem:$0x3F95];
	s0 =	simm.s32 @p0 $0x1  }
0x13: {  	[smem:$0x3FB0] =	sst s0;
	s0 =	simm.s32 @!p1 $0x0  }
0x14: {  	s2 =	sld [smem:$0x3F94];
	s0 =	simm.s32 @p1 $0x1  }
0x15: {  	[smem:$0x3FB1] =	sst s0;
	s0 =	simm.s32 @!p2 $0x0  }
0x16: {  	s3 =	sld [smem:$0x3FDB];
	s0 =	simm.s32 @p2 $0x1  }
0x17: {  	s4 =	simm.s32 $0x1BF5;
	[smem:$0x3FB3] =	sst s0  }
0x18: {  	s0 =	sld [smem:$0x3F96];
	_ =	swait.ge [sflag:s4], $0x0  }
0x19: {  	s7 =	sld [smem:$0x3F97]  }
0x1a: {  	s8 =	sadd.s32 $0xFFFFE003, lr  }
0x1b: {  	s9 =	sadd.s32 $0xFFFFFEF7, lr;
	s5 =	simm.s32 $0xFFFFFFFF;
	p2 =	slt.u32 s8, $0xFFFFF086  }
0x1c: {  	p1 =	slt.u32 s9, $0xF7A;
	s5 =	simm.s32 @!p2 $0x0  }
0x1d: {  	s5 =	simm.s32 @p1 $0x1;
	p0 =	seq.s32 s7, s2  }
0x1e: {  	s7 =	smul.u32 @!p0 $0xF7A, s2;
	p2 =	seq.s32 @!p0 s5, $0x0  }
0x1f: {  	s9 =	smul.u32 $0xF7A, s1;
	s8 =	simm.s32 @!p0 $0x1BF5;
	p2 =	por !p2, p0  }
0x20: {  	[sflag:s8] =	ssyncset.s32 @!p0 $0xFFFFF086;
	s6 =	sadd.s32 @!p0 s3, s7;
	s7 =	simm.s32 @!p0 $0x108  }
0x21: {  	s3 =	sadd.s32 s3, s9;
	s6 =	sadd.s32 @!p0 $0x88, s6;
	s7 =	simm.s32 @p2 $0x1082  }
0x22: {  	[simem:s7], [sflag:s8] =	dma.local @!p0 [hbm:s6], $0xF7A  }
0x23: {  	s9 =	sor.u32 $0xD0000000, s2;
	s6 =	simm.s32 $0x108;
	_ =	swait.ge @!p0 [sflag:s8], $0x0  }
0x24: {  	s3 =	sadd.s32 $0x88, s3;
	s6 =	simm.s32 @!p1 $0x1082;
	[sflag:s4] =	ssyncset.s32 $0xFFFFF086  }
0x25: {  	[simem:s6], [sflag:s4] =	dma.local [hbm:s3], $0xF7A  }
0x26: {  	[smem:$0x3F97] =	sst s1;
	(tag) =	ssettag s2;
	_ =	strace s9  }
0x27: {  	s1 =	sld [smem:$0x3FA7]  }
0x28: {  	s2 =	sld [smem:$0x3FA8]  }
0x29: {  	s4 =	sld [smem:$0x3FAA]  }
0x2a: {  	p0 =	seq.s32 s5, $0x0;
	s5 =	sld [smem:$0x3FAB]  }
0x2b: {  	s6 =	sld [smem:$0x3FAC]  }
0x2c: {  	s7 =	sld [smem:$0x3FAD]  }
0x2d: {  	s3 =	simm.s32 $0x108;
	s8 =	sld [smem:$0x3FAE]  }
0x2e: {  	s3 =	simm.s32 @!p0 $0x1082;
	s9 =	sld [smem:$0x3FAF]  }
0x2f: {  	lr =	sadd.s32 s0, s3;
	s0 =	sld [smem:$0x3FA6]  }
0x30: {  	s3 =	sld [smem:$0x3FA9]  }
0x31: {  	[smem:$0x3FB2] =	sst s10  }
0x32: {  	s10 =	sld [smem:$0x3FB0];
	_ =	sdelay $0x3  }
0x33: {  	p0 =	seq.s32 s10, $0x1;
	s10 =	sld [smem:$0x3FB2];
	_ =	sdelay $0x3  }
0x34: {  	[smem:$0x3FB2] =	sst s10  }
0x35: {  	s10 =	sld [smem:$0x3FB1];
	_ =	sdelay $0x3  }
0x36: {  	p1 =	seq.s32 s10, $0x1;
	s10 =	sld [smem:$0x3FB2];
	_ =	sdelay $0x3  }
0x37: {  	[smem:$0x3FB2] =	sst s10  }
0x38: {  	s10 =	sld [smem:$0x3FB3]  }
0x39: {  	_ = 	snop;
	(pc) =	sbr.ind lr, $3  }
0x3a: {  	_ = 	snop  }
0x3b: {  	_ = 	snop  }
0x3c: {  	p2 =	seq.s32 s10, $0x1;
	s10 =	sld [smem:$0x3FB2]  }
0x3d: {  	_ =	shalt  }
0x3e: {  	_ =	shalt  }
0x3f: {  	_ =	shalt  }
0x40: {  	_ =	shalt  }
0x41: {  	_ =	shalt  }
0x42: {  	_ =	shalt  }
0x43: {  	_ =	shalt  }
0x44: {  	_ =	shalt  }
0x45: {  	_ =	shalt  }
0x46: {  	_ =	shalt  }
0x47: {  	_ =	shalt  }
0x48: {  	_ =	shalt  }
0x49: {  	_ =	shalt  }
0x4a: {  	_ =	shalt  }
0x4b: {  	_ =	shalt  }
0x4c: {  	_ =	shalt  }
0x4d: {  	_ =	shalt  }
0x4e: {  	_ =	shalt  }
0x4f: {  	_ =	shalt  }
0x50: {  	_ =	shalt  }
0x51: {  	_ =	shalt  }
0x52: {  	_ =	shalt  }
0x53: {  	_ =	shalt  }
0x54: {  	_ =	shalt  }
0x55: {  	_ =	shalt  }
0x56: {  	_ =	shalt  }
0x57: {  	_ =	shalt  }
0x58: {  	_ =	shalt  }
0x59: {  	_ =	shalt  }
0x5a: {  	_ =	shalt  }
0x5b: {  	_ =	shalt  }
0x5c: {  	_ =	shalt  }
0x5d: {  	_ =	shalt  }
0x5e: {  	_ =	shalt  }
0x5f: {  	_ =	shalt  }
0x60: {  	_ =	shalt  }
0x61: {  	_ =	shalt  }
0x62: {  	_ =	shalt  }
0x63: {  	_ =	shalt  }
0x64: {  	_ =	shalt  }
0x65: {  	_ =	shalt  }
0x66: {  	_ =	shalt  }
0x67: {  	_ =	shalt  }
0x68: {  	_ =	shalt  }
0x69: {  	_ =	shalt  }
0x6a: {  	_ =	shalt  }
0x6b: {  	_ =	shalt  }
0x6c: {  	_ =	shalt  }
0x6d: {  	_ =	shalt  }
0x6e: {  	_ =	shalt  }
0x6f: {  	_ =	shalt  }
0x70: {  	_ =	shalt  }
0x71: {  	_ =	shalt  }
0x72: {  	_ =	shalt  }
0x73: {  	_ =	shalt  }
0x74: {  	_ =	shalt  }
0x75: {  	_ =	shalt  }
0x76: {  	_ =	shalt  }
0x77: {  	_ =	shalt  }
0x78: {  	_ =	shalt  }
0x79: {  	_ =	shalt  }
0x7a: {  	_ =	shalt  }
0x7b: {  	_ =	shalt  }
0x7c: {  	_ =	shalt  }
0x7d: {  	_ =	shalt  }
0x7e: {  	_ =	shalt  }
0x7f: {  	_ =	shalt  }
0x80: {  	_ =	shalt  }
0x81: {  	_ =	shalt  }
0x82: {  	_ =	shalt  }
0x83: {  	_ =	shalt  }
0x84: {  	_ =	shalt  }
0x85: {  	_ =	shalt  }
0x86: {  	_ =	shalt  }
0x87: {  	_ =	shalt  }
.Lfunc_end0:
.L_simem_size_0:
called_computation.3_lowered:
.L_overlay_start_0:
0x88: {  	s2 =	sld [smem:$0x3FD9]  }
0x89: {  	s3 =	sld [smem:$0x3FFE];
	_ =	sdelay $0x1  }
0x8a: {  	s1 =	srdreg.scid  }
0x8b: {  	s0 =	sand.u32 $0x1, s1  }
0x8c: {  	s16 =	sshll.u32 s0, $0xA;
	s2 =	sadd.s32 s3, s2  }
0x8d: {  	s2 =	sadd.s32 s2, s16  }
0x8e: {  	[smem:$0x3FBE] =	sst s2  }
0x8f: {  	_ = 	snop  }
0x90: {  	(tm) =	ssettm $0x1  }
0x91: {  	s17 =	sld [smem:$0x3FFB];
	_ =	sdelay $0x3  }
0x92: {  	_ =	strace s17  }
0x93: {  	s2 =	sld [smem:$0x3FFC];
	_ =	sdelay $0x3  }
0x94: {  	_ =	strace s2  }
0x95: {  	s2 =	sld [smem:$0x3FFD];
	_ =	sdelay $0x3  }
0x96: {  	_ =	strace s2  }
0x97: {  	_ =	strace $0x8FFFFFFF  }
0x98: {  	s18 =	sld [smem:$0x3FDB];
	_ =	sdelay $0x1  }
0x99: {  	s19 =	simm.s32 $_scs_section_size  }
0x9a: {  	s4 =	simm.s32 $_size__tile_overlayer_lowered;
	s5 =	simm.s32 $_tile_overlayer_lowered  }
0x9b: {  	s22 =	simm.s32 $0x1BFF;
	s21 =	sshll.u32 s5, $0x1;
	s2 =	sadd.s32 s19, s18  }
0x9c: {  	s6 =	simm.s32 $0x0;
	s20 =	sshll.u32 s4, $0x1;
	s4 =	sadd.s32 s21, s2  }
0x9d: {  	[timem:s6], [sflag:s22] =	dma.local [hbm:s4], s20  }
0x9e: {  	_ =	swait.ge [sflag:s22], s20  }
0x9f: {  	s3 =	ssub.s32 $0x0, s20;
	[sflag:s22] =	ssyncset.done $0x0  }
0xa0: {  	[sflag:s22] =	ssyncadd.s32 s3;
	_ =	sdelay $0x1  }
0xa1: {  	s23 =	simm.s32 $0x1B8B  }
0xa2: {  	_ =	swait.ge [sflag:s23], $0x1  }
0xa3: {  	[sflag:s23] =	ssyncset.done $0x0  }
0xa4: {  	s25 =	simm.s32 $0x1B8E;
	s24 =	sld [smem:$0x3FFE];
	[sflag:s23] =	ssyncadd.s32 $0xFFFFFFFF  }
0xa5: {  	s26 =	simm.s32 $execute0_lowered;
	[smem:$0x3FD2] =	sst s25  }
0xa6: {  	s4 =	sshll.u32 s26, $0x1;
	_ =	strace $0x8000004F;
	[dreg:$0x1] =	wrdreg $0xFFFFFFFF  }
0xa7: {  	s28 =	simm.s32 $_size_execute0_lowered;
	s2 =	sadd.s32 s2, s4;
	[dreg:$0x0] =	wrdreg $0x0  }
0xa8: {  	s4 =	sshll.u32 s28, $0x1;
	[dreg:$0x2] =	wrdreg s2  }
0xa9: {  	[dreg:$0x3] =	wrdreg s4  }
0xaa: {  	[dreg:$0x4] =	wrdreg $0xC0  }
0xab: {  	_ =	task [dreg:s6], $0x5FFFF  }
0xac: {  	[dreg:$0x1] =	wrdreg $0xFFFFFFFF  }
0xad: {  	[dreg:$0x0] =	wrdreg $0x60  }
0xae: {  	[dreg:$0x2] =	wrdreg s24  }
0xaf: {  	[dreg:$0x3] =	wrdreg $0x9  }
0xb0: {  	_ =	task.clear_ibuf [dreg:s6], $0x4FFFF;
	_ =	strace $0x9000004F  }
0xb1: {  	s29 =	simm.s32 $0x9;
	_ =	strace $0x80000051  }
0xb2: {  	_ =	swait.ge [sflag:s29], $0x1  }
0xb3: {  	[sflag:s29] =	ssyncadd.s32 $0xFFFFFFFF  }
0xb4: {  	_ =	strace $0x90000051  }
0xb5: {  	_ =	sfence  }
0xb6: {  	s30 =	sld [smem:$0x0];
	_ =	sdelay $0x2  }
0xb7: {  	s31 =	sshll.u32 s1, $0xD;
	s1 =	sshrl.u32 s1, $0x2  }
0xb8: {  	s3 =	sand.u32 $0x4000, s31;
	s1 =	sadd.s32 s1, s30  }
0xb9: {  	s0 =	sor.u32 s3, s0;
	s1 =	sshll.u32 s1, $0x11  }
0xba: {  	s0 =	sor.u32 s1, s0  }
0xbb: {  	s0 =	sadd.s32 $0x8F2B, s0  }
0xbc: {  	[sflag:s0] =	ssyncadd.remote.s32 $0x1  }
0xbd: {  	_ =	sfence.sel $0xFFFF  }
0xbe: {  	[dreg:$0x0] =	wrdreg $0xFFFFFFFF;
	(pc) =	sbr.abs _section_cstart, $3  }
0xbf: {  	[dreg:$0x1] =	wrdreg $0xFFFFFFFF  }
0xc0: {  	_ =	task.clear_ibuf [dreg:s6], $0x2FFFF;
	_ =	strace $0x9FFFFFFF  }
0xc1: {  	(tm) =	ssettm $0x7FFFFFFF  }
tec
execute0_lowered:
.L_overlay_start_1:
0x0: {  	(tag) =	ssettag $0x1  }
0x1: {  	s4 =	rddreg [dreg:$0x0];
	s2 =	srdreg.scid  }
0x2: {  	s0 =	rddreg [dreg:$0x1];
	s1 =	stileid.u32;
	s12 =	simm.s32 $0x5000  }
0x3: {  	s13 =	simm.s32 $0xA000;
	s14 =	simm.s32 $0xC800;
	s15 =	simm.s32 $0x80  }
0x4: {  	s16 =	simm.s32 $0x400;
	s17 =	simm.s32 $0x7800;
	s18 =	simm.s32 $0x0  }
0x5: {  	s5 =	sand.u32 $0x1, s2;
	s2 =	simm.s32 $0x0;
	s3 =	sshrl.u32 s1, $0x2  }
0x6: {  	s26 =	sshll.u32 s1, $0x8;
	s8 =	sand.u32 $0x3, s1;
	s6 =	sshll.u32 s5, $0x2  }
0x7: {  	[smem:$0x7FF] =	sst s2;
	s7 =	smul.u32 $0x14000, s3;
	s10 =	sshll.u32 s5, $0x7  }
0x8: {  	s8 =	smul.u32 $0x2800, s8;
	s5 =	ssub.s32 $0x2, s5;
	s3 =	sor.u32 s3, s6  }
0x9: {  	s6 =	sand.u32 $0x300, s26;
	_ =	strace $0x80000050;
	s9 =	smul.u32 $0xA000, s3  }
0xa: {  	s29 =	sshrl.u32 s5, $0x1;
	s3 =	sadd.s32 $0x21E00, s4;
	s6 =	sor.u32 s10, s6  }
0xb: {  	s11 =	ssub.s32 s5, s29;
	s6 =	sor.u32 s7, s6;
	s28 =	sadd.s32 s8, s9  }
0xc: {  	s10 =	simm.s32 $0x1;
	s6 =	sshrl.u32 s6, $0x3;
	s7 =	sshrl.u32 s28, $0x3  }
0xd: {  	s9 =	smax.u32 s11, $0x1;
	s30 =	sadd.s32 s6, s4;
	s31 =	sadd.s32 s7, s4  }
0xe: {  	s11 =	simm.s32 $0x2800;
	s7 =	sadd.s32 $0x22400, s30;
	s4 =	sadd.s32 $0x17E00, s31  }
0xf: {  	v0 =	vimm.f32 $0.0e+00;
	s5 =	sadd.s32 $0xDE00, s31;
	s6 =	sadd.s32 $0x3E00, s31;
	s8 =	sadd.s32 $0x2C400, s31  }
.LBB2_1:
0x10: {  	[tilespmem:s2], [sflag:$0x1] =	stream.linear.gather [hbm4b:s4+s2], $0x2800, $0x38;
	[tilespmem:$0xF000] =	vst v63  }
0x11: {  	_ =	swait.ge [sflag:s10], $0x2800  }
0x12: {  	[sflag:s10] =	ssyncset.done $0x0  }
0x13: {  	[sflag:s10] =	ssyncadd.s32 $0xFFFFD800  }
0x14: {  	[tilespmem:s11], [sflag:$0x1] =	stream.linear.gather [hbm4b:s5+s2], $0x2800, $0x38;
	[tilespmem:$0xF000] =	vst v63  }
0x15: {  	_ =	swait.ge [sflag:s10], $0x2800  }
0x16: {  	[sflag:s10] =	ssyncset.done $0x0  }
0x17: {  	[sflag:s10] =	ssyncadd.s32 $0xFFFFD800  }
0x18: {  	[tilespmem:s12], [sflag:$0x1] =	stream.linear.gather [hbm4b:s6+s2], $0x2800, $0x38;
	[tilespmem:$0xF000] =	vst v63  }
0x19: {  	_ =	swait.ge [sflag:s10], $0x2800  }
0x1a: {  	[sflag:s10] =	ssyncset.done $0x0  }
0x1b: {  	[sflag:s10] =	ssyncadd.s32 $0xFFFFD800  }
0x1c: {  	[tilespmem:s13], [sflag:$0x1] =	stream.linear.gather [hbm4b:s3+s2], $0x2800, $0x38;
	[tilespmem:$0xF000] =	vst v63  }
0x1d: {  	_ =	swait.ge [sflag:s10], $0x2800  }
0x1e: {  	[sflag:s10] =	ssyncset.done $0x0  }
0x1f: {  	s19 =	simm.s32 $0xC840;
	[sflag:s10] =	ssyncadd.s32 $0xFFFFD800  }
0x20: {  	[tilespmem:s19+$0xFFFFFFC0] =	vst v0  }
0x21: {  	[tilespmem:s19+$0x30] =	vst v0  }
0x22: {  	[tilespmem:s19+$0x20] =	vst v0  }
0x23: {  	[tilespmem:s19+$0x10] =	vst v0  }
0x24: {  	[tilespmem:s19+$0x0] =	vst v0  }
0x25: {  	[tilespmem:s19+$0xFFFFFFF0] =	vst v0  }
0x26: {  	s20 =	simm.s32 $0x0;
	[tilespmem:s19+$0xFFFFFFE0] =	vst v0  }
.LBB2_2:
0x27: {  	s20 =	sadd.s32 $0x8, s20;
	[tilespmem:s19+$0xFFFFFFD0] =	vst v0;
	s19 =	sadd.s32 $0x80, s19  }
0x28: {  	[tilespmem:s19+$0xFFFFFFC0] =	vst v0;
	p0 =	slt.u32 s20, $0x278  }
0x29: {  	[tilespmem:s19+$0x30] =	vst v0  }
.Ltmp0:
0x2a: {  	[tilespmem:s19+$0x20] =	vst v0;
	(pc) =	sbr.rel @p0 .LBB2_2-.Ltmp0, $4  }
0x2b: {  	[tilespmem:s19+$0x10] =	vst v0  }
0x2c: {  	[tilespmem:s19+$0x0] =	vst v0  }
0x2d: {  	[tilespmem:s19+$0xFFFFFFF0] =	vst v0  }
0x2e: {  	[tilespmem:s19+$0xFFFFFFE0] =	vst v0  }
0x2f: {  	[tilespmem:s19+$0xFFFFFFD0] =	vst v0;
	s19 =	simm.s32 $0x0  }
.LBB2_4:
0x30: {  	s20 =	sshra.s32 s19, $0x2  }
0x31: {  	v1 =	vld [tilespmem:s20+$0x0];
	_ =	sdelay $0x1  }
0x32: {  	v2 =	vld [tilespmem:s20+$0x2800];
	_ =	sdelay $0x4  }
0x33: {  	v3 =	vld [tilespmem:s20+$0x5000]  }
0x34: {  	v1 =	vld.idx.msk [tilespmem:v1+s13+$0x0], $0xffff;
	_ =	sdelay $0x1  }
0x35: {  	v4 =	vld.idx.msk [tilespmem:v2+s13+$0x0], $0xffff;
	_ =	sdelay $0x2  }
0x36: {  	v1 =	vmul.f32 v1, v3;
	_ =	sdelay $0x1  }
0x37: {  	v1 =	vmul.f32 v4, v1;
	_ =	sdelay $0x1  }
0x38: {  	[tilespmem:s20+$0x7800] =	vst v1  }
0x39: {  	[tilespmem:v2+s14+$0x0] =	vst.idx.add.f32.msk $0xffff, v1  }
0x3a: {  	v1 =	vld [tilespmem:s20+$0x10];
	_ =	sdelay $0x1  }
0x3b: {  	v2 =	vld [tilespmem:s20+$0x2810];
	_ =	sdelay $0x4  }
0x3c: {  	v3 =	vld [tilespmem:s20+$0x5010]  }
0x3d: {  	v1 =	vld.idx.msk [tilespmem:v1+s13+$0x0], $0xffff;
	_ =	sdelay $0x1  }
0x3e: {  	v57 =	vld.idx.msk [tilespmem:v2+s13+$0x0], $0xffff;
	_ =	sdelay $0x2  }
0x3f: {  	v1 =	vmul.f32 v1, v3;
	_ =	sdelay $0x1  }
0x40: {  	v1 =	vmul.f32 v57, v1;
	_ =	sdelay $0x1  }
0x41: {  	[tilespmem:s20+$0x7810] =	vst v1  }
0x42: {  	[tilespmem:v2+s14+$0x0] =	vst.idx.add.f32.msk $0xffff, v1  }
0x43: {  	v1 =	vld [tilespmem:s20+$0x20];
	_ =	sdelay $0x1  }
0x44: {  	v2 =	vld [tilespmem:s20+$0x2820];
	_ =	sdelay $0x4  }
0x45: {  	v3 =	vld [tilespmem:s20+$0x5020]  }
0x46: {  	v1 =	vld.idx.msk [tilespmem:v1+s13+$0x0], $0xffff;
	_ =	sdelay $0x1  }
0x47: {  	v58 =	vld.idx.msk [tilespmem:v2+s13+$0x0], $0xffff;
	_ =	sdelay $0x2  }
0x48: {  	v1 =	vmul.f32 v1, v3;
	_ =	sdelay $0x1  }
0x49: {  	v1 =	vmul.f32 v58, v1;
	_ =	sdelay $0x1  }
0x4a: {  	[tilespmem:s20+$0x7820] =	vst v1  }
0x4b: {  	[tilespmem:v2+s14+$0x0] =	vst.idx.add.f32.msk $0xffff, v1  }
0x4c: {  	v1 =	vld [tilespmem:s20+$0x30];
	_ =	sdelay $0x1  }
0x4d: {  	v2 =	vld [tilespmem:s20+$0x2830];
	_ =	sdelay $0x4  }
0x4e: {  	v3 =	vld [tilespmem:s20+$0x5030]  }
0x4f: {  	v1 =	vld.idx.msk [tilespmem:v1+s13+$0x0], $0xffff;
	_ =	sdelay $0x1  }
0x50: {  	v59 =	vld.idx.msk [tilespmem:v2+s13+$0x0], $0xffff;
	_ =	sdelay $0x2  }
0x51: {  	v1 =	vmul.f32 v1, v3;
	_ =	sdelay $0x1  }
0x52: {  	v1 =	vmul.f32 v59, v1;
	_ =	sdelay $0x1  }
0x53: {  	[tilespmem:s20+$0x7830] =	vst v1  }
0x54: {  	[tilespmem:v2+s14+$0x0] =	vst.idx.add.f32.msk $0xffff, v1  }
0x55: {  	v1 =	vld [tilespmem:s20+$0x40];
	_ =	sdelay $0x1  }
0x56: {  	v2 =	vld [tilespmem:s20+$0x2840];
	_ =	sdelay $0x4  }
0x57: {  	v3 =	vld [tilespmem:s20+$0x5040]  }
0x58: {  	v1 =	vld.idx.msk [tilespmem:v1+s13+$0x0], $0xffff;
	_ =	sdelay $0x1  }
0x59: {  	v60 =	vld.idx.msk [tilespmem:v2+s13+$0x0], $0xffff;
	_ =	sdelay $0x2  }
0x5a: {  	v1 =	vmul.f32 v1, v3;
	_ =	sdelay $0x1  }
0x5b: {  	v1 =	vmul.f32 v60, v1;
	_ =	sdelay $0x1  }
0x5c: {  	[tilespmem:s20+$0x7840] =	vst v1  }
0x5d: {  	[tilespmem:v2+s14+$0x0] =	vst.idx.add.f32.msk $0xffff, v1  }
0x5e: {  	v1 =	vld [tilespmem:s20+$0x50];
	_ =	sdelay $0x1  }
0x5f: {  	v2 =	vld [tilespmem:s20+$0x2850];
	_ =	sdelay $0x4  }
0x60: {  	v3 =	vld [tilespmem:s20+$0x5050]  }
0x61: {  	v1 =	vld.idx.msk [tilespmem:v1+s13+$0x0], $0xffff;
	_ =	sdelay $0x1  }
0x62: {  	v61 =	vld.idx.msk [tilespmem:v2+s13+$0x0], $0xffff;
	_ =	sdelay $0x2  }
0x63: {  	v1 =	vmul.f32 v1, v3;
	_ =	sdelay $0x1  }
0x64: {  	v1 =	vmul.f32 v61, v1;
	_ =	sdelay $0x1  }
0x65: {  	[tilespmem:s20+$0x7850] =	vst v1  }
0x66: {  	[tilespmem:v2+s14+$0x0] =	vst.idx.add.f32.msk $0xffff, v1  }
0x67: {  	v1 =	vld [tilespmem:s20+$0x60];
	_ =	sdelay $0x1  }
0x68: {  	v2 =	vld [tilespmem:s20+$0x2860];
	_ =	sdelay $0x4  }
0x69: {  	v3 =	vld [tilespmem:s20+$0x5060]  }
0x6a: {  	v1 =	vld.idx.msk [tilespmem:v1+s13+$0x0], $0xffff;
	_ =	sdelay $0x1  }
0x6b: {  	v62 =	vld.idx.msk [tilespmem:v2+s13+$0x0], $0xffff;
	_ =	sdelay $0x2  }
0x6c: {  	v1 =	vmul.f32 v1, v3;
	_ =	sdelay $0x1  }
0x6d: {  	v1 =	vmul.f32 v62, v1;
	_ =	sdelay $0x1  }
0x6e: {  	[tilespmem:s20+$0x7860] =	vst v1  }
0x6f: {  	[tilespmem:v2+s14+$0x0] =	vst.idx.add.f32.msk $0xffff, v1  }
0x70: {  	v1 =	vld [tilespmem:s20+$0x70];
	_ =	sdelay $0x1  }
0x71: {  	v2 =	vld [tilespmem:s20+$0x2870];
	_ =	sdelay $0x4  }
0x72: {  	v3 =	vld [tilespmem:s20+$0x5070]  }
0x73: {  	v1 =	vld.idx.msk [tilespmem:v1+s13+$0x0], $0xffff;
	_ =	sdelay $0x1  }
0x74: {  	v63 =	vld.idx.msk [tilespmem:v2+s13+$0x0], $0xffff;
	_ =	sdelay $0x2  }
0x75: {  	p0 =	sne.s32 s19, $0x9E00;
	v1 =	vmul.f32 v1, v3  }
.Ltmp1:
0x76: {  	_ = 	snop;
	(pc) =	sbr.rel @p0 .LBB2_4-.Ltmp1, $3  }
0x77: {  	v1 =	vmul.f32 v63, v1;
	_ =	sdelay $0x1  }
0x78: {  	[tilespmem:s20+$0x7870] =	vst v1  }
0x79: {  	s19 =	sadd.s32 $0x200, s19;
	[tilespmem:v2+s14+$0x0] =	vst.idx.add.f32.msk $0xffff, v1  }
0x7a: {  	[hbm4b:s7+s15] =	stream.strided.scatter [tilespmem:s14], [sflag:$0x1], $0x2800, s16, s15, $0x38;
	[tilespmem:$0xF000] =	vst v63  }
0x7b: {  	s18 =	sadd.s32 $0x1, s18;
	_ =	swait.ge [sflag:s10], $0x2800  }
0x7c: {  	p0 =	sne.s32 s18, s9;
	[sflag:s10] =	ssyncset.done $0x0  }
.Ltmp2:
0x7d: {  	[sflag:s10] =	ssyncadd.s32 $0xFFFFD800;
	(pc) =	sbr.rel @p0 .LBB2_1-.Ltmp2, $4  }
0x7e: {  	[hbm4b:s8+s2] =	stream.linear.scatter [tilespmem:s17], [sflag:$0x1], $0x2800, $0x38;
	[tilespmem:$0xF000] =	vst v63  }
0x7f: {  	_ =	swait.ge [sflag:s10], $0x2800  }
0x80: {  	[sflag:s10] =	ssyncset.done $0x0  }
0x81: {  	[sflag:s10] =	ssyncadd.s32 $0xFFFFD800  }
0x82: {  	_ =	sfence.sel $0x180000  }
0x83: {  	[bflag:$0x0] =	sbarrier.arrive $0xFFFF  }
0x84: {  	p0 =	sne.s32 s1, $0x0;
	_ =	strace $0x90000050  }
0x85: {  	s0 =	sadd.s32 @!p0 $0x100000, s0;
	[bflag:$0x2] =	sbarrier.arrive $0xFFFF  }
0x86: {  	[sflag:s0] =	ssyncadd.tile.s32 @!p0 $0x1;
	_ =	shalt  }
.Lfunc_end2:
_tile_overlayer_lowered:
.L_overlay_start_2:
0x87: {  	(tag) =	ssettag $0x2  }
0x88: {  	s0 =	rddreg [dreg:$0x0];
	s2 =	stileid.u32  }
0x89: {  	s1 =	rddreg [dreg:$0x1];
	p0 =	sne.s32 s2, $0x0  }
0x8a: {  	s3 =	rddreg [dreg:$0x2];
	[bflag:$0x3] =	sbarrier.arrive $0xFFFF;
	s2 =	simm.s32 @!p0 $0x1C01  }
0x8b: {  	[timem:s3], [sflag:s2] =	dma.local @!p0 [hbm:s0], s1  }
0x8c: {  	s0 =	simm.s32 @!p0 $0x1  }
0x8d: {  	_ =	swait.ge @!p0 [sflag:s0], s1  }
0x8e: {  	s1 =	ssub.s32 @!p0 $0x0, s1;
	[sflag:s0] =	ssyncset.done @!p0 $0x0  }
0x8f: {  	[sflag:s0] =	ssyncadd.s32 @!p0 s1  }
0x90: {  	[bflag:$0x3] =	sbarrier.arrive $0xFFFF  }
0x91: {  	_ =	shalt  }

// kernel: _pipeline.24.cloned.1.call-start
scs
__scs_entry_jumppad:
0x0: {  	(pc) =	sbr.rel $0x88, $3  }
0x1: {  	(tag) =	ssettag $0x0;
	lr =	simm.s32 $0x1  }
0x2: {  	[smem:$0x3F97] =	sst lr;
	_ =	strace $0xD0000000  }
0x3: {  	_ = 	snop  }
0x4: {  	_ = 	snop  }
0x5: {  	_ = 	snop  }
0x6: {  	_ = 	snop  }
0x7: {  	_ = 	snop  }
__scs_overlays_trampoline_lowered:
0x8: {  	[smem:$0x3FA6] =	sst s0  }
0x9: {  	[smem:$0x3FA7] =	sst s1  }
0xa: {  	[smem:$0x3FA8] =	sst s2  }
0xb: {  	[smem:$0x3FA9] =	sst s3  }
0xc: {  	[smem:$0x3FAA] =	sst s4  }
0xd: {  	[smem:$0x3FAB] =	sst s5  }
0xe: {  	[smem:$0x3FAC] =	sst s6  }
0xf: {  	[smem:$0x3FAD] =	sst s7  }
0x10: {  	[smem:$0x3FAE] =	sst s8  }
0x11: {  	[smem:$0x3FAF] =	sst s9;
	s0 =	simm.s32 @!p0 $0x0  }
0x12: {  	s1 =	sld [smem:$0x3F95];
	s0 =	simm.s32 @p0 $0x1  }
0x13: {  	[smem:$0x3FB0] =	sst s0;
	s0 =	simm.s32 @!p1 $0x0  }
0x14: {  	s2 =	sld [smem:$0x3F94];
	s0 =	simm.s32 @p1 $0x1  }
0x15: {  	[smem:$0x3FB1] =	sst s0;
	s0 =	simm.s32 @!p2 $0x0  }
0x16: {  	s3 =	sld [smem:$0x3FDB];
	s0 =	simm.s32 @p2 $0x1  }
0x17: {  	s4 =	simm.s32 $0x1BF5;
	[smem:$0x3FB3] =	sst s0  }
0x18: {  	s0 =	sld [smem:$0x3F96];
	_ =	swait.ge [sflag:s4], $0x0  }
0x19: {  	s7 =	sld [smem:$0x3F97]  }
0x1a: {  	s8 =	sadd.s32 $0xFFFFE003, lr  }
0x1b: {  	s9 =	sadd.s32 $0xFFFFFEF7, lr;
	s5 =	simm.s32 $0xFFFFFFFF;
	p2 =	slt.u32 s8, $0xFFFFF086  }
0x1c: {  	p1 =	slt.u32 s9, $0xF7A;
	s5 =	simm.s32 @!p2 $0x0  }
0x1d: {  	s5 =	simm.s32 @p1 $0x1;
	p0 =	seq.s32 s7, s2  }
0x1e: {  	s7 =	smul.u32 @!p0 $0xF7A, s2;
	p2 =	seq.s32 @!p0 s5, $0x0  }
0x1f: {  	s9 =	smul.u32 $0xF7A, s1;
	s8 =	simm.s32 @!p0 $0x1BF5;
	p2 =	por !p2, p0  }
0x20: {  	[sflag:s8] =	ssyncset.s32 @!p0 $0xFFFFF086;
	s6 =	sadd.s32 @!p0 s3, s7;
	s7 =	simm.s32 @!p0 $0x108  }
0x21: {  	s3 =	sadd.s32 s3, s9;
	s6 =	sadd.s32 @!p0 $0x88, s6;
	s7 =	simm.s32 @p2 $0x1082  }
0x22: {  	[simem:s7], [sflag:s8] =	dma.local @!p0 [hbm:s6], $0xF7A  }
0x23: {  	s9 =	sor.u32 $0xD0000000, s2;
	s6 =	simm.s32 $0x108;
	_ =	swait.ge @!p0 [sflag:s8], $0x0  }
0x24: {  	s3 =	sadd.s32 $0x88, s3;
	s6 =	simm.s32 @!p1 $0x1082;
	[sflag:s4] =	ssyncset.s32 $0xFFFFF086  }
0x25: {  	[simem:s6], [sflag:s4] =	dma.local [hbm:s3], $0xF7A  }
0x26: {  	[smem:$0x3F97] =	sst s1;
	(tag) =	ssettag s2;
	_ =	strace s9  }
0x27: {  	s1 =	sld [smem:$0x3FA7]  }
0x28: {  	s2 =	sld [smem:$0x3FA8]  }
0x29: {  	s4 =	sld [smem:$0x3FAA]  }
0x2a: {  	p0 =	seq.s32 s5, $0x0;
	s5 =	sld [smem:$0x3FAB]  }
0x2b: {  	s6 =	sld [smem:$0x3FAC]  }
0x2c: {  	s7 =	sld [smem:$0x3FAD]  }
0x2d: {  	s3 =	simm.s32 $0x108;
	s8 =	sld [smem:$0x3FAE]  }
0x2e: {  	s3 =	simm.s32 @!p0 $0x1082;
	s9 =	sld [smem:$0x3FAF]  }
0x2f: {  	lr =	sadd.s32 s0, s3;
	s0 =	sld [smem:$0x3FA6]  }
0x30: {  	s3 =	sld [smem:$0x3FA9]  }
0x31: {  	[smem:$0x3FB2] =	sst s10  }
0x32: {  	s10 =	sld [smem:$0x3FB0];
	_ =	sdelay $0x3  }
0x33: {  	p0 =	seq.s32 s10, $0x1;
	s10 =	sld [smem:$0x3FB2];
	_ =	sdelay $0x3  }
0x34: {  	[smem:$0x3FB2] =	sst s10  }
0x35: {  	s10 =	sld [smem:$0x3FB1];
	_ =	sdelay $0x3  }
0x36: {  	p1 =	seq.s32 s10, $0x1;
	s10 =	sld [smem:$0x3FB2];
	_ =	sdelay $0x3  }
0x37: {  	[smem:$0x3FB2] =	sst s10  }
0x38: {  	s10 =	sld [smem:$0x3FB3]  }
0x39: {  	_ = 	snop;
	(pc) =	sbr.ind lr, $3  }
0x3a: {  	_ = 	snop  }
0x3b: {  	_ = 	snop  }
0x3c: {  	p2 =	seq.s32 s10, $0x1;
	s10 =	sld [smem:$0x3FB2]  }
0x3d: {  	_ =	shalt  }
0x3e: {  	_ =	shalt  }
0x3f: {  	_ =	shalt  }
0x40: {  	_ =	shalt  }
0x41: {  	_ =	shalt  }
0x42: {  	_ =	shalt  }
0x43: {  	_ =	shalt  }
0x44: {  	_ =	shalt  }
0x45: {  	_ =	shalt  }
0x46: {  	_ =	shalt  }
0x47: {  	_ =	shalt  }
0x48: {  	_ =	shalt  }
0x49: {  	_ =	shalt  }
0x4a: {  	_ =	shalt  }
0x4b: {  	_ =	shalt  }
0x4c: {  	_ =	shalt  }
0x4d: {  	_ =	shalt  }
0x4e: {  	_ =	shalt  }
0x4f: {  	_ =	shalt  }
0x50: {  	_ =	shalt  }
0x51: {  	_ =	shalt  }
0x52: {  	_ =	shalt  }
0x53: {  	_ =	shalt  }
0x54: {  	_ =	shalt  }
0x55: {  	_ =	shalt  }
0x56: {  	_ =	shalt  }
0x57: {  	_ =	shalt  }
0x58: {  	_ =	shalt  }
0x59: {  	_ =	shalt  }
0x5a: {  	_ =	shalt  }
0x5b: {  	_ =	shalt  }
0x5c: {  	_ =	shalt  }
0x5d: {  	_ =	shalt  }
0x5e: {  	_ =	shalt  }
0x5f: {  	_ =	shalt  }
0x60: {  	_ =	shalt  }
0x61: {  	_ =	shalt  }
0x62: {  	_ =	shalt  }
0x63: {  	_ =	shalt  }
0x64: {  	_ =	shalt  }
0x65: {  	_ =	shalt  }
0x66: {  	_ =	shalt  }
0x67: {  	_ =	shalt  }
0x68: {  	_ =	shalt  }
0x69: {  	_ =	shalt  }
0x6a: {  	_ =	shalt  }
0x6b: {  	_ =	shalt  }
0x6c: {  	_ =	shalt  }
0x6d: {  	_ =	shalt  }
0x6e: {  	_ =	shalt  }
0x6f: {  	_ =	shalt  }
0x70: {  	_ =	shalt  }
0x71: {  	_ =	shalt  }
0x72: {  	_ =	shalt  }
0x73: {  	_ =	shalt  }
0x74: {  	_ =	shalt  }
0x75: {  	_ =	shalt  }
0x76: {  	_ =	shalt  }
0x77: {  	_ =	shalt  }
0x78: {  	_ =	shalt  }
0x79: {  	_ =	shalt  }
0x7a: {  	_ =	shalt  }
0x7b: {  	_ =	shalt  }
0x7c: {  	_ =	shalt  }
0x7d: {  	_ =	shalt  }
0x7e: {  	_ =	shalt  }
0x7f: {  	_ =	shalt  }
0x80: {  	_ =	shalt  }
0x81: {  	_ =	shalt  }
0x82: {  	_ =	shalt  }
0x83: {  	_ =	shalt  }
0x84: {  	_ =	shalt  }
0x85: {  	_ =	shalt  }
0x86: {  	_ =	shalt  }
0x87: {  	_ =	shalt  }
.Lfunc_end0:
.L_simem_size_0:
called_computation.4_lowered:
.L_overlay_start_0:
0x88: {  	s2 =	sld [smem:$0x3FD9]  }
0x89: {  	s3 =	sld [smem:$0x3FFE];
	_ =	sdelay $0x1  }
0x8a: {  	s1 =	srdreg.scid  }
0x8b: {  	s0 =	sand.u32 $0x1, s1  }
0x8c: {  	s16 =	sshll.u32 s0, $0xA;
	s2 =	sadd.s32 s3, s2  }
0x8d: {  	s2 =	sadd.s32 s2, s16  }
0x8e: {  	[smem:$0x3FBE] =	sst s2  }
0x8f: {  	_ = 	snop  }
0x90: {  	(tm) =	ssettm $0x1  }
0x91: {  	s17 =	sld [smem:$0x3FFB];
	_ =	sdelay $0x3  }
0x92: {  	_ =	strace s17  }
0x93: {  	s2 =	sld [smem:$0x3FFC];
	_ =	sdelay $0x3  }
0x94: {  	_ =	strace s2  }
0x95: {  	s2 =	sld [smem:$0x3FFD];
	_ =	sdelay $0x3  }
0x96: {  	_ =	strace s2  }
0x97: {  	_ =	strace $0x8FFFFFFF  }
0x98: {  	s18 =	sld [smem:$0x3FDB];
	_ =	sdelay $0x1  }
0x99: {  	s19 =	simm.s32 $_scs_section_size  }
0x9a: {  	s4 =	simm.s32 $_size__tile_overlayer_lowered;
	s5 =	simm.s32 $_tile_overlayer_lowered  }
0x9b: {  	s22 =	simm.s32 $0x1BFF;
	s21 =	sshll.u32 s5, $0x1;
	s2 =	sadd.s32 s19, s18  }
0x9c: {  	s6 =	simm.s32 $0x0;
	s20 =	sshll.u32 s4, $0x1;
	s4 =	sadd.s32 s21, s2  }
0x9d: {  	[timem:s6], [sflag:s22] =	dma.local [hbm:s4], s20  }
0x9e: {  	_ =	swait.ge [sflag:s22], s20  }
0x9f: {  	s3 =	ssub.s32 $0x0, s20;
	[sflag:s22] =	ssyncset.done $0x0  }
0xa0: {  	[sflag:s22] =	ssyncadd.s32 s3;
	_ =	sdelay $0x1  }
0xa1: {  	s23 =	simm.s32 $0x1B8B  }
0xa2: {  	_ =	swait.ge [sflag:s23], $0x1  }
0xa3: {  	[sflag:s23] =	ssyncset.done $0x0  }
0xa4: {  	s25 =	simm.s32 $0x1B8E;
	s24 =	sld [smem:$0x3FFE];
	[sflag:s23] =	ssyncadd.s32 $0xFFFFFFFF  }
0xa5: {  	s26 =	simm.s32 $execute0_lowered;
	[smem:$0x3FD2] =	sst s25  }
0xa6: {  	s4 =	sshll.u32 s26, $0x1;
	_ =	strace $0x80000052;
	[dreg:$0x1] =	wrdreg $0xFFFFFFFF  }
0xa7: {  	s28 =	simm.s32 $_size_execute0_lowered;
	s2 =	sadd.s32 s2, s4;
	[dreg:$0x0] =	wrdreg $0x0  }
0xa8: {  	s4 =	sshll.u32 s28, $0x1;
	[dreg:$0x2] =	wrdreg s2  }
0xa9: {  	[dreg:$0x3] =	wrdreg s4  }
0xaa: {  	[dreg:$0x4] =	wrdreg $0xC0  }
0xab: {  	_ =	task [dreg:s6], $0x5FFFF  }
0xac: {  	[dreg:$0x1] =	wrdreg $0xFFFFFFFF  }
0xad: {  	[dreg:$0x0] =	wrdreg $0x60  }
0xae: {  	[dreg:$0x2] =	wrdreg s24  }
0xaf: {  	[dreg:$0x3] =	wrdreg $0x9  }
0xb0: {  	_ =	task.clear_ibuf [dreg:s6], $0x4FFFF;
	_ =	strace $0x90000052  }
0xb1: {  	s29 =	simm.s32 $0x9;
	_ =	strace $0x80000054  }
0xb2: {  	_ =	swait.ge [sflag:s29], $0x1  }
0xb3: {  	[sflag:s29] =	ssyncadd.s32 $0xFFFFFFFF  }
0xb4: {  	_ =	strace $0x90000054  }
0xb5: {  	_ =	sfence  }
0xb6: {  	s30 =	sld [smem:$0x0];
	_ =	sdelay $0x2  }
0xb7: {  	s31 =	sshll.u32 s1, $0xD;
	s1 =	sshrl.u32 s1, $0x2  }
0xb8: {  	s3 =	sand.u32 $0x4000, s31;
	s1 =	sadd.s32 s1, s30  }
0xb9: {  	s0 =	sor.u32 s3, s0;
	s1 =	sshll.u32 s1, $0x11  }
0xba: {  	s0 =	sor.u32 s1, s0  }
0xbb: {  	s0 =	sadd.s32 $0x8F2B, s0  }
0xbc: {  	[sflag:s0] =	ssyncadd.remote.s32 $0x1  }
0xbd: {  	_ =	sfence.sel $0xFFFF  }
0xbe: {  	[dreg:$0x0] =	wrdreg $0xFFFFFFFF;
	(pc) =	sbr.abs _section_cstart, $3  }
0xbf: {  	[dreg:$0x1] =	wrdreg $0xFFFFFFFF  }
0xc0: {  	_ =	task.clear_ibuf [dreg:s6], $0x2FFFF;
	_ =	strace $0x9FFFFFFF  }
0xc1: {  	(tm) =	ssettm $0x7FFFFFFF  }
tec
execute0_lowered:
.L_overlay_start_1:
0x0: {  	(tag) =	ssettag $0x1  }
0x1: {  	s6 =	rddreg [dreg:$0x0]  }
0x2: {  	s0 =	rddreg [dreg:$0x1];
	s2 =	simm.s32 $0x0;
	s1 =	stileid.u32  }
0x3: {  	s4 =	srdreg.scid;
	s13 =	simm.s32 $0x1;
	s14 =	simm.s32 $0x800  }
0x4: {  	s15 =	simm.s32 $0x1000;
	s16 =	simm.s32 $0xB800;
	s17 =	simm.s32 $0x0  }
0x5: {  	[smem:$0x7FF] =	sst s2;
	s3 =	sadd.s32 $0x17E00, s6;
	s7 =	sand.u32 $0x1, s4  }
0x6: {  	s5 =	sshll.u32 s1, $0x1;
	s4 =	sadd.s32 $0xDE00, s6;
	s8 =	sshll.u32 s1, $0x6  }
0x7: {  	s11 =	sshll.u32 s1, $0x1E;
	s12 =	sshrl.u32 s1, $0x2;
	_ =	strace $0x80000053  }
0x8: {  	s9 =	sor.u32 s7, s5;
	s5 =	sadd.s32 $0x2C400, s6;
	s8 =	sand.u32 $0x40, s8  }
0x9: {  	s10 =	ssub.s32 $0x2, s7;
	s11 =	sshra.s32 s11, $0x1F;
	s7 =	sshll.u32 s7, $0x2  }
0xa: {  	s9 =	smul.u32 $0x1400, s9;
	s8 =	sadd.s32 s8, s6;
	s30 =	sshrl.u32 s10, $0x1  }
0xb: {  	s11 =	sand.u32 $0x2800, s11;
	s7 =	sor.u32 s12, s7;
	s12 =	simm.s32 $0x1800  }
0xc: {  	s10 =	ssub.s32 s10, s30;
	s31 =	sadd.s32 s11, s8;
	s7 =	smul.u32 $0xA000, s7  }
0xd: {  	s11 =	simm.s32 $0x400;
	s9 =	sadd.s32 s9, s6;
	s6 =	sadd.s32 $0x3E00, s31  }
0xe: {  	v0 =	vimm.f32 $0.0e+00;
	s8 =	sadd.s32 $0x36400, s9;
	s9 =	smax.u32 s10, $0x1;
	s10 =	simm.s32 $0x200  }
.LBB2_1:
0xf: {  	[tilespmem:s12], [sflag:$0x1] =	stream.strided.gather [hbm4b:s6+s10], $0xA000, s11, s10, $0x38;
	[tilespmem:$0x15800] =	vst v63  }
0x10: {  	_ =	swait.ge [sflag:s13], $0xA000  }
0x11: {  	[sflag:s13] =	ssyncset.done $0x0  }
0x12: {  	s18 =	simm.s32 $0xB900;
	[sflag:s13] =	ssyncadd.s32 $0xFFFF6000  }
0x13: {  	[tilespmem:s18+$0xFFFFFF00] =	vst v0  }
0x14: {  	[tilespmem:s18+$0xF0] =	vst v0  }
0x15: {  	[tilespmem:s18+$0x70] =	vst v0  }
0x16: {  	[tilespmem:s18+$0xFFFFFFF0] =	vst v0  }
0x17: {  	[tilespmem:s18+$0xFFFFFF70] =	vst v0  }
0x18: {  	[tilespmem:s18+$0xE0] =	vst v0  }
0x19: {  	[tilespmem:s18+$0x60] =	vst v0  }
0x1a: {  	[tilespmem:s18+$0xFFFFFFE0] =	vst v0  }
0x1b: {  	[tilespmem:s18+$0xFFFFFF60] =	vst v0  }
0x1c: {  	[tilespmem:s18+$0xD0] =	vst v0  }
0x1d: {  	[tilespmem:s18+$0x50] =	vst v0  }
0x1e: {  	[tilespmem:s18+$0xFFFFFFD0] =	vst v0  }
0x1f: {  	[tilespmem:s18+$0xFFFFFF50] =	vst v0  }
0x20: {  	[tilespmem:s18+$0xC0] =	vst v0  }
0x21: {  	[tilespmem:s18+$0x40] =	vst v0  }
0x22: {  	[tilespmem:s18+$0xFFFFFFC0] =	vst v0  }
0x23: {  	[tilespmem:s18+$0xFFFFFF40] =	vst v0  }
0x24: {  	[tilespmem:s18+$0xB0] =	vst v0  }
0x25: {  	[tilespmem:s18+$0x30] =	vst v0  }
0x26: {  	[tilespmem:s18+$0xFFFFFFB0] =	vst v0  }
0x27: {  	[tilespmem:s18+$0xFFFFFF30] =	vst v0  }
0x28: {  	[tilespmem:s18+$0xA0] =	vst v0  }
0x29: {  	[tilespmem:s18+$0x20] =	vst v0  }
0x2a: {  	[tilespmem:s18+$0xFFFFFFA0] =	vst v0  }
0x2b: {  	[tilespmem:s18+$0xFFFFFF20] =	vst v0  }
0x2c: {  	[tilespmem:s18+$0x90] =	vst v0  }
0x2d: {  	[tilespmem:s18+$0x10] =	vst v0  }
0x2e: {  	[tilespmem:s18+$0xFFFFFF90] =	vst v0  }
0x2f: {  	[tilespmem:s18+$0xFFFFFF10] =	vst v0  }
0x30: {  	[tilespmem:s18+$0x80] =	vst v0  }
0x31: {  	s19 =	simm.s32 $0x0;
	[tilespmem:s18+$0x0] =	vst v0  }
.LBB2_2:
0x32: {  	s19 =	sadd.s32 $0x8, s19;
	[tilespmem:s18+$0xFFFFFF80] =	vst v0;
	s18 =	sadd.s32 $0x200, s18  }
0x33: {  	[tilespmem:s18+$0xFFFFFF00] =	vst v0;
	p0 =	slt.u32 s19, $0x278  }
0x34: {  	[tilespmem:s18+$0xF0] =	vst v0  }
0x35: {  	[tilespmem:s18+$0x70] =	vst v0  }
0x36: {  	[tilespmem:s18+$0xFFFFFFF0] =	vst v0  }
0x37: {  	[tilespmem:s18+$0xFFFFFF70] =	vst v0  }
0x38: {  	[tilespmem:s18+$0xE0] =	vst v0  }
0x39: {  	[tilespmem:s18+$0x60] =	vst v0  }
0x3a: {  	[tilespmem:s18+$0xFFFFFFE0] =	vst v0  }
0x3b: {  	[tilespmem:s18+$0xFFFFFF60] =	vst v0  }
0x3c: {  	[tilespmem:s18+$0xD0] =	vst v0  }
0x3d: {  	[tilespmem:s18+$0x50] =	vst v0  }
0x3e: {  	[tilespmem:s18+$0xFFFFFFD0] =	vst v0  }
0x3f: {  	[tilespmem:s18+$0xFFFFFF50] =	vst v0  }
0x40: {  	[tilespmem:s18+$0xC0] =	vst v0  }
0x41: {  	[tilespmem:s18+$0x40] =	vst v0  }
0x42: {  	[tilespmem:s18+$0xFFFFFFC0] =	vst v0  }
0x43: {  	[tilespmem:s18+$0xFFFFFF40] =	vst v0  }
0x44: {  	[tilespmem:s18+$0xB0] =	vst v0  }
0x45: {  	[tilespmem:s18+$0x30] =	vst v0  }
0x46: {  	[tilespmem:s18+$0xFFFFFFB0] =	vst v0  }
0x47: {  	[tilespmem:s18+$0xFFFFFF30] =	vst v0  }
0x48: {  	[tilespmem:s18+$0xA0] =	vst v0  }
0x49: {  	[tilespmem:s18+$0x20] =	vst v0  }
0x4a: {  	[tilespmem:s18+$0xFFFFFFA0] =	vst v0  }
0x4b: {  	[tilespmem:s18+$0xFFFFFF20] =	vst v0  }
0x4c: {  	[tilespmem:s18+$0x90] =	vst v0  }
.Ltmp0:
0x4d: {  	[tilespmem:s18+$0x10] =	vst v0;
	(pc) =	sbr.rel @p0 .LBB2_2-.Ltmp0, $4  }
0x4e: {  	[tilespmem:s18+$0xFFFFFF90] =	vst v0  }
0x4f: {  	[tilespmem:s18+$0xFFFFFF10] =	vst v0  }
0x50: {  	[tilespmem:s18+$0x80] =	vst v0  }
0x51: {  	[tilespmem:s18+$0x0] =	vst v0  }
0x52: {  	[tilespmem:s18+$0xFFFFFF80] =	vst v0;
	s18 =	simm.s32 $0x0;
	s19 =	simm.s32 $0x0  }
.LBB2_4:
0x53: {  	s20 =	sshll.u32 s19, $0xB  }
0x54: {  	s20 =	sadd.s32 s7, s20  }
0x55: {  	s20 =	sshrl.u32 s20, $0x3  }
0x56: {  	s21 =	sadd.s32 s3, s20  }
0x57: {  	[tilespmem:s18], [sflag:$0x1] =	stream.linear.gather [hbm4b:s21+s18], $0x800, $0x38;
	[tilespmem:$0x15800] =	vst v63  }
0x58: {  	_ =	swait.ge [sflag:s13], $0x800  }
0x59: {  	[sflag:s13] =	ssyncset.done $0x0  }
0x5a: {  	s31 =	sadd.s32 s4, s20;
	[sflag:s13] =	ssyncadd.s32 $0xFFFFF800  }
0x5b: {  	[tilespmem:s14], [sflag:$0x1] =	stream.linear.gather [hbm4b:s31+s18], $0x800, $0x38;
	[tilespmem:$0x15800] =	vst v63  }
0x5c: {  	_ =	swait.ge [sflag:s13], $0x800  }
0x5d: {  	[sflag:s13] =	ssyncset.done $0x0  }
0x5e: {  	s20 =	sadd.s32 s5, s20;
	[sflag:s13] =	ssyncadd.s32 $0xFFFFF800  }
0x5f: {  	[tilespmem:s15], [sflag:$0x1] =	stream.linear.gather [hbm4b:s20+s18], $0x800, $0x38;
	[tilespmem:$0x15800] =	vst v63  }
0x60: {  	_ =	swait.ge [sflag:s13], $0x800  }
0x61: {  	[sflag:s13] =	ssyncset.done $0x0  }
0x62: {  	s20 =	simm.s32 $0x0;
	[sflag:s13] =	ssyncadd.s32 $0xFFFFF800  }
.LBB2_5:
0x63: {  	s21 =	sshra.s32 s20, $0x2  }
0x64: {  	v1 =	vld [tilespmem:s21+$0x0];
	_ =	sdelay $0x4  }
0x65: {  	v2 =	vshll.u32 v1, $0x2  }
0x66: {  	v1 =	vand.u32 $0x7F, v1;
	v2 =	vand.u32 $0xFFFFFE00, v2  }
0x67: {  	v3 =	vld [tilespmem:s21+$0x800];
	v1 =	vor.u32 v1, v2;
	_ =	sdelay $0x3  }
0x68: {  	v2 =	vld [tilespmem:s21+$0x1000]  }
0x69: {  	v5 =	vshll.u32 v3, $0x2;
	v4 =	vld.idx.msk [tilespmem:v1+s12+$0x0], $0xffff  }
0x6a: {  	v3 =	vand.u32 $0x7F, v3;
	v5 =	vand.u32 $0xFFFFFE00, v5  }
0x6b: {  	v3 =	vor.u32 v3, v5  }
0x6c: {  	v26 =	vor.u32 $0x80, v1;
	_ =	sdelay $0x1  }
0x6d: {  	v4 =	vmul.f32 v4, v2;
	_ =	sdelay $0x1  }
0x6e: {  	[tilespmem:v3+s16+$0x0] =	vst.idx.add.f32.msk $0xffff, v4  }
0x6f: {  	v4 =	vld.idx.msk [tilespmem:v26+s12+$0x0], $0xffff;
	_ =	sdelay $0x1  }
0x70: {  	v27 =	vor.u32 $0x80, v3  }
0x71: {  	v6 =	vor.u32 $0x100, v1;
	_ =	sdelay $0x1  }
0x72: {  	v4 =	vmul.f32 v4, v2;
	_ =	sdelay $0x1  }
0x73: {  	[tilespmem:v27+s16+$0x0] =	vst.idx.add.f32.msk $0xffff, v4  }
0x74: {  	v4 =	vld.idx.msk [tilespmem:v6+s12+$0x0], $0xffff;
	_ =	sdelay $0x1  }
0x75: {  	v28 =	vor.u32 $0x100, v3  }
0x76: {  	v1 =	vor.u32 $0x180, v1;
	_ =	sdelay $0x1  }
0x77: {  	v4 =	vmul.f32 v4, v2;
	_ =	sdelay $0x1  }
0x78: {  	[tilespmem:v28+s16+$0x0] =	vst.idx.add.f32.msk $0xffff, v4  }
0x79: {  	v1 =	vld.idx.msk [tilespmem:v1+s12+$0x0], $0xffff;
	_ =	sdelay $0x1  }
0x7a: {  	v3 =	vor.u32 $0x180, v3;
	_ =	sdelay $0x2  }
0x7b: {  	v1 =	vmul.f32 v1, v2;
	_ =	sdelay $0x1  }
0x7c: {  	[tilespmem:v3+s16+$0x0] =	vst.idx.add.f32.msk $0xffff, v1  }
0x7d: {  	v1 =	vld [tilespmem:s21+$0x10];
	_ =	sdelay $0x4  }
0x7e: {  	v2 =	vshll.u32 v1, $0x2  }
0x7f: {  	v1 =	vand.u32 $0x7F, v1;
	v2 =	vand.u32 $0xFFFFFE00, v2  }
0x80: {  	v3 =	vld [tilespmem:s21+$0x810];
	v1 =	vor.u32 v1, v2;
	_ =	sdelay $0x3  }
0x81: {  	v2 =	vld [tilespmem:s21+$0x1010]  }
0x82: {  	v29 =	vshll.u32 v3, $0x2;
	v4 =	vld.idx.msk [tilespmem:v1+s12+$0x0], $0xffff  }
0x83: {  	v3 =	vand.u32 $0x7F, v3;
	v5 =	vand.u32 $0xFFFFFE00, v29  }
0x84: {  	v3 =	vor.u32 v3, v5  }
0x85: {  	v30 =	vor.u32 $0x80, v1;
	_ =	sdelay $0x1  }
0x86: {  	v4 =	vmul.f32 v4, v2;
	_ =	sdelay $0x1  }
0x87: {  	[tilespmem:v3+s16+$0x0] =	vst.idx.add.f32.msk $0xffff, v4  }
0x88: {  	v4 =	vld.idx.msk [tilespmem:v30+s12+$0x0], $0xffff;
	_ =	sdelay $0x1  }
0x89: {  	v31 =	vor.u32 $0x80, v3  }
0x8a: {  	v32 =	vor.u32 $0x100, v1;
	_ =	sdelay $0x1  }
0x8b: {  	v4 =	vmul.f32 v4, v2;
	_ =	sdelay $0x1  }
0x8c: {  	[tilespmem:v31+s16+$0x0] =	vst.idx.add.f32.msk $0xffff, v4  }
0x8d: {  	v4 =	vld.idx.msk [tilespmem:v32+s12+$0x0], $0xffff;
	_ =	sdelay $0x1  }
0x8e: {  	v33 =	vor.u32 $0x100, v3  }
0x8f: {  	v1 =	vor.u32 $0x180, v1;
	_ =	sdelay $0x1  }
0x90: {  	v4 =	vmul.f32 v4, v2;
	_ =	sdelay $0x1  }
0x91: {  	[tilespmem:v33+s16+$0x0] =	vst.idx.add.f32.msk $0xffff, v4  }
0x92: {  	v1 =	vld.idx.msk [tilespmem:v1+s12+$0x0], $0xffff;
	_ =	sdelay $0x1  }
0x93: {  	v3 =	vor.u32 $0x180, v3;
	_ =	sdelay $0x2  }
0x94: {  	v1 =	vmul.f32 v1, v2;
	_ =	sdelay $0x1  }
0x95: {  	[tilespmem:v3+s16+$0x0] =	vst.idx.add.f32.msk $0xffff, v1  }
0x96: {  	v1 =	vld [tilespmem:s21+$0x20];
	_ =	sdelay $0x4  }
0x97: {  	v2 =	vshll.u32 v1, $0x2  }
0x98: {  	v1 =	vand.u32 $0x7F, v1;
	v2 =	vand.u32 $0xFFFFFE00, v2  }
0x99: {  	v3 =	vld [tilespmem:s21+$0x820];
	v1 =	vor.u32 v1, v2;
	_ =	sdelay $0x3  }
0x9a: {  	v2 =	vld [tilespmem:s21+$0x1020]  }
0x9b: {  	v34 =	vshll.u32 v3, $0x2;
	v4 =	vld.idx.msk [tilespmem:v1+s12+$0x0], $0xffff  }
0x9c: {  	v3 =	vand.u32 $0x7F, v3;
	v5 =	vand.u32 $0xFFFFFE00, v34  }
0x9d: {  	v3 =	vor.u32 v3, v5  }
0x9e: {  	v35 =	vor.u32 $0x80, v1;
	_ =	sdelay $0x1  }
0x9f: {  	v4 =	vmul.f32 v4, v2;
	_ =	sdelay $0x1  }
0xa0: {  	[tilespmem:v3+s16+$0x0] =	vst.idx.add.f32.msk $0xffff, v4  }
0xa1: {  	v4 =	vld.idx.msk [tilespmem:v35+s12+$0x0], $0xffff;
	_ =	sdelay $0x1  }
0xa2: {  	v36 =	vor.u32 $0x80, v3  }
0xa3: {  	v37 =	vor.u32 $0x100, v1;
	_ =	sdelay $0x1  }
0xa4: {  	v4 =	vmul.f32 v4, v2;
	_ =	sdelay $0x1  }
0xa5: {  	[tilespmem:v36+s16+$0x0] =	vst.idx.add.f32.msk $0xffff, v4  }
0xa6: {  	v4 =	vld.idx.msk [tilespmem:v37+s12+$0x0], $0xffff;
	_ =	sdelay $0x1  }
0xa7: {  	v38 =	vor.u32 $0x100, v3  }
0xa8: {  	v1 =	vor.u32 $0x180, v1;
	_ =	sdelay $0x1  }
0xa9: {  	v4 =	vmul.f32 v4, v2;
	_ =	sdelay $0x1  }
0xaa: {  	[tilespmem:v38+s16+$0x0] =	vst.idx.add.f32.msk $0xffff, v4  }
0xab: {  	v1 =	vld.idx.msk [tilespmem:v1+s12+$0x0], $0xffff;
	_ =	sdelay $0x1  }
0xac: {  	v3 =	vor.u32 $0x180, v3;
	_ =	sdelay $0x2  }
0xad: {  	v1 =	vmul.f32 v1, v2;
	_ =	sdelay $0x1  }
0xae: {  	[tilespmem:v3+s16+$0x0] =	vst.idx.add.f32.msk $0xffff, v1  }
0xaf: {  	v1 =	vld [tilespmem:s21+$0x30];
	_ =	sdelay $0x4  }
0xb0: {  	v2 =	vshll.u32 v1, $0x2  }
0xb1: {  	v1 =	vand.u32 $0x7F, v1;
	v2 =	vand.u32 $0xFFFFFE00, v2  }
0xb2: {  	v3 =	vld [tilespmem:s21+$0x830];
	v1 =	vor.u32 v1, v2;
	_ =	sdelay $0x3  }
0xb3: {  	v2 =	vld [tilespmem:s21+$0x1030]  }
0xb4: {  	v39 =	vshll.u32 v3, $0x2;
	v4 =	vld.idx.msk [tilespmem:v1+s12+$0x0], $0xffff  }
0xb5: {  	v3 =	vand.u32 $0x7F, v3;
	v5 =	vand.u32 $0xFFFFFE00, v39  }
0xb6: {  	v3 =	vor.u32 v3, v5  }
0xb7: {  	v40 =	vor.u32 $0x80, v1;
	_ =	sdelay $0x1  }
0xb8: {  	v4 =	vmul.f32 v4, v2;
	_ =	sdelay $0x1  }
0xb9: {  	[tilespmem:v3+s16+$0x0] =	vst.idx.add.f32.msk $0xffff, v4  }
0xba: {  	v4 =	vld.idx.msk [tilespmem:v40+s12+$0x0], $0xffff;
	_ =	sdelay $0x1  }
0xbb: {  	v41 =	vor.u32 $0x80, v3  }
0xbc: {  	v42 =	vor.u32 $0x100, v1;
	_ =	sdelay $0x1  }
0xbd: {  	v4 =	vmul.f32 v4, v2;
	_ =	sdelay $0x1  }
0xbe: {  	[tilespmem:v41+s16+$0x0] =	vst.idx.add.f32.msk $0xffff, v4  }
0xbf: {  	v4 =	vld.idx.msk [tilespmem:v42+s12+$0x0], $0xffff;
	_ =	sdelay $0x1  }
0xc0: {  	v43 =	vor.u32 $0x100, v3  }
0xc1: {  	v1 =	vor.u32 $0x180, v1;
	_ =	sdelay $0x1  }
0xc2: {  	v4 =	vmul.f32 v4, v2;
	_ =	sdelay $0x1  }
0xc3: {  	[tilespmem:v43+s16+$0x0] =	vst.idx.add.f32.msk $0xffff, v4  }
0xc4: {  	v1 =	vld.idx.msk [tilespmem:v1+s12+$0x0], $0xffff;
	_ =	sdelay $0x1  }
0xc5: {  	v3 =	vor.u32 $0x180, v3;
	_ =	sdelay $0x2  }
0xc6: {  	v1 =	vmul.f32 v1, v2;
	_ =	sdelay $0x1  }
0xc7: {  	[tilespmem:v3+s16+$0x0] =	vst.idx.add.f32.msk $0xffff, v1  }
0xc8: {  	v1 =	vld [tilespmem:s21+$0x40];
	_ =	sdelay $0x4  }
0xc9: {  	v2 =	vshll.u32 v1, $0x2  }
0xca: {  	v1 =	vand.u32 $0x7F, v1;
	v2 =	vand.u32 $0xFFFFFE00, v2  }
0xcb: {  	v3 =	vld [tilespmem:s21+$0x840];
	v1 =	vor.u32 v1, v2;
	_ =	sdelay $0x3  }
0xcc: {  	v2 =	vld [tilespmem:s21+$0x1040]  }
0xcd: {  	v44 =	vshll.u32 v3, $0x2;
	v4 =	vld.idx.msk [tilespmem:v1+s12+$0x0], $0xffff  }
0xce: {  	v3 =	vand.u32 $0x7F, v3;
	v5 =	vand.u32 $0xFFFFFE00, v44  }
0xcf: {  	v3 =	vor.u32 v3, v5  }
0xd0: {  	v45 =	vor.u32 $0x80, v1;
	_ =	sdelay $0x1  }
0xd1: {  	v4 =	vmul.f32 v4, v2;
	_ =	sdelay $0x1  }
0xd2: {  	[tilespmem:v3+s16+$0x0] =	vst.idx.add.f32.msk $0xffff, v4  }
0xd3: {  	v4 =	vld.idx.msk [tilespmem:v45+s12+$0x0], $0xffff;
	_ =	sdelay $0x1  }
0xd4: {  	v46 =	vor.u32 $0x80, v3  }
0xd5: {  	v47 =	vor.u32 $0x100, v1;
	_ =	sdelay $0x1  }
0xd6: {  	v4 =	vmul.f32 v4, v2;
	_ =	sdelay $0x1  }
0xd7: {  	[tilespmem:v46+s16+$0x0] =	vst.idx.add.f32.msk $0xffff, v4  }
0xd8: {  	v4 =	vld.idx.msk [tilespmem:v47+s12+$0x0], $0xffff;
	_ =	sdelay $0x1  }
0xd9: {  	v48 =	vor.u32 $0x100, v3  }
0xda: {  	v1 =	vor.u32 $0x180, v1;
	_ =	sdelay $0x1  }
0xdb: {  	v4 =	vmul.f32 v4, v2;
	_ =	sdelay $0x1  }
0xdc: {  	[tilespmem:v48+s16+$0x0] =	vst.idx.add.f32.msk $0xffff, v4  }
0xdd: {  	v1 =	vld.idx.msk [tilespmem:v1+s12+$0x0], $0xffff;
	_ =	sdelay $0x1  }
0xde: {  	v3 =	vor.u32 $0x180, v3;
	_ =	sdelay $0x2  }
0xdf: {  	v1 =	vmul.f32 v1, v2;
	_ =	sdelay $0x1  }
0xe0: {  	[tilespmem:v3+s16+$0x0] =	vst.idx.add.f32.msk $0xffff, v1  }
0xe1: {  	v1 =	vld [tilespmem:s21+$0x50];
	_ =	sdelay $0x4  }
0xe2: {  	v2 =	vshll.u32 v1, $0x2  }
0xe3: {  	v1 =	vand.u32 $0x7F, v1;
	v2 =	vand.u32 $0xFFFFFE00, v2  }
0xe4: {  	v3 =	vld [tilespmem:s21+$0x850];
	v1 =	vor.u32 v1, v2;
	_ =	sdelay $0x3  }
0xe5: {  	v2 =	vld [tilespmem:s21+$0x1050]  }
0xe6: {  	v49 =	vshll.u32 v3, $0x2;
	v4 =	vld.idx.msk [tilespmem:v1+s12+$0x0], $0xffff  }
0xe7: {  	v3 =	vand.u32 $0x7F, v3;
	v5 =	vand.u32 $0xFFFFFE00, v49  }
0xe8: {  	v3 =	vor.u32 v3, v5  }
0xe9: {  	v50 =	vor.u32 $0x80, v1;
	_ =	sdelay $0x1  }
0xea: {  	v4 =	vmul.f32 v4, v2;
	_ =	sdelay $0x1  }
0xeb: {  	[tilespmem:v3+s16+$0x0] =	vst.idx.add.f32.msk $0xffff, v4  }
0xec: {  	v4 =	vld.idx.msk [tilespmem:v50+s12+$0x0], $0xffff;
	_ =	sdelay $0x1  }
0xed: {  	v51 =	vor.u32 $0x80, v3  }
0xee: {  	v52 =	vor.u32 $0x100, v1;
	_ =	sdelay $0x1  }
0xef: {  	v4 =	vmul.f32 v4, v2;
	_ =	sdelay $0x1  }
0xf0: {  	[tilespmem:v51+s16+$0x0] =	vst.idx.add.f32.msk $0xffff, v4  }
0xf1: {  	v4 =	vld.idx.msk [tilespmem:v52+s12+$0x0], $0xffff;
	_ =	sdelay $0x1  }
0xf2: {  	v53 =	vor.u32 $0x100, v3  }
0xf3: {  	v1 =	vor.u32 $0x180, v1;
	_ =	sdelay $0x1  }
0xf4: {  	v4 =	vmul.f32 v4, v2;
	_ =	sdelay $0x1  }
0xf5: {  	[tilespmem:v53+s16+$0x0] =	vst.idx.add.f32.msk $0xffff, v4  }
0xf6: {  	v1 =	vld.idx.msk [tilespmem:v1+s12+$0x0], $0xffff;
	_ =	sdelay $0x1  }
0xf7: {  	v3 =	vor.u32 $0x180, v3;
	_ =	sdelay $0x2  }
0xf8: {  	v1 =	vmul.f32 v1, v2;
	_ =	sdelay $0x1  }
0xf9: {  	[tilespmem:v3+s16+$0x0] =	vst.idx.add.f32.msk $0xffff, v1  }
0xfa: {  	v1 =	vld [tilespmem:s21+$0x60];
	_ =	sdelay $0x4  }
0xfb: {  	v2 =	vshll.u32 v1, $0x2  }
0xfc: {  	v1 =	vand.u32 $0x7F, v1;
	v2 =	vand.u32 $0xFFFFFE00, v2  }
0xfd: {  	v3 =	vld [tilespmem:s21+$0x860];
	v1 =	vor.u32 v1, v2;
	_ =	sdelay $0x3  }
0xfe: {  	v2 =	vld [tilespmem:s21+$0x1060]  }
0xff: {  	v54 =	vshll.u32 v3, $0x2;
	v4 =	vld.idx.msk [tilespmem:v1+s12+$0x0], $0xffff  }
0x100: {  	v3 =	vand.u32 $0x7F, v3;
	v5 =	vand.u32 $0xFFFFFE00, v54  }
0x101: {  	v3 =	vor.u32 v3, v5  }
0x102: {  	v55 =	vor.u32 $0x80, v1;
	_ =	sdelay $0x1  }
0x103: {  	v4 =	vmul.f32 v4, v2;
	_ =	sdelay $0x1  }
0x104: {  	[tilespmem:v3+s16+$0x0] =	vst.idx.add.f32.msk $0xffff, v4  }
0x105: {  	v4 =	vld.idx.msk [tilespmem:v55+s12+$0x0], $0xffff;
	_ =	sdelay $0x1  }
0x106: {  	v56 =	vor.u32 $0x80, v3  }
0x107: {  	v57 =	vor.u32 $0x100, v1;
	_ =	sdelay $0x1  }
0x108: {  	v4 =	vmul.f32 v4, v2;
	_ =	sdelay $0x1  }
0x109: {  	[tilespmem:v56+s16+$0x0] =	vst.idx.add.f32.msk $0xffff, v4  }
0x10a: {  	v4 =	vld.idx.msk [tilespmem:v57+s12+$0x0], $0xffff;
	_ =	sdelay $0x1  }
0x10b: {  	v58 =	vor.u32 $0x100, v3  }
0x10c: {  	v1 =	vor.u32 $0x180, v1;
	_ =	sdelay $0x1  }
0x10d: {  	v4 =	vmul.f32 v4, v2;
	_ =	sdelay $0x1  }
0x10e: {  	[tilespmem:v58+s16+$0x0] =	vst.idx.add.f32.msk $0xffff, v4  }
0x10f: {  	v1 =	vld.idx.msk [tilespmem:v1+s12+$0x0], $0xffff;
	_ =	sdelay $0x1  }
0x110: {  	v3 =	vor.u32 $0x180, v3;
	_ =	sdelay $0x2  }
0x111: {  	v1 =	vmul.f32 v1, v2;
	_ =	sdelay $0x1  }
0x112: {  	[tilespmem:v3+s16+$0x0] =	vst.idx.add.f32.msk $0xffff, v1  }
0x113: {  	v1 =	vld [tilespmem:s21+$0x70];
	_ =	sdelay $0x4  }
0x114: {  	v2 =	vshll.u32 v1, $0x2  }
0x115: {  	v1 =	vand.u32 $0x7F, v1;
	v2 =	vand.u32 $0xFFFFFE00, v2  }
0x116: {  	v3 =	vld [tilespmem:s21+$0x870];
	v1 =	vor.u32 v1, v2;
	_ =	sdelay $0x3  }
0x117: {  	v2 =	vld [tilespmem:s21+$0x1070]  }
0x118: {  	v59 =	vshll.u32 v3, $0x2;
	v4 =	vld.idx.msk [tilespmem:v1+s12+$0x0], $0xffff  }
0x119: {  	v3 =	vand.u32 $0x7F, v3;
	v5 =	vand.u32 $0xFFFFFE00, v59  }
0x11a: {  	v3 =	vor.u32 v3, v5  }
0x11b: {  	v60 =	vor.u32 $0x80, v1;
	_ =	sdelay $0x1  }
0x11c: {  	v4 =	vmul.f32 v4, v2;
	_ =	sdelay $0x1  }
0x11d: {  	[tilespmem:v3+s16+$0x0] =	vst.idx.add.f32.msk $0xffff, v4  }
0x11e: {  	v4 =	vld.idx.msk [tilespmem:v60+s12+$0x0], $0xffff;
	_ =	sdelay $0x1  }
0x11f: {  	v61 =	vor.u32 $0x80, v3  }
0x120: {  	v62 =	vor.u32 $0x100, v1;
	_ =	sdelay $0x1  }
0x121: {  	v4 =	vmul.f32 v4, v2;
	_ =	sdelay $0x1  }
0x122: {  	[tilespmem:v61+s16+$0x0] =	vst.idx.add.f32.msk $0xffff, v4  }
0x123: {  	v4 =	vld.idx.msk [tilespmem:v62+s12+$0x0], $0xffff;
	_ =	sdelay $0x1  }
0x124: {  	v63 =	vor.u32 $0x100, v3  }
0x125: {  	v1 =	vor.u32 $0x180, v1;
	_ =	sdelay $0x1  }
0x126: {  	v4 =	vmul.f32 v4, v2;
	_ =	sdelay $0x1  }
0x127: {  	[tilespmem:v63+s16+$0x0] =	vst.idx.add.f32.msk $0xffff, v4  }
0x128: {  	v1 =	vld.idx.msk [tilespmem:v1+s12+$0x0], $0xffff;
	_ =	sdelay $0x1  }
0x129: {  	p0 =	sne.s32 s20, $0x1E00;
	v3 =	vor.u32 $0x180, v3  }
.Ltmp1:
0x12a: {  	_ = 	snop;
	(pc) =	sbr.rel @p0 .LBB2_5-.Ltmp1, $3  }
0x12b: {  	_ = 	snop  }
0x12c: {  	v1 =	vmul.f32 v1, v2;
	_ =	sdelay $0x1  }
0x12d: {  	s20 =	sadd.s32 $0x200, s20;
	[tilespmem:v3+s16+$0x0] =	vst.idx.add.f32.msk $0xffff, v1  }
0x12e: {  	s19 =	sadd.s32 $0x1, s19  }
0x12f: {  	p0 =	sne.s32 s19, $0x14  }
.Ltmp2:
0x130: {  	_ = 	snop;
	(pc) =	sbr.rel @p0 .LBB2_4-.Ltmp2, $1  }
0x131: {  	_ =	sdelay $0x3  }
0x132: {  	s17 =	sadd.s32 $0x1, s17  }
0x133: {  	p0 =	sne.s32 s17, s9  }
.Ltmp3:
0x134: {  	_ = 	snop;
	(pc) =	sbr.rel @p0 .LBB2_1-.Ltmp3, $4  }
0x135: {  	[hbm4b:s8+s2] =	stream.linear.scatter [tilespmem:s16], [sflag:$0x1], $0xA000, $0x38;
	[tilespmem:$0x15800] =	vst v63  }
0x136: {  	_ =	swait.ge [sflag:s13], $0xA000  }
0x137: {  	[sflag:s13] =	ssyncset.done $0x0  }
0x138: {  	[sflag:s13] =	ssyncadd.s32 $0xFFFF6000  }
0x139: {  	_ =	sfence.sel $0x180000  }
0x13a: {  	[bflag:$0x0] =	sbarrier.arrive $0xFFFF  }
0x13b: {  	p0 =	sne.s32 s1, $0x0;
	_ =	strace $0x90000053  }
0x13c: {  	s0 =	sadd.s32 @!p0 $0x100000, s0;
	[bflag:$0x2] =	sbarrier.arrive $0xFFFF  }
0x13d: {  	[sflag:s0] =	ssyncadd.tile.s32 @!p0 $0x1;
	_ =	shalt  }
.Lfunc_end2:
_tile_overlayer_lowered:
.L_overlay_start_2:
0x13e: {  	(tag) =	ssettag $0x2  }
0x13f: {  	s0 =	rddreg [dreg:$0x0];
	s2 =	stileid.u32  }
0x140: {  	s1 =	rddreg [dreg:$0x1];
	p0 =	sne.s32 s2, $0x0  }
0x141: {  	s3 =	rddreg [dreg:$0x2];
	[bflag:$0x3] =	sbarrier.arrive $0xFFFF;
	s2 =	simm.s32 @!p0 $0x1C01  }
0x142: {  	[timem:s3], [sflag:s2] =	dma.local @!p0 [hbm:s0], s1  }
0x143: {  	s0 =	simm.s32 @!p0 $0x1  }
0x144: {  	_ =	swait.ge @!p0 [sflag:s0], s1  }
0x145: {  	s1 =	ssub.s32 @!p0 $0x0, s1;
	[sflag:s0] =	ssyncset.done @!p0 $0x0  }
0x146: {  	[sflag:s0] =	ssyncadd.s32 @!p0 s1  }
0x147: {  	[bflag:$0x3] =	sbarrier.arrive $0xFFFF  }
0x148: {  	_ =	shalt  }

</sc_bundles>
